<compile_context>
chip_gen: v7x
topology: tpu7x:2x2x1
jax: 0.10.2.dev20260603
libtpu: 0.0.44.dev20260713+nightly
codegen_flags: <defaults>
</compile_context>

<pallas_src>
import functools

import jax
import jax.numpy as jnp
from jax import lax
from jax.experimental import pallas as pl
from jax.experimental.pallas import tpu as pltpu
from jax.experimental.pallas import tpu_sc as plsc

B, N, D, R = 128, 1024, 384, 512
TOTAL = B * N
V = R * R

_info = plsc.get_sparse_core_info()
NC, NS, L = _info.num_cores, _info.num_subcores, _info.num_lanes
NW = NC * NS
W = TOTAL // NW
C = 32
NCHUNK = W // C
NBUF = 4
K = NBUF - 1


def _sc_gather_add(x2, xi, yi, table2):
    mesh = plsc.VectorSubcoreMesh(core_axis_name="c", subcore_axis_name="s")

    @functools.partial(
        pl.kernel,
        mesh=mesh,
        out_type=jax.ShapeDtypeStruct((TOTAL, D), jnp.float32),
        scratch_types=(
            [pltpu.VMEM((W,), jnp.int32)] * 3
            + [pltpu.VMEM((C, D), jnp.float32)] * NBUF
            + [pltpu.VMEM((C, D), jnp.float32)] * NBUF
            + [pltpu.SemaphoreType.DMA] * (3 * NBUF)
        ),
    )
    def k(x_hbm, xi_hbm, yi_hbm, tab_hbm, out_hbm, xi_v, yi_v, idx_v, *bufs):
        xbufs = bufs[0:NBUF]
        rbufs = bufs[NBUF:2 * NBUF]
        in_s = bufs[2 * NBUF:3 * NBUF]
        ga_s = bufs[3 * NBUF:4 * NBUF]
        out_s = bufs[4 * NBUF:5 * NBUF]
        wid = lax.axis_index("s") * NC + lax.axis_index("c")
        base = wid * W

        def start_in(c, b):
            return pltpu.async_copy(x_hbm.at[pl.ds(base + c * C, C)], xbufs[b], in_s[b])

        def start_ga(c, b):
            return pltpu.async_copy(
                tab_hbm.at[idx_v.at[pl.ds(c * C, C)]], rbufs[b], ga_s[b])

        def wait_in(c, b):
            pltpu.make_async_copy(
                x_hbm.at[pl.ds(base + c * C, C)], xbufs[b], in_s[b]).wait()

        def wait_ga(c, b):
            pltpu.make_async_copy(
                tab_hbm.at[idx_v.at[pl.ds(c * C, C)]], rbufs[b], ga_s[b]).wait()

        def start_out(c, b):
            return pltpu.async_copy(
                xbufs[b], out_hbm.at[pl.ds(base + c * C, C)], out_s[b])

        def wait_out(c, b):
            pltpu.make_async_copy(
                xbufs[b], out_hbm.at[pl.ds(base + c * C, C)], out_s[b]).wait()

        def add_chunk(b):
            xb, rb = xbufs[b], rbufs[b]

            def add_row(r, carry):
                for j in range(D // L):
                    s = pl.ds(j * L, L)
                    plsc.addupdate(xb.at[r, s], rb[r, s])
                return carry

            lax.fori_loop(0, C, add_row, 0)

        for c0 in range(K):
            start_in(c0, c0)
        pltpu.sync_copy(xi_hbm.at[pl.ds(base, W)], xi_v)
        pltpu.sync_copy(yi_hbm.at[pl.ds(base, W)], yi_v)

        def compute_idx(t, carry):
            s = pl.ds(t * L, L)
            idx_v[s] = yi_v[s] * R + xi_v[s]
            return carry

        lax.fori_loop(0, W // L, compute_idx, 0)
        for c0 in range(K):
            start_ga(c0, c0)

        wait_in(0, 0)
        wait_ga(0, 0)
        add_chunk(0)
        start_out(0, 0)
        start_in(K, K % NBUF)
        start_ga(K, K % NBUF)

        def quad_body(q, carry):
            for j in range(NBUF):
                c = NBUF * q + 1 + j
                b = (1 + j) % NBUF
                wait_in(c, b)
                wait_ga(c, b)
                add_chunk(b)
                start_out(c, b)
                bp = (b + K) % NBUF
                wait_out(c - 1, bp)
                start_in(c + K, bp)
                start_ga(c + K, bp)
            return carry

        lax.fori_loop(0, (NCHUNK - NBUF) // NBUF, quad_body, 0)

        for c in range(NCHUNK - K, NCHUNK):
            b = c % NBUF
            wait_in(c, b)
            wait_ga(c, b)
            add_chunk(b)
            start_out(c, b)
        for c in range(NCHUNK - NBUF, NCHUNK):
            wait_out(c, c % NBUF)

    return k(x2, xi, yi, table2)


def kernel(x, offgrid_coords, pos_table):
    x2 = x.reshape(TOTAL, D)
    xi = offgrid_coords[..., 0].reshape(TOTAL)
    yi = offgrid_coords[..., 1].reshape(TOTAL)
    table2 = pos_table.reshape(V, D)
    out = _sc_gather_add(x2, xi, yi, table2)
    return out.reshape(B, N, D)

# --- scband reference (transcript-rebuilt; emitter-appended) ---
"""Pipeline reference for scband-pos-embed-precomputed-diff-34754875359882 (READ-ONLY COPY).

The authoritative reference and input builder live on the scoring server;
editing this copy changes nothing except your own understanding.
"""

import jax, jax.numpy as jnp
import numpy as np

B, N, D, R = 128, 1024, 384, 512

def _get_1d_sincos(embed_dim, pos):
    omega = np.arange(embed_dim // 2, dtype=np.float32) / (embed_dim / 2.0)
    omega = 1.0 / (10000.0 ** omega)
    out = pos[:, None].astype(np.float32) * omega[None, :]
    return np.concatenate([np.sin(out), np.cos(out)], axis=1)

def _build_pos_table(embed_dim, resolution):
    ii, jj = np.meshgrid(np.arange(resolution, dtype=np.float32), np.arange(resolution, dtype=np.float32), indexing='ij')
    coords = np.stack([ii, jj], axis=-1).reshape(-1, 2)
    emb_h = _get_1d_sincos(embed_dim // 2, coords[:, 0])
    emb_w = _get_1d_sincos(embed_dim // 2, coords[:, 1])
    emb = np.concatenate([emb_h, emb_w], axis=1)
    # shape (R_i, R_j, D); torch keeps (1, D, R_i, R_j) but indexing semantics are identical
    return jnp.asarray(emb.reshape(resolution, resolution, embed_dim), dtype=jnp.float32)

def setup_inputs(seed: int = 0) -> dict:
    key = jax.random.key(seed)
    k1, k2 = jax.random.split(key)
    x = jax.random.normal(k1, (B, N, D), dtype=jnp.float32)
    offgrid_coords = jax.random.randint(k2, (B, N, 2), 0, R, dtype=jnp.int32)
    pos_table = _build_pos_table(D, R)
    return {"x": x, "offgrid_coords": offgrid_coords, "pos_table": pos_table}

def reference(x, offgrid_coords, pos_table):
    # torch: x_idx = coords[...,0], y_idx = coords[...,1]; table indexed [b, :, y_idx, x_idx]
    x_idx = offgrid_coords[..., 0]
    y_idx = offgrid_coords[..., 1]
    pos_interp = pos_table[y_idx, x_idx]  # gather -> (B, N, D)
    return x + pos_interp

if __name__ == "__main__":
    import jax
    _d = setup_inputs()
    print(jax.jit(kernel)(*tuple(_d.values())))

</pallas_src>

<mosaic_0001>
#map = affine_map<(d0, d1) -> (0, 0)>
#map1 = affine_map<(d0, d1) -> (0)>
module attributes {stable_mosaic.version = 14 : i64} {
  func.func @k(%arg0: i32, %arg1: i32, %arg2: memref<131072x384xf32, #tpu.memory_space<hbm>>, %arg3: memref<131072xi32, #tpu.memory_space<hbm>>, %arg4: memref<131072xi32, #tpu.memory_space<hbm>>, %arg5: memref<262144x384xf32, #tpu.memory_space<hbm>>, %arg6: memref<131072x384xf32, #tpu.memory_space<hbm>>, %arg7: memref<4096xi32, #tpu.memory_space<vmem>>, %arg8: memref<4096xi32, #tpu.memory_space<vmem>>, %arg9: memref<4096xi32, #tpu.memory_space<vmem>>, %arg10: memref<32x384xf32, #tpu.memory_space<vmem>>, %arg11: memref<32x384xf32, #tpu.memory_space<vmem>>, %arg12: memref<32x384xf32, #tpu.memory_space<vmem>>, %arg13: memref<32x384xf32, #tpu.memory_space<vmem>>, %arg14: memref<32x384xf32, #tpu.memory_space<vmem>>, %arg15: memref<32x384xf32, #tpu.memory_space<vmem>>, %arg16: memref<32x384xf32, #tpu.memory_space<vmem>>, %arg17: memref<32x384xf32, #tpu.memory_space<vmem>>, %arg18: memref<!tpu.dma_semaphore, #tpu.memory_space<semaphore_mem>>, %arg19: memref<!tpu.dma_semaphore, #tpu.memory_space<semaphore_mem>>, %arg20: memref<!tpu.dma_semaphore, #tpu.memory_space<semaphore_mem>>, %arg21: memref<!tpu.dma_semaphore, #tpu.memory_space<semaphore_mem>>, %arg22: memref<!tpu.dma_semaphore, #tpu.memory_space<semaphore_mem>>, %arg23: memref<!tpu.dma_semaphore, #tpu.memory_space<semaphore_mem>>, %arg24: memref<!tpu.dma_semaphore, #tpu.memory_space<semaphore_mem>>, %arg25: memref<!tpu.dma_semaphore, #tpu.memory_space<semaphore_mem>>, %arg26: memref<!tpu.dma_semaphore, #tpu.memory_space<semaphore_mem>>, %arg27: memref<!tpu.dma_semaphore, #tpu.memory_space<semaphore_mem>>, %arg28: memref<!tpu.dma_semaphore, #tpu.memory_space<semaphore_mem>>, %arg29: memref<!tpu.dma_semaphore, #tpu.memory_space<semaphore_mem>>) attributes {dimension_semantics = [#tpu.dimension_semantics<core_parallel>, #tpu.dimension_semantics<subcore_parallel>], iteration_bounds = array<i64: 2, 16>, scalar_prefetch = 0 : i64, scratch_operands = 23 : i64, tpu.core_type = #tpu.core_type<sc_vector_subcore>, window_params = [{transform_indices = #map}, {transform_indices = #map1}, {transform_indices = #map1}, {transform_indices = #map}, {transform_indices = #map}]} {
    %mul3A = arith.constant 2 : i32
    %mul3A_0 = arith.muli %arg1, %mul3A : i32
    %add3A = arith.addi %mul3A_0, %arg0 : i32
    %mul3A_1 = arith.constant 4096 : i32
    %mul3A_2 = arith.muli %add3A, %mul3A_1 : i32
    %add3A_3 = arith.constant 0 : i32
    %add3A_4 = arith.addi %mul3A_2, %add3A_3 : i32
    %dma_start3A = arith.constant 0 : i32
    %dma_start3A_5 = tpu.memref_slice %arg2[%add3A_4, %dma_start3A] : memref<131072x384xf32, #tpu.memory_space<hbm>> -> memref<32x384xf32, #tpu.memory_space<hbm>>
    %dma_start3A_6 = arith.constant 0 : i32
    %dma_start3A_7 = tpu.memref_slice %arg2[%add3A_4, %dma_start3A_6] : memref<131072x384xf32, #tpu.memory_space<hbm>> -> memref<32x384xf32, #tpu.memory_space<hbm>>
    tpu.enqueue_dma source(%dma_start3A_7 : memref<32x384xf32, #tpu.memory_space<hbm>>) target(%arg10 : memref<32x384xf32, #tpu.memory_space<vmem>>) target_semaphore(%arg18 : memref<!tpu.dma_semaphore, #tpu.memory_space<semaphore_mem>>)
    %add3A_8 = arith.constant 32 : i32
    %add3A_9 = arith.addi %mul3A_2, %add3A_8 : i32
    %dma_start3A_10 = arith.constant 0 : i32
    %dma_start3A_11 = tpu.memref_slice %arg2[%add3A_9, %dma_start3A_10] : memref<131072x384xf32, #tpu.memory_space<hbm>> -> memref<32x384xf32, #tpu.memory_space<hbm>>
    %dma_start3A_12 = arith.constant 0 : i32
    %dma_start3A_13 = tpu.memref_slice %arg2[%add3A_9, %dma_start3A_12] : memref<131072x384xf32, #tpu.memory_space<hbm>> -> memref<32x384xf32, #tpu.memory_space<hbm>>
    tpu.enqueue_dma source(%dma_start3A_13 : memref<32x384xf32, #tpu.memory_space<hbm>>) target(%arg11 : memref<32x384xf32, #tpu.memory_space<vmem>>) target_semaphore(%arg19 : memref<!tpu.dma_semaphore, #tpu.memory_space<semaphore_mem>>)
    %add3A_14 = arith.constant 64 : i32
    %add3A_15 = arith.addi %mul3A_2, %add3A_14 : i32
    %dma_start3A_16 = arith.constant 0 : i32
    %dma_start3A_17 = tpu.memref_slice %arg2[%add3A_15, %dma_start3A_16] : memref<131072x384xf32, #tpu.memory_space<hbm>> -> memref<32x384xf32, #tpu.memory_space<hbm>>
    %dma_start3A_18 = arith.constant 0 : i32
    %dma_start3A_19 = tpu.memref_slice %arg2[%add3A_15, %dma_start3A_18] : memref<131072x384xf32, #tpu.memory_space<hbm>> -> memref<32x384xf32, #tpu.memory_space<hbm>>
    tpu.enqueue_dma source(%dma_start3A_19 : memref<32x384xf32, #tpu.memory_space<hbm>>) target(%arg12 : memref<32x384xf32, #tpu.memory_space<vmem>>) target_semaphore(%arg20 : memref<!tpu.dma_semaphore, #tpu.memory_space<semaphore_mem>>)
    "tpu.region"() ({
      %run_scoped3A = tpu.sem_alloc : memref<!tpu.dma_semaphore, #tpu.memory_space<semaphore_mem>>
      %dma_start3A_172 = tpu.memref_slice %arg3[%mul3A_2] : memref<131072xi32, #tpu.memory_space<hbm>> -> memref<4096xi32, #tpu.memory_space<hbm>>
      %dma_start3A_173 = tpu.memref_slice %arg3[%mul3A_2] : memref<131072xi32, #tpu.memory_space<hbm>> -> memref<4096xi32, #tpu.memory_space<hbm>>
      tpu.enqueue_dma source(%dma_start3A_173 : memref<4096xi32, #tpu.memory_space<hbm>>) target(%arg7 : memref<4096xi32, #tpu.memory_space<vmem>>) target_semaphore(%run_scoped3A : memref<!tpu.dma_semaphore, #tpu.memory_space<semaphore_mem>>)
      %dma_wait3A_174 = tpu.memref_slice %arg3[%mul3A_2] : memref<131072xi32, #tpu.memory_space<hbm>> -> memref<4096xi32, #tpu.memory_space<hbm>>
      %dma_wait3A_175 = tpu.memref_slice %arg3[%mul3A_2] : memref<131072xi32, #tpu.memory_space<hbm>> -> memref<4096xi32, #tpu.memory_space<hbm>>
      tpu.wait_dma2 semaphore(%run_scoped3A : memref<!tpu.dma_semaphore, #tpu.memory_space<semaphore_mem>>) src(%dma_wait3A_175 : memref<4096xi32, #tpu.memory_space<hbm>>) dst(%arg7 : memref<4096xi32, #tpu.memory_space<vmem>>)
      tpu.yield
    }) : () -> ()
    "tpu.region"() ({
      %run_scoped3A = tpu.sem_alloc : memref<!tpu.dma_semaphore, #tpu.memory_space<semaphore_mem>>
      %dma_start3A_172 = tpu.memref_slice %arg4[%mul3A_2] : memref<131072xi32, #tpu.memory_space<hbm>> -> memref<4096xi32, #tpu.memory_space<hbm>>
      %dma_start3A_173 = tpu.memref_slice %arg4[%mul3A_2] : memref<131072xi32, #tpu.memory_space<hbm>> -> memref<4096xi32, #tpu.memory_space<hbm>>
      tpu.enqueue_dma source(%dma_start3A_173 : memref<4096xi32, #tpu.memory_space<hbm>>) target(%arg8 : memref<4096xi32, #tpu.memory_space<vmem>>) target_semaphore(%run_scoped3A : memref<!tpu.dma_semaphore, #tpu.memory_space<semaphore_mem>>)
      %dma_wait3A_174 = tpu.memref_slice %arg4[%mul3A_2] : memref<131072xi32, #tpu.memory_space<hbm>> -> memref<4096xi32, #tpu.memory_space<hbm>>
      %dma_wait3A_175 = tpu.memref_slice %arg4[%mul3A_2] : memref<131072xi32, #tpu.memory_space<hbm>> -> memref<4096xi32, #tpu.memory_space<hbm>>
      tpu.wait_dma2 semaphore(%run_scoped3A : memref<!tpu.dma_semaphore, #tpu.memory_space<semaphore_mem>>) src(%dma_wait3A_175 : memref<4096xi32, #tpu.memory_space<hbm>>) dst(%arg8 : memref<4096xi32, #tpu.memory_space<vmem>>)
      tpu.yield
    }) : () -> ()
    %scan3A = arith.constant 0 : i32
    %scan3A_20 = arith.constant 0 : i32
    %scan3A_21 = arith.constant 256 : i32
    %scan3A_22 = arith.addi %scan3A_20, %scan3A_21 : i32
    %scan3A_23 = arith.constant 1 : i32
    scf.for %scan3A_172 = %scan3A_20 to %scan3A_22 step %scan3A_23  : i32 {
      %mul3A_173 = arith.constant 16 : i32
      %mul3A_174 = arith.muli %scan3A_172, %mul3A_173 : i32
      %get3A = arith.index_cast %mul3A_174 : i32 to index
      %get3A_175 = tpu.vector_load %arg8[%get3A] {strides = array<i32>} : memref<4096xi32, #tpu.memory_space<vmem>>, vector<16xi32>,
      %get3A_176 = vector.shape_cast %get3A_175 : vector<16xi32> to vector<16xi32>
      %mul3A_177 = arith.constant 512 : i32
      %mul3A_178 = vector.broadcast %mul3A_177 : i32 to vector<16xi32>
      %mul3A_179 = arith.muli %get3A_176, %mul3A_178 : vector<16xi32>
      %get3A_180 = arith.index_cast %mul3A_174 : i32 to index
      %get3A_181 = tpu.vector_load %arg7[%get3A_180] {strides = array<i32>} : memref<4096xi32, #tpu.memory_space<vmem>>, vector<16xi32>,
      %get3A_182 = vector.shape_cast %get3A_181 : vector<16xi32> to vector<16xi32>
      %add3A_183 = arith.addi %mul3A_179, %get3A_182 : vector<16xi32>
      %swap3A = arith.index_cast %mul3A_174 : i32 to index
      %swap3A_184 = tpu.vector_load %arg9[%swap3A] {strides = array<i32>} : memref<4096xi32, #tpu.memory_space<vmem>>, vector<16xi32>,
      %swap3A_185 = vector.shape_cast %swap3A_184 : vector<16xi32> to vector<16xi32>
      %swap3A_186 = vector.shape_cast %add3A_183 : vector<16xi32> to vector<16xi32>
      tpu.vector_store %arg9[%swap3A], %swap3A_186 {strides = array<i32>} : memref<4096xi32, #tpu.memory_space<vmem>>, vector<16xi32>,
    }
    %scan3A_24 = arith.constant 256 : i32
    %dma_start3A_25 = arith.constant 0 : i32
    %dma_start3A_26 = tpu.memref_slice %arg9[%dma_start3A_25] : memref<4096xi32, #tpu.memory_space<vmem>> -> memref<32xi32, #tpu.memory_space<vmem>>
    %dma_start3A_27 = arith.constant 0 : i32
    %dma_start3A_28 = arith.constant 0 : i32
    %dma_start3A_29 = tpu.memref_slice %arg5[%dma_start3A_27, %dma_start3A_28] : memref<262144x384xf32, #tpu.memory_space<hbm>> -> memref<262144x384xf32, #tpu.memory_space<hbm>>
    tpu.enqueue_indirect_dma source(%dma_start3A_29 : memref<262144x384xf32, #tpu.memory_space<hbm>>) target(%arg14 : memref<32x384xf32, #tpu.memory_space<vmem>>) offsets(%dma_start3A_26 : memref<32xi32, #tpu.memory_space<vmem>>) semaphore(%arg22 : memref<!tpu.dma_semaphore, #tpu.memory_space<semaphore_mem>>)
    %dma_start3A_30 = arith.constant 32 : i32
    %dma_start3A_31 = tpu.memref_slice %arg9[%dma_start3A_30] : memref<4096xi32, #tpu.memory_space<vmem>> -> memref<32xi32, #tpu.memory_space<vmem>>
    %dma_start3A_32 = arith.constant 0 : i32
    %dma_start3A_33 = arith.constant 0 : i32
    %dma_start3A_34 = tpu.memref_slice %arg5[%dma_start3A_32, %dma_start3A_33] : memref<262144x384xf32, #tpu.memory_space<hbm>> -> memref<262144x384xf32, #tpu.memory_space<hbm>>
    tpu.enqueue_indirect_dma source(%dma_start3A_34 : memref<262144x384xf32, #tpu.memory_space<hbm>>) target(%arg15 : memref<32x384xf32, #tpu.memory_space<vmem>>) offsets(%dma_start3A_31 : memref<32xi32, #tpu.memory_space<vmem>>) semaphore(%arg23 : memref<!tpu.dma_semaphore, #tpu.memory_space<semaphore_mem>>)
    %dma_start3A_35 = arith.constant 64 : i32
    %dma_start3A_36 = tpu.memref_slice %arg9[%dma_start3A_35] : memref<4096xi32, #tpu.memory_space<vmem>> -> memref<32xi32, #tpu.memory_space<vmem>>
    %dma_start3A_37 = arith.constant 0 : i32
    %dma_start3A_38 = arith.constant 0 : i32
    %dma_start3A_39 = tpu.memref_slice %arg5[%dma_start3A_37, %dma_start3A_38] : memref<262144x384xf32, #tpu.memory_space<hbm>> -> memref<262144x384xf32, #tpu.memory_space<hbm>>
    tpu.enqueue_indirect_dma source(%dma_start3A_39 : memref<262144x384xf32, #tpu.memory_space<hbm>>) target(%arg16 : memref<32x384xf32, #tpu.memory_space<vmem>>) offsets(%dma_start3A_36 : memref<32xi32, #tpu.memory_space<vmem>>) semaphore(%arg24 : memref<!tpu.dma_semaphore, #tpu.memory_space<semaphore_mem>>)
    %add3A_40 = arith.constant 0 : i32
    %add3A_41 = arith.addi %mul3A_2, %add3A_40 : i32
    %dma_wait3A = arith.constant 0 : i32
    %dma_wait3A_42 = tpu.memref_slice %arg2[%add3A_41, %dma_wait3A] : memref<131072x384xf32, #tpu.memory_space<hbm>> -> memref<32x384xf32, #tpu.memory_space<hbm>>
    %dma_wait3A_43 = arith.constant 0 : i32
    %dma_wait3A_44 = tpu.memref_slice %arg2[%add3A_41, %dma_wait3A_43] : memref<131072x384xf32, #tpu.memory_space<hbm>> -> memref<32x384xf32, #tpu.memory_space<hbm>>
    tpu.wait_dma2 semaphore(%arg18 : memref<!tpu.dma_semaphore, #tpu.memory_space<semaphore_mem>>) src(%dma_wait3A_44 : memref<32x384xf32, #tpu.memory_space<hbm>>) dst(%arg10 : memref<32x384xf32, #tpu.memory_space<vmem>>)
    %dma_wait3A_45 = arith.constant 0 : i32
    %dma_wait3A_46 = tpu.memref_slice %arg9[%dma_wait3A_45] : memref<4096xi32, #tpu.memory_space<vmem>> -> memref<32xi32, #tpu.memory_space<vmem>>
    %dma_wait3A_47 = arith.constant 0 : i32
    %dma_wait3A_48 = arith.constant 0 : i32
    %dma_wait3A_49 = tpu.memref_slice %arg5[%dma_wait3A_47, %dma_wait3A_48] : memref<262144x384xf32, #tpu.memory_space<hbm>> -> memref<262144x384xf32, #tpu.memory_space<hbm>>
    tpu.wait_indirect_dma semaphore(%arg22 : memref<!tpu.dma_semaphore, #tpu.memory_space<semaphore_mem>>) src(%dma_wait3A_49 : memref<262144x384xf32, #tpu.memory_space<hbm>>) dst(%arg14 : memref<32x384xf32, #tpu.memory_space<vmem>>)
    %scan3A_50 = arith.constant 0 : i32
    %scan3A_51 = arith.constant 0 : i32
    %scan3A_52 = arith.constant 32 : i32
    %scan3A_53 = arith.addi %scan3A_51, %scan3A_52 : i32
    %scan3A_54 = arith.constant 1 : i32
    scf.for %scan3A_172 = %scan3A_51 to %scan3A_53 step %scan3A_54  : i32 {
      %get3A = arith.index_cast %scan3A_172 : i32 to index
      %get3A_173 = arith.constant 0 : index
      %get3A_174 = tpu.vector_load %arg14[%get3A, %get3A_173] {strides = array<i32>} : memref<32x384xf32, #tpu.memory_space<vmem>>, vector<1x16xf32>,
      %get3A_175 = vector.shape_cast %get3A_174 : vector<1x16xf32> to vector<16xf32>
      %swap3A = arith.index_cast %scan3A_172 : i32 to index
      %swap3A_176 = arith.constant 0 : index
      %swap3A_177 = tpu.vector_load %arg10[%swap3A, %swap3A_176] {strides = array<i32>} : memref<32x384xf32, #tpu.memory_space<vmem>>, vector<1x16xf32>,
      %swap3A_178 = vector.shape_cast %swap3A_177 : vector<1x16xf32> to vector<16xf32>
      %swap3A_179 = vector.shape_cast %get3A_175 : vector<16xf32> to vector<1x16xf32>
      tpu.vector_store %arg10[%swap3A, %swap3A_176], %swap3A_179 {add = true, strides = array<i32>} : memref<32x384xf32, #tpu.memory_space<vmem>>, vector<1x16xf32>,
      %get3A_180 = arith.index_cast %scan3A_172 : i32 to index
      %get3A_181 = arith.constant 16 : index
      %get3A_182 = tpu.vector_load %arg14[%get3A_180, %get3A_181] {strides = array<i32>} : memref<32x384xf32, #tpu.memory_space<vmem>>, vector<1x16xf32>,
      %get3A_183 = vector.shape_cast %get3A_182 : vector<1x16xf32> to vector<16xf32>
      %swap3A_184 = arith.index_cast %scan3A_172 : i32 to index
      %swap3A_185 = arith.constant 16 : index
      %swap3A_186 = tpu.vector_load %arg10[%swap3A_184, %swap3A_185] {strides = array<i32>} : memref<32x384xf32, #tpu.memory_space<vmem>>, vector<1x16xf32>,
      %swap3A_187 = vector.shape_cast %swap3A_186 : vector<1x16xf32> to vector<16xf32>
      %swap3A_188 = vector.shape_cast %get3A_183 : vector<16xf32> to vector<1x16xf32>
      tpu.vector_store %arg10[%swap3A_184, %swap3A_185], %swap3A_188 {add = true, strides = array<i32>} : memref<32x384xf32, #tpu.memory_space<vmem>>, vector<1x16xf32>,
      %get3A_189 = arith.index_cast %scan3A_172 : i32 to index
      %get3A_190 = arith.constant 32 : index
      %get3A_191 = tpu.vector_load %arg14[%get3A_189, %get3A_190] {strides = array<i32>} : memref<32x384xf32, #tpu.memory_space<vmem>>, vector<1x16xf32>,
      %get3A_192 = vector.shape_cast %get3A_191 : vector<1x16xf32> to vector<16xf32>
      %swap3A_193 = arith.index_cast %scan3A_172 : i32 to index
      %swap3A_194 = arith.constant 32 : index
      %swap3A_195 = tpu.vector_load %arg10[%swap3A_193, %swap3A_194] {strides = array<i32>} : memref<32x384xf32, #tpu.memory_space<vmem>>, vector<1x16xf32>,
      %swap3A_196 = vector.shape_cast %swap3A_195 : vector<1x16xf32> to vector<16xf32>
      %swap3A_197 = vector.shape_cast %get3A_192 : vector<16xf32> to vector<1x16xf32>
      tpu.vector_store %arg10[%swap3A_193, %swap3A_194], %swap3A_197 {add = true, strides = array<i32>} : memref<32x384xf32, #tpu.memory_space<vmem>>, vector<1x16xf32>,
      %get3A_198 = arith.index_cast %scan3A_172 : i32 to index
      %get3A_199 = arith.constant 48 : index
      %get3A_200 = tpu.vector_load %arg14[%get3A_198, %get3A_199] {strides = array<i32>} : memref<32x384xf32, #tpu.memory_space<vmem>>, vector<1x16xf32>,
      %get3A_201 = vector.shape_cast %get3A_200 : vector<1x16xf32> to vector<16xf32>
      %swap3A_202 = arith.index_cast %scan3A_172 : i32 to index
      %swap3A_203 = arith.constant 48 : index
      %swap3A_204 = tpu.vector_load %arg10[%swap3A_202, %swap3A_203] {strides = array<i32>} : memref<32x384xf32, #tpu.memory_space<vmem>>, vector<1x16xf32>,
      %swap3A_205 = vector.shape_cast %swap3A_204 : vector<1x16xf32> to vector<16xf32>
      %swap3A_206 = vector.shape_cast %get3A_201 : vector<16xf32> to vector<1x16xf32>
      tpu.vector_store %arg10[%swap3A_202, %swap3A_203], %swap3A_206 {add = true, strides = array<i32>} : memref<32x384xf32, #tpu.memory_space<vmem>>, vector<1x16xf32>,
      %get3A_207 = arith.index_cast %scan3A_172 : i32 to index
      %get3A_208 = arith.constant 64 : index
      %get3A_209 = tpu.vector_load %arg14[%get3A_207, %get3A_208] {strides = array<i32>} : memref<32x384xf32, #tpu.memory_space<vmem>>, vector<1x16xf32>,
      %get3A_210 = vector.shape_cast %get3A_209 : vector<1x16xf32> to vector<16xf32>
      %swap3A_211 = arith.index_cast %scan3A_172 : i32 to index
      %swap3A_212 = arith.constant 64 : index
      %swap3A_213 = tpu.vector_load %arg10[%swap3A_211, %swap3A_212] {strides = array<i32>} : memref<32x384xf32, #tpu.memory_space<vmem>>, vector<1x16xf32>,
      %swap3A_214 = vector.shape_cast %swap3A_213 : vector<1x16xf32> to vector<16xf32>
      %swap3A_215 = vector.shape_cast %get3A_210 : vector<16xf32> to vector<1x16xf32>
      tpu.vector_store %arg10[%swap3A_211, %swap3A_212], %swap3A_215 {add = true, strides = array<i32>} : memref<32x384xf32, #tpu.memory_space<vmem>>, vector<1x16xf32>,
      %get3A_216 = arith.index_cast %scan3A_172 : i32 to index
      %get3A_217 = arith.constant 80 : index
      %get3A_218 = tpu.vector_load %arg14[%get3A_216, %get3A_217] {strides = array<i32>} : memref<32x384xf32, #tpu.memory_space<vmem>>, vector<1x16xf32>,
      %get3A_219 = vector.shape_cast %get3A_218 : vector<1x16xf32> to vector<16xf32>
      %swap3A_220 = arith.index_cast %scan3A_172 : i32 to index
      %swap3A_221 = arith.constant 80 : index
      %swap3A_222 = tpu.vector_load %arg10[%swap3A_220, %swap3A_221] {strides = array<i32>} : memref<32x384xf32, #tpu.memory_space<vmem>>, vector<1x16xf32>,
      %swap3A_223 = vector.shape_cast %swap3A_222 : vector<1x16xf32> to vector<16xf32>
      %swap3A_224 = vector.shape_cast %get3A_219 : vector<16xf32> to vector<1x16xf32>
      tpu.vector_store %arg10[%swap3A_220, %swap3A_221], %swap3A_224 {add = true, strides = array<i32>} : memref<32x384xf32, #tpu.memory_space<vmem>>, vector<1x16xf32>,
      %get3A_225 = arith.index_cast %scan3A_172 : i32 to index
      %get3A_226 = arith.constant 96 : index
      %get3A_227 = tpu.vector_load %arg14[%get3A_225, %get3A_226] {strides = array<i32>} : memref<32x384xf32, #tpu.memory_space<vmem>>, vector<1x16xf32>,
      %get3A_228 = vector.shape_cast %get3A_227 : vector<1x16xf32> to vector<16xf32>
      %swap3A_229 = arith.index_cast %scan3A_172 : i32 to index
      %swap3A_230 = arith.constant 96 : index
      %swap3A_231 = tpu.vector_load %arg10[%swap3A_229, %swap3A_230] {strides = array<i32>} : memref<32x384xf32, #tpu.memory_space<vmem>>, vector<1x16xf32>,
      %swap3A_232 = vector.shape_cast %swap3A_231 : vector<1x16xf32> to vector<16xf32>
      %swap3A_233 = vector.shape_cast %get3A_228 : vector<16xf32> to vector<1x16xf32>
      tpu.vector_store %arg10[%swap3A_229, %swap3A_230], %swap3A_233 {add = true, strides = array<i32>} : memref<32x384xf32, #tpu.memory_space<vmem>>, vector<1x16xf32>,
      %get3A_234 = arith.index_cast %scan3A_172 : i32 to index
      %get3A_235 = arith.constant 112 : index
      %get3A_236 = tpu.vector_load %arg14[%get3A_234, %get3A_235] {strides = array<i32>} : memref<32x384xf32, #tpu.memory_space<vmem>>, vector<1x16xf32>,
      %get3A_237 = vector.shape_cast %get3A_236 : vector<1x16xf32> to vector<16xf32>
      %swap3A_238 = arith.index_cast %scan3A_172 : i32 to index
      %swap3A_239 = arith.constant 112 : index
      %swap3A_240 = tpu.vector_load %arg10[%swap3A_238, %swap3A_239] {strides = array<i32>} : memref<32x384xf32, #tpu.memory_space<vmem>>, vector<1x16xf32>,
      %swap3A_241 = vector.shape_cast %swap3A_240 : vector<1x16xf32> to vector<16xf32>
      %swap3A_242 = vector.shape_cast %get3A_237 : vector<16xf32> to vector<1x16xf32>
      tpu.vector_store %arg10[%swap3A_238, %swap3A_239], %swap3A_242 {add = true, strides = array<i32>} : memref<32x384xf32, #tpu.memory_space<vmem>>, vector<1x16xf32>,
      %get3A_243 = arith.index_cast %scan3A_172 : i32 to index
      %get3A_244 = arith.constant 128 : index
      %get3A_245 = tpu.vector_load %arg14[%get3A_243, %get3A_244] {strides = array<i32>} : memref<32x384xf32, #tpu.memory_space<vmem>>, vector<1x16xf32>,
      %get3A_246 = vector.shape_cast %get3A_245 : vector<1x16xf32> to vector<16xf32>
      %swap3A_247 = arith.index_cast %scan3A_172 : i32 to index
      %swap3A_248 = arith.constant 128 : index
      %swap3A_249 = tpu.vector_load %arg10[%swap3A_247, %swap3A_248] {strides = array<i32>} : memref<32x384xf32, #tpu.memory_space<vmem>>, vector<1x16xf32>,
      %swap3A_250 = vector.shape_cast %swap3A_249 : vector<1x16xf32> to vector<16xf32>
      %swap3A_251 = vector.shape_cast %get3A_246 : vector<16xf32> to vector<1x16xf32>
      tpu.vector_store %arg10[%swap3A_247, %swap3A_248], %swap3A_251 {add = true, strides = array<i32>} : memref<32x384xf32, #tpu.memory_space<vmem>>, vector<1x16xf32>,
      %get3A_252 = arith.index_cast %scan3A_172 : i32 to index
      %get3A_253 = arith.constant 144 : index
      %get3A_254 = tpu.vector_load %arg14[%get3A_252, %get3A_253] {strides = array<i32>} : memref<32x384xf32, #tpu.memory_space<vmem>>, vector<1x16xf32>,
      %get3A_255 = vector.shape_cast %get3A_254 : vector<1x16xf32> to vector<16xf32>
      %swap3A_256 = arith.index_cast %scan3A_172 : i32 to index
      %swap3A_257 = arith.constant 144 : index
      %swap3A_258 = tpu.vector_load %arg10[%swap3A_256, %swap3A_257] {strides = array<i32>} : memref<32x384xf32, #tpu.memory_space<vmem>>, vector<1x16xf32>,
      %swap3A_259 = vector.shape_cast %swap3A_258 : vector<1x16xf32> to vector<16xf32>
      %swap3A_260 = vector.shape_cast %get3A_255 : vector<16xf32> to vector<1x16xf32>
      tpu.vector_store %arg10[%swap3A_256, %swap3A_257], %swap3A_260 {add = true, strides = array<i32>} : memref<32x384xf32, #tpu.memory_space<vmem>>, vector<1x16xf32>,
      %get3A_261 = arith.index_cast %scan3A_172 : i32 to index
      %get3A_262 = arith.constant 160 : index
      %get3A_263 = tpu.vector_load %arg14[%get3A_261, %get3A_262] {strides = array<i32>} : memref<32x384xf32, #tpu.memory_space<vmem>>, vector<1x16xf32>,
      %get3A_264 = vector.shape_cast %get3A_263 : vector<1x16xf32> to vector<16xf32>
      %swap3A_265 = arith.index_cast %scan3A_172 : i32 to index
      %swap3A_266 = arith.constant 160 : index
      %swap3A_267 = tpu.vector_load %arg10[%swap3A_265, %swap3A_266] {strides = array<i32>} : memref<32x384xf32, #tpu.memory_space<vmem>>, vector<1x16xf32>,
      %swap3A_268 = vector.shape_cast %swap3A_267 : vector<1x16xf32> to vector<16xf32>
      %swap3A_269 = vector.shape_cast %get3A_264 : vector<16xf32> to vector<1x16xf32>
      tpu.vector_store %arg10[%swap3A_265, %swap3A_266], %swap3A_269 {add = true, strides = array<i32>} : memref<32x384xf32, #tpu.memory_space<vmem>>, vector<1x16xf32>,
      %get3A_270 = arith.index_cast %scan3A_172 : i32 to index
      %get3A_271 = arith.constant 176 : index
      %get3A_272 = tpu.vector_load %arg14[%get3A_270, %get3A_271] {strides = array<i32>} : memref<32x384xf32, #tpu.memory_space<vmem>>, vector<1x16xf32>,
      %get3A_273 = vector.shape_cast %get3A_272 : vector<1x16xf32> to vector<16xf32>
      %swap3A_274 = arith.index_cast %scan3A_172 : i32 to index
      %swap3A_275 = arith.constant 176 : index
      %swap3A_276 = tpu.vector_load %arg10[%swap3A_274, %swap3A_275] {strides = array<i32>} : memref<32x384xf32, #tpu.memory_space<vmem>>, vector<1x16xf32>,
      %swap3A_277 = vector.shape_cast %swap3A_276 : vector<1x16xf32> to vector<16xf32>
      %swap3A_278 = vector.shape_cast %get3A_273 : vector<16xf32> to vector<1x16xf32>
      tpu.vector_store %arg10[%swap3A_274, %swap3A_275], %swap3A_278 {add = true, strides = array<i32>} : memref<32x384xf32, #tpu.memory_space<vmem>>, vector<1x16xf32>,
      %get3A_279 = arith.index_cast %scan3A_172 : i32 to index
      %get3A_280 = arith.constant 192 : index
      %get3A_281 = tpu.vector_load %arg14[%get3A_279, %get3A_280] {strides = array<i32>} : memref<32x384xf32, #tpu.memory_space<vmem>>, vector<1x16xf32>,
      %get3A_282 = vector.shape_cast %get3A_281 : vector<1x16xf32> to vector<16xf32>
      %swap3A_283 = arith.index_cast %scan3A_172 : i32 to index
      %swap3A_284 = arith.constant 192 : index
      %swap3A_285 = tpu.vector_load %arg10[%swap3A_283, %swap3A_284] {strides = array<i32>} : memref<32x384xf32, #tpu.memory_space<vmem>>, vector<1x16xf32>,
      %swap3A_286 = vector.shape_cast %swap3A_285 : vector<1x16xf32> to vector<16xf32>
      %swap3A_287 = vector.shape_cast %get3A_282 : vector<16xf32> to vector<1x16xf32>
      tpu.vector_store %arg10[%swap3A_283, %swap3A_284], %swap3A_287 {add = true, strides = array<i32>} : memref<32x384xf32, #tpu.memory_space<vmem>>, vector<1x16xf32>,
      %get3A_288 = arith.index_cast %scan3A_172 : i32 to index
      %get3A_289 = arith.constant 208 : index
      %get3A_290 = tpu.vector_load %arg14[%get3A_288, %get3A_289] {strides = array<i32>} : memref<32x384xf32, #tpu.memory_space<vmem>>, vector<1x16xf32>,
      %get3A_291 = vector.shape_cast %get3A_290 : vector<1x16xf32> to vector<16xf32>
      %swap3A_292 = arith.index_cast %scan3A_172 : i32 to index
      %swap3A_293 = arith.constant 208 : index
      %swap3A_294 = tpu.vector_load %arg10[%swap3A_292, %swap3A_293] {strides = array<i32>} : memref<32x384xf32, #tpu.memory_space<vmem>>, vector<1x16xf32>,
      %swap3A_295 = vector.shape_cast %swap3A_294 : vector<1x16xf32> to vector<16xf32>
      %swap3A_296 = vector.shape_cast %get3A_291 : vector<16xf32> to vector<1x16xf32>
      tpu.vector_store %arg10[%swap3A_292, %swap3A_293], %swap3A_296 {add = true, strides = array<i32>} : memref<32x384xf32, #tpu.memory_space<vmem>>, vector<1x16xf32>,
      %get3A_297 = arith.index_cast %scan3A_172 : i32 to index
      %get3A_298 = arith.constant 224 : index
      %get3A_299 = tpu.vector_load %arg14[%get3A_297, %get3A_298] {strides = array<i32>} : memref<32x384xf32, #tpu.memory_space<vmem>>, vector<1x16xf32>,
      %get3A_300 = vector.shape_cast %get3A_299 : vector<1x16xf32> to vector<16xf32>
      %swap3A_301 = arith.index_cast %scan3A_172 : i32 to index
      %swap3A_302 = arith.constant 224 : index
      %swap3A_303 = tpu.vector_load %arg10[%swap3A_301, %swap3A_302] {strides = array<i32>} : memref<32x384xf32, #tpu.memory_space<vmem>>, vector<1x16xf32>,
      %swap3A_304 = vector.shape_cast %swap3A_303 : vector<1x16xf32> to vector<16xf32>
      %swap3A_305 = vector.shape_cast %get3A_300 : vector<16xf32> to vector<1x16xf32>
      tpu.vector_store %arg10[%swap3A_301, %swap3A_302], %swap3A_305 {add = true, strides = array<i32>} : memref<32x384xf32, #tpu.memory_space<vmem>>, vector<1x16xf32>,
      %get3A_306 = arith.index_cast %scan3A_172 : i32 to index
      %get3A_307 = arith.constant 240 : index
      %get3A_308 = tpu.vector_load %arg14[%get3A_306, %get3A_307] {strides = array<i32>} : memref<32x384xf32, #tpu.memory_space<vmem>>, vector<1x16xf32>,
      %get3A_309 = vector.shape_cast %get3A_308 : vector<1x16xf32> to vector<16xf32>
      %swap3A_310 = arith.index_cast %scan3A_172 : i32 to index
      %swap3A_311 = arith.constant 240 : index
      %swap3A_312 = tpu.vector_load %arg10[%swap3A_310, %swap3A_311] {strides = array<i32>} : memref<32x384xf32, #tpu.memory_space<vmem>>, vector<1x16xf32>,
      %swap3A_313 = vector.shape_cast %swap3A_312 : vector<1x16xf32> to vector<16xf32>
      %swap3A_314 = vector.shape_cast %get3A_309 : vector<16xf32> to vector<1x16xf32>
      tpu.vector_store %arg10[%swap3A_310, %swap3A_311], %swap3A_314 {add = true, strides = array<i32>} : memref<32x384xf32, #tpu.memory_space<vmem>>, vector<1x16xf32>,
      %get3A_315 = arith.index_cast %scan3A_172 : i32 to index
      %get3A_316 = arith.constant 256 : index
      %get3A_317 = tpu.vector_load %arg14[%get3A_315, %get3A_316] {strides = array<i32>} : memref<32x384xf32, #tpu.memory_space<vmem>>, vector<1x16xf32>,
      %get3A_318 = vector.shape_cast %get3A_317 : vector<1x16xf32> to vector<16xf32>
      %swap3A_319 = arith.index_cast %scan3A_172 : i32 to index
      %swap3A_320 = arith.constant 256 : index
      %swap3A_321 = tpu.vector_load %arg10[%swap3A_319, %swap3A_320] {strides = array<i32>} : memref<32x384xf32, #tpu.memory_space<vmem>>, vector<1x16xf32>,
      %swap3A_322 = vector.shape_cast %swap3A_321 : vector<1x16xf32> to vector<16xf32>
      %swap3A_323 = vector.shape_cast %get3A_318 : vector<16xf32> to vector<1x16xf32>
      tpu.vector_store %arg10[%swap3A_319, %swap3A_320], %swap3A_323 {add = true, strides = array<i32>} : memref<32x384xf32, #tpu.memory_space<vmem>>, vector<1x16xf32>,
      %get3A_324 = arith.index_cast %scan3A_172 : i32 to index
      %get3A_325 = arith.constant 272 : index
      %get3A_326 = tpu.vector_load %arg14[%get3A_324, %get3A_325] {strides = array<i32>} : memref<32x384xf32, #tpu.memory_space<vmem>>, vector<1x16xf32>,
      %get3A_327 = vector.shape_cast %get3A_326 : vector<1x16xf32> to vector<16xf32>
      %swap3A_328 = arith.index_cast %scan3A_172 : i32 to index
      %swap3A_329 = arith.constant 272 : index
      %swap3A_330 = tpu.vector_load %arg10[%swap3A_328, %swap3A_329] {strides = array<i32>} : memref<32x384xf32, #tpu.memory_space<vmem>>, vector<1x16xf32>,
      %swap3A_331 = vector.shape_cast %swap3A_330 : vector<1x16xf32> to vector<16xf32>
      %swap3A_332 = vector.shape_cast %get3A_327 : vector<16xf32> to vector<1x16xf32>
      tpu.vector_store %arg10[%swap3A_328, %swap3A_329], %swap3A_332 {add = true, strides = array<i32>} : memref<32x384xf32, #tpu.memory_space<vmem>>, vector<1x16xf32>,
      %get3A_333 = arith.index_cast %scan3A_172 : i32 to index
      %get3A_334 = arith.constant 288 : index
      %get3A_335 = tpu.vector_load %arg14[%get3A_333, %get3A_334] {strides = array<i32>} : memref<32x384xf32, #tpu.memory_space<vmem>>, vector<1x16xf32>,
      %get3A_336 = vector.shape_cast %get3A_335 : vector<1x16xf32> to vector<16xf32>
      %swap3A_337 = arith.index_cast %scan3A_172 : i32 to index
      %swap3A_338 = arith.constant 288 : index
      %swap3A_339 = tpu.vector_load %arg10[%swap3A_337, %swap3A_338] {strides = array<i32>} : memref<32x384xf32, #tpu.memory_space<vmem>>, vector<1x16xf32>,
      %swap3A_340 = vector.shape_cast %swap3A_339 : vector<1x16xf32> to vector<16xf32>
      %swap3A_341 = vector.shape_cast %get3A_336 : vector<16xf32> to vector<1x16xf32>
      tpu.vector_store %arg10[%swap3A_337, %swap3A_338], %swap3A_341 {add = true, strides = array<i32>} : memref<32x384xf32, #tpu.memory_space<vmem>>, vector<1x16xf32>,
      %get3A_342 = arith.index_cast %scan3A_172 : i32 to index
      %get3A_343 = arith.constant 304 : index
      %get3A_344 = tpu.vector_load %arg14[%get3A_342, %get3A_343] {strides = array<i32>} : memref<32x384xf32, #tpu.memory_space<vmem>>, vector<1x16xf32>,
      %get3A_345 = vector.shape_cast %get3A_344 : vector<1x16xf32> to vector<16xf32>
      %swap3A_346 = arith.index_cast %scan3A_172 : i32 to index
      %swap3A_347 = arith.constant 304 : index
      %swap3A_348 = tpu.vector_load %arg10[%swap3A_346, %swap3A_347] {strides = array<i32>} : memref<32x384xf32, #tpu.memory_space<vmem>>, vector<1x16xf32>,
      %swap3A_349 = vector.shape_cast %swap3A_348 : vector<1x16xf32> to vector<16xf32>
      %swap3A_350 = vector.shape_cast %get3A_345 : vector<16xf32> to vector<1x16xf32>
      tpu.vector_store %arg10[%swap3A_346, %swap3A_347], %swap3A_350 {add = true, strides = array<i32>} : memref<32x384xf32, #tpu.memory_space<vmem>>, vector<1x16xf32>,
      %get3A_351 = arith.index_cast %scan3A_172 : i32 to index
      %get3A_352 = arith.constant 320 : index
      %get3A_353 = tpu.vector_load %arg14[%get3A_351, %get3A_352] {strides = array<i32>} : memref<32x384xf32, #tpu.memory_space<vmem>>, vector<1x16xf32>,
      %get3A_354 = vector.shape_cast %get3A_353 : vector<1x16xf32> to vector<16xf32>
      %swap3A_355 = arith.index_cast %scan3A_172 : i32 to index
      %swap3A_356 = arith.constant 320 : index
      %swap3A_357 = tpu.vector_load %arg10[%swap3A_355, %swap3A_356] {strides = array<i32>} : memref<32x384xf32, #tpu.memory_space<vmem>>, vector<1x16xf32>,
      %swap3A_358 = vector.shape_cast %swap3A_357 : vector<1x16xf32> to vector<16xf32>
      %swap3A_359 = vector.shape_cast %get3A_354 : vector<16xf32> to vector<1x16xf32>
      tpu.vector_store %arg10[%swap3A_355, %swap3A_356], %swap3A_359 {add = true, strides = array<i32>} : memref<32x384xf32, #tpu.memory_space<vmem>>, vector<1x16xf32>,
      %get3A_360 = arith.index_cast %scan3A_172 : i32 to index
      %get3A_361 = arith.constant 336 : index
      %get3A_362 = tpu.vector_load %arg14[%get3A_360, %get3A_361] {strides = array<i32>} : memref<32x384xf32, #tpu.memory_space<vmem>>, vector<1x16xf32>,
      %get3A_363 = vector.shape_cast %get3A_362 : vector<1x16xf32> to vector<16xf32>
      %swap3A_364 = arith.index_cast %scan3A_172 : i32 to index
      %swap3A_365 = arith.constant 336 : index
      %swap3A_366 = tpu.vector_load %arg10[%swap3A_364, %swap3A_365] {strides = array<i32>} : memref<32x384xf32, #tpu.memory_space<vmem>>, vector<1x16xf32>,
      %swap3A_367 = vector.shape_cast %swap3A_366 : vector<1x16xf32> to vector<16xf32>
      %swap3A_368 = vector.shape_cast %get3A_363 : vector<16xf32> to vector<1x16xf32>
      tpu.vector_store %arg10[%swap3A_364, %swap3A_365], %swap3A_368 {add = true, strides = array<i32>} : memref<32x384xf32, #tpu.memory_space<vmem>>, vector<1x16xf32>,
      %get3A_369 = arith.index_cast %scan3A_172 : i32 to index
      %get3A_370 = arith.constant 352 : index
      %get3A_371 = tpu.vector_load %arg14[%get3A_369, %get3A_370] {strides = array<i32>} : memref<32x384xf32, #tpu.memory_space<vmem>>, vector<1x16xf32>,
      %get3A_372 = vector.shape_cast %get3A_371 : vector<1x16xf32> to vector<16xf32>
      %swap3A_373 = arith.index_cast %scan3A_172 : i32 to index
      %swap3A_374 = arith.constant 352 : index
      %swap3A_375 = tpu.vector_load %arg10[%swap3A_373, %swap3A_374] {strides = array<i32>} : memref<32x384xf32, #tpu.memory_space<vmem>>, vector<1x16xf32>,
      %swap3A_376 = vector.shape_cast %swap3A_375 : vector<1x16xf32> to vector<16xf32>
      %swap3A_377 = vector.shape_cast %get3A_372 : vector<16xf32> to vector<1x16xf32>
      tpu.vector_store %arg10[%swap3A_373, %swap3A_374], %swap3A_377 {add = true, strides = array<i32>} : memref<32x384xf32, #tpu.memory_space<vmem>>, vector<1x16xf32>,
      %get3A_378 = arith.index_cast %scan3A_172 : i32 to index
      %get3A_379 = arith.constant 368 : index
      %get3A_380 = tpu.vector_load %arg14[%get3A_378, %get3A_379] {strides = array<i32>} : memref<32x384xf32, #tpu.memory_space<vmem>>, vector<1x16xf32>,
      %get3A_381 = vector.shape_cast %get3A_380 : vector<1x16xf32> to vector<16xf32>
      %swap3A_382 = arith.index_cast %scan3A_172 : i32 to index
      %swap3A_383 = arith.constant 368 : index
      %swap3A_384 = tpu.vector_load %arg10[%swap3A_382, %swap3A_383] {strides = array<i32>} : memref<32x384xf32, #tpu.memory_space<vmem>>, vector<1x16xf32>,
      %swap3A_385 = vector.shape_cast %swap3A_384 : vector<1x16xf32> to vector<16xf32>
      %swap3A_386 = vector.shape_cast %get3A_381 : vector<16xf32> to vector<1x16xf32>
      tpu.vector_store %arg10[%swap3A_382, %swap3A_383], %swap3A_386 {add = true, strides = array<i32>} : memref<32x384xf32, #tpu.memory_space<vmem>>, vector<1x16xf32>,
    }
    %scan3A_55 = arith.constant 32 : i32
    %add3A_56 = arith.constant 0 : i32
    %add3A_57 = arith.addi %mul3A_2, %add3A_56 : i32
    %dma_start3A_58 = arith.constant 0 : i32
    %dma_start3A_59 = tpu.memref_slice %arg6[%add3A_57, %dma_start3A_58] : memref<131072x384xf32, #tpu.memory_space<hbm>> -> memref<32x384xf32, #tpu.memory_space<hbm>>
    %dma_start3A_60 = arith.constant 0 : i32
    %dma_start3A_61 = tpu.memref_slice %arg6[%add3A_57, %dma_start3A_60] : memref<131072x384xf32, #tpu.memory_space<hbm>> -> memref<32x384xf32, #tpu.memory_space<hbm>>
    tpu.enqueue_dma source(%arg10 : memref<32x384xf32, #tpu.memory_space<vmem>>) target(%dma_start3A_61 : memref<32x384xf32, #tpu.memory_space<hbm>>) target_semaphore(%arg26 : memref<!tpu.dma_semaphore, #tpu.memory_space<semaphore_mem>>)
    %add3A_62 = arith.constant 96 : i32
    %add3A_63 = arith.addi %mul3A_2, %add3A_62 : i32
    %dma_start3A_64 = arith.constant 0 : i32
    %dma_start3A_65 = tpu.memref_slice %arg2[%add3A_63, %dma_start3A_64] : memref<131072x384xf32, #tpu.memory_space<hbm>> -> memref<32x384xf32, #tpu.memory_space<hbm>>
    %dma_start3A_66 = arith.constant 0 : i32
    %dma_start3A_67 = tpu.memref_slice %arg2[%add3A_63, %dma_start3A_66] : memref<131072x384xf32, #tpu.memory_space<hbm>> -> memref<32x384xf32, #tpu.memory_space<hbm>>
    tpu.enqueue_dma source(%dma_start3A_67 : memref<32x384xf32, #tpu.memory_space<hbm>>) target(%arg13 : memref<32x384xf32, #tpu.memory_space<vmem>>) target_semaphore(%arg21 : memref<!tpu.dma_semaphore, #tpu.memory_space<semaphore_mem>>)
    %dma_start3A_68 = arith.constant 96 : i32
    %dma_start3A_69 = tpu.memref_slice %arg9[%dma_start3A_68] : memref<4096xi32, #tpu.memory_space<vmem>> -> memref<32xi32, #tpu.memory_space<vmem>>
    %dma_start3A_70 = arith.constant 0 : i32
    %dma_start3A_71 = arith.constant 0 : i32
    %dma_start3A_72 = tpu.memref_slice %arg5[%dma_start3A_70, %dma_start3A_71] : memref<262144x384xf32, #tpu.memory_space<hbm>> -> memref<262144x384xf32, #tpu.memory_space<hbm>>
    tpu.enqueue_indirect_dma source(%dma_start3A_72 : memref<262144x384xf32, #tpu.memory_space<hbm>>) target(%arg17 : memref<32x384xf32, #tpu.memory_space<vmem>>) offsets(%dma_start3A_69 : memref<32xi32, #tpu.memory_space<vmem>>) semaphore(%arg25 : memref<!tpu.dma_semaphore, #tpu.memory_space<semaphore_mem>>)
    %scan3A_73 = arith.constant 0 : i32
    %scan3A_74 = arith.constant 0 : i32
    %scan3A_75 = arith.constant 31 : i32
    %scan3A_76 = arith.addi %scan3A_74, %scan3A_75 : i32
    %scan3A_77 = arith.constant 1 : i32
    scf.for %scan3A_172 = %scan3A_74 to %scan3A_76 step %scan3A_77  : i32 {
      %mul3A_173 = arith.constant 4 : i32
      %mul3A_174 = arith.muli %mul3A_173, %scan3A_172 : i32
      %add3A_175 = arith.constant 1 : i32
      %add3A_176 = arith.addi %mul3A_174, %add3A_175 : i32
      %add3A_177 = arith.constant 0 : i32
      %add3A_178 = arith.addi %add3A_176, %add3A_177 : i32
      %mul3A_179 = arith.constant 32 : i32
      %mul3A_180 = arith.muli %add3A_178, %mul3A_179 : i32
      %add3A_181 = arith.addi %mul3A_2, %mul3A_180 : i32
      %dma_wait3A_182 = arith.constant 0 : i32
      %dma_wait3A_183 = tpu.memref_slice %arg2[%add3A_181, %dma_wait3A_182] : memref<131072x384xf32, #tpu.memory_space<hbm>> -> memref<32x384xf32, #tpu.memory_space<hbm>>
      %dma_wait3A_184 = arith.constant 0 : i32
      %dma_wait3A_185 = tpu.memref_slice %arg2[%add3A_181, %dma_wait3A_184] : memref<131072x384xf32, #tpu.memory_space<hbm>> -> memref<32x384xf32, #tpu.memory_space<hbm>>
      tpu.wait_dma2 semaphore(%arg19 : memref<!tpu.dma_semaphore, #tpu.memory_space<semaphore_mem>>) src(%dma_wait3A_185 : memref<32x384xf32, #tpu.memory_space<hbm>>) dst(%arg11 : memref<32x384xf32, #tpu.memory_space<vmem>>)
      %mul3A_186 = arith.constant 32 : i32
      %mul3A_187 = arith.muli %add3A_178, %mul3A_186 : i32
      %dma_wait3A_188 = tpu.memref_slice %arg9[%mul3A_187] : memref<4096xi32, #tpu.memory_space<vmem>> -> memref<32xi32, #tpu.memory_space<vmem>>
      %dma_wait3A_189 = arith.constant 0 : i32
      %dma_wait3A_190 = arith.constant 0 : i32
      %dma_wait3A_191 = tpu.memref_slice %arg5[%dma_wait3A_189, %dma_wait3A_190] : memref<262144x384xf32, #tpu.memory_space<hbm>> -> memref<262144x384xf32, #tpu.memory_space<hbm>>
      tpu.wait_indirect_dma semaphore(%arg23 : memref<!tpu.dma_semaphore, #tpu.memory_space<semaphore_mem>>) src(%dma_wait3A_191 : memref<262144x384xf32, #tpu.memory_space<hbm>>) dst(%arg15 : memref<32x384xf32, #tpu.memory_space<vmem>>)
      %scan3A_192 = arith.constant 0 : i32
      %scan3A_193 = arith.constant 0 : i32
      %scan3A_194 = arith.constant 32 : i32
      %scan3A_195 = arith.addi %scan3A_193, %scan3A_194 : i32
      %scan3A_196 = arith.constant 1 : i32
      scf.for %scan3A_404 = %scan3A_193 to %scan3A_195 step %scan3A_196  : i32 {
        %get3A = arith.index_cast %scan3A_404 : i32 to index
        %get3A_405 = arith.constant 0 : index
        %get3A_406 = tpu.vector_load %arg15[%get3A, %get3A_405] {strides = array<i32>} : memref<32x384xf32, #tpu.memory_space<vmem>>, vector<1x16xf32>,
        %get3A_407 = vector.shape_cast %get3A_406 : vector<1x16xf32> to vector<16xf32>
        %swap3A = arith.index_cast %scan3A_404 : i32 to index
        %swap3A_408 = arith.constant 0 : index
        %swap3A_409 = tpu.vector_load %arg11[%swap3A, %swap3A_408] {strides = array<i32>} : memref<32x384xf32, #tpu.memory_space<vmem>>, vector<1x16xf32>,
        %swap3A_410 = vector.shape_cast %swap3A_409 : vector<1x16xf32> to vector<16xf32>
        %swap3A_411 = vector.shape_cast %get3A_407 : vector<16xf32> to vector<1x16xf32>
        tpu.vector_store %arg11[%swap3A, %swap3A_408], %swap3A_411 {add = true, strides = array<i32>} : memref<32x384xf32, #tpu.memory_space<vmem>>, vector<1x16xf32>,
        %get3A_412 = arith.index_cast %scan3A_404 : i32 to index
        %get3A_413 = arith.constant 16 : index
        %get3A_414 = tpu.vector_load %arg15[%get3A_412, %get3A_413] {strides = array<i32>} : memref<32x384xf32, #tpu.memory_space<vmem>>, vector<1x16xf32>,
        %get3A_415 = vector.shape_cast %get3A_414 : vector<1x16xf32> to vector<16xf32>
        %swap3A_416 = arith.index_cast %scan3A_404 : i32 to index
        %swap3A_417 = arith.constant 16 : index
        %swap3A_418 = tpu.vector_load %arg11[%swap3A_416, %swap3A_417] {strides = array<i32>} : memref<32x384xf32, #tpu.memory_space<vmem>>, vector<1x16xf32>,
        %swap3A_419 = vector.shape_cast %swap3A_418 : vector<1x16xf32> to vector<16xf32>
        %swap3A_420 = vector.shape_cast %get3A_415 : vector<16xf32> to vector<1x16xf32>
        tpu.vector_store %arg11[%swap3A_416, %swap3A_417], %swap3A_420 {add = true, strides = array<i32>} : memref<32x384xf32, #tpu.memory_space<vmem>>, vector<1x16xf32>,
        %get3A_421 = arith.index_cast %scan3A_404 : i32 to index
        %get3A_422 = arith.constant 32 : index
        %get3A_423 = tpu.vector_load %arg15[%get3A_421, %get3A_422] {strides = array<i32>} : memref<32x384xf32, #tpu.memory_space<vmem>>, vector<1x16xf32>,
        %get3A_424 = vector.shape_cast %get3A_423 : vector<1x16xf32> to vector<16xf32>
        %swap3A_425 = arith.index_cast %scan3A_404 : i32 to index
        %swap3A_426 = arith.constant 32 : index
        %swap3A_427 = tpu.vector_load %arg11[%swap3A_425, %swap3A_426] {strides = array<i32>} : memref<32x384xf32, #tpu.memory_space<vmem>>, vector<1x16xf32>,
        %swap3A_428 = vector.shape_cast %swap3A_427 : vector<1x16xf32> to vector<16xf32>
        %swap3A_429 = vector.shape_cast %get3A_424 : vector<16xf32> to vector<1x16xf32>
        tpu.vector_store %arg11[%swap3A_425, %swap3A_426], %swap3A_429 {add = true, strides = array<i32>} : memref<32x384xf32, #tpu.memory_space<vmem>>, vector<1x16xf32>,
        %get3A_430 = arith.index_cast %scan3A_404 : i32 to index
        %get3A_431 = arith.constant 48 : index
        %get3A_432 = tpu.vector_load %arg15[%get3A_430, %get3A_431] {strides = array<i32>} : memref<32x384xf32, #tpu.memory_space<vmem>>, vector<1x16xf32>,
        %get3A_433 = vector.shape_cast %get3A_432 : vector<1x16xf32> to vector<16xf32>
        %swap3A_434 = arith.index_cast %scan3A_404 : i32 to index
        %swap3A_435 = arith.constant 48 : index
        %swap3A_436 = tpu.vector_load %arg11[%swap3A_434, %swap3A_435] {strides = array<i32>} : memref<32x384xf32, #tpu.memory_space<vmem>>, vector<1x16xf32>,
        %swap3A_437 = vector.shape_cast %swap3A_436 : vector<1x16xf32> to vector<16xf32>
        %swap3A_438 = vector.shape_cast %get3A_433 : vector<16xf32> to vector<1x16xf32>
        tpu.vector_store %arg11[%swap3A_434, %swap3A_435], %swap3A_438 {add = true, strides = array<i32>} : memref<32x384xf32, #tpu.memory_space<vmem>>, vector<1x16xf32>,
        %get3A_439 = arith.index_cast %scan3A_404 : i32 to index
        %get3A_440 = arith.constant 64 : index
        %get3A_441 = tpu.vector_load %arg15[%get3A_439, %get3A_440] {strides = array<i32>} : memref<32x384xf32, #tpu.memory_space<vmem>>, vector<1x16xf32>,
        %get3A_442 = vector.shape_cast %get3A_441 : vector<1x16xf32> to vector<16xf32>
        %swap3A_443 = arith.index_cast %scan3A_404 : i32 to index
        %swap3A_444 = arith.constant 64 : index
        %swap3A_445 = tpu.vector_load %arg11[%swap3A_443, %swap3A_444] {strides = array<i32>} : memref<32x384xf32, #tpu.memory_space<vmem>>, vector<1x16xf32>,
        %swap3A_446 = vector.shape_cast %swap3A_445 : vector<1x16xf32> to vector<16xf32>
        %swap3A_447 = vector.shape_cast %get3A_442 : vector<16xf32> to vector<1x16xf32>
        tpu.vector_store %arg11[%swap3A_443, %swap3A_444], %swap3A_447 {add = true, strides = array<i32>} : memref<32x384xf32, #tpu.memory_space<vmem>>, vector<1x16xf32>,
        %get3A_448 = arith.index_cast %scan3A_404 : i32 to index
        %get3A_449 = arith.constant 80 : index
        %get3A_450 = tpu.vector_load %arg15[%get3A_448, %get3A_449] {strides = array<i32>} : memref<32x384xf32, #tpu.memory_space<vmem>>, vector<1x16xf32>,
        %get3A_451 = vector.shape_cast %get3A_450 : vector<1x16xf32> to vector<16xf32>
        %swap3A_452 = arith.index_cast %scan3A_404 : i32 to index
        %swap3A_453 = arith.constant 80 : index
        %swap3A_454 = tpu.vector_load %arg11[%swap3A_452, %swap3A_453] {strides = array<i32>} : memref<32x384xf32, #tpu.memory_space<vmem>>, vector<1x16xf32>,
        %swap3A_455 = vector.shape_cast %swap3A_454 : vector<1x16xf32> to vector<16xf32>
        %swap3A_456 = vector.shape_cast %get3A_451 : vector<16xf32> to vector<1x16xf32>
        tpu.vector_store %arg11[%swap3A_452, %swap3A_453], %swap3A_456 {add = true, strides = array<i32>} : memref<32x384xf32, #tpu.memory_space<vmem>>, vector<1x16xf32>,
        %get3A_457 = arith.index_cast %scan3A_404 : i32 to index
        %get3A_458 = arith.constant 96 : index
        %get3A_459 = tpu.vector_load %arg15[%get3A_457, %get3A_458] {strides = array<i32>} : memref<32x384xf32, #tpu.memory_space<vmem>>, vector<1x16xf32>,
        %get3A_460 = vector.shape_cast %get3A_459 : vector<1x16xf32> to vector<16xf32>
        %swap3A_461 = arith.index_cast %scan3A_404 : i32 to index
        %swap3A_462 = arith.constant 96 : index
        %swap3A_463 = tpu.vector_load %arg11[%swap3A_461, %swap3A_462] {strides = array<i32>} : memref<32x384xf32, #tpu.memory_space<vmem>>, vector<1x16xf32>,
        %swap3A_464 = vector.shape_cast %swap3A_463 : vector<1x16xf32> to vector<16xf32>
        %swap3A_465 = vector.shape_cast %get3A_460 : vector<16xf32> to vector<1x16xf32>
        tpu.vector_store %arg11[%swap3A_461, %swap3A_462], %swap3A_465 {add = true, strides = array<i32>} : memref<32x384xf32, #tpu.memory_space<vmem>>, vector<1x16xf32>,
        %get3A_466 = arith.index_cast %scan3A_404 : i32 to index
        %get3A_467 = arith.constant 112 : index
        %get3A_468 = tpu.vector_load %arg15[%get3A_466, %get3A_467] {strides = array<i32>} : memref<32x384xf32, #tpu.memory_space<vmem>>, vector<1x16xf32>,
        %get3A_469 = vector.shape_cast %get3A_468 : vector<1x16xf32> to vector<16xf32>
        %swap3A_470 = arith.index_cast %scan3A_404 : i32 to index
        %swap3A_471 = arith.constant 112 : index
        %swap3A_472 = tpu.vector_load %arg11[%swap3A_470, %swap3A_471] {strides = array<i32>} : memref<32x384xf32, #tpu.memory_space<vmem>>, vector<1x16xf32>,
        %swap3A_473 = vector.shape_cast %swap3A_472 : vector<1x16xf32> to vector<16xf32>
        %swap3A_474 = vector.shape_cast %get3A_469 : vector<16xf32> to vector<1x16xf32>
        tpu.vector_store %arg11[%swap3A_470, %swap3A_471], %swap3A_474 {add = true, strides = array<i32>} : memref<32x384xf32, #tpu.memory_space<vmem>>, vector<1x16xf32>,
        %get3A_475 = arith.index_cast %scan3A_404 : i32 to index
        %get3A_476 = arith.constant 128 : index
        %get3A_477 = tpu.vector_load %arg15[%get3A_475, %get3A_476] {strides = array<i32>} : memref<32x384xf32, #tpu.memory_space<vmem>>, vector<1x16xf32>,
        %get3A_478 = vector.shape_cast %get3A_477 : vector<1x16xf32> to vector<16xf32>
        %swap3A_479 = arith.index_cast %scan3A_404 : i32 to index
        %swap3A_480 = arith.constant 128 : index
        %swap3A_481 = tpu.vector_load %arg11[%swap3A_479, %swap3A_480] {strides = array<i32>} : memref<32x384xf32, #tpu.memory_space<vmem>>, vector<1x16xf32>,
        %swap3A_482 = vector.shape_cast %swap3A_481 : vector<1x16xf32> to vector<16xf32>
        %swap3A_483 = vector.shape_cast %get3A_478 : vector<16xf32> to vector<1x16xf32>
        tpu.vector_store %arg11[%swap3A_479, %swap3A_480], %swap3A_483 {add = true, strides = array<i32>} : memref<32x384xf32, #tpu.memory_space<vmem>>, vector<1x16xf32>,
        %get3A_484 = arith.index_cast %scan3A_404 : i32 to index
        %get3A_485 = arith.constant 144 : index
        %get3A_486 = tpu.vector_load %arg15[%get3A_484, %get3A_485] {strides = array<i32>} : memref<32x384xf32, #tpu.memory_space<vmem>>, vector<1x16xf32>,
        %get3A_487 = vector.shape_cast %get3A_486 : vector<1x16xf32> to vector<16xf32>
        %swap3A_488 = arith.index_cast %scan3A_404 : i32 to index
        %swap3A_489 = arith.constant 144 : index
        %swap3A_490 = tpu.vector_load %arg11[%swap3A_488, %swap3A_489] {strides = array<i32>} : memref<32x384xf32, #tpu.memory_space<vmem>>, vector<1x16xf32>,
        %swap3A_491 = vector.shape_cast %swap3A_490 : vector<1x16xf32> to vector<16xf32>
        %swap3A_492 = vector.shape_cast %get3A_487 : vector<16xf32> to vector<1x16xf32>
        tpu.vector_store %arg11[%swap3A_488, %swap3A_489], %swap3A_492 {add = true, strides = array<i32>} : memref<32x384xf32, #tpu.memory_space<vmem>>, vector<1x16xf32>,
        %get3A_493 = arith.index_cast %scan3A_404 : i32 to index
        %get3A_494 = arith.constant 160 : index
        %get3A_495 = tpu.vector_load %arg15[%get3A_493, %get3A_494] {strides = array<i32>} : memref<32x384xf32, #tpu.memory_space<vmem>>, vector<1x16xf32>,
        %get3A_496 = vector.shape_cast %get3A_495 : vector<1x16xf32> to vector<16xf32>
        %swap3A_497 = arith.index_cast %scan3A_404 : i32 to index
        %swap3A_498 = arith.constant 160 : index
        %swap3A_499 = tpu.vector_load %arg11[%swap3A_497, %swap3A_498] {strides = array<i32>} : memref<32x384xf32, #tpu.memory_space<vmem>>, vector<1x16xf32>,
        %swap3A_500 = vector.shape_cast %swap3A_499 : vector<1x16xf32> to vector<16xf32>
        %swap3A_501 = vector.shape_cast %get3A_496 : vector<16xf32> to vector<1x16xf32>
        tpu.vector_store %arg11[%swap3A_497, %swap3A_498], %swap3A_501 {add = true, strides = array<i32>} : memref<32x384xf32, #tpu.memory_space<vmem>>, vector<1x16xf32>,
        %get3A_502 = arith.index_cast %scan3A_404 : i32 to index
        %get3A_503 = arith.constant 176 : index
        %get3A_504 = tpu.vector_load %arg15[%get3A_502, %get3A_503] {strides = array<i32>} : memref<32x384xf32, #tpu.memory_space<vmem>>, vector<1x16xf32>,
        %get3A_505 = vector.shape_cast %get3A_504 : vector<1x16xf32> to vector<16xf32>
        %swap3A_506 = arith.index_cast %scan3A_404 : i32 to index
        %swap3A_507 = arith.constant 176 : index
        %swap3A_508 = tpu.vector_load %arg11[%swap3A_506, %swap3A_507] {strides = array<i32>} : memref<32x384xf32, #tpu.memory_space<vmem>>, vector<1x16xf32>,
        %swap3A_509 = vector.shape_cast %swap3A_508 : vector<1x16xf32> to vector<16xf32>
        %swap3A_510 = vector.shape_cast %get3A_505 : vector<16xf32> to vector<1x16xf32>
        tpu.vector_store %arg11[%swap3A_506, %swap3A_507], %swap3A_510 {add = true, strides = array<i32>} : memref<32x384xf32, #tpu.memory_space<vmem>>, vector<1x16xf32>,
        %get3A_511 = arith.index_cast %scan3A_404 : i32 to index
        %get3A_512 = arith.constant 192 : index
        %get3A_513 = tpu.vector_load %arg15[%get3A_511, %get3A_512] {strides = array<i32>} : memref<32x384xf32, #tpu.memory_space<vmem>>, vector<1x16xf32>,
        %get3A_514 = vector.shape_cast %get3A_513 : vector<1x16xf32> to vector<16xf32>
        %swap3A_515 = arith.index_cast %scan3A_404 : i32 to index
        %swap3A_516 = arith.constant 192 : index
        %swap3A_517 = tpu.vector_load %arg11[%swap3A_515, %swap3A_516] {strides = array<i32>} : memref<32x384xf32, #tpu.memory_space<vmem>>, vector<1x16xf32>,
        %swap3A_518 = vector.shape_cast %swap3A_517 : vector<1x16xf32> to vector<16xf32>
        %swap3A_519 = vector.shape_cast %get3A_514 : vector<16xf32> to vector<1x16xf32>
        tpu.vector_store %arg11[%swap3A_515, %swap3A_516], %swap3A_519 {add = true, strides = array<i32>} : memref<32x384xf32, #tpu.memory_space<vmem>>, vector<1x16xf32>,
        %get3A_520 = arith.index_cast %scan3A_404 : i32 to index
        %get3A_521 = arith.constant 208 : index
        %get3A_522 = tpu.vector_load %arg15[%get3A_520, %get3A_521] {strides = array<i32>} : memref<32x384xf32, #tpu.memory_space<vmem>>, vector<1x16xf32>,
        %get3A_523 = vector.shape_cast %get3A_522 : vector<1x16xf32> to vector<16xf32>
        %swap3A_524 = arith.index_cast %scan3A_404 : i32 to index
        %swap3A_525 = arith.constant 208 : index
        %swap3A_526 = tpu.vector_load %arg11[%swap3A_524, %swap3A_525] {strides = array<i32>} : memref<32x384xf32, #tpu.memory_space<vmem>>, vector<1x16xf32>,
        %swap3A_527 = vector.shape_cast %swap3A_526 : vector<1x16xf32> to vector<16xf32>
        %swap3A_528 = vector.shape_cast %get3A_523 : vector<16xf32> to vector<1x16xf32>
        tpu.vector_store %arg11[%swap3A_524, %swap3A_525], %swap3A_528 {add = true, strides = array<i32>} : memref<32x384xf32, #tpu.memory_space<vmem>>, vector<1x16xf32>,
        %get3A_529 = arith.index_cast %scan3A_404 : i32 to index
        %get3A_530 = arith.constant 224 : index
        %get3A_531 = tpu.vector_load %arg15[%get3A_529, %get3A_530] {strides = array<i32>} : memref<32x384xf32, #tpu.memory_space<vmem>>, vector<1x16xf32>,
        %get3A_532 = vector.shape_cast %get3A_531 : vector<1x16xf32> to vector<16xf32>
        %swap3A_533 = arith.index_cast %scan3A_404 : i32 to index
        %swap3A_534 = arith.constant 224 : index
        %swap3A_535 = tpu.vector_load %arg11[%swap3A_533, %swap3A_534] {strides = array<i32>} : memref<32x384xf32, #tpu.memory_space<vmem>>, vector<1x16xf32>,
        %swap3A_536 = vector.shape_cast %swap3A_535 : vector<1x16xf32> to vector<16xf32>
        %swap3A_537 = vector.shape_cast %get3A_532 : vector<16xf32> to vector<1x16xf32>
        tpu.vector_store %arg11[%swap3A_533, %swap3A_534], %swap3A_537 {add = true, strides = array<i32>} : memref<32x384xf32, #tpu.memory_space<vmem>>, vector<1x16xf32>,
        %get3A_538 = arith.index_cast %scan3A_404 : i32 to index
        %get3A_539 = arith.constant 240 : index
        %get3A_540 = tpu.vector_load %arg15[%get3A_538, %get3A_539] {strides = array<i32>} : memref<32x384xf32, #tpu.memory_space<vmem>>, vector<1x16xf32>,
        %get3A_541 = vector.shape_cast %get3A_540 : vector<1x16xf32> to vector<16xf32>
        %swap3A_542 = arith.index_cast %scan3A_404 : i32 to index
        %swap3A_543 = arith.constant 240 : index
        %swap3A_544 = tpu.vector_load %arg11[%swap3A_542, %swap3A_543] {strides = array<i32>} : memref<32x384xf32, #tpu.memory_space<vmem>>, vector<1x16xf32>,
        %swap3A_545 = vector.shape_cast %swap3A_544 : vector<1x16xf32> to vector<16xf32>
        %swap3A_546 = vector.shape_cast %get3A_541 : vector<16xf32> to vector<1x16xf32>
        tpu.vector_store %arg11[%swap3A_542, %swap3A_543], %swap3A_546 {add = true, strides = array<i32>} : memref<32x384xf32, #tpu.memory_space<vmem>>, vector<1x16xf32>,
        %get3A_547 = arith.index_cast %scan3A_404 : i32 to index
        %get3A_548 = arith.constant 256 : index
        %get3A_549 = tpu.vector_load %arg15[%get3A_547, %get3A_548] {strides = array<i32>} : memref<32x384xf32, #tpu.memory_space<vmem>>, vector<1x16xf32>,
        %get3A_550 = vector.shape_cast %get3A_549 : vector<1x16xf32> to vector<16xf32>
        %swap3A_551 = arith.index_cast %scan3A_404 : i32 to index
        %swap3A_552 = arith.constant 256 : index
        %swap3A_553 = tpu.vector_load %arg11[%swap3A_551, %swap3A_552] {strides = array<i32>} : memref<32x384xf32, #tpu.memory_space<vmem>>, vector<1x16xf32>,
        %swap3A_554 = vector.shape_cast %swap3A_553 : vector<1x16xf32> to vector<16xf32>
        %swap3A_555 = vector.shape_cast %get3A_550 : vector<16xf32> to vector<1x16xf32>
        tpu.vector_store %arg11[%swap3A_551, %swap3A_552], %swap3A_555 {add = true, strides = array<i32>} : memref<32x384xf32, #tpu.memory_space<vmem>>, vector<1x16xf32>,
        %get3A_556 = arith.index_cast %scan3A_404 : i32 to index
        %get3A_557 = arith.constant 272 : index
        %get3A_558 = tpu.vector_load %arg15[%get3A_556, %get3A_557] {strides = array<i32>} : memref<32x384xf32, #tpu.memory_space<vmem>>, vector<1x16xf32>,
        %get3A_559 = vector.shape_cast %get3A_558 : vector<1x16xf32> to vector<16xf32>
        %swap3A_560 = arith.index_cast %scan3A_404 : i32 to index
        %swap3A_561 = arith.constant 272 : index
        %swap3A_562 = tpu.vector_load %arg11[%swap3A_560, %swap3A_561] {strides = array<i32>} : memref<32x384xf32, #tpu.memory_space<vmem>>, vector<1x16xf32>,
        %swap3A_563 = vector.shape_cast %swap3A_562 : vector<1x16xf32> to vector<16xf32>
        %swap3A_564 = vector.shape_cast %get3A_559 : vector<16xf32> to vector<1x16xf32>
        tpu.vector_store %arg11[%swap3A_560, %swap3A_561], %swap3A_564 {add = true, strides = array<i32>} : memref<32x384xf32, #tpu.memory_space<vmem>>, vector<1x16xf32>,
        %get3A_565 = arith.index_cast %scan3A_404 : i32 to index
        %get3A_566 = arith.constant 288 : index
        %get3A_567 = tpu.vector_load %arg15[%get3A_565, %get3A_566] {strides = array<i32>} : memref<32x384xf32, #tpu.memory_space<vmem>>, vector<1x16xf32>,
        %get3A_568 = vector.shape_cast %get3A_567 : vector<1x16xf32> to vector<16xf32>
        %swap3A_569 = arith.index_cast %scan3A_404 : i32 to index
        %swap3A_570 = arith.constant 288 : index
        %swap3A_571 = tpu.vector_load %arg11[%swap3A_569, %swap3A_570] {strides = array<i32>} : memref<32x384xf32, #tpu.memory_space<vmem>>, vector<1x16xf32>,
        %swap3A_572 = vector.shape_cast %swap3A_571 : vector<1x16xf32> to vector<16xf32>
        %swap3A_573 = vector.shape_cast %get3A_568 : vector<16xf32> to vector<1x16xf32>
        tpu.vector_store %arg11[%swap3A_569, %swap3A_570], %swap3A_573 {add = true, strides = array<i32>} : memref<32x384xf32, #tpu.memory_space<vmem>>, vector<1x16xf32>,
        %get3A_574 = arith.index_cast %scan3A_404 : i32 to index
        %get3A_575 = arith.constant 304 : index
        %get3A_576 = tpu.vector_load %arg15[%get3A_574, %get3A_575] {strides = array<i32>} : memref<32x384xf32, #tpu.memory_space<vmem>>, vector<1x16xf32>,
        %get3A_577 = vector.shape_cast %get3A_576 : vector<1x16xf32> to vector<16xf32>
        %swap3A_578 = arith.index_cast %scan3A_404 : i32 to index
        %swap3A_579 = arith.constant 304 : index
        %swap3A_580 = tpu.vector_load %arg11[%swap3A_578, %swap3A_579] {strides = array<i32>} : memref<32x384xf32, #tpu.memory_space<vmem>>, vector<1x16xf32>,
        %swap3A_581 = vector.shape_cast %swap3A_580 : vector<1x16xf32> to vector<16xf32>
        %swap3A_582 = vector.shape_cast %get3A_577 : vector<16xf32> to vector<1x16xf32>
        tpu.vector_store %arg11[%swap3A_578, %swap3A_579], %swap3A_582 {add = true, strides = array<i32>} : memref<32x384xf32, #tpu.memory_space<vmem>>, vector<1x16xf32>,
        %get3A_583 = arith.index_cast %scan3A_404 : i32 to index
        %get3A_584 = arith.constant 320 : index
        %get3A_585 = tpu.vector_load %arg15[%get3A_583, %get3A_584] {strides = array<i32>} : memref<32x384xf32, #tpu.memory_space<vmem>>, vector<1x16xf32>,
        %get3A_586 = vector.shape_cast %get3A_585 : vector<1x16xf32> to vector<16xf32>
        %swap3A_587 = arith.index_cast %scan3A_404 : i32 to index
        %swap3A_588 = arith.constant 320 : index
        %swap3A_589 = tpu.vector_load %arg11[%swap3A_587, %swap3A_588] {strides = array<i32>} : memref<32x384xf32, #tpu.memory_space<vmem>>, vector<1x16xf32>,
        %swap3A_590 = vector.shape_cast %swap3A_589 : vector<1x16xf32> to vector<16xf32>
        %swap3A_591 = vector.shape_cast %get3A_586 : vector<16xf32> to vector<1x16xf32>
        tpu.vector_store %arg11[%swap3A_587, %swap3A_588], %swap3A_591 {add = true, strides = array<i32>} : memref<32x384xf32, #tpu.memory_space<vmem>>, vector<1x16xf32>,
        %get3A_592 = arith.index_cast %scan3A_404 : i32 to index
        %get3A_593 = arith.constant 336 : index
        %get3A_594 = tpu.vector_load %arg15[%get3A_592, %get3A_593] {strides = array<i32>} : memref<32x384xf32, #tpu.memory_space<vmem>>, vector<1x16xf32>,
        %get3A_595 = vector.shape_cast %get3A_594 : vector<1x16xf32> to vector<16xf32>
        %swap3A_596 = arith.index_cast %scan3A_404 : i32 to index
        %swap3A_597 = arith.constant 336 : index
        %swap3A_598 = tpu.vector_load %arg11[%swap3A_596, %swap3A_597] {strides = array<i32>} : memref<32x384xf32, #tpu.memory_space<vmem>>, vector<1x16xf32>,
        %swap3A_599 = vector.shape_cast %swap3A_598 : vector<1x16xf32> to vector<16xf32>
        %swap3A_600 = vector.shape_cast %get3A_595 : vector<16xf32> to vector<1x16xf32>
        tpu.vector_store %arg11[%swap3A_596, %swap3A_597], %swap3A_600 {add = true, strides = array<i32>} : memref<32x384xf32, #tpu.memory_space<vmem>>, vector<1x16xf32>,
        %get3A_601 = arith.index_cast %scan3A_404 : i32 to index
        %get3A_602 = arith.constant 352 : index
        %get3A_603 = tpu.vector_load %arg15[%get3A_601, %get3A_602] {strides = array<i32>} : memref<32x384xf32, #tpu.memory_space<vmem>>, vector<1x16xf32>,
        %get3A_604 = vector.shape_cast %get3A_603 : vector<1x16xf32> to vector<16xf32>
        %swap3A_605 = arith.index_cast %scan3A_404 : i32 to index
        %swap3A_606 = arith.constant 352 : index
        %swap3A_607 = tpu.vector_load %arg11[%swap3A_605, %swap3A_606] {strides = array<i32>} : memref<32x384xf32, #tpu.memory_space<vmem>>, vector<1x16xf32>,
        %swap3A_608 = vector.shape_cast %swap3A_607 : vector<1x16xf32> to vector<16xf32>
        %swap3A_609 = vector.shape_cast %get3A_604 : vector<16xf32> to vector<1x16xf32>
        tpu.vector_store %arg11[%swap3A_605, %swap3A_606], %swap3A_609 {add = true, strides = array<i32>} : memref<32x384xf32, #tpu.memory_space<vmem>>, vector<1x16xf32>,
        %get3A_610 = arith.index_cast %scan3A_404 : i32 to index
        %get3A_611 = arith.constant 368 : index
        %get3A_612 = tpu.vector_load %arg15[%get3A_610, %get3A_611] {strides = array<i32>} : memref<32x384xf32, #tpu.memory_space<vmem>>, vector<1x16xf32>,
        %get3A_613 = vector.shape_cast %get3A_612 : vector<1x16xf32> to vector<16xf32>
        %swap3A_614 = arith.index_cast %scan3A_404 : i32 to index
        %swap3A_615 = arith.constant 368 : index
        %swap3A_616 = tpu.vector_load %arg11[%swap3A_614, %swap3A_615] {strides = array<i32>} : memref<32x384xf32, #tpu.memory_space<vmem>>, vector<1x16xf32>,
        %swap3A_617 = vector.shape_cast %swap3A_616 : vector<1x16xf32> to vector<16xf32>
        %swap3A_618 = vector.shape_cast %get3A_613 : vector<16xf32> to vector<1x16xf32>
        tpu.vector_store %arg11[%swap3A_614, %swap3A_615], %swap3A_618 {add = true, strides = array<i32>} : memref<32x384xf32, #tpu.memory_space<vmem>>, vector<1x16xf32>,
      }
      %scan3A_197 = arith.constant 32 : i32
      %mul3A_198 = arith.constant 32 : i32
      %mul3A_199 = arith.muli %add3A_178, %mul3A_198 : i32
      %add3A_200 = arith.addi %mul3A_2, %mul3A_199 : i32
      %dma_start3A_201 = arith.constant 0 : i32
      %dma_start3A_202 = tpu.memref_slice %arg6[%add3A_200, %dma_start3A_201] : memref<131072x384xf32, #tpu.memory_space<hbm>> -> memref<32x384xf32, #tpu.memory_space<hbm>>
      %dma_start3A_203 = arith.constant 0 : i32
      %dma_start3A_204 = tpu.memref_slice %arg6[%add3A_200, %dma_start3A_203] : memref<131072x384xf32, #tpu.memory_space<hbm>> -> memref<32x384xf32, #tpu.memory_space<hbm>>
      tpu.enqueue_dma source(%arg11 : memref<32x384xf32, #tpu.memory_space<vmem>>) target(%dma_start3A_204 : memref<32x384xf32, #tpu.memory_space<hbm>>) target_semaphore(%arg27 : memref<!tpu.dma_semaphore, #tpu.memory_space<semaphore_mem>>)
      %sub3A = arith.constant 1 : i32
      %sub3A_205 = arith.subi %add3A_178, %sub3A : i32
      %mul3A_206 = arith.constant 32 : i32
      %mul3A_207 = arith.muli %sub3A_205, %mul3A_206 : i32
      %add3A_208 = arith.addi %mul3A_2, %mul3A_207 : i32
      %dma_wait3A_209 = arith.constant 0 : i32
      %dma_wait3A_210 = tpu.memref_slice %arg6[%add3A_208, %dma_wait3A_209] : memref<131072x384xf32, #tpu.memory_space<hbm>> -> memref<32x384xf32, #tpu.memory_space<hbm>>
      %dma_wait3A_211 = arith.constant 0 : i32
      %dma_wait3A_212 = tpu.memref_slice %arg6[%add3A_208, %dma_wait3A_211] : memref<131072x384xf32, #tpu.memory_space<hbm>> -> memref<32x384xf32, #tpu.memory_space<hbm>>
      tpu.wait_dma2 semaphore(%arg26 : memref<!tpu.dma_semaphore, #tpu.memory_space<semaphore_mem>>) src(%arg10 : memref<32x384xf32, #tpu.memory_space<vmem>>) dst(%dma_wait3A_212 : memref<32x384xf32, #tpu.memory_space<hbm>>)
      %add3A_213 = arith.constant 3 : i32
      %add3A_214 = arith.addi %add3A_178, %add3A_213 : i32
      %mul3A_215 = arith.constant 32 : i32
      %mul3A_216 = arith.muli %add3A_214, %mul3A_215 : i32
      %add3A_217 = arith.addi %mul3A_2, %mul3A_216 : i32
      %dma_start3A_218 = arith.constant 0 : i32
      %dma_start3A_219 = tpu.memref_slice %arg2[%add3A_217, %dma_start3A_218] : memref<131072x384xf32, #tpu.memory_space<hbm>> -> memref<32x384xf32, #tpu.memory_space<hbm>>
      %dma_start3A_220 = arith.constant 0 : i32
      %dma_start3A_221 = tpu.memref_slice %arg2[%add3A_217, %dma_start3A_220] : memref<131072x384xf32, #tpu.memory_space<hbm>> -> memref<32x384xf32, #tpu.memory_space<hbm>>
      tpu.enqueue_dma source(%dma_start3A_221 : memref<32x384xf32, #tpu.memory_space<hbm>>) target(%arg10 : memref<32x384xf32, #tpu.memory_space<vmem>>) target_semaphore(%arg18 : memref<!tpu.dma_semaphore, #tpu.memory_space<semaphore_mem>>)
      %add3A_222 = arith.constant 3 : i32
      %add3A_223 = arith.addi %add3A_178, %add3A_222 : i32
      %mul3A_224 = arith.constant 32 : i32
      %mul3A_225 = arith.muli %add3A_223, %mul3A_224 : i32
      %dma_start3A_226 = tpu.memref_slice %arg9[%mul3A_225] : memref<4096xi32, #tpu.memory_space<vmem>> -> memref<32xi32, #tpu.memory_space<vmem>>
      %dma_start3A_227 = arith.constant 0 : i32
      %dma_start3A_228 = arith.constant 0 : i32
      %dma_start3A_229 = tpu.memref_slice %arg5[%dma_start3A_227, %dma_start3A_228] : memref<262144x384xf32, #tpu.memory_space<hbm>> -> memref<262144x384xf32, #tpu.memory_space<hbm>>
      tpu.enqueue_indirect_dma source(%dma_start3A_229 : memref<262144x384xf32, #tpu.memory_space<hbm>>) target(%arg14 : memref<32x384xf32, #tpu.memory_space<vmem>>) offsets(%dma_start3A_226 : memref<32xi32, #tpu.memory_space<vmem>>) semaphore(%arg22 : memref<!tpu.dma_semaphore, #tpu.memory_space<semaphore_mem>>)
      %mul3A_230 = arith.constant 4 : i32
      %mul3A_231 = arith.muli %mul3A_230, %scan3A_172 : i32
      %add3A_232 = arith.constant 1 : i32
      %add3A_233 = arith.addi %mul3A_231, %add3A_232 : i32
      %add3A_234 = arith.constant 1 : i32
      %add3A_235 = arith.addi %add3A_233, %add3A_234 : i32
      %mul3A_236 = arith.constant 32 : i32
      %mul3A_237 = arith.muli %add3A_235, %mul3A_236 : i32
      %add3A_238 = arith.addi %mul3A_2, %mul3A_237 : i32
      %dma_wait3A_239 = arith.constant 0 : i32
      %dma_wait3A_240 = tpu.memref_slice %arg2[%add3A_238, %dma_wait3A_239] : memref<131072x384xf32, #tpu.memory_space<hbm>> -> memref<32x384xf32, #tpu.memory_space<hbm>>
      %dma_wait3A_241 = arith.constant 0 : i32
      %dma_wait3A_242 = tpu.memref_slice %arg2[%add3A_238, %dma_wait3A_241] : memref<131072x384xf32, #tpu.memory_space<hbm>> -> memref<32x384xf32, #tpu.memory_space<hbm>>
      tpu.wait_dma2 semaphore(%arg20 : memref<!tpu.dma_semaphore, #tpu.memory_space<semaphore_mem>>) src(%dma_wait3A_242 : memref<32x384xf32, #tpu.memory_space<hbm>>) dst(%arg12 : memref<32x384xf32, #tpu.memory_space<vmem>>)
      %mul3A_243 = arith.constant 32 : i32
      %mul3A_244 = arith.muli %add3A_235, %mul3A_243 : i32
      %dma_wait3A_245 = tpu.memref_slice %arg9[%mul3A_244] : memref<4096xi32, #tpu.memory_space<vmem>> -> memref<32xi32, #tpu.memory_space<vmem>>
      %dma_wait3A_246 = arith.constant 0 : i32
      %dma_wait3A_247 = arith.constant 0 : i32
      %dma_wait3A_248 = tpu.memref_slice %arg5[%dma_wait3A_246, %dma_wait3A_247] : memref<262144x384xf32, #tpu.memory_space<hbm>> -> memref<262144x384xf32, #tpu.memory_space<hbm>>
      tpu.wait_indirect_dma semaphore(%arg24 : memref<!tpu.dma_semaphore, #tpu.memory_space<semaphore_mem>>) src(%dma_wait3A_248 : memref<262144x384xf32, #tpu.memory_space<hbm>>) dst(%arg16 : memref<32x384xf32, #tpu.memory_space<vmem>>)
      %scan3A_249 = arith.constant 0 : i32
      %scan3A_250 = arith.constant 0 : i32
      %scan3A_251 = arith.constant 32 : i32
      %scan3A_252 = arith.addi %scan3A_250, %scan3A_251 : i32
      %scan3A_253 = arith.constant 1 : i32
      scf.for %scan3A_404 = %scan3A_250 to %scan3A_252 step %scan3A_253  : i32 {
        %get3A = arith.index_cast %scan3A_404 : i32 to index
        %get3A_405 = arith.constant 0 : index
        %get3A_406 = tpu.vector_load %arg16[%get3A, %get3A_405] {strides = array<i32>} : memref<32x384xf32, #tpu.memory_space<vmem>>, vector<1x16xf32>,
        %get3A_407 = vector.shape_cast %get3A_406 : vector<1x16xf32> to vector<16xf32>
        %swap3A = arith.index_cast %scan3A_404 : i32 to index
        %swap3A_408 = arith.constant 0 : index
        %swap3A_409 = tpu.vector_load %arg12[%swap3A, %swap3A_408] {strides = array<i32>} : memref<32x384xf32, #tpu.memory_space<vmem>>, vector<1x16xf32>,
        %swap3A_410 = vector.shape_cast %swap3A_409 : vector<1x16xf32> to vector<16xf32>
        %swap3A_411 = vector.shape_cast %get3A_407 : vector<16xf32> to vector<1x16xf32>
        tpu.vector_store %arg12[%swap3A, %swap3A_408], %swap3A_411 {add = true, strides = array<i32>} : memref<32x384xf32, #tpu.memory_space<vmem>>, vector<1x16xf32>,
        %get3A_412 = arith.index_cast %scan3A_404 : i32 to index
        %get3A_413 = arith.constant 16 : index
        %get3A_414 = tpu.vector_load %arg16[%get3A_412, %get3A_413] {strides = array<i32>} : memref<32x384xf32, #tpu.memory_space<vmem>>, vector<1x16xf32>,
        %get3A_415 = vector.shape_cast %get3A_414 : vector<1x16xf32> to vector<16xf32>
        %swap3A_416 = arith.index_cast %scan3A_404 : i32 to index
        %swap3A_417 = arith.constant 16 : index
        %swap3A_418 = tpu.vector_load %arg12[%swap3A_416, %swap3A_417] {strides = array<i32>} : memref<32x384xf32, #tpu.memory_space<vmem>>, vector<1x16xf32>,
        %swap3A_419 = vector.shape_cast %swap3A_418 : vector<1x16xf32> to vector<16xf32>
        %swap3A_420 = vector.shape_cast %get3A_415 : vector<16xf32> to vector<1x16xf32>
        tpu.vector_store %arg12[%swap3A_416, %swap3A_417], %swap3A_420 {add = true, strides = array<i32>} : memref<32x384xf32, #tpu.memory_space<vmem>>, vector<1x16xf32>,
        %get3A_421 = arith.index_cast %scan3A_404 : i32 to index
        %get3A_422 = arith.constant 32 : index
        %get3A_423 = tpu.vector_load %arg16[%get3A_421, %get3A_422] {strides = array<i32>} : memref<32x384xf32, #tpu.memory_space<vmem>>, vector<1x16xf32>,
        %get3A_424 = vector.shape_cast %get3A_423 : vector<1x16xf32> to vector<16xf32>
        %swap3A_425 = arith.index_cast %scan3A_404 : i32 to index
        %swap3A_426 = arith.constant 32 : index
        %swap3A_427 = tpu.vector_load %arg12[%swap3A_425, %swap3A_426] {strides = array<i32>} : memref<32x384xf32, #tpu.memory_space<vmem>>, vector<1x16xf32>,
        %swap3A_428 = vector.shape_cast %swap3A_427 : vector<1x16xf32> to vector<16xf32>
        %swap3A_429 = vector.shape_cast %get3A_424 : vector<16xf32> to vector<1x16xf32>
        tpu.vector_store %arg12[%swap3A_425, %swap3A_426], %swap3A_429 {add = true, strides = array<i32>} : memref<32x384xf32, #tpu.memory_space<vmem>>, vector<1x16xf32>,
        %get3A_430 = arith.index_cast %scan3A_404 : i32 to index
        %get3A_431 = arith.constant 48 : index
        %get3A_432 = tpu.vector_load %arg16[%get3A_430, %get3A_431] {strides = array<i32>} : memref<32x384xf32, #tpu.memory_space<vmem>>, vector<1x16xf32>,
        %get3A_433 = vector.shape_cast %get3A_432 : vector<1x16xf32> to vector<16xf32>
        %swap3A_434 = arith.index_cast %scan3A_404 : i32 to index
        %swap3A_435 = arith.constant 48 : index
        %swap3A_436 = tpu.vector_load %arg12[%swap3A_434, %swap3A_435] {strides = array<i32>} : memref<32x384xf32, #tpu.memory_space<vmem>>, vector<1x16xf32>,
        %swap3A_437 = vector.shape_cast %swap3A_436 : vector<1x16xf32> to vector<16xf32>
        %swap3A_438 = vector.shape_cast %get3A_433 : vector<16xf32> to vector<1x16xf32>
        tpu.vector_store %arg12[%swap3A_434, %swap3A_435], %swap3A_438 {add = true, strides = array<i32>} : memref<32x384xf32, #tpu.memory_space<vmem>>, vector<1x16xf32>,
        %get3A_439 = arith.index_cast %scan3A_404 : i32 to index
        %get3A_440 = arith.constant 64 : index
        %get3A_441 = tpu.vector_load %arg16[%get3A_439, %get3A_440] {strides = array<i32>} : memref<32x384xf32, #tpu.memory_space<vmem>>, vector<1x16xf32>,
        %get3A_442 = vector.shape_cast %get3A_441 : vector<1x16xf32> to vector<16xf32>
        %swap3A_443 = arith.index_cast %scan3A_404 : i32 to index
        %swap3A_444 = arith.constant 64 : index
        %swap3A_445 = tpu.vector_load %arg12[%swap3A_443, %swap3A_444] {strides = array<i32>} : memref<32x384xf32, #tpu.memory_space<vmem>>, vector<1x16xf32>,
        %swap3A_446 = vector.shape_cast %swap3A_445 : vector<1x16xf32> to vector<16xf32>
        %swap3A_447 = vector.shape_cast %get3A_442 : vector<16xf32> to vector<1x16xf32>
        tpu.vector_store %arg12[%swap3A_443, %swap3A_444], %swap3A_447 {add = true, strides = array<i32>} : memref<32x384xf32, #tpu.memory_space<vmem>>, vector<1x16xf32>,
        %get3A_448 = arith.index_cast %scan3A_404 : i32 to index
        %get3A_449 = arith.constant 80 : index
        %get3A_450 = tpu.vector_load %arg16[%get3A_448, %get3A_449] {strides = array<i32>} : memref<32x384xf32, #tpu.memory_space<vmem>>, vector<1x16xf32>,
        %get3A_451 = vector.shape_cast %get3A_450 : vector<1x16xf32> to vector<16xf32>
        %swap3A_452 = arith.index_cast %scan3A_404 : i32 to index
        %swap3A_453 = arith.constant 80 : index
        %swap3A_454 = tpu.vector_load %arg12[%swap3A_452, %swap3A_453] {strides = array<i32>} : memref<32x384xf32, #tpu.memory_space<vmem>>, vector<1x16xf32>,
        %swap3A_455 = vector.shape_cast %swap3A_454 : vector<1x16xf32> to vector<16xf32>
        %swap3A_456 = vector.shape_cast %get3A_451 : vector<16xf32> to vector<1x16xf32>
        tpu.vector_store %arg12[%swap3A_452, %swap3A_453], %swap3A_456 {add = true, strides = array<i32>} : memref<32x384xf32, #tpu.memory_space<vmem>>, vector<1x16xf32>,
        %get3A_457 = arith.index_cast %scan3A_404 : i32 to index
        %get3A_458 = arith.constant 96 : index
        %get3A_459 = tpu.vector_load %arg16[%get3A_457, %get3A_458] {strides = array<i32>} : memref<32x384xf32, #tpu.memory_space<vmem>>, vector<1x16xf32>,
        %get3A_460 = vector.shape_cast %get3A_459 : vector<1x16xf32> to vector<16xf32>
        %swap3A_461 = arith.index_cast %scan3A_404 : i32 to index
        %swap3A_462 = arith.constant 96 : index
        %swap3A_463 = tpu.vector_load %arg12[%swap3A_461, %swap3A_462] {strides = array<i32>} : memref<32x384xf32, #tpu.memory_space<vmem>>, vector<1x16xf32>,
        %swap3A_464 = vector.shape_cast %swap3A_463 : vector<1x16xf32> to vector<16xf32>
        %swap3A_465 = vector.shape_cast %get3A_460 : vector<16xf32> to vector<1x16xf32>
        tpu.vector_store %arg12[%swap3A_461, %swap3A_462], %swap3A_465 {add = true, strides = array<i32>} : memref<32x384xf32, #tpu.memory_space<vmem>>, vector<1x16xf32>,
        %get3A_466 = arith.index_cast %scan3A_404 : i32 to index
        %get3A_467 = arith.constant 112 : index
        %get3A_468 = tpu.vector_load %arg16[%get3A_466, %get3A_467] {strides = array<i32>} : memref<32x384xf32, #tpu.memory_space<vmem>>, vector<1x16xf32>,
        %get3A_469 = vector.shape_cast %get3A_468 : vector<1x16xf32> to vector<16xf32>
        %swap3A_470 = arith.index_cast %scan3A_404 : i32 to index
        %swap3A_471 = arith.constant 112 : index
        %swap3A_472 = tpu.vector_load %arg12[%swap3A_470, %swap3A_471] {strides = array<i32>} : memref<32x384xf32, #tpu.memory_space<vmem>>, vector<1x16xf32>,
        %swap3A_473 = vector.shape_cast %swap3A_472 : vector<1x16xf32> to vector<16xf32>
        %swap3A_474 = vector.shape_cast %get3A_469 : vector<16xf32> to vector<1x16xf32>
        tpu.vector_store %arg12[%swap3A_470, %swap3A_471], %swap3A_474 {add = true, strides = array<i32>} : memref<32x384xf32, #tpu.memory_space<vmem>>, vector<1x16xf32>,
        %get3A_475 = arith.index_cast %scan3A_404 : i32 to index
        %get3A_476 = arith.constant 128 : index
        %get3A_477 = tpu.vector_load %arg16[%get3A_475, %get3A_476] {strides = array<i32>} : memref<32x384xf32, #tpu.memory_space<vmem>>, vector<1x16xf32>,
        %get3A_478 = vector.shape_cast %get3A_477 : vector<1x16xf32> to vector<16xf32>
        %swap3A_479 = arith.index_cast %scan3A_404 : i32 to index
        %swap3A_480 = arith.constant 128 : index
        %swap3A_481 = tpu.vector_load %arg12[%swap3A_479, %swap3A_480] {strides = array<i32>} : memref<32x384xf32, #tpu.memory_space<vmem>>, vector<1x16xf32>,
        %swap3A_482 = vector.shape_cast %swap3A_481 : vector<1x16xf32> to vector<16xf32>
        %swap3A_483 = vector.shape_cast %get3A_478 : vector<16xf32> to vector<1x16xf32>
        tpu.vector_store %arg12[%swap3A_479, %swap3A_480], %swap3A_483 {add = true, strides = array<i32>} : memref<32x384xf32, #tpu.memory_space<vmem>>, vector<1x16xf32>,
        %get3A_484 = arith.index_cast %scan3A_404 : i32 to index
        %get3A_485 = arith.constant 144 : index
        %get3A_486 = tpu.vector_load %arg16[%get3A_484, %get3A_485] {strides = array<i32>} : memref<32x384xf32, #tpu.memory_space<vmem>>, vector<1x16xf32>,
        %get3A_487 = vector.shape_cast %get3A_486 : vector<1x16xf32> to vector<16xf32>
        %swap3A_488 = arith.index_cast %scan3A_404 : i32 to index
        %swap3A_489 = arith.constant 144 : index
        %swap3A_490 = tpu.vector_load %arg12[%swap3A_488, %swap3A_489] {strides = array<i32>} : memref<32x384xf32, #tpu.memory_space<vmem>>, vector<1x16xf32>,
        %swap3A_491 = vector.shape_cast %swap3A_490 : vector<1x16xf32> to vector<16xf32>
        %swap3A_492 = vector.shape_cast %get3A_487 : vector<16xf32> to vector<1x16xf32>
        tpu.vector_store %arg12[%swap3A_488, %swap3A_489], %swap3A_492 {add = true, strides = array<i32>} : memref<32x384xf32, #tpu.memory_space<vmem>>, vector<1x16xf32>,
        %get3A_493 = arith.index_cast %scan3A_404 : i32 to index
        %get3A_494 = arith.constant 160 : index
        %get3A_495 = tpu.vector_load %arg16[%get3A_493, %get3A_494] {strides = array<i32>} : memref<32x384xf32, #tpu.memory_space<vmem>>, vector<1x16xf32>,
        %get3A_496 = vector.shape_cast %get3A_495 : vector<1x16xf32> to vector<16xf32>
        %swap3A_497 = arith.index_cast %scan3A_404 : i32 to index
        %swap3A_498 = arith.constant 160 : index
        %swap3A_499 = tpu.vector_load %arg12[%swap3A_497, %swap3A_498] {strides = array<i32>} : memref<32x384xf32, #tpu.memory_space<vmem>>, vector<1x16xf32>,
        %swap3A_500 = vector.shape_cast %swap3A_499 : vector<1x16xf32> to vector<16xf32>
        %swap3A_501 = vector.shape_cast %get3A_496 : vector<16xf32> to vector<1x16xf32>
        tpu.vector_store %arg12[%swap3A_497, %swap3A_498], %swap3A_501 {add = true, strides = array<i32>} : memref<32x384xf32, #tpu.memory_space<vmem>>, vector<1x16xf32>,
        %get3A_502 = arith.index_cast %scan3A_404 : i32 to index
        %get3A_503 = arith.constant 176 : index
        %get3A_504 = tpu.vector_load %arg16[%get3A_502, %get3A_503] {strides = array<i32>} : memref<32x384xf32, #tpu.memory_space<vmem>>, vector<1x16xf32>,
        %get3A_505 = vector.shape_cast %get3A_504 : vector<1x16xf32> to vector<16xf32>
        %swap3A_506 = arith.index_cast %scan3A_404 : i32 to index
        %swap3A_507 = arith.constant 176 : index
        %swap3A_508 = tpu.vector_load %arg12[%swap3A_506, %swap3A_507] {strides = array<i32>} : memref<32x384xf32, #tpu.memory_space<vmem>>, vector<1x16xf32>,
        %swap3A_509 = vector.shape_cast %swap3A_508 : vector<1x16xf32> to vector<16xf32>
        %swap3A_510 = vector.shape_cast %get3A_505 : vector<16xf32> to vector<1x16xf32>
        tpu.vector_store %arg12[%swap3A_506, %swap3A_507], %swap3A_510 {add = true, strides = array<i32>} : memref<32x384xf32, #tpu.memory_space<vmem>>, vector<1x16xf32>,
        %get3A_511 = arith.index_cast %scan3A_404 : i32 to index
        %get3A_512 = arith.constant 192 : index
        %get3A_513 = tpu.vector_load %arg16[%get3A_511, %get3A_512] {strides = array<i32>} : memref<32x384xf32, #tpu.memory_space<vmem>>, vector<1x16xf32>,
        %get3A_514 = vector.shape_cast %get3A_513 : vector<1x16xf32> to vector<16xf32>
        %swap3A_515 = arith.index_cast %scan3A_404 : i32 to index
        %swap3A_516 = arith.constant 192 : index
        %swap3A_517 = tpu.vector_load %arg12[%swap3A_515, %swap3A_516] {strides = array<i32>} : memref<32x384xf32, #tpu.memory_space<vmem>>, vector<1x16xf32>,
        %swap3A_518 = vector.shape_cast %swap3A_517 : vector<1x16xf32> to vector<16xf32>
        %swap3A_519 = vector.shape_cast %get3A_514 : vector<16xf32> to vector<1x16xf32>
        tpu.vector_store %arg12[%swap3A_515, %swap3A_516], %swap3A_519 {add = true, strides = array<i32>} : memref<32x384xf32, #tpu.memory_space<vmem>>, vector<1x16xf32>,
        %get3A_520 = arith.index_cast %scan3A_404 : i32 to index
        %get3A_521 = arith.constant 208 : index
        %get3A_522 = tpu.vector_load %arg16[%get3A_520, %get3A_521] {strides = array<i32>} : memref<32x384xf32, #tpu.memory_space<vmem>>, vector<1x16xf32>,
        %get3A_523 = vector.shape_cast %get3A_522 : vector<1x16xf32> to vector<16xf32>
        %swap3A_524 = arith.index_cast %scan3A_404 : i32 to index
        %swap3A_525 = arith.constant 208 : index
        %swap3A_526 = tpu.vector_load %arg12[%swap3A_524, %swap3A_525] {strides = array<i32>} : memref<32x384xf32, #tpu.memory_space<vmem>>, vector<1x16xf32>,
        %swap3A_527 = vector.shape_cast %swap3A_526 : vector<1x16xf32> to vector<16xf32>
        %swap3A_528 = vector.shape_cast %get3A_523 : vector<16xf32> to vector<1x16xf32>
        tpu.vector_store %arg12[%swap3A_524, %swap3A_525], %swap3A_528 {add = true, strides = array<i32>} : memref<32x384xf32, #tpu.memory_space<vmem>>, vector<1x16xf32>,
        %get3A_529 = arith.index_cast %scan3A_404 : i32 to index
        %get3A_530 = arith.constant 224 : index
        %get3A_531 = tpu.vector_load %arg16[%get3A_529, %get3A_530] {strides = array<i32>} : memref<32x384xf32, #tpu.memory_space<vmem>>, vector<1x16xf32>,
        %get3A_532 = vector.shape_cast %get3A_531 : vector<1x16xf32> to vector<16xf32>
        %swap3A_533 = arith.index_cast %scan3A_404 : i32 to index
        %swap3A_534 = arith.constant 224 : index
        %swap3A_535 = tpu.vector_load %arg12[%swap3A_533, %swap3A_534] {strides = array<i32>} : memref<32x384xf32, #tpu.memory_space<vmem>>, vector<1x16xf32>,
        %swap3A_536 = vector.shape_cast %swap3A_535 : vector<1x16xf32> to vector<16xf32>
        %swap3A_537 = vector.shape_cast %get3A_532 : vector<16xf32> to vector<1x16xf32>
        tpu.vector_store %arg12[%swap3A_533, %swap3A_534], %swap3A_537 {add = true, strides = array<i32>} : memref<32x384xf32, #tpu.memory_space<vmem>>, vector<1x16xf32>,
        %get3A_538 = arith.index_cast %scan3A_404 : i32 to index
        %get3A_539 = arith.constant 240 : index
        %get3A_540 = tpu.vector_load %arg16[%get3A_538, %get3A_539] {strides = array<i32>} : memref<32x384xf32, #tpu.memory_space<vmem>>, vector<1x16xf32>,
        %get3A_541 = vector.shape_cast %get3A_540 : vector<1x16xf32> to vector<16xf32>
        %swap3A_542 = arith.index_cast %scan3A_404 : i32 to index
        %swap3A_543 = arith.constant 240 : index
        %swap3A_544 = tpu.vector_load %arg12[%swap3A_542, %swap3A_543] {strides = array<i32>} : memref<32x384xf32, #tpu.memory_space<vmem>>, vector<1x16xf32>,
        %swap3A_545 = vector.shape_cast %swap3A_544 : vector<1x16xf32> to vector<16xf32>
        %swap3A_546 = vector.shape_cast %get3A_541 : vector<16xf32> to vector<1x16xf32>
        tpu.vector_store %arg12[%swap3A_542, %swap3A_543], %swap3A_546 {add = true, strides = array<i32>} : memref<32x384xf32, #tpu.memory_space<vmem>>, vector<1x16xf32>,
        %get3A_547 = arith.index_cast %scan3A_404 : i32 to index
        %get3A_548 = arith.constant 256 : index
        %get3A_549 = tpu.vector_load %arg16[%get3A_547, %get3A_548] {strides = array<i32>} : memref<32x384xf32, #tpu.memory_space<vmem>>, vector<1x16xf32>,
        %get3A_550 = vector.shape_cast %get3A_549 : vector<1x16xf32> to vector<16xf32>
        %swap3A_551 = arith.index_cast %scan3A_404 : i32 to index
        %swap3A_552 = arith.constant 256 : index
        %swap3A_553 = tpu.vector_load %arg12[%swap3A_551, %swap3A_552] {strides = array<i32>} : memref<32x384xf32, #tpu.memory_space<vmem>>, vector<1x16xf32>,
        %swap3A_554 = vector.shape_cast %swap3A_553 : vector<1x16xf32> to vector<16xf32>
        %swap3A_555 = vector.shape_cast %get3A_550 : vector<16xf32> to vector<1x16xf32>
        tpu.vector_store %arg12[%swap3A_551, %swap3A_552], %swap3A_555 {add = true, strides = array<i32>} : memref<32x384xf32, #tpu.memory_space<vmem>>, vector<1x16xf32>,
        %get3A_556 = arith.index_cast %scan3A_404 : i32 to index
        %get3A_557 = arith.constant 272 : index
        %get3A_558 = tpu.vector_load %arg16[%get3A_556, %get3A_557] {strides = array<i32>} : memref<32x384xf32, #tpu.memory_space<vmem>>, vector<1x16xf32>,
        %get3A_559 = vector.shape_cast %get3A_558 : vector<1x16xf32> to vector<16xf32>
        %swap3A_560 = arith.index_cast %scan3A_404 : i32 to index
        %swap3A_561 = arith.constant 272 : index
        %swap3A_562 = tpu.vector_load %arg12[%swap3A_560, %swap3A_561] {strides = array<i32>} : memref<32x384xf32, #tpu.memory_space<vmem>>, vector<1x16xf32>,
        %swap3A_563 = vector.shape_cast %swap3A_562 : vector<1x16xf32> to vector<16xf32>
        %swap3A_564 = vector.shape_cast %get3A_559 : vector<16xf32> to vector<1x16xf32>
        tpu.vector_store %arg12[%swap3A_560, %swap3A_561], %swap3A_564 {add = true, strides = array<i32>} : memref<32x384xf32, #tpu.memory_space<vmem>>, vector<1x16xf32>,
        %get3A_565 = arith.index_cast %scan3A_404 : i32 to index
        %get3A_566 = arith.constant 288 : index
        %get3A_567 = tpu.vector_load %arg16[%get3A_565, %get3A_566] {strides = array<i32>} : memref<32x384xf32, #tpu.memory_space<vmem>>, vector<1x16xf32>,
        %get3A_568 = vector.shape_cast %get3A_567 : vector<1x16xf32> to vector<16xf32>
        %swap3A_569 = arith.index_cast %scan3A_404 : i32 to index
        %swap3A_570 = arith.constant 288 : index
        %swap3A_571 = tpu.vector_load %arg12[%swap3A_569, %swap3A_570] {strides = array<i32>} : memref<32x384xf32, #tpu.memory_space<vmem>>, vector<1x16xf32>,
        %swap3A_572 = vector.shape_cast %swap3A_571 : vector<1x16xf32> to vector<16xf32>
        %swap3A_573 = vector.shape_cast %get3A_568 : vector<16xf32> to vector<1x16xf32>
        tpu.vector_store %arg12[%swap3A_569, %swap3A_570], %swap3A_573 {add = true, strides = array<i32>} : memref<32x384xf32, #tpu.memory_space<vmem>>, vector<1x16xf32>,
        %get3A_574 = arith.index_cast %scan3A_404 : i32 to index
        %get3A_575 = arith.constant 304 : index
        %get3A_576 = tpu.vector_load %arg16[%get3A_574, %get3A_575] {strides = array<i32>} : memref<32x384xf32, #tpu.memory_space<vmem>>, vector<1x16xf32>,
        %get3A_577 = vector.shape_cast %get3A_576 : vector<1x16xf32> to vector<16xf32>
        %swap3A_578 = arith.index_cast %scan3A_404 : i32 to index
        %swap3A_579 = arith.constant 304 : index
        %swap3A_580 = tpu.vector_load %arg12[%swap3A_578, %swap3A_579] {strides = array<i32>} : memref<32x384xf32, #tpu.memory_space<vmem>>, vector<1x16xf32>,
        %swap3A_581 = vector.shape_cast %swap3A_580 : vector<1x16xf32> to vector<16xf32>
        %swap3A_582 = vector.shape_cast %get3A_577 : vector<16xf32> to vector<1x16xf32>
        tpu.vector_store %arg12[%swap3A_578, %swap3A_579], %swap3A_582 {add = true, strides = array<i32>} : memref<32x384xf32, #tpu.memory_space<vmem>>, vector<1x16xf32>,
        %get3A_583 = arith.index_cast %scan3A_404 : i32 to index
        %get3A_584 = arith.constant 320 : index
        %get3A_585 = tpu.vector_load %arg16[%get3A_583, %get3A_584] {strides = array<i32>} : memref<32x384xf32, #tpu.memory_space<vmem>>, vector<1x16xf32>,
        %get3A_586 = vector.shape_cast %get3A_585 : vector<1x16xf32> to vector<16xf32>
        %swap3A_587 = arith.index_cast %scan3A_404 : i32 to index
        %swap3A_588 = arith.constant 320 : index
        %swap3A_589 = tpu.vector_load %arg12[%swap3A_587, %swap3A_588] {strides = array<i32>} : memref<32x384xf32, #tpu.memory_space<vmem>>, vector<1x16xf32>,
        %swap3A_590 = vector.shape_cast %swap3A_589 : vector<1x16xf32> to vector<16xf32>
        %swap3A_591 = vector.shape_cast %get3A_586 : vector<16xf32> to vector<1x16xf32>
        tpu.vector_store %arg12[%swap3A_587, %swap3A_588], %swap3A_591 {add = true, strides = array<i32>} : memref<32x384xf32, #tpu.memory_space<vmem>>, vector<1x16xf32>,
        %get3A_592 = arith.index_cast %scan3A_404 : i32 to index
        %get3A_593 = arith.constant 336 : index
        %get3A_594 = tpu.vector_load %arg16[%get3A_592, %get3A_593] {strides = array<i32>} : memref<32x384xf32, #tpu.memory_space<vmem>>, vector<1x16xf32>,
        %get3A_595 = vector.shape_cast %get3A_594 : vector<1x16xf32> to vector<16xf32>
        %swap3A_596 = arith.index_cast %scan3A_404 : i32 to index
        %swap3A_597 = arith.constant 336 : index
        %swap3A_598 = tpu.vector_load %arg12[%swap3A_596, %swap3A_597] {strides = array<i32>} : memref<32x384xf32, #tpu.memory_space<vmem>>, vector<1x16xf32>,
        %swap3A_599 = vector.shape_cast %swap3A_598 : vector<1x16xf32> to vector<16xf32>
        %swap3A_600 = vector.shape_cast %get3A_595 : vector<16xf32> to vector<1x16xf32>
        tpu.vector_store %arg12[%swap3A_596, %swap3A_597], %swap3A_600 {add = true, strides = array<i32>} : memref<32x384xf32, #tpu.memory_space<vmem>>, vector<1x16xf32>,
        %get3A_601 = arith.index_cast %scan3A_404 : i32 to index
        %get3A_602 = arith.constant 352 : index
        %get3A_603 = tpu.vector_load %arg16[%get3A_601, %get3A_602] {strides = array<i32>} : memref<32x384xf32, #tpu.memory_space<vmem>>, vector<1x16xf32>,
        %get3A_604 = vector.shape_cast %get3A_603 : vector<1x16xf32> to vector<16xf32>
        %swap3A_605 = arith.index_cast %scan3A_404 : i32 to index
        %swap3A_606 = arith.constant 352 : index
        %swap3A_607 = tpu.vector_load %arg12[%swap3A_605, %swap3A_606] {strides = array<i32>} : memref<32x384xf32, #tpu.memory_space<vmem>>, vector<1x16xf32>,
        %swap3A_608 = vector.shape_cast %swap3A_607 : vector<1x16xf32> to vector<16xf32>
        %swap3A_609 = vector.shape_cast %get3A_604 : vector<16xf32> to vector<1x16xf32>
        tpu.vector_store %arg12[%swap3A_605, %swap3A_606], %swap3A_609 {add = true, strides = array<i32>} : memref<32x384xf32, #tpu.memory_space<vmem>>, vector<1x16xf32>,
        %get3A_610 = arith.index_cast %scan3A_404 : i32 to index
        %get3A_611 = arith.constant 368 : index
        %get3A_612 = tpu.vector_load %arg16[%get3A_610, %get3A_611] {strides = array<i32>} : memref<32x384xf32, #tpu.memory_space<vmem>>, vector<1x16xf32>,
        %get3A_613 = vector.shape_cast %get3A_612 : vector<1x16xf32> to vector<16xf32>
        %swap3A_614 = arith.index_cast %scan3A_404 : i32 to index
        %swap3A_615 = arith.constant 368 : index
        %swap3A_616 = tpu.vector_load %arg12[%swap3A_614, %swap3A_615] {strides = array<i32>} : memref<32x384xf32, #tpu.memory_space<vmem>>, vector<1x16xf32>,
        %swap3A_617 = vector.shape_cast %swap3A_616 : vector<1x16xf32> to vector<16xf32>
        %swap3A_618 = vector.shape_cast %get3A_613 : vector<16xf32> to vector<1x16xf32>
        tpu.vector_store %arg12[%swap3A_614, %swap3A_615], %swap3A_618 {add = true, strides = array<i32>} : memref<32x384xf32, #tpu.memory_space<vmem>>, vector<1x16xf32>,
      }
      %scan3A_254 = arith.constant 32 : i32
      %mul3A_255 = arith.constant 32 : i32
      %mul3A_256 = arith.muli %add3A_235, %mul3A_255 : i32
      %add3A_257 = arith.addi %mul3A_2, %mul3A_256 : i32
      %dma_start3A_258 = arith.constant 0 : i32
      %dma_start3A_259 = tpu.memref_slice %arg6[%add3A_257, %dma_start3A_258] : memref<131072x384xf32, #tpu.memory_space<hbm>> -> memref<32x384xf32, #tpu.memory_space<hbm>>
      %dma_start3A_260 = arith.constant 0 : i32
      %dma_start3A_261 = tpu.memref_slice %arg6[%add3A_257, %dma_start3A_260] : memref<131072x384xf32, #tpu.memory_space<hbm>> -> memref<32x384xf32, #tpu.memory_space<hbm>>
      tpu.enqueue_dma source(%arg12 : memref<32x384xf32, #tpu.memory_space<vmem>>) target(%dma_start3A_261 : memref<32x384xf32, #tpu.memory_space<hbm>>) target_semaphore(%arg28 : memref<!tpu.dma_semaphore, #tpu.memory_space<semaphore_mem>>)
      %sub3A_262 = arith.constant 1 : i32
      %sub3A_263 = arith.subi %add3A_235, %sub3A_262 : i32
      %mul3A_264 = arith.constant 32 : i32
      %mul3A_265 = arith.muli %sub3A_263, %mul3A_264 : i32
      %add3A_266 = arith.addi %mul3A_2, %mul3A_265 : i32
      %dma_wait3A_267 = arith.constant 0 : i32
      %dma_wait3A_268 = tpu.memref_slice %arg6[%add3A_266, %dma_wait3A_267] : memref<131072x384xf32, #tpu.memory_space<hbm>> -> memref<32x384xf32, #tpu.memory_space<hbm>>
      %dma_wait3A_269 = arith.constant 0 : i32
      %dma_wait3A_270 = tpu.memref_slice %arg6[%add3A_266, %dma_wait3A_269] : memref<131072x384xf32, #tpu.memory_space<hbm>> -> memref<32x384xf32, #tpu.memory_space<hbm>>
      tpu.wait_dma2 semaphore(%arg27 : memref<!tpu.dma_semaphore, #tpu.memory_space<semaphore_mem>>) src(%arg11 : memref<32x384xf32, #tpu.memory_space<vmem>>) dst(%dma_wait3A_270 : memref<32x384xf32, #tpu.memory_space<hbm>>)
      %add3A_271 = arith.constant 3 : i32
      %add3A_272 = arith.addi %add3A_235, %add3A_271 : i32
      %mul3A_273 = arith.constant 32 : i32
      %mul3A_274 = arith.muli %add3A_272, %mul3A_273 : i32
      %add3A_275 = arith.addi %mul3A_2, %mul3A_274 : i32
      %dma_start3A_276 = arith.constant 0 : i32
      %dma_start3A_277 = tpu.memref_slice %arg2[%add3A_275, %dma_start3A_276] : memref<131072x384xf32, #tpu.memory_space<hbm>> -> memref<32x384xf32, #tpu.memory_space<hbm>>
      %dma_start3A_278 = arith.constant 0 : i32
      %dma_start3A_279 = tpu.memref_slice %arg2[%add3A_275, %dma_start3A_278] : memref<131072x384xf32, #tpu.memory_space<hbm>> -> memref<32x384xf32, #tpu.memory_space<hbm>>
      tpu.enqueue_dma source(%dma_start3A_279 : memref<32x384xf32, #tpu.memory_space<hbm>>) target(%arg11 : memref<32x384xf32, #tpu.memory_space<vmem>>) target_semaphore(%arg19 : memref<!tpu.dma_semaphore, #tpu.memory_space<semaphore_mem>>)
      %add3A_280 = arith.constant 3 : i32
      %add3A_281 = arith.addi %add3A_235, %add3A_280 : i32
      %mul3A_282 = arith.constant 32 : i32
      %mul3A_283 = arith.muli %add3A_281, %mul3A_282 : i32
      %dma_start3A_284 = tpu.memref_slice %arg9[%mul3A_283] : memref<4096xi32, #tpu.memory_space<vmem>> -> memref<32xi32, #tpu.memory_space<vmem>>
      %dma_start3A_285 = arith.constant 0 : i32
      %dma_start3A_286 = arith.constant 0 : i32
      %dma_start3A_287 = tpu.memref_slice %arg5[%dma_start3A_285, %dma_start3A_286] : memref<262144x384xf32, #tpu.memory_space<hbm>> -> memref<262144x384xf32, #tpu.memory_space<hbm>>
      tpu.enqueue_indirect_dma source(%dma_start3A_287 : memref<262144x384xf32, #tpu.memory_space<hbm>>) target(%arg15 : memref<32x384xf32, #tpu.memory_space<vmem>>) offsets(%dma_start3A_284 : memref<32xi32, #tpu.memory_space<vmem>>) semaphore(%arg23 : memref<!tpu.dma_semaphore, #tpu.memory_space<semaphore_mem>>)
      %mul3A_288 = arith.constant 4 : i32
      %mul3A_289 = arith.muli %mul3A_288, %scan3A_172 : i32
      %add3A_290 = arith.constant 1 : i32
      %add3A_291 = arith.addi %mul3A_289, %add3A_290 : i32
      %add3A_292 = arith.constant 2 : i32
      %add3A_293 = arith.addi %add3A_291, %add3A_292 : i32
      %mul3A_294 = arith.constant 32 : i32
      %mul3A_295 = arith.muli %add3A_293, %mul3A_294 : i32
      %add3A_296 = arith.addi %mul3A_2, %mul3A_295 : i32
      %dma_wait3A_297 = arith.constant 0 : i32
      %dma_wait3A_298 = tpu.memref_slice %arg2[%add3A_296, %dma_wait3A_297] : memref<131072x384xf32, #tpu.memory_space<hbm>> -> memref<32x384xf32, #tpu.memory_space<hbm>>
      %dma_wait3A_299 = arith.constant 0 : i32
      %dma_wait3A_300 = tpu.memref_slice %arg2[%add3A_296, %dma_wait3A_299] : memref<131072x384xf32, #tpu.memory_space<hbm>> -> memref<32x384xf32, #tpu.memory_space<hbm>>
      tpu.wait_dma2 semaphore(%arg21 : memref<!tpu.dma_semaphore, #tpu.memory_space<semaphore_mem>>) src(%dma_wait3A_300 : memref<32x384xf32, #tpu.memory_space<hbm>>) dst(%arg13 : memref<32x384xf32, #tpu.memory_space<vmem>>)
      %mul3A_301 = arith.constant 32 : i32
      %mul3A_302 = arith.muli %add3A_293, %mul3A_301 : i32
      %dma_wait3A_303 = tpu.memref_slice %arg9[%mul3A_302] : memref<4096xi32, #tpu.memory_space<vmem>> -> memref<32xi32, #tpu.memory_space<vmem>>
      %dma_wait3A_304 = arith.constant 0 : i32
      %dma_wait3A_305 = arith.constant 0 : i32
      %dma_wait3A_306 = tpu.memref_slice %arg5[%dma_wait3A_304, %dma_wait3A_305] : memref<262144x384xf32, #tpu.memory_space<hbm>> -> memref<262144x384xf32, #tpu.memory_space<hbm>>
      tpu.wait_indirect_dma semaphore(%arg25 : memref<!tpu.dma_semaphore, #tpu.memory_space<semaphore_mem>>) src(%dma_wait3A_306 : memref<262144x384xf32, #tpu.memory_space<hbm>>) dst(%arg17 : memref<32x384xf32, #tpu.memory_space<vmem>>)
      %scan3A_307 = arith.constant 0 : i32
      %scan3A_308 = arith.constant 0 : i32
      %scan3A_309 = arith.constant 32 : i32
      %scan3A_310 = arith.addi %scan3A_308, %scan3A_309 : i32
      %scan3A_311 = arith.constant 1 : i32
      scf.for %scan3A_404 = %scan3A_308 to %scan3A_310 step %scan3A_311  : i32 {
        %get3A = arith.index_cast %scan3A_404 : i32 to index
        %get3A_405 = arith.constant 0 : index
        %get3A_406 = tpu.vector_load %arg17[%get3A, %get3A_405] {strides = array<i32>} : memref<32x384xf32, #tpu.memory_space<vmem>>, vector<1x16xf32>,
        %get3A_407 = vector.shape_cast %get3A_406 : vector<1x16xf32> to vector<16xf32>
        %swap3A = arith.index_cast %scan3A_404 : i32 to index
        %swap3A_408 = arith.constant 0 : index
        %swap3A_409 = tpu.vector_load %arg13[%swap3A, %swap3A_408] {strides = array<i32>} : memref<32x384xf32, #tpu.memory_space<vmem>>, vector<1x16xf32>,
        %swap3A_410 = vector.shape_cast %swap3A_409 : vector<1x16xf32> to vector<16xf32>
        %swap3A_411 = vector.shape_cast %get3A_407 : vector<16xf32> to vector<1x16xf32>
        tpu.vector_store %arg13[%swap3A, %swap3A_408], %swap3A_411 {add = true, strides = array<i32>} : memref<32x384xf32, #tpu.memory_space<vmem>>, vector<1x16xf32>,
        %get3A_412 = arith.index_cast %scan3A_404 : i32 to index
        %get3A_413 = arith.constant 16 : index
        %get3A_414 = tpu.vector_load %arg17[%get3A_412, %get3A_413] {strides = array<i32>} : memref<32x384xf32, #tpu.memory_space<vmem>>, vector<1x16xf32>,
        %get3A_415 = vector.shape_cast %get3A_414 : vector<1x16xf32> to vector<16xf32>
        %swap3A_416 = arith.index_cast %scan3A_404 : i32 to index
        %swap3A_417 = arith.constant 16 : index
        %swap3A_418 = tpu.vector_load %arg13[%swap3A_416, %swap3A_417] {strides = array<i32>} : memref<32x384xf32, #tpu.memory_space<vmem>>, vector<1x16xf32>,
        %swap3A_419 = vector.shape_cast %swap3A_418 : vector<1x16xf32> to vector<16xf32>
        %swap3A_420 = vector.shape_cast %get3A_415 : vector<16xf32> to vector<1x16xf32>
        tpu.vector_store %arg13[%swap3A_416, %swap3A_417], %swap3A_420 {add = true, strides = array<i32>} : memref<32x384xf32, #tpu.memory_space<vmem>>, vector<1x16xf32>,
        %get3A_421 = arith.index_cast %scan3A_404 : i32 to index
        %get3A_422 = arith.constant 32 : index
        %get3A_423 = tpu.vector_load %arg17[%get3A_421, %get3A_422] {strides = array<i32>} : memref<32x384xf32, #tpu.memory_space<vmem>>, vector<1x16xf32>,
        %get3A_424 = vector.shape_cast %get3A_423 : vector<1x16xf32> to vector<16xf32>
        %swap3A_425 = arith.index_cast %scan3A_404 : i32 to index
        %swap3A_426 = arith.constant 32 : index
        %swap3A_427 = tpu.vector_load %arg13[%swap3A_425, %swap3A_426] {strides = array<i32>} : memref<32x384xf32, #tpu.memory_space<vmem>>, vector<1x16xf32>,
        %swap3A_428 = vector.shape_cast %swap3A_427 : vector<1x16xf32> to vector<16xf32>
        %swap3A_429 = vector.shape_cast %get3A_424 : vector<16xf32> to vector<1x16xf32>
        tpu.vector_store %arg13[%swap3A_425, %swap3A_426], %swap3A_429 {add = true, strides = array<i32>} : memref<32x384xf32, #tpu.memory_space<vmem>>, vector<1x16xf32>,
        %get3A_430 = arith.index_cast %scan3A_404 : i32 to index
        %get3A_431 = arith.constant 48 : index
        %get3A_432 = tpu.vector_load %arg17[%get3A_430, %get3A_431] {strides = array<i32>} : memref<32x384xf32, #tpu.memory_space<vmem>>, vector<1x16xf32>,
        %get3A_433 = vector.shape_cast %get3A_432 : vector<1x16xf32> to vector<16xf32>
        %swap3A_434 = arith.index_cast %scan3A_404 : i32 to index
        %swap3A_435 = arith.constant 48 : index
        %swap3A_436 = tpu.vector_load %arg13[%swap3A_434, %swap3A_435] {strides = array<i32>} : memref<32x384xf32, #tpu.memory_space<vmem>>, vector<1x16xf32>,
        %swap3A_437 = vector.shape_cast %swap3A_436 : vector<1x16xf32> to vector<16xf32>
        %swap3A_438 = vector.shape_cast %get3A_433 : vector<16xf32> to vector<1x16xf32>
        tpu.vector_store %arg13[%swap3A_434, %swap3A_435], %swap3A_438 {add = true, strides = array<i32>} : memref<32x384xf32, #tpu.memory_space<vmem>>, vector<1x16xf32>,
        %get3A_439 = arith.index_cast %scan3A_404 : i32 to index
        %get3A_440 = arith.constant 64 : index
        %get3A_441 = tpu.vector_load %arg17[%get3A_439, %get3A_440] {strides = array<i32>} : memref<32x384xf32, #tpu.memory_space<vmem>>, vector<1x16xf32>,
        %get3A_442 = vector.shape_cast %get3A_441 : vector<1x16xf32> to vector<16xf32>
        %swap3A_443 = arith.index_cast %scan3A_404 : i32 to index
        %swap3A_444 = arith.constant 64 : index
        %swap3A_445 = tpu.vector_load %arg13[%swap3A_443, %swap3A_444] {strides = array<i32>} : memref<32x384xf32, #tpu.memory_space<vmem>>, vector<1x16xf32>,
        %swap3A_446 = vector.shape_cast %swap3A_445 : vector<1x16xf32> to vector<16xf32>
        %swap3A_447 = vector.shape_cast %get3A_442 : vector<16xf32> to vector<1x16xf32>
        tpu.vector_store %arg13[%swap3A_443, %swap3A_444], %swap3A_447 {add = true, strides = array<i32>} : memref<32x384xf32, #tpu.memory_space<vmem>>, vector<1x16xf32>,
        %get3A_448 = arith.index_cast %scan3A_404 : i32 to index
        %get3A_449 = arith.constant 80 : index
        %get3A_450 = tpu.vector_load %arg17[%get3A_448, %get3A_449] {strides = array<i32>} : memref<32x384xf32, #tpu.memory_space<vmem>>, vector<1x16xf32>,
        %get3A_451 = vector.shape_cast %get3A_450 : vector<1x16xf32> to vector<16xf32>
        %swap3A_452 = arith.index_cast %scan3A_404 : i32 to index
        %swap3A_453 = arith.constant 80 : index
        %swap3A_454 = tpu.vector_load %arg13[%swap3A_452, %swap3A_453] {strides = array<i32>} : memref<32x384xf32, #tpu.memory_space<vmem>>, vector<1x16xf32>,
        %swap3A_455 = vector.shape_cast %swap3A_454 : vector<1x16xf32> to vector<16xf32>
        %swap3A_456 = vector.shape_cast %get3A_451 : vector<16xf32> to vector<1x16xf32>
        tpu.vector_store %arg13[%swap3A_452, %swap3A_453], %swap3A_456 {add = true, strides = array<i32>} : memref<32x384xf32, #tpu.memory_space<vmem>>, vector<1x16xf32>,
        %get3A_457 = arith.index_cast %scan3A_404 : i32 to index
        %get3A_458 = arith.constant 96 : index
        %get3A_459 = tpu.vector_load %arg17[%get3A_457, %get3A_458] {strides = array<i32>} : memref<32x384xf32, #tpu.memory_space<vmem>>, vector<1x16xf32>,
        %get3A_460 = vector.shape_cast %get3A_459 : vector<1x16xf32> to vector<16xf32>
        %swap3A_461 = arith.index_cast %scan3A_404 : i32 to index
        %swap3A_462 = arith.constant 96 : index
        %swap3A_463 = tpu.vector_load %arg13[%swap3A_461, %swap3A_462] {strides = array<i32>} : memref<32x384xf32, #tpu.memory_space<vmem>>, vector<1x16xf32>,
        %swap3A_464 = vector.shape_cast %swap3A_463 : vector<1x16xf32> to vector<16xf32>
        %swap3A_465 = vector.shape_cast %get3A_460 : vector<16xf32> to vector<1x16xf32>
        tpu.vector_store %arg13[%swap3A_461, %swap3A_462], %swap3A_465 {add = true, strides = array<i32>} : memref<32x384xf32, #tpu.memory_space<vmem>>, vector<1x16xf32>,
        %get3A_466 = arith.index_cast %scan3A_404 : i32 to index
        %get3A_467 = arith.constant 112 : index
        %get3A_468 = tpu.vector_load %arg17[%get3A_466, %get3A_467] {strides = array<i32>} : memref<32x384xf32, #tpu.memory_space<vmem>>, vector<1x16xf32>,
        %get3A_469 = vector.shape_cast %get3A_468 : vector<1x16xf32> to vector<16xf32>
        %swap3A_470 = arith.index_cast %scan3A_404 : i32 to index
        %swap3A_471 = arith.constant 112 : index
        %swap3A_472 = tpu.vector_load %arg13[%swap3A_470, %swap3A_471] {strides = array<i32>} : memref<32x384xf32, #tpu.memory_space<vmem>>, vector<1x16xf32>,
        %swap3A_473 = vector.shape_cast %swap3A_472 : vector<1x16xf32> to vector<16xf32>
        %swap3A_474 = vector.shape_cast %get3A_469 : vector<16xf32> to vector<1x16xf32>
        tpu.vector_store %arg13[%swap3A_470, %swap3A_471], %swap3A_474 {add = true, strides = array<i32>} : memref<32x384xf32, #tpu.memory_space<vmem>>, vector<1x16xf32>,
        %get3A_475 = arith.index_cast %scan3A_404 : i32 to index
        %get3A_476 = arith.constant 128 : index
        %get3A_477 = tpu.vector_load %arg17[%get3A_475, %get3A_476] {strides = array<i32>} : memref<32x384xf32, #tpu.memory_space<vmem>>, vector<1x16xf32>,
        %get3A_478 = vector.shape_cast %get3A_477 : vector<1x16xf32> to vector<16xf32>
        %swap3A_479 = arith.index_cast %scan3A_404 : i32 to index
        %swap3A_480 = arith.constant 128 : index
        %swap3A_481 = tpu.vector_load %arg13[%swap3A_479, %swap3A_480] {strides = array<i32>} : memref<32x384xf32, #tpu.memory_space<vmem>>, vector<1x16xf32>,
        %swap3A_482 = vector.shape_cast %swap3A_481 : vector<1x16xf32> to vector<16xf32>
        %swap3A_483 = vector.shape_cast %get3A_478 : vector<16xf32> to vector<1x16xf32>
        tpu.vector_store %arg13[%swap3A_479, %swap3A_480], %swap3A_483 {add = true, strides = array<i32>} : memref<32x384xf32, #tpu.memory_space<vmem>>, vector<1x16xf32>,
        %get3A_484 = arith.index_cast %scan3A_404 : i32 to index
        %get3A_485 = arith.constant 144 : index
        %get3A_486 = tpu.vector_load %arg17[%get3A_484, %get3A_485] {strides = array<i32>} : memref<32x384xf32, #tpu.memory_space<vmem>>, vector<1x16xf32>,
        %get3A_487 = vector.shape_cast %get3A_486 : vector<1x16xf32> to vector<16xf32>
        %swap3A_488 = arith.index_cast %scan3A_404 : i32 to index
        %swap3A_489 = arith.constant 144 : index
        %swap3A_490 = tpu.vector_load %arg13[%swap3A_488, %swap3A_489] {strides = array<i32>} : memref<32x384xf32, #tpu.memory_space<vmem>>, vector<1x16xf32>,
        %swap3A_491 = vector.shape_cast %swap3A_490 : vector<1x16xf32> to vector<16xf32>
        %swap3A_492 = vector.shape_cast %get3A_487 : vector<16xf32> to vector<1x16xf32>
        tpu.vector_store %arg13[%swap3A_488, %swap3A_489], %swap3A_492 {add = true, strides = array<i32>} : memref<32x384xf32, #tpu.memory_space<vmem>>, vector<1x16xf32>,
        %get3A_493 = arith.index_cast %scan3A_404 : i32 to index
        %get3A_494 = arith.constant 160 : index
        %get3A_495 = tpu.vector_load %arg17[%get3A_493, %get3A_494] {strides = array<i32>} : memref<32x384xf32, #tpu.memory_space<vmem>>, vector<1x16xf32>,
        %get3A_496 = vector.shape_cast %get3A_495 : vector<1x16xf32> to vector<16xf32>
        %swap3A_497 = arith.index_cast %scan3A_404 : i32 to index
        %swap3A_498 = arith.constant 160 : index
        %swap3A_499 = tpu.vector_load %arg13[%swap3A_497, %swap3A_498] {strides = array<i32>} : memref<32x384xf32, #tpu.memory_space<vmem>>, vector<1x16xf32>,
        %swap3A_500 = vector.shape_cast %swap3A_499 : vector<1x16xf32> to vector<16xf32>
        %swap3A_501 = vector.shape_cast %get3A_496 : vector<16xf32> to vector<1x16xf32>
        tpu.vector_store %arg13[%swap3A_497, %swap3A_498], %swap3A_501 {add = true, strides = array<i32>} : memref<32x384xf32, #tpu.memory_space<vmem>>, vector<1x16xf32>,
        %get3A_502 = arith.index_cast %scan3A_404 : i32 to index
        %get3A_503 = arith.constant 176 : index
        %get3A_504 = tpu.vector_load %arg17[%get3A_502, %get3A_503] {strides = array<i32>} : memref<32x384xf32, #tpu.memory_space<vmem>>, vector<1x16xf32>,
        %get3A_505 = vector.shape_cast %get3A_504 : vector<1x16xf32> to vector<16xf32>
        %swap3A_506 = arith.index_cast %scan3A_404 : i32 to index
        %swap3A_507 = arith.constant 176 : index
        %swap3A_508 = tpu.vector_load %arg13[%swap3A_506, %swap3A_507] {strides = array<i32>} : memref<32x384xf32, #tpu.memory_space<vmem>>, vector<1x16xf32>,
        %swap3A_509 = vector.shape_cast %swap3A_508 : vector<1x16xf32> to vector<16xf32>
        %swap3A_510 = vector.shape_cast %get3A_505 : vector<16xf32> to vector<1x16xf32>
        tpu.vector_store %arg13[%swap3A_506, %swap3A_507], %swap3A_510 {add = true, strides = array<i32>} : memref<32x384xf32, #tpu.memory_space<vmem>>, vector<1x16xf32>,
        %get3A_511 = arith.index_cast %scan3A_404 : i32 to index
        %get3A_512 = arith.constant 192 : index
        %get3A_513 = tpu.vector_load %arg17[%get3A_511, %get3A_512] {strides = array<i32>} : memref<32x384xf32, #tpu.memory_space<vmem>>, vector<1x16xf32>,
        %get3A_514 = vector.shape_cast %get3A_513 : vector<1x16xf32> to vector<16xf32>
        %swap3A_515 = arith.index_cast %scan3A_404 : i32 to index
        %swap3A_516 = arith.constant 192 : index
        %swap3A_517 = tpu.vector_load %arg13[%swap3A_515, %swap3A_516] {strides = array<i32>} : memref<32x384xf32, #tpu.memory_space<vmem>>, vector<1x16xf32>,
        %swap3A_518 = vector.shape_cast %swap3A_517 : vector<1x16xf32> to vector<16xf32>
        %swap3A_519 = vector.shape_cast %get3A_514 : vector<16xf32> to vector<1x16xf32>
        tpu.vector_store %arg13[%swap3A_515, %swap3A_516], %swap3A_519 {add = true, strides = array<i32>} : memref<32x384xf32, #tpu.memory_space<vmem>>, vector<1x16xf32>,
        %get3A_520 = arith.index_cast %scan3A_404 : i32 to index
        %get3A_521 = arith.constant 208 : index
        %get3A_522 = tpu.vector_load %arg17[%get3A_520, %get3A_521] {strides = array<i32>} : memref<32x384xf32, #tpu.memory_space<vmem>>, vector<1x16xf32>,
        %get3A_523 = vector.shape_cast %get3A_522 : vector<1x16xf32> to vector<16xf32>
        %swap3A_524 = arith.index_cast %scan3A_404 : i32 to index
        %swap3A_525 = arith.constant 208 : index
        %swap3A_526 = tpu.vector_load %arg13[%swap3A_524, %swap3A_525] {strides = array<i32>} : memref<32x384xf32, #tpu.memory_space<vmem>>, vector<1x16xf32>,
        %swap3A_527 = vector.shape_cast %swap3A_526 : vector<1x16xf32> to vector<16xf32>
        %swap3A_528 = vector.shape_cast %get3A_523 : vector<16xf32> to vector<1x16xf32>
        tpu.vector_store %arg13[%swap3A_524, %swap3A_525], %swap3A_528 {add = true, strides = array<i32>} : memref<32x384xf32, #tpu.memory_space<vmem>>, vector<1x16xf32>,
        %get3A_529 = arith.index_cast %scan3A_404 : i32 to index
        %get3A_530 = arith.constant 224 : index
        %get3A_531 = tpu.vector_load %arg17[%get3A_529, %get3A_530] {strides = array<i32>} : memref<32x384xf32, #tpu.memory_space<vmem>>, vector<1x16xf32>,
        %get3A_532 = vector.shape_cast %get3A_531 : vector<1x16xf32> to vector<16xf32>
        %swap3A_533 = arith.index_cast %scan3A_404 : i32 to index
        %swap3A_534 = arith.constant 224 : index
        %swap3A_535 = tpu.vector_load %arg13[%swap3A_533, %swap3A_534] {strides = array<i32>} : memref<32x384xf32, #tpu.memory_space<vmem>>, vector<1x16xf32>,
        %swap3A_536 = vector.shape_cast %swap3A_535 : vector<1x16xf32> to vector<16xf32>
        %swap3A_537 = vector.shape_cast %get3A_532 : vector<16xf32> to vector<1x16xf32>
        tpu.vector_store %arg13[%swap3A_533, %swap3A_534], %swap3A_537 {add = true, strides = array<i32>} : memref<32x384xf32, #tpu.memory_space<vmem>>, vector<1x16xf32>,
        %get3A_538 = arith.index_cast %scan3A_404 : i32 to index
        %get3A_539 = arith.constant 240 : index
        %get3A_540 = tpu.vector_load %arg17[%get3A_538, %get3A_539] {strides = array<i32>} : memref<32x384xf32, #tpu.memory_space<vmem>>, vector<1x16xf32>,
        %get3A_541 = vector.shape_cast %get3A_540 : vector<1x16xf32> to vector<16xf32>
        %swap3A_542 = arith.index_cast %scan3A_404 : i32 to index
        %swap3A_543 = arith.constant 240 : index
        %swap3A_544 = tpu.vector_load %arg13[%swap3A_542, %swap3A_543] {strides = array<i32>} : memref<32x384xf32, #tpu.memory_space<vmem>>, vector<1x16xf32>,
        %swap3A_545 = vector.shape_cast %swap3A_544 : vector<1x16xf32> to vector<16xf32>
        %swap3A_546 = vector.shape_cast %get3A_541 : vector<16xf32> to vector<1x16xf32>
        tpu.vector_store %arg13[%swap3A_542, %swap3A_543], %swap3A_546 {add = true, strides = array<i32>} : memref<32x384xf32, #tpu.memory_space<vmem>>, vector<1x16xf32>,
        %get3A_547 = arith.index_cast %scan3A_404 : i32 to index
        %get3A_548 = arith.constant 256 : index
        %get3A_549 = tpu.vector_load %arg17[%get3A_547, %get3A_548] {strides = array<i32>} : memref<32x384xf32, #tpu.memory_space<vmem>>, vector<1x16xf32>,
        %get3A_550 = vector.shape_cast %get3A_549 : vector<1x16xf32> to vector<16xf32>
        %swap3A_551 = arith.index_cast %scan3A_404 : i32 to index
        %swap3A_552 = arith.constant 256 : index
        %swap3A_553 = tpu.vector_load %arg13[%swap3A_551, %swap3A_552] {strides = array<i32>} : memref<32x384xf32, #tpu.memory_space<vmem>>, vector<1x16xf32>,
        %swap3A_554 = vector.shape_cast %swap3A_553 : vector<1x16xf32> to vector<16xf32>
        %swap3A_555 = vector.shape_cast %get3A_550 : vector<16xf32> to vector<1x16xf32>
        tpu.vector_store %arg13[%swap3A_551, %swap3A_552], %swap3A_555 {add = true, strides = array<i32>} : memref<32x384xf32, #tpu.memory_space<vmem>>, vector<1x16xf32>,
        %get3A_556 = arith.index_cast %scan3A_404 : i32 to index
        %get3A_557 = arith.constant 272 : index
        %get3A_558 = tpu.vector_load %arg17[%get3A_556, %get3A_557] {strides = array<i32>} : memref<32x384xf32, #tpu.memory_space<vmem>>, vector<1x16xf32>,
        %get3A_559 = vector.shape_cast %get3A_558 : vector<1x16xf32> to vector<16xf32>
        %swap3A_560 = arith.index_cast %scan3A_404 : i32 to index
        %swap3A_561 = arith.constant 272 : index
        %swap3A_562 = tpu.vector_load %arg13[%swap3A_560, %swap3A_561] {strides = array<i32>} : memref<32x384xf32, #tpu.memory_space<vmem>>, vector<1x16xf32>,
        %swap3A_563 = vector.shape_cast %swap3A_562 : vector<1x16xf32> to vector<16xf32>
        %swap3A_564 = vector.shape_cast %get3A_559 : vector<16xf32> to vector<1x16xf32>
        tpu.vector_store %arg13[%swap3A_560, %swap3A_561], %swap3A_564 {add = true, strides = array<i32>} : memref<32x384xf32, #tpu.memory_space<vmem>>, vector<1x16xf32>,
        %get3A_565 = arith.index_cast %scan3A_404 : i32 to index
        %get3A_566 = arith.constant 288 : index
        %get3A_567 = tpu.vector_load %arg17[%get3A_565, %get3A_566] {strides = array<i32>} : memref<32x384xf32, #tpu.memory_space<vmem>>, vector<1x16xf32>,
        %get3A_568 = vector.shape_cast %get3A_567 : vector<1x16xf32> to vector<16xf32>
        %swap3A_569 = arith.index_cast %scan3A_404 : i32 to index
        %swap3A_570 = arith.constant 288 : index
        %swap3A_571 = tpu.vector_load %arg13[%swap3A_569, %swap3A_570] {strides = array<i32>} : memref<32x384xf32, #tpu.memory_space<vmem>>, vector<1x16xf32>,
        %swap3A_572 = vector.shape_cast %swap3A_571 : vector<1x16xf32> to vector<16xf32>
        %swap3A_573 = vector.shape_cast %get3A_568 : vector<16xf32> to vector<1x16xf32>
        tpu.vector_store %arg13[%swap3A_569, %swap3A_570], %swap3A_573 {add = true, strides = array<i32>} : memref<32x384xf32, #tpu.memory_space<vmem>>, vector<1x16xf32>,
        %get3A_574 = arith.index_cast %scan3A_404 : i32 to index
        %get3A_575 = arith.constant 304 : index
        %get3A_576 = tpu.vector_load %arg17[%get3A_574, %get3A_575] {strides = array<i32>} : memref<32x384xf32, #tpu.memory_space<vmem>>, vector<1x16xf32>,
        %get3A_577 = vector.shape_cast %get3A_576 : vector<1x16xf32> to vector<16xf32>
        %swap3A_578 = arith.index_cast %scan3A_404 : i32 to index
        %swap3A_579 = arith.constant 304 : index
        %swap3A_580 = tpu.vector_load %arg13[%swap3A_578, %swap3A_579] {strides = array<i32>} : memref<32x384xf32, #tpu.memory_space<vmem>>, vector<1x16xf32>,
        %swap3A_581 = vector.shape_cast %swap3A_580 : vector<1x16xf32> to vector<16xf32>
        %swap3A_582 = vector.shape_cast %get3A_577 : vector<16xf32> to vector<1x16xf32>
        tpu.vector_store %arg13[%swap3A_578, %swap3A_579], %swap3A_582 {add = true, strides = array<i32>} : memref<32x384xf32, #tpu.memory_space<vmem>>, vector<1x16xf32>,
        %get3A_583 = arith.index_cast %scan3A_404 : i32 to index
        %get3A_584 = arith.constant 320 : index
        %get3A_585 = tpu.vector_load %arg17[%get3A_583, %get3A_584] {strides = array<i32>} : memref<32x384xf32, #tpu.memory_space<vmem>>, vector<1x16xf32>,
        %get3A_586 = vector.shape_cast %get3A_585 : vector<1x16xf32> to vector<16xf32>
        %swap3A_587 = arith.index_cast %scan3A_404 : i32 to index
        %swap3A_588 = arith.constant 320 : index
        %swap3A_589 = tpu.vector_load %arg13[%swap3A_587, %swap3A_588] {strides = array<i32>} : memref<32x384xf32, #tpu.memory_space<vmem>>, vector<1x16xf32>,
        %swap3A_590 = vector.shape_cast %swap3A_589 : vector<1x16xf32> to vector<16xf32>
        %swap3A_591 = vector.shape_cast %get3A_586 : vector<16xf32> to vector<1x16xf32>
        tpu.vector_store %arg13[%swap3A_587, %swap3A_588], %swap3A_591 {add = true, strides = array<i32>} : memref<32x384xf32, #tpu.memory_space<vmem>>, vector<1x16xf32>,
        %get3A_592 = arith.index_cast %scan3A_404 : i32 to index
        %get3A_593 = arith.constant 336 : index
        %get3A_594 = tpu.vector_load %arg17[%get3A_592, %get3A_593] {strides = array<i32>} : memref<32x384xf32, #tpu.memory_space<vmem>>, vector<1x16xf32>,
        %get3A_595 = vector.shape_cast %get3A_594 : vector<1x16xf32> to vector<16xf32>
        %swap3A_596 = arith.index_cast %scan3A_404 : i32 to index
        %swap3A_597 = arith.constant 336 : index
        %swap3A_598 = tpu.vector_load %arg13[%swap3A_596, %swap3A_597] {strides = array<i32>} : memref<32x384xf32, #tpu.memory_space<vmem>>, vector<1x16xf32>,
        %swap3A_599 = vector.shape_cast %swap3A_598 : vector<1x16xf32> to vector<16xf32>
        %swap3A_600 = vector.shape_cast %get3A_595 : vector<16xf32> to vector<1x16xf32>
        tpu.vector_store %arg13[%swap3A_596, %swap3A_597], %swap3A_600 {add = true, strides = array<i32>} : memref<32x384xf32, #tpu.memory_space<vmem>>, vector<1x16xf32>,
        %get3A_601 = arith.index_cast %scan3A_404 : i32 to index
        %get3A_602 = arith.constant 352 : index
        %get3A_603 = tpu.vector_load %arg17[%get3A_601, %get3A_602] {strides = array<i32>} : memref<32x384xf32, #tpu.memory_space<vmem>>, vector<1x16xf32>,
        %get3A_604 = vector.shape_cast %get3A_603 : vector<1x16xf32> to vector<16xf32>
        %swap3A_605 = arith.index_cast %scan3A_404 : i32 to index
        %swap3A_606 = arith.constant 352 : index
        %swap3A_607 = tpu.vector_load %arg13[%swap3A_605, %swap3A_606] {strides = array<i32>} : memref<32x384xf32, #tpu.memory_space<vmem>>, vector<1x16xf32>,
        %swap3A_608 = vector.shape_cast %swap3A_607 : vector<1x16xf32> to vector<16xf32>
        %swap3A_609 = vector.shape_cast %get3A_604 : vector<16xf32> to vector<1x16xf32>
        tpu.vector_store %arg13[%swap3A_605, %swap3A_606], %swap3A_609 {add = true, strides = array<i32>} : memref<32x384xf32, #tpu.memory_space<vmem>>, vector<1x16xf32>,
        %get3A_610 = arith.index_cast %scan3A_404 : i32 to index
        %get3A_611 = arith.constant 368 : index
        %get3A_612 = tpu.vector_load %arg17[%get3A_610, %get3A_611] {strides = array<i32>} : memref<32x384xf32, #tpu.memory_space<vmem>>, vector<1x16xf32>,
        %get3A_613 = vector.shape_cast %get3A_612 : vector<1x16xf32> to vector<16xf32>
        %swap3A_614 = arith.index_cast %scan3A_404 : i32 to index
        %swap3A_615 = arith.constant 368 : index
        %swap3A_616 = tpu.vector_load %arg13[%swap3A_614, %swap3A_615] {strides = array<i32>} : memref<32x384xf32, #tpu.memory_space<vmem>>, vector<1x16xf32>,
        %swap3A_617 = vector.shape_cast %swap3A_616 : vector<1x16xf32> to vector<16xf32>
        %swap3A_618 = vector.shape_cast %get3A_613 : vector<16xf32> to vector<1x16xf32>
        tpu.vector_store %arg13[%swap3A_614, %swap3A_615], %swap3A_618 {add = true, strides = array<i32>} : memref<32x384xf32, #tpu.memory_space<vmem>>, vector<1x16xf32>,
      }
      %scan3A_312 = arith.constant 32 : i32
      %mul3A_313 = arith.constant 32 : i32
      %mul3A_314 = arith.muli %add3A_293, %mul3A_313 : i32
      %add3A_315 = arith.addi %mul3A_2, %mul3A_314 : i32
      %dma_start3A_316 = arith.constant 0 : i32
      %dma_start3A_317 = tpu.memref_slice %arg6[%add3A_315, %dma_start3A_316] : memref<131072x384xf32, #tpu.memory_space<hbm>> -> memref<32x384xf32, #tpu.memory_space<hbm>>
      %dma_start3A_318 = arith.constant 0 : i32
      %dma_start3A_319 = tpu.memref_slice %arg6[%add3A_315, %dma_start3A_318] : memref<131072x384xf32, #tpu.memory_space<hbm>> -> memref<32x384xf32, #tpu.memory_space<hbm>>
      tpu.enqueue_dma source(%arg13 : memref<32x384xf32, #tpu.memory_space<vmem>>) target(%dma_start3A_319 : memref<32x384xf32, #tpu.memory_space<hbm>>) target_semaphore(%arg29 : memref<!tpu.dma_semaphore, #tpu.memory_space<semaphore_mem>>)
      %sub3A_320 = arith.constant 1 : i32
      %sub3A_321 = arith.subi %add3A_293, %sub3A_320 : i32
      %mul3A_322 = arith.constant 32 : i32
      %mul3A_323 = arith.muli %sub3A_321, %mul3A_322 : i32
      %add3A_324 = arith.addi %mul3A_2, %mul3A_323 : i32
      %dma_wait3A_325 = arith.constant 0 : i32
      %dma_wait3A_326 = tpu.memref_slice %arg6[%add3A_324, %dma_wait3A_325] : memref<131072x384xf32, #tpu.memory_space<hbm>> -> memref<32x384xf32, #tpu.memory_space<hbm>>
      %dma_wait3A_327 = arith.constant 0 : i32
      %dma_wait3A_328 = tpu.memref_slice %arg6[%add3A_324, %dma_wait3A_327] : memref<131072x384xf32, #tpu.memory_space<hbm>> -> memref<32x384xf32, #tpu.memory_space<hbm>>
      tpu.wait_dma2 semaphore(%arg28 : memref<!tpu.dma_semaphore, #tpu.memory_space<semaphore_mem>>) src(%arg12 : memref<32x384xf32, #tpu.memory_space<vmem>>) dst(%dma_wait3A_328 : memref<32x384xf32, #tpu.memory_space<hbm>>)
      %add3A_329 = arith.constant 3 : i32
      %add3A_330 = arith.addi %add3A_293, %add3A_329 : i32
      %mul3A_331 = arith.constant 32 : i32
      %mul3A_332 = arith.muli %add3A_330, %mul3A_331 : i32
      %add3A_333 = arith.addi %mul3A_2, %mul3A_332 : i32
      %dma_start3A_334 = arith.constant 0 : i32
      %dma_start3A_335 = tpu.memref_slice %arg2[%add3A_333, %dma_start3A_334] : memref<131072x384xf32, #tpu.memory_space<hbm>> -> memref<32x384xf32, #tpu.memory_space<hbm>>
      %dma_start3A_336 = arith.constant 0 : i32
      %dma_start3A_337 = tpu.memref_slice %arg2[%add3A_333, %dma_start3A_336] : memref<131072x384xf32, #tpu.memory_space<hbm>> -> memref<32x384xf32, #tpu.memory_space<hbm>>
      tpu.enqueue_dma source(%dma_start3A_337 : memref<32x384xf32, #tpu.memory_space<hbm>>) target(%arg12 : memref<32x384xf32, #tpu.memory_space<vmem>>) target_semaphore(%arg20 : memref<!tpu.dma_semaphore, #tpu.memory_space<semaphore_mem>>)
      %add3A_338 = arith.constant 3 : i32
      %add3A_339 = arith.addi %add3A_293, %add3A_338 : i32
      %mul3A_340 = arith.constant 32 : i32
      %mul3A_341 = arith.muli %add3A_339, %mul3A_340 : i32
      %dma_start3A_342 = tpu.memref_slice %arg9[%mul3A_341] : memref<4096xi32, #tpu.memory_space<vmem>> -> memref<32xi32, #tpu.memory_space<vmem>>
      %dma_start3A_343 = arith.constant 0 : i32
      %dma_start3A_344 = arith.constant 0 : i32
      %dma_start3A_345 = tpu.memref_slice %arg5[%dma_start3A_343, %dma_start3A_344] : memref<262144x384xf32, #tpu.memory_space<hbm>> -> memref<262144x384xf32, #tpu.memory_space<hbm>>
      tpu.enqueue_indirect_dma source(%dma_start3A_345 : memref<262144x384xf32, #tpu.memory_space<hbm>>) target(%arg16 : memref<32x384xf32, #tpu.memory_space<vmem>>) offsets(%dma_start3A_342 : memref<32xi32, #tpu.memory_space<vmem>>) semaphore(%arg24 : memref<!tpu.dma_semaphore, #tpu.memory_space<semaphore_mem>>)
      %mul3A_346 = arith.constant 4 : i32
      %mul3A_347 = arith.muli %mul3A_346, %scan3A_172 : i32
      %add3A_348 = arith.constant 1 : i32
      %add3A_349 = arith.addi %mul3A_347, %add3A_348 : i32
      %add3A_350 = arith.constant 3 : i32
      %add3A_351 = arith.addi %add3A_349, %add3A_350 : i32
      %mul3A_352 = arith.constant 32 : i32
      %mul3A_353 = arith.muli %add3A_351, %mul3A_352 : i32
      %add3A_354 = arith.addi %mul3A_2, %mul3A_353 : i32
      %dma_wait3A_355 = arith.constant 0 : i32
      %dma_wait3A_356 = tpu.memref_slice %arg2[%add3A_354, %dma_wait3A_355] : memref<131072x384xf32, #tpu.memory_space<hbm>> -> memref<32x384xf32, #tpu.memory_space<hbm>>
      %dma_wait3A_357 = arith.constant 0 : i32
      %dma_wait3A_358 = tpu.memref_slice %arg2[%add3A_354, %dma_wait3A_357] : memref<131072x384xf32, #tpu.memory_space<hbm>> -> memref<32x384xf32, #tpu.memory_space<hbm>>
      tpu.wait_dma2 semaphore(%arg18 : memref<!tpu.dma_semaphore, #tpu.memory_space<semaphore_mem>>) src(%dma_wait3A_358 : memref<32x384xf32, #tpu.memory_space<hbm>>) dst(%arg10 : memref<32x384xf32, #tpu.memory_space<vmem>>)
      %mul3A_359 = arith.constant 32 : i32
      %mul3A_360 = arith.muli %add3A_351, %mul3A_359 : i32
      %dma_wait3A_361 = tpu.memref_slice %arg9[%mul3A_360] : memref<4096xi32, #tpu.memory_space<vmem>> -> memref<32xi32, #tpu.memory_space<vmem>>
      %dma_wait3A_362 = arith.constant 0 : i32
      %dma_wait3A_363 = arith.constant 0 : i32
      %dma_wait3A_364 = tpu.memref_slice %arg5[%dma_wait3A_362, %dma_wait3A_363] : memref<262144x384xf32, #tpu.memory_space<hbm>> -> memref<262144x384xf32, #tpu.memory_space<hbm>>
      tpu.wait_indirect_dma semaphore(%arg22 : memref<!tpu.dma_semaphore, #tpu.memory_space<semaphore_mem>>) src(%dma_wait3A_364 : memref<262144x384xf32, #tpu.memory_space<hbm>>) dst(%arg14 : memref<32x384xf32, #tpu.memory_space<vmem>>)
      %scan3A_365 = arith.constant 0 : i32
      %scan3A_366 = arith.constant 0 : i32
      %scan3A_367 = arith.constant 32 : i32
      %scan3A_368 = arith.addi %scan3A_366, %scan3A_367 : i32
      %scan3A_369 = arith.constant 1 : i32
      scf.for %scan3A_404 = %scan3A_366 to %scan3A_368 step %scan3A_369  : i32 {
        %get3A = arith.index_cast %scan3A_404 : i32 to index
        %get3A_405 = arith.constant 0 : index
        %get3A_406 = tpu.vector_load %arg14[%get3A, %get3A_405] {strides = array<i32>} : memref<32x384xf32, #tpu.memory_space<vmem>>, vector<1x16xf32>,
        %get3A_407 = vector.shape_cast %get3A_406 : vector<1x16xf32> to vector<16xf32>
        %swap3A = arith.index_cast %scan3A_404 : i32 to index
        %swap3A_408 = arith.constant 0 : index
        %swap3A_409 = tpu.vector_load %arg10[%swap3A, %swap3A_408] {strides = array<i32>} : memref<32x384xf32, #tpu.memory_space<vmem>>, vector<1x16xf32>,
        %swap3A_410 = vector.shape_cast %swap3A_409 : vector<1x16xf32> to vector<16xf32>
        %swap3A_411 = vector.shape_cast %get3A_407 : vector<16xf32> to vector<1x16xf32>
        tpu.vector_store %arg10[%swap3A, %swap3A_408], %swap3A_411 {add = true, strides = array<i32>} : memref<32x384xf32, #tpu.memory_space<vmem>>, vector<1x16xf32>,
        %get3A_412 = arith.index_cast %scan3A_404 : i32 to index
        %get3A_413 = arith.constant 16 : index
        %get3A_414 = tpu.vector_load %arg14[%get3A_412, %get3A_413] {strides = array<i32>} : memref<32x384xf32, #tpu.memory_space<vmem>>, vector<1x16xf32>,
        %get3A_415 = vector.shape_cast %get3A_414 : vector<1x16xf32> to vector<16xf32>
        %swap3A_416 = arith.index_cast %scan3A_404 : i32 to index
        %swap3A_417 = arith.constant 16 : index
        %swap3A_418 = tpu.vector_load %arg10[%swap3A_416, %swap3A_417] {strides = array<i32>} : memref<32x384xf32, #tpu.memory_space<vmem>>, vector<1x16xf32>,
        %swap3A_419 = vector.shape_cast %swap3A_418 : vector<1x16xf32> to vector<16xf32>
        %swap3A_420 = vector.shape_cast %get3A_415 : vector<16xf32> to vector<1x16xf32>
        tpu.vector_store %arg10[%swap3A_416, %swap3A_417], %swap3A_420 {add = true, strides = array<i32>} : memref<32x384xf32, #tpu.memory_space<vmem>>, vector<1x16xf32>,
        %get3A_421 = arith.index_cast %scan3A_404 : i32 to index
        %get3A_422 = arith.constant 32 : index
        %get3A_423 = tpu.vector_load %arg14[%get3A_421, %get3A_422] {strides = array<i32>} : memref<32x384xf32, #tpu.memory_space<vmem>>, vector<1x16xf32>,
        %get3A_424 = vector.shape_cast %get3A_423 : vector<1x16xf32> to vector<16xf32>
        %swap3A_425 = arith.index_cast %scan3A_404 : i32 to index
        %swap3A_426 = arith.constant 32 : index
        %swap3A_427 = tpu.vector_load %arg10[%swap3A_425, %swap3A_426] {strides = array<i32>} : memref<32x384xf32, #tpu.memory_space<vmem>>, vector<1x16xf32>,
        %swap3A_428 = vector.shape_cast %swap3A_427 : vector<1x16xf32> to vector<16xf32>
        %swap3A_429 = vector.shape_cast %get3A_424 : vector<16xf32> to vector<1x16xf32>
        tpu.vector_store %arg10[%swap3A_425, %swap3A_426], %swap3A_429 {add = true, strides = array<i32>} : memref<32x384xf32, #tpu.memory_space<vmem>>, vector<1x16xf32>,
        %get3A_430 = arith.index_cast %scan3A_404 : i32 to index
        %get3A_431 = arith.constant 48 : index
        %get3A_432 = tpu.vector_load %arg14[%get3A_430, %get3A_431] {strides = array<i32>} : memref<32x384xf32, #tpu.memory_space<vmem>>, vector<1x16xf32>,
        %get3A_433 = vector.shape_cast %get3A_432 : vector<1x16xf32> to vector<16xf32>
        %swap3A_434 = arith.index_cast %scan3A_404 : i32 to index
        %swap3A_435 = arith.constant 48 : index
        %swap3A_436 = tpu.vector_load %arg10[%swap3A_434, %swap3A_435] {strides = array<i32>} : memref<32x384xf32, #tpu.memory_space<vmem>>, vector<1x16xf32>,
        %swap3A_437 = vector.shape_cast %swap3A_436 : vector<1x16xf32> to vector<16xf32>
        %swap3A_438 = vector.shape_cast %get3A_433 : vector<16xf32> to vector<1x16xf32>
        tpu.vector_store %arg10[%swap3A_434, %swap3A_435], %swap3A_438 {add = true, strides = array<i32>} : memref<32x384xf32, #tpu.memory_space<vmem>>, vector<1x16xf32>,
        %get3A_439 = arith.index_cast %scan3A_404 : i32 to index
        %get3A_440 = arith.constant 64 : index
        %get3A_441 = tpu.vector_load %arg14[%get3A_439, %get3A_440] {strides = array<i32>} : memref<32x384xf32, #tpu.memory_space<vmem>>, vector<1x16xf32>,
        %get3A_442 = vector.shape_cast %get3A_441 : vector<1x16xf32> to vector<16xf32>
        %swap3A_443 = arith.index_cast %scan3A_404 : i32 to index
        %swap3A_444 = arith.constant 64 : index
        %swap3A_445 = tpu.vector_load %arg10[%swap3A_443, %swap3A_444] {strides = array<i32>} : memref<32x384xf32, #tpu.memory_space<vmem>>, vector<1x16xf32>,
        %swap3A_446 = vector.shape_cast %swap3A_445 : vector<1x16xf32> to vector<16xf32>
        %swap3A_447 = vector.shape_cast %get3A_442 : vector<16xf32> to vector<1x16xf32>
        tpu.vector_store %arg10[%swap3A_443, %swap3A_444], %swap3A_447 {add = true, strides = array<i32>} : memref<32x384xf32, #tpu.memory_space<vmem>>, vector<1x16xf32>,
        %get3A_448 = arith.index_cast %scan3A_404 : i32 to index
        %get3A_449 = arith.constant 80 : index
        %get3A_450 = tpu.vector_load %arg14[%get3A_448, %get3A_449] {strides = array<i32>} : memref<32x384xf32, #tpu.memory_space<vmem>>, vector<1x16xf32>,
        %get3A_451 = vector.shape_cast %get3A_450 : vector<1x16xf32> to vector<16xf32>
        %swap3A_452 = arith.index_cast %scan3A_404 : i32 to index
        %swap3A_453 = arith.constant 80 : index
        %swap3A_454 = tpu.vector_load %arg10[%swap3A_452, %swap3A_453] {strides = array<i32>} : memref<32x384xf32, #tpu.memory_space<vmem>>, vector<1x16xf32>,
        %swap3A_455 = vector.shape_cast %swap3A_454 : vector<1x16xf32> to vector<16xf32>
        %swap3A_456 = vector.shape_cast %get3A_451 : vector<16xf32> to vector<1x16xf32>
        tpu.vector_store %arg10[%swap3A_452, %swap3A_453], %swap3A_456 {add = true, strides = array<i32>} : memref<32x384xf32, #tpu.memory_space<vmem>>, vector<1x16xf32>,
        %get3A_457 = arith.index_cast %scan3A_404 : i32 to index
        %get3A_458 = arith.constant 96 : index
        %get3A_459 = tpu.vector_load %arg14[%get3A_457, %get3A_458] {strides = array<i32>} : memref<32x384xf32, #tpu.memory_space<vmem>>, vector<1x16xf32>,
        %get3A_460 = vector.shape_cast %get3A_459 : vector<1x16xf32> to vector<16xf32>
        %swap3A_461 = arith.index_cast %scan3A_404 : i32 to index
        %swap3A_462 = arith.constant 96 : index
        %swap3A_463 = tpu.vector_load %arg10[%swap3A_461, %swap3A_462] {strides = array<i32>} : memref<32x384xf32, #tpu.memory_space<vmem>>, vector<1x16xf32>,
        %swap3A_464 = vector.shape_cast %swap3A_463 : vector<1x16xf32> to vector<16xf32>
        %swap3A_465 = vector.shape_cast %get3A_460 : vector<16xf32> to vector<1x16xf32>
        tpu.vector_store %arg10[%swap3A_461, %swap3A_462], %swap3A_465 {add = true, strides = array<i32>} : memref<32x384xf32, #tpu.memory_space<vmem>>, vector<1x16xf32>,
        %get3A_466 = arith.index_cast %scan3A_404 : i32 to index
        %get3A_467 = arith.constant 112 : index
        %get3A_468 = tpu.vector_load %arg14[%get3A_466, %get3A_467] {strides = array<i32>} : memref<32x384xf32, #tpu.memory_space<vmem>>, vector<1x16xf32>,
        %get3A_469 = vector.shape_cast %get3A_468 : vector<1x16xf32> to vector<16xf32>
        %swap3A_470 = arith.index_cast %scan3A_404 : i32 to index
        %swap3A_471 = arith.constant 112 : index
        %swap3A_472 = tpu.vector_load %arg10[%swap3A_470, %swap3A_471] {strides = array<i32>} : memref<32x384xf32, #tpu.memory_space<vmem>>, vector<1x16xf32>,
        %swap3A_473 = vector.shape_cast %swap3A_472 : vector<1x16xf32> to vector<16xf32>
        %swap3A_474 = vector.shape_cast %get3A_469 : vector<16xf32> to vector<1x16xf32>
        tpu.vector_store %arg10[%swap3A_470, %swap3A_471], %swap3A_474 {add = true, strides = array<i32>} : memref<32x384xf32, #tpu.memory_space<vmem>>, vector<1x16xf32>,
        %get3A_475 = arith.index_cast %scan3A_404 : i32 to index
        %get3A_476 = arith.constant 128 : index
        %get3A_477 = tpu.vector_load %arg14[%get3A_475, %get3A_476] {strides = array<i32>} : memref<32x384xf32, #tpu.memory_space<vmem>>, vector<1x16xf32>,
        %get3A_478 = vector.shape_cast %get3A_477 : vector<1x16xf32> to vector<16xf32>
        %swap3A_479 = arith.index_cast %scan3A_404 : i32 to index
        %swap3A_480 = arith.constant 128 : index
        %swap3A_481 = tpu.vector_load %arg10[%swap3A_479, %swap3A_480] {strides = array<i32>} : memref<32x384xf32, #tpu.memory_space<vmem>>, vector<1x16xf32>,
        %swap3A_482 = vector.shape_cast %swap3A_481 : vector<1x16xf32> to vector<16xf32>
        %swap3A_483 = vector.shape_cast %get3A_478 : vector<16xf32> to vector<1x16xf32>
        tpu.vector_store %arg10[%swap3A_479, %swap3A_480], %swap3A_483 {add = true, strides = array<i32>} : memref<32x384xf32, #tpu.memory_space<vmem>>, vector<1x16xf32>,
        %get3A_484 = arith.index_cast %scan3A_404 : i32 to index
        %get3A_485 = arith.constant 144 : index
        %get3A_486 = tpu.vector_load %arg14[%get3A_484, %get3A_485] {strides = array<i32>} : memref<32x384xf32, #tpu.memory_space<vmem>>, vector<1x16xf32>,
        %get3A_487 = vector.shape_cast %get3A_486 : vector<1x16xf32> to vector<16xf32>
        %swap3A_488 = arith.index_cast %scan3A_404 : i32 to index
        %swap3A_489 = arith.constant 144 : index
        %swap3A_490 = tpu.vector_load %arg10[%swap3A_488, %swap3A_489] {strides = array<i32>} : memref<32x384xf32, #tpu.memory_space<vmem>>, vector<1x16xf32>,
        %swap3A_491 = vector.shape_cast %swap3A_490 : vector<1x16xf32> to vector<16xf32>
        %swap3A_492 = vector.shape_cast %get3A_487 : vector<16xf32> to vector<1x16xf32>
        tpu.vector_store %arg10[%swap3A_488, %swap3A_489], %swap3A_492 {add = true, strides = array<i32>} : memref<32x384xf32, #tpu.memory_space<vmem>>, vector<1x16xf32>,
        %get3A_493 = arith.index_cast %scan3A_404 : i32 to index
        %get3A_494 = arith.constant 160 : index
        %get3A_495 = tpu.vector_load %arg14[%get3A_493, %get3A_494] {strides = array<i32>} : memref<32x384xf32, #tpu.memory_space<vmem>>, vector<1x16xf32>,
        %get3A_496 = vector.shape_cast %get3A_495 : vector<1x16xf32> to vector<16xf32>
        %swap3A_497 = arith.index_cast %scan3A_404 : i32 to index
        %swap3A_498 = arith.constant 160 : index
        %swap3A_499 = tpu.vector_load %arg10[%swap3A_497, %swap3A_498] {strides = array<i32>} : memref<32x384xf32, #tpu.memory_space<vmem>>, vector<1x16xf32>,
        %swap3A_500 = vector.shape_cast %swap3A_499 : vector<1x16xf32> to vector<16xf32>
        %swap3A_501 = vector.shape_cast %get3A_496 : vector<16xf32> to vector<1x16xf32>
        tpu.vector_store %arg10[%swap3A_497, %swap3A_498], %swap3A_501 {add = true, strides = array<i32>} : memref<32x384xf32, #tpu.memory_space<vmem>>, vector<1x16xf32>,
        %get3A_502 = arith.index_cast %scan3A_404 : i32 to index
        %get3A_503 = arith.constant 176 : index
        %get3A_504 = tpu.vector_load %arg14[%get3A_502, %get3A_503] {strides = array<i32>} : memref<32x384xf32, #tpu.memory_space<vmem>>, vector<1x16xf32>,
        %get3A_505 = vector.shape_cast %get3A_504 : vector<1x16xf32> to vector<16xf32>
        %swap3A_506 = arith.index_cast %scan3A_404 : i32 to index
        %swap3A_507 = arith.constant 176 : index
        %swap3A_508 = tpu.vector_load %arg10[%swap3A_506, %swap3A_507] {strides = array<i32>} : memref<32x384xf32, #tpu.memory_space<vmem>>, vector<1x16xf32>,
        %swap3A_509 = vector.shape_cast %swap3A_508 : vector<1x16xf32> to vector<16xf32>
        %swap3A_510 = vector.shape_cast %get3A_505 : vector<16xf32> to vector<1x16xf32>
        tpu.vector_store %arg10[%swap3A_506, %swap3A_507], %swap3A_510 {add = true, strides = array<i32>} : memref<32x384xf32, #tpu.memory_space<vmem>>, vector<1x16xf32>,
        %get3A_511 = arith.index_cast %scan3A_404 : i32 to index
        %get3A_512 = arith.constant 192 : index
        %get3A_513 = tpu.vector_load %arg14[%get3A_511, %get3A_512] {strides = array<i32>} : memref<32x384xf32, #tpu.memory_space<vmem>>, vector<1x16xf32>,
        %get3A_514 = vector.shape_cast %get3A_513 : vector<1x16xf32> to vector<16xf32>
        %swap3A_515 = arith.index_cast %scan3A_404 : i32 to index
        %swap3A_516 = arith.constant 192 : index
        %swap3A_517 = tpu.vector_load %arg10[%swap3A_515, %swap3A_516] {strides = array<i32>} : memref<32x384xf32, #tpu.memory_space<vmem>>, vector<1x16xf32>,
        %swap3A_518 = vector.shape_cast %swap3A_517 : vector<1x16xf32> to vector<16xf32>
        %swap3A_519 = vector.shape_cast %get3A_514 : vector<16xf32> to vector<1x16xf32>
        tpu.vector_store %arg10[%swap3A_515, %swap3A_516], %swap3A_519 {add = true, strides = array<i32>} : memref<32x384xf32, #tpu.memory_space<vmem>>, vector<1x16xf32>,
        %get3A_520 = arith.index_cast %scan3A_404 : i32 to index
        %get3A_521 = arith.constant 208 : index
        %get3A_522 = tpu.vector_load %arg14[%get3A_520, %get3A_521] {strides = array<i32>} : memref<32x384xf32, #tpu.memory_space<vmem>>, vector<1x16xf32>,
        %get3A_523 = vector.shape_cast %get3A_522 : vector<1x16xf32> to vector<16xf32>
        %swap3A_524 = arith.index_cast %scan3A_404 : i32 to index
        %swap3A_525 = arith.constant 208 : index
        %swap3A_526 = tpu.vector_load %arg10[%swap3A_524, %swap3A_525] {strides = array<i32>} : memref<32x384xf32, #tpu.memory_space<vmem>>, vector<1x16xf32>,
        %swap3A_527 = vector.shape_cast %swap3A_526 : vector<1x16xf32> to vector<16xf32>
        %swap3A_528 = vector.shape_cast %get3A_523 : vector<16xf32> to vector<1x16xf32>
        tpu.vector_store %arg10[%swap3A_524, %swap3A_525], %swap3A_528 {add = true, strides = array<i32>} : memref<32x384xf32, #tpu.memory_space<vmem>>, vector<1x16xf32>,
        %get3A_529 = arith.index_cast %scan3A_404 : i32 to index
        %get3A_530 = arith.constant 224 : index
        %get3A_531 = tpu.vector_load %arg14[%get3A_529, %get3A_530] {strides = array<i32>} : memref<32x384xf32, #tpu.memory_space<vmem>>, vector<1x16xf32>,
        %get3A_532 = vector.shape_cast %get3A_531 : vector<1x16xf32> to vector<16xf32>
        %swap3A_533 = arith.index_cast %scan3A_404 : i32 to index
        %swap3A_534 = arith.constant 224 : index
        %swap3A_535 = tpu.vector_load %arg10[%swap3A_533, %swap3A_534] {strides = array<i32>} : memref<32x384xf32, #tpu.memory_space<vmem>>, vector<1x16xf32>,
        %swap3A_536 = vector.shape_cast %swap3A_535 : vector<1x16xf32> to vector<16xf32>
        %swap3A_537 = vector.shape_cast %get3A_532 : vector<16xf32> to vector<1x16xf32>
        tpu.vector_store %arg10[%swap3A_533, %swap3A_534], %swap3A_537 {add = true, strides = array<i32>} : memref<32x384xf32, #tpu.memory_space<vmem>>, vector<1x16xf32>,
        %get3A_538 = arith.index_cast %scan3A_404 : i32 to index
        %get3A_539 = arith.constant 240 : index
        %get3A_540 = tpu.vector_load %arg14[%get3A_538, %get3A_539] {strides = array<i32>} : memref<32x384xf32, #tpu.memory_space<vmem>>, vector<1x16xf32>,
        %get3A_541 = vector.shape_cast %get3A_540 : vector<1x16xf32> to vector<16xf32>
        %swap3A_542 = arith.index_cast %scan3A_404 : i32 to index
        %swap3A_543 = arith.constant 240 : index
        %swap3A_544 = tpu.vector_load %arg10[%swap3A_542, %swap3A_543] {strides = array<i32>} : memref<32x384xf32, #tpu.memory_space<vmem>>, vector<1x16xf32>,
        %swap3A_545 = vector.shape_cast %swap3A_544 : vector<1x16xf32> to vector<16xf32>
        %swap3A_546 = vector.shape_cast %get3A_541 : vector<16xf32> to vector<1x16xf32>
        tpu.vector_store %arg10[%swap3A_542, %swap3A_543], %swap3A_546 {add = true, strides = array<i32>} : memref<32x384xf32, #tpu.memory_space<vmem>>, vector<1x16xf32>,
        %get3A_547 = arith.index_cast %scan3A_404 : i32 to index
        %get3A_548 = arith.constant 256 : index
        %get3A_549 = tpu.vector_load %arg14[%get3A_547, %get3A_548] {strides = array<i32>} : memref<32x384xf32, #tpu.memory_space<vmem>>, vector<1x16xf32>,
        %get3A_550 = vector.shape_cast %get3A_549 : vector<1x16xf32> to vector<16xf32>
        %swap3A_551 = arith.index_cast %scan3A_404 : i32 to index
        %swap3A_552 = arith.constant 256 : index
        %swap3A_553 = tpu.vector_load %arg10[%swap3A_551, %swap3A_552] {strides = array<i32>} : memref<32x384xf32, #tpu.memory_space<vmem>>, vector<1x16xf32>,
        %swap3A_554 = vector.shape_cast %swap3A_553 : vector<1x16xf32> to vector<16xf32>
        %swap3A_555 = vector.shape_cast %get3A_550 : vector<16xf32> to vector<1x16xf32>
        tpu.vector_store %arg10[%swap3A_551, %swap3A_552], %swap3A_555 {add = true, strides = array<i32>} : memref<32x384xf32, #tpu.memory_space<vmem>>, vector<1x16xf32>,
        %get3A_556 = arith.index_cast %scan3A_404 : i32 to index
        %get3A_557 = arith.constant 272 : index
        %get3A_558 = tpu.vector_load %arg14[%get3A_556, %get3A_557] {strides = array<i32>} : memref<32x384xf32, #tpu.memory_space<vmem>>, vector<1x16xf32>,
        %get3A_559 = vector.shape_cast %get3A_558 : vector<1x16xf32> to vector<16xf32>
        %swap3A_560 = arith.index_cast %scan3A_404 : i32 to index
        %swap3A_561 = arith.constant 272 : index
        %swap3A_562 = tpu.vector_load %arg10[%swap3A_560, %swap3A_561] {strides = array<i32>} : memref<32x384xf32, #tpu.memory_space<vmem>>, vector<1x16xf32>,
        %swap3A_563 = vector.shape_cast %swap3A_562 : vector<1x16xf32> to vector<16xf32>
        %swap3A_564 = vector.shape_cast %get3A_559 : vector<16xf32> to vector<1x16xf32>
        tpu.vector_store %arg10[%swap3A_560, %swap3A_561], %swap3A_564 {add = true, strides = array<i32>} : memref<32x384xf32, #tpu.memory_space<vmem>>, vector<1x16xf32>,
        %get3A_565 = arith.index_cast %scan3A_404 : i32 to index
        %get3A_566 = arith.constant 288 : index
        %get3A_567 = tpu.vector_load %arg14[%get3A_565, %get3A_566] {strides = array<i32>} : memref<32x384xf32, #tpu.memory_space<vmem>>, vector<1x16xf32>,
        %get3A_568 = vector.shape_cast %get3A_567 : vector<1x16xf32> to vector<16xf32>
        %swap3A_569 = arith.index_cast %scan3A_404 : i32 to index
        %swap3A_570 = arith.constant 288 : index
        %swap3A_571 = tpu.vector_load %arg10[%swap3A_569, %swap3A_570] {strides = array<i32>} : memref<32x384xf32, #tpu.memory_space<vmem>>, vector<1x16xf32>,
        %swap3A_572 = vector.shape_cast %swap3A_571 : vector<1x16xf32> to vector<16xf32>
        %swap3A_573 = vector.shape_cast %get3A_568 : vector<16xf32> to vector<1x16xf32>
        tpu.vector_store %arg10[%swap3A_569, %swap3A_570], %swap3A_573 {add = true, strides = array<i32>} : memref<32x384xf32, #tpu.memory_space<vmem>>, vector<1x16xf32>,
        %get3A_574 = arith.index_cast %scan3A_404 : i32 to index
        %get3A_575 = arith.constant 304 : index
        %get3A_576 = tpu.vector_load %arg14[%get3A_574, %get3A_575] {strides = array<i32>} : memref<32x384xf32, #tpu.memory_space<vmem>>, vector<1x16xf32>,
        %get3A_577 = vector.shape_cast %get3A_576 : vector<1x16xf32> to vector<16xf32>
        %swap3A_578 = arith.index_cast %scan3A_404 : i32 to index
        %swap3A_579 = arith.constant 304 : index
        %swap3A_580 = tpu.vector_load %arg10[%swap3A_578, %swap3A_579] {strides = array<i32>} : memref<32x384xf32, #tpu.memory_space<vmem>>, vector<1x16xf32>,
        %swap3A_581 = vector.shape_cast %swap3A_580 : vector<1x16xf32> to vector<16xf32>
        %swap3A_582 = vector.shape_cast %get3A_577 : vector<16xf32> to vector<1x16xf32>
        tpu.vector_store %arg10[%swap3A_578, %swap3A_579], %swap3A_582 {add = true, strides = array<i32>} : memref<32x384xf32, #tpu.memory_space<vmem>>, vector<1x16xf32>,
        %get3A_583 = arith.index_cast %scan3A_404 : i32 to index
        %get3A_584 = arith.constant 320 : index
        %get3A_585 = tpu.vector_load %arg14[%get3A_583, %get3A_584] {strides = array<i32>} : memref<32x384xf32, #tpu.memory_space<vmem>>, vector<1x16xf32>,
        %get3A_586 = vector.shape_cast %get3A_585 : vector<1x16xf32> to vector<16xf32>
        %swap3A_587 = arith.index_cast %scan3A_404 : i32 to index
        %swap3A_588 = arith.constant 320 : index
        %swap3A_589 = tpu.vector_load %arg10[%swap3A_587, %swap3A_588] {strides = array<i32>} : memref<32x384xf32, #tpu.memory_space<vmem>>, vector<1x16xf32>,
        %swap3A_590 = vector.shape_cast %swap3A_589 : vector<1x16xf32> to vector<16xf32>
        %swap3A_591 = vector.shape_cast %get3A_586 : vector<16xf32> to vector<1x16xf32>
        tpu.vector_store %arg10[%swap3A_587, %swap3A_588], %swap3A_591 {add = true, strides = array<i32>} : memref<32x384xf32, #tpu.memory_space<vmem>>, vector<1x16xf32>,
        %get3A_592 = arith.index_cast %scan3A_404 : i32 to index
        %get3A_593 = arith.constant 336 : index
        %get3A_594 = tpu.vector_load %arg14[%get3A_592, %get3A_593] {strides = array<i32>} : memref<32x384xf32, #tpu.memory_space<vmem>>, vector<1x16xf32>,
        %get3A_595 = vector.shape_cast %get3A_594 : vector<1x16xf32> to vector<16xf32>
        %swap3A_596 = arith.index_cast %scan3A_404 : i32 to index
        %swap3A_597 = arith.constant 336 : index
        %swap3A_598 = tpu.vector_load %arg10[%swap3A_596, %swap3A_597] {strides = array<i32>} : memref<32x384xf32, #tpu.memory_space<vmem>>, vector<1x16xf32>,
        %swap3A_599 = vector.shape_cast %swap3A_598 : vector<1x16xf32> to vector<16xf32>
        %swap3A_600 = vector.shape_cast %get3A_595 : vector<16xf32> to vector<1x16xf32>
        tpu.vector_store %arg10[%swap3A_596, %swap3A_597], %swap3A_600 {add = true, strides = array<i32>} : memref<32x384xf32, #tpu.memory_space<vmem>>, vector<1x16xf32>,
        %get3A_601 = arith.index_cast %scan3A_404 : i32 to index
        %get3A_602 = arith.constant 352 : index
        %get3A_603 = tpu.vector_load %arg14[%get3A_601, %get3A_602] {strides = array<i32>} : memref<32x384xf32, #tpu.memory_space<vmem>>, vector<1x16xf32>,
        %get3A_604 = vector.shape_cast %get3A_603 : vector<1x16xf32> to vector<16xf32>
        %swap3A_605 = arith.index_cast %scan3A_404 : i32 to index
        %swap3A_606 = arith.constant 352 : index
        %swap3A_607 = tpu.vector_load %arg10[%swap3A_605, %swap3A_606] {strides = array<i32>} : memref<32x384xf32, #tpu.memory_space<vmem>>, vector<1x16xf32>,
        %swap3A_608 = vector.shape_cast %swap3A_607 : vector<1x16xf32> to vector<16xf32>
        %swap3A_609 = vector.shape_cast %get3A_604 : vector<16xf32> to vector<1x16xf32>
        tpu.vector_store %arg10[%swap3A_605, %swap3A_606], %swap3A_609 {add = true, strides = array<i32>} : memref<32x384xf32, #tpu.memory_space<vmem>>, vector<1x16xf32>,
        %get3A_610 = arith.index_cast %scan3A_404 : i32 to index
        %get3A_611 = arith.constant 368 : index
        %get3A_612 = tpu.vector_load %arg14[%get3A_610, %get3A_611] {strides = array<i32>} : memref<32x384xf32, #tpu.memory_space<vmem>>, vector<1x16xf32>,
        %get3A_613 = vector.shape_cast %get3A_612 : vector<1x16xf32> to vector<16xf32>
        %swap3A_614 = arith.index_cast %scan3A_404 : i32 to index
        %swap3A_615 = arith.constant 368 : index
        %swap3A_616 = tpu.vector_load %arg10[%swap3A_614, %swap3A_615] {strides = array<i32>} : memref<32x384xf32, #tpu.memory_space<vmem>>, vector<1x16xf32>,
        %swap3A_617 = vector.shape_cast %swap3A_616 : vector<1x16xf32> to vector<16xf32>
        %swap3A_618 = vector.shape_cast %get3A_613 : vector<16xf32> to vector<1x16xf32>
        tpu.vector_store %arg10[%swap3A_614, %swap3A_615], %swap3A_618 {add = true, strides = array<i32>} : memref<32x384xf32, #tpu.memory_space<vmem>>, vector<1x16xf32>,
      }
      %scan3A_370 = arith.constant 32 : i32
      %mul3A_371 = arith.constant 32 : i32
      %mul3A_372 = arith.muli %add3A_351, %mul3A_371 : i32
      %add3A_373 = arith.addi %mul3A_2, %mul3A_372 : i32
      %dma_start3A_374 = arith.constant 0 : i32
      %dma_start3A_375 = tpu.memref_slice %arg6[%add3A_373, %dma_start3A_374] : memref<131072x384xf32, #tpu.memory_space<hbm>> -> memref<32x384xf32, #tpu.memory_space<hbm>>
      %dma_start3A_376 = arith.constant 0 : i32
      %dma_start3A_377 = tpu.memref_slice %arg6[%add3A_373, %dma_start3A_376] : memref<131072x384xf32, #tpu.memory_space<hbm>> -> memref<32x384xf32, #tpu.memory_space<hbm>>
      tpu.enqueue_dma source(%arg10 : memref<32x384xf32, #tpu.memory_space<vmem>>) target(%dma_start3A_377 : memref<32x384xf32, #tpu.memory_space<hbm>>) target_semaphore(%arg26 : memref<!tpu.dma_semaphore, #tpu.memory_space<semaphore_mem>>)
      %sub3A_378 = arith.constant 1 : i32
      %sub3A_379 = arith.subi %add3A_351, %sub3A_378 : i32
      %mul3A_380 = arith.constant 32 : i32
      %mul3A_381 = arith.muli %sub3A_379, %mul3A_380 : i32
      %add3A_382 = arith.addi %mul3A_2, %mul3A_381 : i32
      %dma_wait3A_383 = arith.constant 0 : i32
      %dma_wait3A_384 = tpu.memref_slice %arg6[%add3A_382, %dma_wait3A_383] : memref<131072x384xf32, #tpu.memory_space<hbm>> -> memref<32x384xf32, #tpu.memory_space<hbm>>
      %dma_wait3A_385 = arith.constant 0 : i32
      %dma_wait3A_386 = tpu.memref_slice %arg6[%add3A_382, %dma_wait3A_385] : memref<131072x384xf32, #tpu.memory_space<hbm>> -> memref<32x384xf32, #tpu.memory_space<hbm>>
      tpu.wait_dma2 semaphore(%arg29 : memref<!tpu.dma_semaphore, #tpu.memory_space<semaphore_mem>>) src(%arg13 : memref<32x384xf32, #tpu.memory_space<vmem>>) dst(%dma_wait3A_386 : memref<32x384xf32, #tpu.memory_space<hbm>>)
      %add3A_387 = arith.constant 3 : i32
      %add3A_388 = arith.addi %add3A_351, %add3A_387 : i32
      %mul3A_389 = arith.constant 32 : i32
      %mul3A_390 = arith.muli %add3A_388, %mul3A_389 : i32
      %add3A_391 = arith.addi %mul3A_2, %mul3A_390 : i32
      %dma_start3A_392 = arith.constant 0 : i32
      %dma_start3A_393 = tpu.memref_slice %arg2[%add3A_391, %dma_start3A_392] : memref<131072x384xf32, #tpu.memory_space<hbm>> -> memref<32x384xf32, #tpu.memory_space<hbm>>
      %dma_start3A_394 = arith.constant 0 : i32
      %dma_start3A_395 = tpu.memref_slice %arg2[%add3A_391, %dma_start3A_394] : memref<131072x384xf32, #tpu.memory_space<hbm>> -> memref<32x384xf32, #tpu.memory_space<hbm>>
      tpu.enqueue_dma source(%dma_start3A_395 : memref<32x384xf32, #tpu.memory_space<hbm>>) target(%arg13 : memref<32x384xf32, #tpu.memory_space<vmem>>) target_semaphore(%arg21 : memref<!tpu.dma_semaphore, #tpu.memory_space<semaphore_mem>>)
      %add3A_396 = arith.constant 3 : i32
      %add3A_397 = arith.addi %add3A_351, %add3A_396 : i32
      %mul3A_398 = arith.constant 32 : i32
      %mul3A_399 = arith.muli %add3A_397, %mul3A_398 : i32
      %dma_start3A_400 = tpu.memref_slice %arg9[%mul3A_399] : memref<4096xi32, #tpu.memory_space<vmem>> -> memref<32xi32, #tpu.memory_space<vmem>>
      %dma_start3A_401 = arith.constant 0 : i32
      %dma_start3A_402 = arith.constant 0 : i32
      %dma_start3A_403 = tpu.memref_slice %arg5[%dma_start3A_401, %dma_start3A_402] : memref<262144x384xf32, #tpu.memory_space<hbm>> -> memref<262144x384xf32, #tpu.memory_space<hbm>>
      tpu.enqueue_indirect_dma source(%dma_start3A_403 : memref<262144x384xf32, #tpu.memory_space<hbm>>) target(%arg17 : memref<32x384xf32, #tpu.memory_space<vmem>>) offsets(%dma_start3A_400 : memref<32xi32, #tpu.memory_space<vmem>>) semaphore(%arg25 : memref<!tpu.dma_semaphore, #tpu.memory_space<semaphore_mem>>)
    }
    %scan3A_78 = arith.constant 31 : i32
    %add3A_79 = arith.constant 4000 : i32
    %add3A_80 = arith.addi %mul3A_2, %add3A_79 : i32
    %dma_wait3A_81 = arith.constant 0 : i32
    %dma_wait3A_82 = tpu.memref_slice %arg2[%add3A_80, %dma_wait3A_81] : memref<131072x384xf32, #tpu.memory_space<hbm>> -> memref<32x384xf32, #tpu.memory_space<hbm>>
    %dma_wait3A_83 = arith.constant 0 : i32
    %dma_wait3A_84 = tpu.memref_slice %arg2[%add3A_80, %dma_wait3A_83] : memref<131072x384xf32, #tpu.memory_space<hbm>> -> memref<32x384xf32, #tpu.memory_space<hbm>>
    tpu.wait_dma2 semaphore(%arg19 : memref<!tpu.dma_semaphore, #tpu.memory_space<semaphore_mem>>) src(%dma_wait3A_84 : memref<32x384xf32, #tpu.memory_space<hbm>>) dst(%arg11 : memref<32x384xf32, #tpu.memory_space<vmem>>)
    %dma_wait3A_85 = arith.constant 4000 : i32
    %dma_wait3A_86 = tpu.memref_slice %arg9[%dma_wait3A_85] : memref<4096xi32, #tpu.memory_space<vmem>> -> memref<32xi32, #tpu.memory_space<vmem>>
    %dma_wait3A_87 = arith.constant 0 : i32
    %dma_wait3A_88 = arith.constant 0 : i32
    %dma_wait3A_89 = tpu.memref_slice %arg5[%dma_wait3A_87, %dma_wait3A_88] : memref<262144x384xf32, #tpu.memory_space<hbm>> -> memref<262144x384xf32, #tpu.memory_space<hbm>>
    tpu.wait_indirect_dma semaphore(%arg23 : memref<!tpu.dma_semaphore, #tpu.memory_space<semaphore_mem>>) src(%dma_wait3A_89 : memref<262144x384xf32, #tpu.memory_space<hbm>>) dst(%arg15 : memref<32x384xf32, #tpu.memory_space<vmem>>)
    %scan3A_90 = arith.constant 0 : i32
    %scan3A_91 = arith.constant 0 : i32
    %scan3A_92 = arith.constant 32 : i32
    %scan3A_93 = arith.addi %scan3A_91, %scan3A_92 : i32
    %scan3A_94 = arith.constant 1 : i32
    scf.for %scan3A_172 = %scan3A_91 to %scan3A_93 step %scan3A_94  : i32 {
      %get3A = arith.index_cast %scan3A_172 : i32 to index
      %get3A_173 = arith.constant 0 : index
      %get3A_174 = tpu.vector_load %arg15[%get3A, %get3A_173] {strides = array<i32>} : memref<32x384xf32, #tpu.memory_space<vmem>>, vector<1x16xf32>,
      %get3A_175 = vector.shape_cast %get3A_174 : vector<1x16xf32> to vector<16xf32>
      %swap3A = arith.index_cast %scan3A_172 : i32 to index
      %swap3A_176 = arith.constant 0 : index
      %swap3A_177 = tpu.vector_load %arg11[%swap3A, %swap3A_176] {strides = array<i32>} : memref<32x384xf32, #tpu.memory_space<vmem>>, vector<1x16xf32>,
      %swap3A_178 = vector.shape_cast %swap3A_177 : vector<1x16xf32> to vector<16xf32>
      %swap3A_179 = vector.shape_cast %get3A_175 : vector<16xf32> to vector<1x16xf32>
      tpu.vector_store %arg11[%swap3A, %swap3A_176], %swap3A_179 {add = true, strides = array<i32>} : memref<32x384xf32, #tpu.memory_space<vmem>>, vector<1x16xf32>,
      %get3A_180 = arith.index_cast %scan3A_172 : i32 to index
      %get3A_181 = arith.constant 16 : index
      %get3A_182 = tpu.vector_load %arg15[%get3A_180, %get3A_181] {strides = array<i32>} : memref<32x384xf32, #tpu.memory_space<vmem>>, vector<1x16xf32>,
      %get3A_183 = vector.shape_cast %get3A_182 : vector<1x16xf32> to vector<16xf32>
      %swap3A_184 = arith.index_cast %scan3A_172 : i32 to index
      %swap3A_185 = arith.constant 16 : index
      %swap3A_186 = tpu.vector_load %arg11[%swap3A_184, %swap3A_185] {strides = array<i32>} : memref<32x384xf32, #tpu.memory_space<vmem>>, vector<1x16xf32>,
      %swap3A_187 = vector.shape_cast %swap3A_186 : vector<1x16xf32> to vector<16xf32>
      %swap3A_188 = vector.shape_cast %get3A_183 : vector<16xf32> to vector<1x16xf32>
      tpu.vector_store %arg11[%swap3A_184, %swap3A_185], %swap3A_188 {add = true, strides = array<i32>} : memref<32x384xf32, #tpu.memory_space<vmem>>, vector<1x16xf32>,
      %get3A_189 = arith.index_cast %scan3A_172 : i32 to index
      %get3A_190 = arith.constant 32 : index
      %get3A_191 = tpu.vector_load %arg15[%get3A_189, %get3A_190] {strides = array<i32>} : memref<32x384xf32, #tpu.memory_space<vmem>>, vector<1x16xf32>,
      %get3A_192 = vector.shape_cast %get3A_191 : vector<1x16xf32> to vector<16xf32>
      %swap3A_193 = arith.index_cast %scan3A_172 : i32 to index
      %swap3A_194 = arith.constant 32 : index
      %swap3A_195 = tpu.vector_load %arg11[%swap3A_193, %swap3A_194] {strides = array<i32>} : memref<32x384xf32, #tpu.memory_space<vmem>>, vector<1x16xf32>,
      %swap3A_196 = vector.shape_cast %swap3A_195 : vector<1x16xf32> to vector<16xf32>
      %swap3A_197 = vector.shape_cast %get3A_192 : vector<16xf32> to vector<1x16xf32>
      tpu.vector_store %arg11[%swap3A_193, %swap3A_194], %swap3A_197 {add = true, strides = array<i32>} : memref<32x384xf32, #tpu.memory_space<vmem>>, vector<1x16xf32>,
      %get3A_198 = arith.index_cast %scan3A_172 : i32 to index
      %get3A_199 = arith.constant 48 : index
      %get3A_200 = tpu.vector_load %arg15[%get3A_198, %get3A_199] {strides = array<i32>} : memref<32x384xf32, #tpu.memory_space<vmem>>, vector<1x16xf32>,
      %get3A_201 = vector.shape_cast %get3A_200 : vector<1x16xf32> to vector<16xf32>
      %swap3A_202 = arith.index_cast %scan3A_172 : i32 to index
      %swap3A_203 = arith.constant 48 : index
      %swap3A_204 = tpu.vector_load %arg11[%swap3A_202, %swap3A_203] {strides = array<i32>} : memref<32x384xf32, #tpu.memory_space<vmem>>, vector<1x16xf32>,
      %swap3A_205 = vector.shape_cast %swap3A_204 : vector<1x16xf32> to vector<16xf32>
      %swap3A_206 = vector.shape_cast %get3A_201 : vector<16xf32> to vector<1x16xf32>
      tpu.vector_store %arg11[%swap3A_202, %swap3A_203], %swap3A_206 {add = true, strides = array<i32>} : memref<32x384xf32, #tpu.memory_space<vmem>>, vector<1x16xf32>,
      %get3A_207 = arith.index_cast %scan3A_172 : i32 to index
      %get3A_208 = arith.constant 64 : index
      %get3A_209 = tpu.vector_load %arg15[%get3A_207, %get3A_208] {strides = array<i32>} : memref<32x384xf32, #tpu.memory_space<vmem>>, vector<1x16xf32>,
      %get3A_210 = vector.shape_cast %get3A_209 : vector<1x16xf32> to vector<16xf32>
      %swap3A_211 = arith.index_cast %scan3A_172 : i32 to index
      %swap3A_212 = arith.constant 64 : index
      %swap3A_213 = tpu.vector_load %arg11[%swap3A_211, %swap3A_212] {strides = array<i32>} : memref<32x384xf32, #tpu.memory_space<vmem>>, vector<1x16xf32>,
      %swap3A_214 = vector.shape_cast %swap3A_213 : vector<1x16xf32> to vector<16xf32>
      %swap3A_215 = vector.shape_cast %get3A_210 : vector<16xf32> to vector<1x16xf32>
      tpu.vector_store %arg11[%swap3A_211, %swap3A_212], %swap3A_215 {add = true, strides = array<i32>} : memref<32x384xf32, #tpu.memory_space<vmem>>, vector<1x16xf32>,
      %get3A_216 = arith.index_cast %scan3A_172 : i32 to index
      %get3A_217 = arith.constant 80 : index
      %get3A_218 = tpu.vector_load %arg15[%get3A_216, %get3A_217] {strides = array<i32>} : memref<32x384xf32, #tpu.memory_space<vmem>>, vector<1x16xf32>,
      %get3A_219 = vector.shape_cast %get3A_218 : vector<1x16xf32> to vector<16xf32>
      %swap3A_220 = arith.index_cast %scan3A_172 : i32 to index
      %swap3A_221 = arith.constant 80 : index
      %swap3A_222 = tpu.vector_load %arg11[%swap3A_220, %swap3A_221] {strides = array<i32>} : memref<32x384xf32, #tpu.memory_space<vmem>>, vector<1x16xf32>,
      %swap3A_223 = vector.shape_cast %swap3A_222 : vector<1x16xf32> to vector<16xf32>
      %swap3A_224 = vector.shape_cast %get3A_219 : vector<16xf32> to vector<1x16xf32>
      tpu.vector_store %arg11[%swap3A_220, %swap3A_221], %swap3A_224 {add = true, strides = array<i32>} : memref<32x384xf32, #tpu.memory_space<vmem>>, vector<1x16xf32>,
      %get3A_225 = arith.index_cast %scan3A_172 : i32 to index
      %get3A_226 = arith.constant 96 : index
      %get3A_227 = tpu.vector_load %arg15[%get3A_225, %get3A_226] {strides = array<i32>} : memref<32x384xf32, #tpu.memory_space<vmem>>, vector<1x16xf32>,
      %get3A_228 = vector.shape_cast %get3A_227 : vector<1x16xf32> to vector<16xf32>
      %swap3A_229 = arith.index_cast %scan3A_172 : i32 to index
      %swap3A_230 = arith.constant 96 : index
      %swap3A_231 = tpu.vector_load %arg11[%swap3A_229, %swap3A_230] {strides = array<i32>} : memref<32x384xf32, #tpu.memory_space<vmem>>, vector<1x16xf32>,
      %swap3A_232 = vector.shape_cast %swap3A_231 : vector<1x16xf32> to vector<16xf32>
      %swap3A_233 = vector.shape_cast %get3A_228 : vector<16xf32> to vector<1x16xf32>
      tpu.vector_store %arg11[%swap3A_229, %swap3A_230], %swap3A_233 {add = true, strides = array<i32>} : memref<32x384xf32, #tpu.memory_space<vmem>>, vector<1x16xf32>,
      %get3A_234 = arith.index_cast %scan3A_172 : i32 to index
      %get3A_235 = arith.constant 112 : index
      %get3A_236 = tpu.vector_load %arg15[%get3A_234, %get3A_235] {strides = array<i32>} : memref<32x384xf32, #tpu.memory_space<vmem>>, vector<1x16xf32>,
      %get3A_237 = vector.shape_cast %get3A_236 : vector<1x16xf32> to vector<16xf32>
      %swap3A_238 = arith.index_cast %scan3A_172 : i32 to index
      %swap3A_239 = arith.constant 112 : index
      %swap3A_240 = tpu.vector_load %arg11[%swap3A_238, %swap3A_239] {strides = array<i32>} : memref<32x384xf32, #tpu.memory_space<vmem>>, vector<1x16xf32>,
      %swap3A_241 = vector.shape_cast %swap3A_240 : vector<1x16xf32> to vector<16xf32>
      %swap3A_242 = vector.shape_cast %get3A_237 : vector<16xf32> to vector<1x16xf32>
      tpu.vector_store %arg11[%swap3A_238, %swap3A_239], %swap3A_242 {add = true, strides = array<i32>} : memref<32x384xf32, #tpu.memory_space<vmem>>, vector<1x16xf32>,
      %get3A_243 = arith.index_cast %scan3A_172 : i32 to index
      %get3A_244 = arith.constant 128 : index
      %get3A_245 = tpu.vector_load %arg15[%get3A_243, %get3A_244] {strides = array<i32>} : memref<32x384xf32, #tpu.memory_space<vmem>>, vector<1x16xf32>,
      %get3A_246 = vector.shape_cast %get3A_245 : vector<1x16xf32> to vector<16xf32>
      %swap3A_247 = arith.index_cast %scan3A_172 : i32 to index
      %swap3A_248 = arith.constant 128 : index
      %swap3A_249 = tpu.vector_load %arg11[%swap3A_247, %swap3A_248] {strides = array<i32>} : memref<32x384xf32, #tpu.memory_space<vmem>>, vector<1x16xf32>,
      %swap3A_250 = vector.shape_cast %swap3A_249 : vector<1x16xf32> to vector<16xf32>
      %swap3A_251 = vector.shape_cast %get3A_246 : vector<16xf32> to vector<1x16xf32>
      tpu.vector_store %arg11[%swap3A_247, %swap3A_248], %swap3A_251 {add = true, strides = array<i32>} : memref<32x384xf32, #tpu.memory_space<vmem>>, vector<1x16xf32>,
      %get3A_252 = arith.index_cast %scan3A_172 : i32 to index
      %get3A_253 = arith.constant 144 : index
      %get3A_254 = tpu.vector_load %arg15[%get3A_252, %get3A_253] {strides = array<i32>} : memref<32x384xf32, #tpu.memory_space<vmem>>, vector<1x16xf32>,
      %get3A_255 = vector.shape_cast %get3A_254 : vector<1x16xf32> to vector<16xf32>
      %swap3A_256 = arith.index_cast %scan3A_172 : i32 to index
      %swap3A_257 = arith.constant 144 : index
      %swap3A_258 = tpu.vector_load %arg11[%swap3A_256, %swap3A_257] {strides = array<i32>} : memref<32x384xf32, #tpu.memory_space<vmem>>, vector<1x16xf32>,
      %swap3A_259 = vector.shape_cast %swap3A_258 : vector<1x16xf32> to vector<16xf32>
      %swap3A_260 = vector.shape_cast %get3A_255 : vector<16xf32> to vector<1x16xf32>
      tpu.vector_store %arg11[%swap3A_256, %swap3A_257], %swap3A_260 {add = true, strides = array<i32>} : memref<32x384xf32, #tpu.memory_space<vmem>>, vector<1x16xf32>,
      %get3A_261 = arith.index_cast %scan3A_172 : i32 to index
      %get3A_262 = arith.constant 160 : index
      %get3A_263 = tpu.vector_load %arg15[%get3A_261, %get3A_262] {strides = array<i32>} : memref<32x384xf32, #tpu.memory_space<vmem>>, vector<1x16xf32>,
      %get3A_264 = vector.shape_cast %get3A_263 : vector<1x16xf32> to vector<16xf32>
      %swap3A_265 = arith.index_cast %scan3A_172 : i32 to index
      %swap3A_266 = arith.constant 160 : index
      %swap3A_267 = tpu.vector_load %arg11[%swap3A_265, %swap3A_266] {strides = array<i32>} : memref<32x384xf32, #tpu.memory_space<vmem>>, vector<1x16xf32>,
      %swap3A_268 = vector.shape_cast %swap3A_267 : vector<1x16xf32> to vector<16xf32>
      %swap3A_269 = vector.shape_cast %get3A_264 : vector<16xf32> to vector<1x16xf32>
      tpu.vector_store %arg11[%swap3A_265, %swap3A_266], %swap3A_269 {add = true, strides = array<i32>} : memref<32x384xf32, #tpu.memory_space<vmem>>, vector<1x16xf32>,
      %get3A_270 = arith.index_cast %scan3A_172 : i32 to index
      %get3A_271 = arith.constant 176 : index
      %get3A_272 = tpu.vector_load %arg15[%get3A_270, %get3A_271] {strides = array<i32>} : memref<32x384xf32, #tpu.memory_space<vmem>>, vector<1x16xf32>,
      %get3A_273 = vector.shape_cast %get3A_272 : vector<1x16xf32> to vector<16xf32>
      %swap3A_274 = arith.index_cast %scan3A_172 : i32 to index
      %swap3A_275 = arith.constant 176 : index
      %swap3A_276 = tpu.vector_load %arg11[%swap3A_274, %swap3A_275] {strides = array<i32>} : memref<32x384xf32, #tpu.memory_space<vmem>>, vector<1x16xf32>,
      %swap3A_277 = vector.shape_cast %swap3A_276 : vector<1x16xf32> to vector<16xf32>
      %swap3A_278 = vector.shape_cast %get3A_273 : vector<16xf32> to vector<1x16xf32>
      tpu.vector_store %arg11[%swap3A_274, %swap3A_275], %swap3A_278 {add = true, strides = array<i32>} : memref<32x384xf32, #tpu.memory_space<vmem>>, vector<1x16xf32>,
      %get3A_279 = arith.index_cast %scan3A_172 : i32 to index
      %get3A_280 = arith.constant 192 : index
      %get3A_281 = tpu.vector_load %arg15[%get3A_279, %get3A_280] {strides = array<i32>} : memref<32x384xf32, #tpu.memory_space<vmem>>, vector<1x16xf32>,
      %get3A_282 = vector.shape_cast %get3A_281 : vector<1x16xf32> to vector<16xf32>
      %swap3A_283 = arith.index_cast %scan3A_172 : i32 to index
      %swap3A_284 = arith.constant 192 : index
      %swap3A_285 = tpu.vector_load %arg11[%swap3A_283, %swap3A_284] {strides = array<i32>} : memref<32x384xf32, #tpu.memory_space<vmem>>, vector<1x16xf32>,
      %swap3A_286 = vector.shape_cast %swap3A_285 : vector<1x16xf32> to vector<16xf32>
      %swap3A_287 = vector.shape_cast %get3A_282 : vector<16xf32> to vector<1x16xf32>
      tpu.vector_store %arg11[%swap3A_283, %swap3A_284], %swap3A_287 {add = true, strides = array<i32>} : memref<32x384xf32, #tpu.memory_space<vmem>>, vector<1x16xf32>,
      %get3A_288 = arith.index_cast %scan3A_172 : i32 to index
      %get3A_289 = arith.constant 208 : index
      %get3A_290 = tpu.vector_load %arg15[%get3A_288, %get3A_289] {strides = array<i32>} : memref<32x384xf32, #tpu.memory_space<vmem>>, vector<1x16xf32>,
      %get3A_291 = vector.shape_cast %get3A_290 : vector<1x16xf32> to vector<16xf32>
      %swap3A_292 = arith.index_cast %scan3A_172 : i32 to index
      %swap3A_293 = arith.constant 208 : index
      %swap3A_294 = tpu.vector_load %arg11[%swap3A_292, %swap3A_293] {strides = array<i32>} : memref<32x384xf32, #tpu.memory_space<vmem>>, vector<1x16xf32>,
      %swap3A_295 = vector.shape_cast %swap3A_294 : vector<1x16xf32> to vector<16xf32>
      %swap3A_296 = vector.shape_cast %get3A_291 : vector<16xf32> to vector<1x16xf32>
      tpu.vector_store %arg11[%swap3A_292, %swap3A_293], %swap3A_296 {add = true, strides = array<i32>} : memref<32x384xf32, #tpu.memory_space<vmem>>, vector<1x16xf32>,
      %get3A_297 = arith.index_cast %scan3A_172 : i32 to index
      %get3A_298 = arith.constant 224 : index
      %get3A_299 = tpu.vector_load %arg15[%get3A_297, %get3A_298] {strides = array<i32>} : memref<32x384xf32, #tpu.memory_space<vmem>>, vector<1x16xf32>,
      %get3A_300 = vector.shape_cast %get3A_299 : vector<1x16xf32> to vector<16xf32>
      %swap3A_301 = arith.index_cast %scan3A_172 : i32 to index
      %swap3A_302 = arith.constant 224 : index
      %swap3A_303 = tpu.vector_load %arg11[%swap3A_301, %swap3A_302] {strides = array<i32>} : memref<32x384xf32, #tpu.memory_space<vmem>>, vector<1x16xf32>,
      %swap3A_304 = vector.shape_cast %swap3A_303 : vector<1x16xf32> to vector<16xf32>
      %swap3A_305 = vector.shape_cast %get3A_300 : vector<16xf32> to vector<1x16xf32>
      tpu.vector_store %arg11[%swap3A_301, %swap3A_302], %swap3A_305 {add = true, strides = array<i32>} : memref<32x384xf32, #tpu.memory_space<vmem>>, vector<1x16xf32>,
      %get3A_306 = arith.index_cast %scan3A_172 : i32 to index
      %get3A_307 = arith.constant 240 : index
      %get3A_308 = tpu.vector_load %arg15[%get3A_306, %get3A_307] {strides = array<i32>} : memref<32x384xf32, #tpu.memory_space<vmem>>, vector<1x16xf32>,
      %get3A_309 = vector.shape_cast %get3A_308 : vector<1x16xf32> to vector<16xf32>
      %swap3A_310 = arith.index_cast %scan3A_172 : i32 to index
      %swap3A_311 = arith.constant 240 : index
      %swap3A_312 = tpu.vector_load %arg11[%swap3A_310, %swap3A_311] {strides = array<i32>} : memref<32x384xf32, #tpu.memory_space<vmem>>, vector<1x16xf32>,
      %swap3A_313 = vector.shape_cast %swap3A_312 : vector<1x16xf32> to vector<16xf32>
      %swap3A_314 = vector.shape_cast %get3A_309 : vector<16xf32> to vector<1x16xf32>
      tpu.vector_store %arg11[%swap3A_310, %swap3A_311], %swap3A_314 {add = true, strides = array<i32>} : memref<32x384xf32, #tpu.memory_space<vmem>>, vector<1x16xf32>,
      %get3A_315 = arith.index_cast %scan3A_172 : i32 to index
      %get3A_316 = arith.constant 256 : index
      %get3A_317 = tpu.vector_load %arg15[%get3A_315, %get3A_316] {strides = array<i32>} : memref<32x384xf32, #tpu.memory_space<vmem>>, vector<1x16xf32>,
      %get3A_318 = vector.shape_cast %get3A_317 : vector<1x16xf32> to vector<16xf32>
      %swap3A_319 = arith.index_cast %scan3A_172 : i32 to index
      %swap3A_320 = arith.constant 256 : index
      %swap3A_321 = tpu.vector_load %arg11[%swap3A_319, %swap3A_320] {strides = array<i32>} : memref<32x384xf32, #tpu.memory_space<vmem>>, vector<1x16xf32>,
      %swap3A_322 = vector.shape_cast %swap3A_321 : vector<1x16xf32> to vector<16xf32>
      %swap3A_323 = vector.shape_cast %get3A_318 : vector<16xf32> to vector<1x16xf32>
      tpu.vector_store %arg11[%swap3A_319, %swap3A_320], %swap3A_323 {add = true, strides = array<i32>} : memref<32x384xf32, #tpu.memory_space<vmem>>, vector<1x16xf32>,
      %get3A_324 = arith.index_cast %scan3A_172 : i32 to index
      %get3A_325 = arith.constant 272 : index
      %get3A_326 = tpu.vector_load %arg15[%get3A_324, %get3A_325] {strides = array<i32>} : memref<32x384xf32, #tpu.memory_space<vmem>>, vector<1x16xf32>,
      %get3A_327 = vector.shape_cast %get3A_326 : vector<1x16xf32> to vector<16xf32>
      %swap3A_328 = arith.index_cast %scan3A_172 : i32 to index
      %swap3A_329 = arith.constant 272 : index
      %swap3A_330 = tpu.vector_load %arg11[%swap3A_328, %swap3A_329] {strides = array<i32>} : memref<32x384xf32, #tpu.memory_space<vmem>>, vector<1x16xf32>,
      %swap3A_331 = vector.shape_cast %swap3A_330 : vector<1x16xf32> to vector<16xf32>
      %swap3A_332 = vector.shape_cast %get3A_327 : vector<16xf32> to vector<1x16xf32>
      tpu.vector_store %arg11[%swap3A_328, %swap3A_329], %swap3A_332 {add = true, strides = array<i32>} : memref<32x384xf32, #tpu.memory_space<vmem>>, vector<1x16xf32>,
      %get3A_333 = arith.index_cast %scan3A_172 : i32 to index
      %get3A_334 = arith.constant 288 : index
      %get3A_335 = tpu.vector_load %arg15[%get3A_333, %get3A_334] {strides = array<i32>} : memref<32x384xf32, #tpu.memory_space<vmem>>, vector<1x16xf32>,
      %get3A_336 = vector.shape_cast %get3A_335 : vector<1x16xf32> to vector<16xf32>
      %swap3A_337 = arith.index_cast %scan3A_172 : i32 to index
      %swap3A_338 = arith.constant 288 : index
      %swap3A_339 = tpu.vector_load %arg11[%swap3A_337, %swap3A_338] {strides = array<i32>} : memref<32x384xf32, #tpu.memory_space<vmem>>, vector<1x16xf32>,
      %swap3A_340 = vector.shape_cast %swap3A_339 : vector<1x16xf32> to vector<16xf32>
      %swap3A_341 = vector.shape_cast %get3A_336 : vector<16xf32> to vector<1x16xf32>
      tpu.vector_store %arg11[%swap3A_337, %swap3A_338], %swap3A_341 {add = true, strides = array<i32>} : memref<32x384xf32, #tpu.memory_space<vmem>>, vector<1x16xf32>,
      %get3A_342 = arith.index_cast %scan3A_172 : i32 to index
      %get3A_343 = arith.constant 304 : index
      %get3A_344 = tpu.vector_load %arg15[%get3A_342, %get3A_343] {strides = array<i32>} : memref<32x384xf32, #tpu.memory_space<vmem>>, vector<1x16xf32>,
      %get3A_345 = vector.shape_cast %get3A_344 : vector<1x16xf32> to vector<16xf32>
      %swap3A_346 = arith.index_cast %scan3A_172 : i32 to index
      %swap3A_347 = arith.constant 304 : index
      %swap3A_348 = tpu.vector_load %arg11[%swap3A_346, %swap3A_347] {strides = array<i32>} : memref<32x384xf32, #tpu.memory_space<vmem>>, vector<1x16xf32>,
      %swap3A_349 = vector.shape_cast %swap3A_348 : vector<1x16xf32> to vector<16xf32>
      %swap3A_350 = vector.shape_cast %get3A_345 : vector<16xf32> to vector<1x16xf32>
      tpu.vector_store %arg11[%swap3A_346, %swap3A_347], %swap3A_350 {add = true, strides = array<i32>} : memref<32x384xf32, #tpu.memory_space<vmem>>, vector<1x16xf32>,
      %get3A_351 = arith.index_cast %scan3A_172 : i32 to index
      %get3A_352 = arith.constant 320 : index
      %get3A_353 = tpu.vector_load %arg15[%get3A_351, %get3A_352] {strides = array<i32>} : memref<32x384xf32, #tpu.memory_space<vmem>>, vector<1x16xf32>,
      %get3A_354 = vector.shape_cast %get3A_353 : vector<1x16xf32> to vector<16xf32>
      %swap3A_355 = arith.index_cast %scan3A_172 : i32 to index
      %swap3A_356 = arith.constant 320 : index
      %swap3A_357 = tpu.vector_load %arg11[%swap3A_355, %swap3A_356] {strides = array<i32>} : memref<32x384xf32, #tpu.memory_space<vmem>>, vector<1x16xf32>,
      %swap3A_358 = vector.shape_cast %swap3A_357 : vector<1x16xf32> to vector<16xf32>
      %swap3A_359 = vector.shape_cast %get3A_354 : vector<16xf32> to vector<1x16xf32>
      tpu.vector_store %arg11[%swap3A_355, %swap3A_356], %swap3A_359 {add = true, strides = array<i32>} : memref<32x384xf32, #tpu.memory_space<vmem>>, vector<1x16xf32>,
      %get3A_360 = arith.index_cast %scan3A_172 : i32 to index
      %get3A_361 = arith.constant 336 : index
      %get3A_362 = tpu.vector_load %arg15[%get3A_360, %get3A_361] {strides = array<i32>} : memref<32x384xf32, #tpu.memory_space<vmem>>, vector<1x16xf32>,
      %get3A_363 = vector.shape_cast %get3A_362 : vector<1x16xf32> to vector<16xf32>
      %swap3A_364 = arith.index_cast %scan3A_172 : i32 to index
      %swap3A_365 = arith.constant 336 : index
      %swap3A_366 = tpu.vector_load %arg11[%swap3A_364, %swap3A_365] {strides = array<i32>} : memref<32x384xf32, #tpu.memory_space<vmem>>, vector<1x16xf32>,
      %swap3A_367 = vector.shape_cast %swap3A_366 : vector<1x16xf32> to vector<16xf32>
      %swap3A_368 = vector.shape_cast %get3A_363 : vector<16xf32> to vector<1x16xf32>
      tpu.vector_store %arg11[%swap3A_364, %swap3A_365], %swap3A_368 {add = true, strides = array<i32>} : memref<32x384xf32, #tpu.memory_space<vmem>>, vector<1x16xf32>,
      %get3A_369 = arith.index_cast %scan3A_172 : i32 to index
      %get3A_370 = arith.constant 352 : index
      %get3A_371 = tpu.vector_load %arg15[%get3A_369, %get3A_370] {strides = array<i32>} : memref<32x384xf32, #tpu.memory_space<vmem>>, vector<1x16xf32>,
      %get3A_372 = vector.shape_cast %get3A_371 : vector<1x16xf32> to vector<16xf32>
      %swap3A_373 = arith.index_cast %scan3A_172 : i32 to index
      %swap3A_374 = arith.constant 352 : index
      %swap3A_375 = tpu.vector_load %arg11[%swap3A_373, %swap3A_374] {strides = array<i32>} : memref<32x384xf32, #tpu.memory_space<vmem>>, vector<1x16xf32>,
      %swap3A_376 = vector.shape_cast %swap3A_375 : vector<1x16xf32> to vector<16xf32>
      %swap3A_377 = vector.shape_cast %get3A_372 : vector<16xf32> to vector<1x16xf32>
      tpu.vector_store %arg11[%swap3A_373, %swap3A_374], %swap3A_377 {add = true, strides = array<i32>} : memref<32x384xf32, #tpu.memory_space<vmem>>, vector<1x16xf32>,
      %get3A_378 = arith.index_cast %scan3A_172 : i32 to index
      %get3A_379 = arith.constant 368 : index
      %get3A_380 = tpu.vector_load %arg15[%get3A_378, %get3A_379] {strides = array<i32>} : memref<32x384xf32, #tpu.memory_space<vmem>>, vector<1x16xf32>,
      %get3A_381 = vector.shape_cast %get3A_380 : vector<1x16xf32> to vector<16xf32>
      %swap3A_382 = arith.index_cast %scan3A_172 : i32 to index
      %swap3A_383 = arith.constant 368 : index
      %swap3A_384 = tpu.vector_load %arg11[%swap3A_382, %swap3A_383] {strides = array<i32>} : memref<32x384xf32, #tpu.memory_space<vmem>>, vector<1x16xf32>,
      %swap3A_385 = vector.shape_cast %swap3A_384 : vector<1x16xf32> to vector<16xf32>
      %swap3A_386 = vector.shape_cast %get3A_381 : vector<16xf32> to vector<1x16xf32>
      tpu.vector_store %arg11[%swap3A_382, %swap3A_383], %swap3A_386 {add = true, strides = array<i32>} : memref<32x384xf32, #tpu.memory_space<vmem>>, vector<1x16xf32>,
    }
    %scan3A_95 = arith.constant 32 : i32
    %add3A_96 = arith.constant 4000 : i32
    %add3A_97 = arith.addi %mul3A_2, %add3A_96 : i32
    %dma_start3A_98 = arith.constant 0 : i32
    %dma_start3A_99 = tpu.memref_slice %arg6[%add3A_97, %dma_start3A_98] : memref<131072x384xf32, #tpu.memory_space<hbm>> -> memref<32x384xf32, #tpu.memory_space<hbm>>
    %dma_start3A_100 = arith.constant 0 : i32
    %dma_start3A_101 = tpu.memref_slice %arg6[%add3A_97, %dma_start3A_100] : memref<131072x384xf32, #tpu.memory_space<hbm>> -> memref<32x384xf32, #tpu.memory_space<hbm>>
    tpu.enqueue_dma source(%arg11 : memref<32x384xf32, #tpu.memory_space<vmem>>) target(%dma_start3A_101 : memref<32x384xf32, #tpu.memory_space<hbm>>) target_semaphore(%arg27 : memref<!tpu.dma_semaphore, #tpu.memory_space<semaphore_mem>>)
    %add3A_102 = arith.constant 4032 : i32
    %add3A_103 = arith.addi %mul3A_2, %add3A_102 : i32
    %dma_wait3A_104 = arith.constant 0 : i32
    %dma_wait3A_105 = tpu.memref_slice %arg2[%add3A_103, %dma_wait3A_104] : memref<131072x384xf32, #tpu.memory_space<hbm>> -> memref<32x384xf32, #tpu.memory_space<hbm>>
    %dma_wait3A_106 = arith.constant 0 : i32
    %dma_wait3A_107 = tpu.memref_slice %arg2[%add3A_103, %dma_wait3A_106] : memref<131072x384xf32, #tpu.memory_space<hbm>> -> memref<32x384xf32, #tpu.memory_space<hbm>>
    tpu.wait_dma2 semaphore(%arg20 : memref<!tpu.dma_semaphore, #tpu.memory_space<semaphore_mem>>) src(%dma_wait3A_107 : memref<32x384xf32, #tpu.memory_space<hbm>>) dst(%arg12 : memref<32x384xf32, #tpu.memory_space<vmem>>)
    %dma_wait3A_108 = arith.constant 4032 : i32
    %dma_wait3A_109 = tpu.memref_slice %arg9[%dma_wait3A_108] : memref<4096xi32, #tpu.memory_space<vmem>> -> memref<32xi32, #tpu.memory_space<vmem>>
    %dma_wait3A_110 = arith.constant 0 : i32
    %dma_wait3A_111 = arith.constant 0 : i32
    %dma_wait3A_112 = tpu.memref_slice %arg5[%dma_wait3A_110, %dma_wait3A_111] : memref<262144x384xf32, #tpu.memory_space<hbm>> -> memref<262144x384xf32, #tpu.memory_space<hbm>>
    tpu.wait_indirect_dma semaphore(%arg24 : memref<!tpu.dma_semaphore, #tpu.memory_space<semaphore_mem>>) src(%dma_wait3A_112 : memref<262144x384xf32, #tpu.memory_space<hbm>>) dst(%arg16 : memref<32x384xf32, #tpu.memory_space<vmem>>)
    %scan3A_113 = arith.constant 0 : i32
    %scan3A_114 = arith.constant 0 : i32
    %scan3A_115 = arith.constant 32 : i32
    %scan3A_116 = arith.addi %scan3A_114, %scan3A_115 : i32
    %scan3A_117 = arith.constant 1 : i32
    scf.for %scan3A_172 = %scan3A_114 to %scan3A_116 step %scan3A_117  : i32 {
      %get3A = arith.index_cast %scan3A_172 : i32 to index
      %get3A_173 = arith.constant 0 : index
      %get3A_174 = tpu.vector_load %arg16[%get3A, %get3A_173] {strides = array<i32>} : memref<32x384xf32, #tpu.memory_space<vmem>>, vector<1x16xf32>,
      %get3A_175 = vector.shape_cast %get3A_174 : vector<1x16xf32> to vector<16xf32>
      %swap3A = arith.index_cast %scan3A_172 : i32 to index
      %swap3A_176 = arith.constant 0 : index
      %swap3A_177 = tpu.vector_load %arg12[%swap3A, %swap3A_176] {strides = array<i32>} : memref<32x384xf32, #tpu.memory_space<vmem>>, vector<1x16xf32>,
      %swap3A_178 = vector.shape_cast %swap3A_177 : vector<1x16xf32> to vector<16xf32>
      %swap3A_179 = vector.shape_cast %get3A_175 : vector<16xf32> to vector<1x16xf32>
      tpu.vector_store %arg12[%swap3A, %swap3A_176], %swap3A_179 {add = true, strides = array<i32>} : memref<32x384xf32, #tpu.memory_space<vmem>>, vector<1x16xf32>,
      %get3A_180 = arith.index_cast %scan3A_172 : i32 to index
      %get3A_181 = arith.constant 16 : index
      %get3A_182 = tpu.vector_load %arg16[%get3A_180, %get3A_181] {strides = array<i32>} : memref<32x384xf32, #tpu.memory_space<vmem>>, vector<1x16xf32>,
      %get3A_183 = vector.shape_cast %get3A_182 : vector<1x16xf32> to vector<16xf32>
      %swap3A_184 = arith.index_cast %scan3A_172 : i32 to index
      %swap3A_185 = arith.constant 16 : index
      %swap3A_186 = tpu.vector_load %arg12[%swap3A_184, %swap3A_185] {strides = array<i32>} : memref<32x384xf32, #tpu.memory_space<vmem>>, vector<1x16xf32>,
      %swap3A_187 = vector.shape_cast %swap3A_186 : vector<1x16xf32> to vector<16xf32>
      %swap3A_188 = vector.shape_cast %get3A_183 : vector<16xf32> to vector<1x16xf32>
      tpu.vector_store %arg12[%swap3A_184, %swap3A_185], %swap3A_188 {add = true, strides = array<i32>} : memref<32x384xf32, #tpu.memory_space<vmem>>, vector<1x16xf32>,
      %get3A_189 = arith.index_cast %scan3A_172 : i32 to index
      %get3A_190 = arith.constant 32 : index
      %get3A_191 = tpu.vector_load %arg16[%get3A_189, %get3A_190] {strides = array<i32>} : memref<32x384xf32, #tpu.memory_space<vmem>>, vector<1x16xf32>,
      %get3A_192 = vector.shape_cast %get3A_191 : vector<1x16xf32> to vector<16xf32>
      %swap3A_193 = arith.index_cast %scan3A_172 : i32 to index
      %swap3A_194 = arith.constant 32 : index
      %swap3A_195 = tpu.vector_load %arg12[%swap3A_193, %swap3A_194] {strides = array<i32>} : memref<32x384xf32, #tpu.memory_space<vmem>>, vector<1x16xf32>,
      %swap3A_196 = vector.shape_cast %swap3A_195 : vector<1x16xf32> to vector<16xf32>
      %swap3A_197 = vector.shape_cast %get3A_192 : vector<16xf32> to vector<1x16xf32>
      tpu.vector_store %arg12[%swap3A_193, %swap3A_194], %swap3A_197 {add = true, strides = array<i32>} : memref<32x384xf32, #tpu.memory_space<vmem>>, vector<1x16xf32>,
      %get3A_198 = arith.index_cast %scan3A_172 : i32 to index
      %get3A_199 = arith.constant 48 : index
      %get3A_200 = tpu.vector_load %arg16[%get3A_198, %get3A_199] {strides = array<i32>} : memref<32x384xf32, #tpu.memory_space<vmem>>, vector<1x16xf32>,
      %get3A_201 = vector.shape_cast %get3A_200 : vector<1x16xf32> to vector<16xf32>
      %swap3A_202 = arith.index_cast %scan3A_172 : i32 to index
      %swap3A_203 = arith.constant 48 : index
      %swap3A_204 = tpu.vector_load %arg12[%swap3A_202, %swap3A_203] {strides = array<i32>} : memref<32x384xf32, #tpu.memory_space<vmem>>, vector<1x16xf32>,
      %swap3A_205 = vector.shape_cast %swap3A_204 : vector<1x16xf32> to vector<16xf32>
      %swap3A_206 = vector.shape_cast %get3A_201 : vector<16xf32> to vector<1x16xf32>
      tpu.vector_store %arg12[%swap3A_202, %swap3A_203], %swap3A_206 {add = true, strides = array<i32>} : memref<32x384xf32, #tpu.memory_space<vmem>>, vector<1x16xf32>,
      %get3A_207 = arith.index_cast %scan3A_172 : i32 to index
      %get3A_208 = arith.constant 64 : index
      %get3A_209 = tpu.vector_load %arg16[%get3A_207, %get3A_208] {strides = array<i32>} : memref<32x384xf32, #tpu.memory_space<vmem>>, vector<1x16xf32>,
      %get3A_210 = vector.shape_cast %get3A_209 : vector<1x16xf32> to vector<16xf32>
      %swap3A_211 = arith.index_cast %scan3A_172 : i32 to index
      %swap3A_212 = arith.constant 64 : index
      %swap3A_213 = tpu.vector_load %arg12[%swap3A_211, %swap3A_212] {strides = array<i32>} : memref<32x384xf32, #tpu.memory_space<vmem>>, vector<1x16xf32>,
      %swap3A_214 = vector.shape_cast %swap3A_213 : vector<1x16xf32> to vector<16xf32>
      %swap3A_215 = vector.shape_cast %get3A_210 : vector<16xf32> to vector<1x16xf32>
      tpu.vector_store %arg12[%swap3A_211, %swap3A_212], %swap3A_215 {add = true, strides = array<i32>} : memref<32x384xf32, #tpu.memory_space<vmem>>, vector<1x16xf32>,
      %get3A_216 = arith.index_cast %scan3A_172 : i32 to index
      %get3A_217 = arith.constant 80 : index
      %get3A_218 = tpu.vector_load %arg16[%get3A_216, %get3A_217] {strides = array<i32>} : memref<32x384xf32, #tpu.memory_space<vmem>>, vector<1x16xf32>,
      %get3A_219 = vector.shape_cast %get3A_218 : vector<1x16xf32> to vector<16xf32>
      %swap3A_220 = arith.index_cast %scan3A_172 : i32 to index
      %swap3A_221 = arith.constant 80 : index
      %swap3A_222 = tpu.vector_load %arg12[%swap3A_220, %swap3A_221] {strides = array<i32>} : memref<32x384xf32, #tpu.memory_space<vmem>>, vector<1x16xf32>,
      %swap3A_223 = vector.shape_cast %swap3A_222 : vector<1x16xf32> to vector<16xf32>
      %swap3A_224 = vector.shape_cast %get3A_219 : vector<16xf32> to vector<1x16xf32>
      tpu.vector_store %arg12[%swap3A_220, %swap3A_221], %swap3A_224 {add = true, strides = array<i32>} : memref<32x384xf32, #tpu.memory_space<vmem>>, vector<1x16xf32>,
      %get3A_225 = arith.index_cast %scan3A_172 : i32 to index
      %get3A_226 = arith.constant 96 : index
      %get3A_227 = tpu.vector_load %arg16[%get3A_225, %get3A_226] {strides = array<i32>} : memref<32x384xf32, #tpu.memory_space<vmem>>, vector<1x16xf32>,
      %get3A_228 = vector.shape_cast %get3A_227 : vector<1x16xf32> to vector<16xf32>
      %swap3A_229 = arith.index_cast %scan3A_172 : i32 to index
      %swap3A_230 = arith.constant 96 : index
      %swap3A_231 = tpu.vector_load %arg12[%swap3A_229, %swap3A_230] {strides = array<i32>} : memref<32x384xf32, #tpu.memory_space<vmem>>, vector<1x16xf32>,
      %swap3A_232 = vector.shape_cast %swap3A_231 : vector<1x16xf32> to vector<16xf32>
      %swap3A_233 = vector.shape_cast %get3A_228 : vector<16xf32> to vector<1x16xf32>
      tpu.vector_store %arg12[%swap3A_229, %swap3A_230], %swap3A_233 {add = true, strides = array<i32>} : memref<32x384xf32, #tpu.memory_space<vmem>>, vector<1x16xf32>,
      %get3A_234 = arith.index_cast %scan3A_172 : i32 to index
      %get3A_235 = arith.constant 112 : index
      %get3A_236 = tpu.vector_load %arg16[%get3A_234, %get3A_235] {strides = array<i32>} : memref<32x384xf32, #tpu.memory_space<vmem>>, vector<1x16xf32>,
      %get3A_237 = vector.shape_cast %get3A_236 : vector<1x16xf32> to vector<16xf32>
      %swap3A_238 = arith.index_cast %scan3A_172 : i32 to index
      %swap3A_239 = arith.constant 112 : index
      %swap3A_240 = tpu.vector_load %arg12[%swap3A_238, %swap3A_239] {strides = array<i32>} : memref<32x384xf32, #tpu.memory_space<vmem>>, vector<1x16xf32>,
      %swap3A_241 = vector.shape_cast %swap3A_240 : vector<1x16xf32> to vector<16xf32>
      %swap3A_242 = vector.shape_cast %get3A_237 : vector<16xf32> to vector<1x16xf32>
      tpu.vector_store %arg12[%swap3A_238, %swap3A_239], %swap3A_242 {add = true, strides = array<i32>} : memref<32x384xf32, #tpu.memory_space<vmem>>, vector<1x16xf32>,
      %get3A_243 = arith.index_cast %scan3A_172 : i32 to index
      %get3A_244 = arith.constant 128 : index
      %get3A_245 = tpu.vector_load %arg16[%get3A_243, %get3A_244] {strides = array<i32>} : memref<32x384xf32, #tpu.memory_space<vmem>>, vector<1x16xf32>,
      %get3A_246 = vector.shape_cast %get3A_245 : vector<1x16xf32> to vector<16xf32>
      %swap3A_247 = arith.index_cast %scan3A_172 : i32 to index
      %swap3A_248 = arith.constant 128 : index
      %swap3A_249 = tpu.vector_load %arg12[%swap3A_247, %swap3A_248] {strides = array<i32>} : memref<32x384xf32, #tpu.memory_space<vmem>>, vector<1x16xf32>,
      %swap3A_250 = vector.shape_cast %swap3A_249 : vector<1x16xf32> to vector<16xf32>
      %swap3A_251 = vector.shape_cast %get3A_246 : vector<16xf32> to vector<1x16xf32>
      tpu.vector_store %arg12[%swap3A_247, %swap3A_248], %swap3A_251 {add = true, strides = array<i32>} : memref<32x384xf32, #tpu.memory_space<vmem>>, vector<1x16xf32>,
      %get3A_252 = arith.index_cast %scan3A_172 : i32 to index
      %get3A_253 = arith.constant 144 : index
      %get3A_254 = tpu.vector_load %arg16[%get3A_252, %get3A_253] {strides = array<i32>} : memref<32x384xf32, #tpu.memory_space<vmem>>, vector<1x16xf32>,
      %get3A_255 = vector.shape_cast %get3A_254 : vector<1x16xf32> to vector<16xf32>
      %swap3A_256 = arith.index_cast %scan3A_172 : i32 to index
      %swap3A_257 = arith.constant 144 : index
      %swap3A_258 = tpu.vector_load %arg12[%swap3A_256, %swap3A_257] {strides = array<i32>} : memref<32x384xf32, #tpu.memory_space<vmem>>, vector<1x16xf32>,
      %swap3A_259 = vector.shape_cast %swap3A_258 : vector<1x16xf32> to vector<16xf32>
      %swap3A_260 = vector.shape_cast %get3A_255 : vector<16xf32> to vector<1x16xf32>
      tpu.vector_store %arg12[%swap3A_256, %swap3A_257], %swap3A_260 {add = true, strides = array<i32>} : memref<32x384xf32, #tpu.memory_space<vmem>>, vector<1x16xf32>,
      %get3A_261 = arith.index_cast %scan3A_172 : i32 to index
      %get3A_262 = arith.constant 160 : index
      %get3A_263 = tpu.vector_load %arg16[%get3A_261, %get3A_262] {strides = array<i32>} : memref<32x384xf32, #tpu.memory_space<vmem>>, vector<1x16xf32>,
      %get3A_264 = vector.shape_cast %get3A_263 : vector<1x16xf32> to vector<16xf32>
      %swap3A_265 = arith.index_cast %scan3A_172 : i32 to index
      %swap3A_266 = arith.constant 160 : index
      %swap3A_267 = tpu.vector_load %arg12[%swap3A_265, %swap3A_266] {strides = array<i32>} : memref<32x384xf32, #tpu.memory_space<vmem>>, vector<1x16xf32>,
      %swap3A_268 = vector.shape_cast %swap3A_267 : vector<1x16xf32> to vector<16xf32>
      %swap3A_269 = vector.shape_cast %get3A_264 : vector<16xf32> to vector<1x16xf32>
      tpu.vector_store %arg12[%swap3A_265, %swap3A_266], %swap3A_269 {add = true, strides = array<i32>} : memref<32x384xf32, #tpu.memory_space<vmem>>, vector<1x16xf32>,
      %get3A_270 = arith.index_cast %scan3A_172 : i32 to index
      %get3A_271 = arith.constant 176 : index
      %get3A_272 = tpu.vector_load %arg16[%get3A_270, %get3A_271] {strides = array<i32>} : memref<32x384xf32, #tpu.memory_space<vmem>>, vector<1x16xf32>,
      %get3A_273 = vector.shape_cast %get3A_272 : vector<1x16xf32> to vector<16xf32>
      %swap3A_274 = arith.index_cast %scan3A_172 : i32 to index
      %swap3A_275 = arith.constant 176 : index
      %swap3A_276 = tpu.vector_load %arg12[%swap3A_274, %swap3A_275] {strides = array<i32>} : memref<32x384xf32, #tpu.memory_space<vmem>>, vector<1x16xf32>,
      %swap3A_277 = vector.shape_cast %swap3A_276 : vector<1x16xf32> to vector<16xf32>
      %swap3A_278 = vector.shape_cast %get3A_273 : vector<16xf32> to vector<1x16xf32>
      tpu.vector_store %arg12[%swap3A_274, %swap3A_275], %swap3A_278 {add = true, strides = array<i32>} : memref<32x384xf32, #tpu.memory_space<vmem>>, vector<1x16xf32>,
      %get3A_279 = arith.index_cast %scan3A_172 : i32 to index
      %get3A_280 = arith.constant 192 : index
      %get3A_281 = tpu.vector_load %arg16[%get3A_279, %get3A_280] {strides = array<i32>} : memref<32x384xf32, #tpu.memory_space<vmem>>, vector<1x16xf32>,
      %get3A_282 = vector.shape_cast %get3A_281 : vector<1x16xf32> to vector<16xf32>
      %swap3A_283 = arith.index_cast %scan3A_172 : i32 to index
      %swap3A_284 = arith.constant 192 : index
      %swap3A_285 = tpu.vector_load %arg12[%swap3A_283, %swap3A_284] {strides = array<i32>} : memref<32x384xf32, #tpu.memory_space<vmem>>, vector<1x16xf32>,
      %swap3A_286 = vector.shape_cast %swap3A_285 : vector<1x16xf32> to vector<16xf32>
      %swap3A_287 = vector.shape_cast %get3A_282 : vector<16xf32> to vector<1x16xf32>
      tpu.vector_store %arg12[%swap3A_283, %swap3A_284], %swap3A_287 {add = true, strides = array<i32>} : memref<32x384xf32, #tpu.memory_space<vmem>>, vector<1x16xf32>,
      %get3A_288 = arith.index_cast %scan3A_172 : i32 to index
      %get3A_289 = arith.constant 208 : index
      %get3A_290 = tpu.vector_load %arg16[%get3A_288, %get3A_289] {strides = array<i32>} : memref<32x384xf32, #tpu.memory_space<vmem>>, vector<1x16xf32>,
      %get3A_291 = vector.shape_cast %get3A_290 : vector<1x16xf32> to vector<16xf32>
      %swap3A_292 = arith.index_cast %scan3A_172 : i32 to index
      %swap3A_293 = arith.constant 208 : index
      %swap3A_294 = tpu.vector_load %arg12[%swap3A_292, %swap3A_293] {strides = array<i32>} : memref<32x384xf32, #tpu.memory_space<vmem>>, vector<1x16xf32>,
      %swap3A_295 = vector.shape_cast %swap3A_294 : vector<1x16xf32> to vector<16xf32>
      %swap3A_296 = vector.shape_cast %get3A_291 : vector<16xf32> to vector<1x16xf32>
      tpu.vector_store %arg12[%swap3A_292, %swap3A_293], %swap3A_296 {add = true, strides = array<i32>} : memref<32x384xf32, #tpu.memory_space<vmem>>, vector<1x16xf32>,
      %get3A_297 = arith.index_cast %scan3A_172 : i32 to index
      %get3A_298 = arith.constant 224 : index
      %get3A_299 = tpu.vector_load %arg16[%get3A_297, %get3A_298] {strides = array<i32>} : memref<32x384xf32, #tpu.memory_space<vmem>>, vector<1x16xf32>,
      %get3A_300 = vector.shape_cast %get3A_299 : vector<1x16xf32> to vector<16xf32>
      %swap3A_301 = arith.index_cast %scan3A_172 : i32 to index
      %swap3A_302 = arith.constant 224 : index
      %swap3A_303 = tpu.vector_load %arg12[%swap3A_301, %swap3A_302] {strides = array<i32>} : memref<32x384xf32, #tpu.memory_space<vmem>>, vector<1x16xf32>,
      %swap3A_304 = vector.shape_cast %swap3A_303 : vector<1x16xf32> to vector<16xf32>
      %swap3A_305 = vector.shape_cast %get3A_300 : vector<16xf32> to vector<1x16xf32>
      tpu.vector_store %arg12[%swap3A_301, %swap3A_302], %swap3A_305 {add = true, strides = array<i32>} : memref<32x384xf32, #tpu.memory_space<vmem>>, vector<1x16xf32>,
      %get3A_306 = arith.index_cast %scan3A_172 : i32 to index
      %get3A_307 = arith.constant 240 : index
      %get3A_308 = tpu.vector_load %arg16[%get3A_306, %get3A_307] {strides = array<i32>} : memref<32x384xf32, #tpu.memory_space<vmem>>, vector<1x16xf32>,
      %get3A_309 = vector.shape_cast %get3A_308 : vector<1x16xf32> to vector<16xf32>
      %swap3A_310 = arith.index_cast %scan3A_172 : i32 to index
      %swap3A_311 = arith.constant 240 : index
      %swap3A_312 = tpu.vector_load %arg12[%swap3A_310, %swap3A_311] {strides = array<i32>} : memref<32x384xf32, #tpu.memory_space<vmem>>, vector<1x16xf32>,
      %swap3A_313 = vector.shape_cast %swap3A_312 : vector<1x16xf32> to vector<16xf32>
      %swap3A_314 = vector.shape_cast %get3A_309 : vector<16xf32> to vector<1x16xf32>
      tpu.vector_store %arg12[%swap3A_310, %swap3A_311], %swap3A_314 {add = true, strides = array<i32>} : memref<32x384xf32, #tpu.memory_space<vmem>>, vector<1x16xf32>,
      %get3A_315 = arith.index_cast %scan3A_172 : i32 to index
      %get3A_316 = arith.constant 256 : index
      %get3A_317 = tpu.vector_load %arg16[%get3A_315, %get3A_316] {strides = array<i32>} : memref<32x384xf32, #tpu.memory_space<vmem>>, vector<1x16xf32>,
      %get3A_318 = vector.shape_cast %get3A_317 : vector<1x16xf32> to vector<16xf32>
      %swap3A_319 = arith.index_cast %scan3A_172 : i32 to index
      %swap3A_320 = arith.constant 256 : index
      %swap3A_321 = tpu.vector_load %arg12[%swap3A_319, %swap3A_320] {strides = array<i32>} : memref<32x384xf32, #tpu.memory_space<vmem>>, vector<1x16xf32>,
      %swap3A_322 = vector.shape_cast %swap3A_321 : vector<1x16xf32> to vector<16xf32>
      %swap3A_323 = vector.shape_cast %get3A_318 : vector<16xf32> to vector<1x16xf32>
      tpu.vector_store %arg12[%swap3A_319, %swap3A_320], %swap3A_323 {add = true, strides = array<i32>} : memref<32x384xf32, #tpu.memory_space<vmem>>, vector<1x16xf32>,
      %get3A_324 = arith.index_cast %scan3A_172 : i32 to index
      %get3A_325 = arith.constant 272 : index
      %get3A_326 = tpu.vector_load %arg16[%get3A_324, %get3A_325] {strides = array<i32>} : memref<32x384xf32, #tpu.memory_space<vmem>>, vector<1x16xf32>,
      %get3A_327 = vector.shape_cast %get3A_326 : vector<1x16xf32> to vector<16xf32>
      %swap3A_328 = arith.index_cast %scan3A_172 : i32 to index
      %swap3A_329 = arith.constant 272 : index
      %swap3A_330 = tpu.vector_load %arg12[%swap3A_328, %swap3A_329] {strides = array<i32>} : memref<32x384xf32, #tpu.memory_space<vmem>>, vector<1x16xf32>,
      %swap3A_331 = vector.shape_cast %swap3A_330 : vector<1x16xf32> to vector<16xf32>
      %swap3A_332 = vector.shape_cast %get3A_327 : vector<16xf32> to vector<1x16xf32>
      tpu.vector_store %arg12[%swap3A_328, %swap3A_329], %swap3A_332 {add = true, strides = array<i32>} : memref<32x384xf32, #tpu.memory_space<vmem>>, vector<1x16xf32>,
      %get3A_333 = arith.index_cast %scan3A_172 : i32 to index
      %get3A_334 = arith.constant 288 : index
      %get3A_335 = tpu.vector_load %arg16[%get3A_333, %get3A_334] {strides = array<i32>} : memref<32x384xf32, #tpu.memory_space<vmem>>, vector<1x16xf32>,
      %get3A_336 = vector.shape_cast %get3A_335 : vector<1x16xf32> to vector<16xf32>
      %swap3A_337 = arith.index_cast %scan3A_172 : i32 to index
      %swap3A_338 = arith.constant 288 : index
      %swap3A_339 = tpu.vector_load %arg12[%swap3A_337, %swap3A_338] {strides = array<i32>} : memref<32x384xf32, #tpu.memory_space<vmem>>, vector<1x16xf32>,
      %swap3A_340 = vector.shape_cast %swap3A_339 : vector<1x16xf32> to vector<16xf32>
      %swap3A_341 = vector.shape_cast %get3A_336 : vector<16xf32> to vector<1x16xf32>
      tpu.vector_store %arg12[%swap3A_337, %swap3A_338], %swap3A_341 {add = true, strides = array<i32>} : memref<32x384xf32, #tpu.memory_space<vmem>>, vector<1x16xf32>,
      %get3A_342 = arith.index_cast %scan3A_172 : i32 to index
      %get3A_343 = arith.constant 304 : index
      %get3A_344 = tpu.vector_load %arg16[%get3A_342, %get3A_343] {strides = array<i32>} : memref<32x384xf32, #tpu.memory_space<vmem>>, vector<1x16xf32>,
      %get3A_345 = vector.shape_cast %get3A_344 : vector<1x16xf32> to vector<16xf32>
      %swap3A_346 = arith.index_cast %scan3A_172 : i32 to index
      %swap3A_347 = arith.constant 304 : index
      %swap3A_348 = tpu.vector_load %arg12[%swap3A_346, %swap3A_347] {strides = array<i32>} : memref<32x384xf32, #tpu.memory_space<vmem>>, vector<1x16xf32>,
      %swap3A_349 = vector.shape_cast %swap3A_348 : vector<1x16xf32> to vector<16xf32>
      %swap3A_350 = vector.shape_cast %get3A_345 : vector<16xf32> to vector<1x16xf32>
      tpu.vector_store %arg12[%swap3A_346, %swap3A_347], %swap3A_350 {add = true, strides = array<i32>} : memref<32x384xf32, #tpu.memory_space<vmem>>, vector<1x16xf32>,
      %get3A_351 = arith.index_cast %scan3A_172 : i32 to index
      %get3A_352 = arith.constant 320 : index
      %get3A_353 = tpu.vector_load %arg16[%get3A_351, %get3A_352] {strides = array<i32>} : memref<32x384xf32, #tpu.memory_space<vmem>>, vector<1x16xf32>,
      %get3A_354 = vector.shape_cast %get3A_353 : vector<1x16xf32> to vector<16xf32>
      %swap3A_355 = arith.index_cast %scan3A_172 : i32 to index
      %swap3A_356 = arith.constant 320 : index
      %swap3A_357 = tpu.vector_load %arg12[%swap3A_355, %swap3A_356] {strides = array<i32>} : memref<32x384xf32, #tpu.memory_space<vmem>>, vector<1x16xf32>,
      %swap3A_358 = vector.shape_cast %swap3A_357 : vector<1x16xf32> to vector<16xf32>
      %swap3A_359 = vector.shape_cast %get3A_354 : vector<16xf32> to vector<1x16xf32>
      tpu.vector_store %arg12[%swap3A_355, %swap3A_356], %swap3A_359 {add = true, strides = array<i32>} : memref<32x384xf32, #tpu.memory_space<vmem>>, vector<1x16xf32>,
      %get3A_360 = arith.index_cast %scan3A_172 : i32 to index
      %get3A_361 = arith.constant 336 : index
      %get3A_362 = tpu.vector_load %arg16[%get3A_360, %get3A_361] {strides = array<i32>} : memref<32x384xf32, #tpu.memory_space<vmem>>, vector<1x16xf32>,
      %get3A_363 = vector.shape_cast %get3A_362 : vector<1x16xf32> to vector<16xf32>
      %swap3A_364 = arith.index_cast %scan3A_172 : i32 to index
      %swap3A_365 = arith.constant 336 : index
      %swap3A_366 = tpu.vector_load %arg12[%swap3A_364, %swap3A_365] {strides = array<i32>} : memref<32x384xf32, #tpu.memory_space<vmem>>, vector<1x16xf32>,
      %swap3A_367 = vector.shape_cast %swap3A_366 : vector<1x16xf32> to vector<16xf32>
      %swap3A_368 = vector.shape_cast %get3A_363 : vector<16xf32> to vector<1x16xf32>
      tpu.vector_store %arg12[%swap3A_364, %swap3A_365], %swap3A_368 {add = true, strides = array<i32>} : memref<32x384xf32, #tpu.memory_space<vmem>>, vector<1x16xf32>,
      %get3A_369 = arith.index_cast %scan3A_172 : i32 to index
      %get3A_370 = arith.constant 352 : index
      %get3A_371 = tpu.vector_load %arg16[%get3A_369, %get3A_370] {strides = array<i32>} : memref<32x384xf32, #tpu.memory_space<vmem>>, vector<1x16xf32>,
      %get3A_372 = vector.shape_cast %get3A_371 : vector<1x16xf32> to vector<16xf32>
      %swap3A_373 = arith.index_cast %scan3A_172 : i32 to index
      %swap3A_374 = arith.constant 352 : index
      %swap3A_375 = tpu.vector_load %arg12[%swap3A_373, %swap3A_374] {strides = array<i32>} : memref<32x384xf32, #tpu.memory_space<vmem>>, vector<1x16xf32>,
      %swap3A_376 = vector.shape_cast %swap3A_375 : vector<1x16xf32> to vector<16xf32>
      %swap3A_377 = vector.shape_cast %get3A_372 : vector<16xf32> to vector<1x16xf32>
      tpu.vector_store %arg12[%swap3A_373, %swap3A_374], %swap3A_377 {add = true, strides = array<i32>} : memref<32x384xf32, #tpu.memory_space<vmem>>, vector<1x16xf32>,
      %get3A_378 = arith.index_cast %scan3A_172 : i32 to index
      %get3A_379 = arith.constant 368 : index
      %get3A_380 = tpu.vector_load %arg16[%get3A_378, %get3A_379] {strides = array<i32>} : memref<32x384xf32, #tpu.memory_space<vmem>>, vector<1x16xf32>,
      %get3A_381 = vector.shape_cast %get3A_380 : vector<1x16xf32> to vector<16xf32>
      %swap3A_382 = arith.index_cast %scan3A_172 : i32 to index
      %swap3A_383 = arith.constant 368 : index
      %swap3A_384 = tpu.vector_load %arg12[%swap3A_382, %swap3A_383] {strides = array<i32>} : memref<32x384xf32, #tpu.memory_space<vmem>>, vector<1x16xf32>,
      %swap3A_385 = vector.shape_cast %swap3A_384 : vector<1x16xf32> to vector<16xf32>
      %swap3A_386 = vector.shape_cast %get3A_381 : vector<16xf32> to vector<1x16xf32>
      tpu.vector_store %arg12[%swap3A_382, %swap3A_383], %swap3A_386 {add = true, strides = array<i32>} : memref<32x384xf32, #tpu.memory_space<vmem>>, vector<1x16xf32>,
    }
    %scan3A_118 = arith.constant 32 : i32
    %add3A_119 = arith.constant 4032 : i32
    %add3A_120 = arith.addi %mul3A_2, %add3A_119 : i32
    %dma_start3A_121 = arith.constant 0 : i32
    %dma_start3A_122 = tpu.memref_slice %arg6[%add3A_120, %dma_start3A_121] : memref<131072x384xf32, #tpu.memory_space<hbm>> -> memref<32x384xf32, #tpu.memory_space<hbm>>
    %dma_start3A_123 = arith.constant 0 : i32
    %dma_start3A_124 = tpu.memref_slice %arg6[%add3A_120, %dma_start3A_123] : memref<131072x384xf32, #tpu.memory_space<hbm>> -> memref<32x384xf32, #tpu.memory_space<hbm>>
    tpu.enqueue_dma source(%arg12 : memref<32x384xf32, #tpu.memory_space<vmem>>) target(%dma_start3A_124 : memref<32x384xf32, #tpu.memory_space<hbm>>) target_semaphore(%arg28 : memref<!tpu.dma_semaphore, #tpu.memory_space<semaphore_mem>>)
    %add3A_125 = arith.constant 4064 : i32
    %add3A_126 = arith.addi %mul3A_2, %add3A_125 : i32
    %dma_wait3A_127 = arith.constant 0 : i32
    %dma_wait3A_128 = tpu.memref_slice %arg2[%add3A_126, %dma_wait3A_127] : memref<131072x384xf32, #tpu.memory_space<hbm>> -> memref<32x384xf32, #tpu.memory_space<hbm>>
    %dma_wait3A_129 = arith.constant 0 : i32
    %dma_wait3A_130 = tpu.memref_slice %arg2[%add3A_126, %dma_wait3A_129] : memref<131072x384xf32, #tpu.memory_space<hbm>> -> memref<32x384xf32, #tpu.memory_space<hbm>>
    tpu.wait_dma2 semaphore(%arg21 : memref<!tpu.dma_semaphore, #tpu.memory_space<semaphore_mem>>) src(%dma_wait3A_130 : memref<32x384xf32, #tpu.memory_space<hbm>>) dst(%arg13 : memref<32x384xf32, #tpu.memory_space<vmem>>)
    %dma_wait3A_131 = arith.constant 4064 : i32
    %dma_wait3A_132 = tpu.memref_slice %arg9[%dma_wait3A_131] : memref<4096xi32, #tpu.memory_space<vmem>> -> memref<32xi32, #tpu.memory_space<vmem>>
    %dma_wait3A_133 = arith.constant 0 : i32
    %dma_wait3A_134 = arith.constant 0 : i32
    %dma_wait3A_135 = tpu.memref_slice %arg5[%dma_wait3A_133, %dma_wait3A_134] : memref<262144x384xf32, #tpu.memory_space<hbm>> -> memref<262144x384xf32, #tpu.memory_space<hbm>>
    tpu.wait_indirect_dma semaphore(%arg25 : memref<!tpu.dma_semaphore, #tpu.memory_space<semaphore_mem>>) src(%dma_wait3A_135 : memref<262144x384xf32, #tpu.memory_space<hbm>>) dst(%arg17 : memref<32x384xf32, #tpu.memory_space<vmem>>)
    %scan3A_136 = arith.constant 0 : i32
    %scan3A_137 = arith.constant 0 : i32
    %scan3A_138 = arith.constant 32 : i32
    %scan3A_139 = arith.addi %scan3A_137, %scan3A_138 : i32
    %scan3A_140 = arith.constant 1 : i32
    scf.for %scan3A_172 = %scan3A_137 to %scan3A_139 step %scan3A_140  : i32 {
      %get3A = arith.index_cast %scan3A_172 : i32 to index
      %get3A_173 = arith.constant 0 : index
      %get3A_174 = tpu.vector_load %arg17[%get3A, %get3A_173] {strides = array<i32>} : memref<32x384xf32, #tpu.memory_space<vmem>>, vector<1x16xf32>,
      %get3A_175 = vector.shape_cast %get3A_174 : vector<1x16xf32> to vector<16xf32>
      %swap3A = arith.index_cast %scan3A_172 : i32 to index
      %swap3A_176 = arith.constant 0 : index
      %swap3A_177 = tpu.vector_load %arg13[%swap3A, %swap3A_176] {strides = array<i32>} : memref<32x384xf32, #tpu.memory_space<vmem>>, vector<1x16xf32>,
      %swap3A_178 = vector.shape_cast %swap3A_177 : vector<1x16xf32> to vector<16xf32>
      %swap3A_179 = vector.shape_cast %get3A_175 : vector<16xf32> to vector<1x16xf32>
      tpu.vector_store %arg13[%swap3A, %swap3A_176], %swap3A_179 {add = true, strides = array<i32>} : memref<32x384xf32, #tpu.memory_space<vmem>>, vector<1x16xf32>,
      %get3A_180 = arith.index_cast %scan3A_172 : i32 to index
      %get3A_181 = arith.constant 16 : index
      %get3A_182 = tpu.vector_load %arg17[%get3A_180, %get3A_181] {strides = array<i32>} : memref<32x384xf32, #tpu.memory_space<vmem>>, vector<1x16xf32>,
      %get3A_183 = vector.shape_cast %get3A_182 : vector<1x16xf32> to vector<16xf32>
      %swap3A_184 = arith.index_cast %scan3A_172 : i32 to index
      %swap3A_185 = arith.constant 16 : index
      %swap3A_186 = tpu.vector_load %arg13[%swap3A_184, %swap3A_185] {strides = array<i32>} : memref<32x384xf32, #tpu.memory_space<vmem>>, vector<1x16xf32>,
      %swap3A_187 = vector.shape_cast %swap3A_186 : vector<1x16xf32> to vector<16xf32>
      %swap3A_188 = vector.shape_cast %get3A_183 : vector<16xf32> to vector<1x16xf32>
      tpu.vector_store %arg13[%swap3A_184, %swap3A_185], %swap3A_188 {add = true, strides = array<i32>} : memref<32x384xf32, #tpu.memory_space<vmem>>, vector<1x16xf32>,
      %get3A_189 = arith.index_cast %scan3A_172 : i32 to index
      %get3A_190 = arith.constant 32 : index
      %get3A_191 = tpu.vector_load %arg17[%get3A_189, %get3A_190] {strides = array<i32>} : memref<32x384xf32, #tpu.memory_space<vmem>>, vector<1x16xf32>,
      %get3A_192 = vector.shape_cast %get3A_191 : vector<1x16xf32> to vector<16xf32>
      %swap3A_193 = arith.index_cast %scan3A_172 : i32 to index
      %swap3A_194 = arith.constant 32 : index
      %swap3A_195 = tpu.vector_load %arg13[%swap3A_193, %swap3A_194] {strides = array<i32>} : memref<32x384xf32, #tpu.memory_space<vmem>>, vector<1x16xf32>,
      %swap3A_196 = vector.shape_cast %swap3A_195 : vector<1x16xf32> to vector<16xf32>
      %swap3A_197 = vector.shape_cast %get3A_192 : vector<16xf32> to vector<1x16xf32>
      tpu.vector_store %arg13[%swap3A_193, %swap3A_194], %swap3A_197 {add = true, strides = array<i32>} : memref<32x384xf32, #tpu.memory_space<vmem>>, vector<1x16xf32>,
      %get3A_198 = arith.index_cast %scan3A_172 : i32 to index
      %get3A_199 = arith.constant 48 : index
      %get3A_200 = tpu.vector_load %arg17[%get3A_198, %get3A_199] {strides = array<i32>} : memref<32x384xf32, #tpu.memory_space<vmem>>, vector<1x16xf32>,
      %get3A_201 = vector.shape_cast %get3A_200 : vector<1x16xf32> to vector<16xf32>
      %swap3A_202 = arith.index_cast %scan3A_172 : i32 to index
      %swap3A_203 = arith.constant 48 : index
      %swap3A_204 = tpu.vector_load %arg13[%swap3A_202, %swap3A_203] {strides = array<i32>} : memref<32x384xf32, #tpu.memory_space<vmem>>, vector<1x16xf32>,
      %swap3A_205 = vector.shape_cast %swap3A_204 : vector<1x16xf32> to vector<16xf32>
      %swap3A_206 = vector.shape_cast %get3A_201 : vector<16xf32> to vector<1x16xf32>
      tpu.vector_store %arg13[%swap3A_202, %swap3A_203], %swap3A_206 {add = true, strides = array<i32>} : memref<32x384xf32, #tpu.memory_space<vmem>>, vector<1x16xf32>,
      %get3A_207 = arith.index_cast %scan3A_172 : i32 to index
      %get3A_208 = arith.constant 64 : index
      %get3A_209 = tpu.vector_load %arg17[%get3A_207, %get3A_208] {strides = array<i32>} : memref<32x384xf32, #tpu.memory_space<vmem>>, vector<1x16xf32>,
      %get3A_210 = vector.shape_cast %get3A_209 : vector<1x16xf32> to vector<16xf32>
      %swap3A_211 = arith.index_cast %scan3A_172 : i32 to index
      %swap3A_212 = arith.constant 64 : index
      %swap3A_213 = tpu.vector_load %arg13[%swap3A_211, %swap3A_212] {strides = array<i32>} : memref<32x384xf32, #tpu.memory_space<vmem>>, vector<1x16xf32>,
      %swap3A_214 = vector.shape_cast %swap3A_213 : vector<1x16xf32> to vector<16xf32>
      %swap3A_215 = vector.shape_cast %get3A_210 : vector<16xf32> to vector<1x16xf32>
      tpu.vector_store %arg13[%swap3A_211, %swap3A_212], %swap3A_215 {add = true, strides = array<i32>} : memref<32x384xf32, #tpu.memory_space<vmem>>, vector<1x16xf32>,
      %get3A_216 = arith.index_cast %scan3A_172 : i32 to index
      %get3A_217 = arith.constant 80 : index
      %get3A_218 = tpu.vector_load %arg17[%get3A_216, %get3A_217] {strides = array<i32>} : memref<32x384xf32, #tpu.memory_space<vmem>>, vector<1x16xf32>,
      %get3A_219 = vector.shape_cast %get3A_218 : vector<1x16xf32> to vector<16xf32>
      %swap3A_220 = arith.index_cast %scan3A_172 : i32 to index
      %swap3A_221 = arith.constant 80 : index
      %swap3A_222 = tpu.vector_load %arg13[%swap3A_220, %swap3A_221] {strides = array<i32>} : memref<32x384xf32, #tpu.memory_space<vmem>>, vector<1x16xf32>,
      %swap3A_223 = vector.shape_cast %swap3A_222 : vector<1x16xf32> to vector<16xf32>
      %swap3A_224 = vector.shape_cast %get3A_219 : vector<16xf32> to vector<1x16xf32>
      tpu.vector_store %arg13[%swap3A_220, %swap3A_221], %swap3A_224 {add = true, strides = array<i32>} : memref<32x384xf32, #tpu.memory_space<vmem>>, vector<1x16xf32>,
      %get3A_225 = arith.index_cast %scan3A_172 : i32 to index
      %get3A_226 = arith.constant 96 : index
      %get3A_227 = tpu.vector_load %arg17[%get3A_225, %get3A_226] {strides = array<i32>} : memref<32x384xf32, #tpu.memory_space<vmem>>, vector<1x16xf32>,
      %get3A_228 = vector.shape_cast %get3A_227 : vector<1x16xf32> to vector<16xf32>
      %swap3A_229 = arith.index_cast %scan3A_172 : i32 to index
      %swap3A_230 = arith.constant 96 : index
      %swap3A_231 = tpu.vector_load %arg13[%swap3A_229, %swap3A_230] {strides = array<i32>} : memref<32x384xf32, #tpu.memory_space<vmem>>, vector<1x16xf32>,
      %swap3A_232 = vector.shape_cast %swap3A_231 : vector<1x16xf32> to vector<16xf32>
      %swap3A_233 = vector.shape_cast %get3A_228 : vector<16xf32> to vector<1x16xf32>
      tpu.vector_store %arg13[%swap3A_229, %swap3A_230], %swap3A_233 {add = true, strides = array<i32>} : memref<32x384xf32, #tpu.memory_space<vmem>>, vector<1x16xf32>,
      %get3A_234 = arith.index_cast %scan3A_172 : i32 to index
      %get3A_235 = arith.constant 112 : index
      %get3A_236 = tpu.vector_load %arg17[%get3A_234, %get3A_235] {strides = array<i32>} : memref<32x384xf32, #tpu.memory_space<vmem>>, vector<1x16xf32>,
      %get3A_237 = vector.shape_cast %get3A_236 : vector<1x16xf32> to vector<16xf32>
      %swap3A_238 = arith.index_cast %scan3A_172 : i32 to index
      %swap3A_239 = arith.constant 112 : index
      %swap3A_240 = tpu.vector_load %arg13[%swap3A_238, %swap3A_239] {strides = array<i32>} : memref<32x384xf32, #tpu.memory_space<vmem>>, vector<1x16xf32>,
      %swap3A_241 = vector.shape_cast %swap3A_240 : vector<1x16xf32> to vector<16xf32>
      %swap3A_242 = vector.shape_cast %get3A_237 : vector<16xf32> to vector<1x16xf32>
      tpu.vector_store %arg13[%swap3A_238, %swap3A_239], %swap3A_242 {add = true, strides = array<i32>} : memref<32x384xf32, #tpu.memory_space<vmem>>, vector<1x16xf32>,
      %get3A_243 = arith.index_cast %scan3A_172 : i32 to index
      %get3A_244 = arith.constant 128 : index
      %get3A_245 = tpu.vector_load %arg17[%get3A_243, %get3A_244] {strides = array<i32>} : memref<32x384xf32, #tpu.memory_space<vmem>>, vector<1x16xf32>,
      %get3A_246 = vector.shape_cast %get3A_245 : vector<1x16xf32> to vector<16xf32>
      %swap3A_247 = arith.index_cast %scan3A_172 : i32 to index
      %swap3A_248 = arith.constant 128 : index
      %swap3A_249 = tpu.vector_load %arg13[%swap3A_247, %swap3A_248] {strides = array<i32>} : memref<32x384xf32, #tpu.memory_space<vmem>>, vector<1x16xf32>,
      %swap3A_250 = vector.shape_cast %swap3A_249 : vector<1x16xf32> to vector<16xf32>
      %swap3A_251 = vector.shape_cast %get3A_246 : vector<16xf32> to vector<1x16xf32>
      tpu.vector_store %arg13[%swap3A_247, %swap3A_248], %swap3A_251 {add = true, strides = array<i32>} : memref<32x384xf32, #tpu.memory_space<vmem>>, vector<1x16xf32>,
      %get3A_252 = arith.index_cast %scan3A_172 : i32 to index
      %get3A_253 = arith.constant 144 : index
      %get3A_254 = tpu.vector_load %arg17[%get3A_252, %get3A_253] {strides = array<i32>} : memref<32x384xf32, #tpu.memory_space<vmem>>, vector<1x16xf32>,
      %get3A_255 = vector.shape_cast %get3A_254 : vector<1x16xf32> to vector<16xf32>
      %swap3A_256 = arith.index_cast %scan3A_172 : i32 to index
      %swap3A_257 = arith.constant 144 : index
      %swap3A_258 = tpu.vector_load %arg13[%swap3A_256, %swap3A_257] {strides = array<i32>} : memref<32x384xf32, #tpu.memory_space<vmem>>, vector<1x16xf32>,
      %swap3A_259 = vector.shape_cast %swap3A_258 : vector<1x16xf32> to vector<16xf32>
      %swap3A_260 = vector.shape_cast %get3A_255 : vector<16xf32> to vector<1x16xf32>
      tpu.vector_store %arg13[%swap3A_256, %swap3A_257], %swap3A_260 {add = true, strides = array<i32>} : memref<32x384xf32, #tpu.memory_space<vmem>>, vector<1x16xf32>,
      %get3A_261 = arith.index_cast %scan3A_172 : i32 to index
      %get3A_262 = arith.constant 160 : index
      %get3A_263 = tpu.vector_load %arg17[%get3A_261, %get3A_262] {strides = array<i32>} : memref<32x384xf32, #tpu.memory_space<vmem>>, vector<1x16xf32>,
      %get3A_264 = vector.shape_cast %get3A_263 : vector<1x16xf32> to vector<16xf32>
      %swap3A_265 = arith.index_cast %scan3A_172 : i32 to index
      %swap3A_266 = arith.constant 160 : index
      %swap3A_267 = tpu.vector_load %arg13[%swap3A_265, %swap3A_266] {strides = array<i32>} : memref<32x384xf32, #tpu.memory_space<vmem>>, vector<1x16xf32>,
      %swap3A_268 = vector.shape_cast %swap3A_267 : vector<1x16xf32> to vector<16xf32>
      %swap3A_269 = vector.shape_cast %get3A_264 : vector<16xf32> to vector<1x16xf32>
      tpu.vector_store %arg13[%swap3A_265, %swap3A_266], %swap3A_269 {add = true, strides = array<i32>} : memref<32x384xf32, #tpu.memory_space<vmem>>, vector<1x16xf32>,
      %get3A_270 = arith.index_cast %scan3A_172 : i32 to index
      %get3A_271 = arith.constant 176 : index
      %get3A_272 = tpu.vector_load %arg17[%get3A_270, %get3A_271] {strides = array<i32>} : memref<32x384xf32, #tpu.memory_space<vmem>>, vector<1x16xf32>,
      %get3A_273 = vector.shape_cast %get3A_272 : vector<1x16xf32> to vector<16xf32>
      %swap3A_274 = arith.index_cast %scan3A_172 : i32 to index
      %swap3A_275 = arith.constant 176 : index
      %swap3A_276 = tpu.vector_load %arg13[%swap3A_274, %swap3A_275] {strides = array<i32>} : memref<32x384xf32, #tpu.memory_space<vmem>>, vector<1x16xf32>,
      %swap3A_277 = vector.shape_cast %swap3A_276 : vector<1x16xf32> to vector<16xf32>
      %swap3A_278 = vector.shape_cast %get3A_273 : vector<16xf32> to vector<1x16xf32>
      tpu.vector_store %arg13[%swap3A_274, %swap3A_275], %swap3A_278 {add = true, strides = array<i32>} : memref<32x384xf32, #tpu.memory_space<vmem>>, vector<1x16xf32>,
      %get3A_279 = arith.index_cast %scan3A_172 : i32 to index
      %get3A_280 = arith.constant 192 : index
      %get3A_281 = tpu.vector_load %arg17[%get3A_279, %get3A_280] {strides = array<i32>} : memref<32x384xf32, #tpu.memory_space<vmem>>, vector<1x16xf32>,
      %get3A_282 = vector.shape_cast %get3A_281 : vector<1x16xf32> to vector<16xf32>
      %swap3A_283 = arith.index_cast %scan3A_172 : i32 to index
      %swap3A_284 = arith.constant 192 : index
      %swap3A_285 = tpu.vector_load %arg13[%swap3A_283, %swap3A_284] {strides = array<i32>} : memref<32x384xf32, #tpu.memory_space<vmem>>, vector<1x16xf32>,
      %swap3A_286 = vector.shape_cast %swap3A_285 : vector<1x16xf32> to vector<16xf32>
      %swap3A_287 = vector.shape_cast %get3A_282 : vector<16xf32> to vector<1x16xf32>
      tpu.vector_store %arg13[%swap3A_283, %swap3A_284], %swap3A_287 {add = true, strides = array<i32>} : memref<32x384xf32, #tpu.memory_space<vmem>>, vector<1x16xf32>,
      %get3A_288 = arith.index_cast %scan3A_172 : i32 to index
      %get3A_289 = arith.constant 208 : index
      %get3A_290 = tpu.vector_load %arg17[%get3A_288, %get3A_289] {strides = array<i32>} : memref<32x384xf32, #tpu.memory_space<vmem>>, vector<1x16xf32>,
      %get3A_291 = vector.shape_cast %get3A_290 : vector<1x16xf32> to vector<16xf32>
      %swap3A_292 = arith.index_cast %scan3A_172 : i32 to index
      %swap3A_293 = arith.constant 208 : index
      %swap3A_294 = tpu.vector_load %arg13[%swap3A_292, %swap3A_293] {strides = array<i32>} : memref<32x384xf32, #tpu.memory_space<vmem>>, vector<1x16xf32>,
      %swap3A_295 = vector.shape_cast %swap3A_294 : vector<1x16xf32> to vector<16xf32>
      %swap3A_296 = vector.shape_cast %get3A_291 : vector<16xf32> to vector<1x16xf32>
      tpu.vector_store %arg13[%swap3A_292, %swap3A_293], %swap3A_296 {add = true, strides = array<i32>} : memref<32x384xf32, #tpu.memory_space<vmem>>, vector<1x16xf32>,
      %get3A_297 = arith.index_cast %scan3A_172 : i32 to index
      %get3A_298 = arith.constant 224 : index
      %get3A_299 = tpu.vector_load %arg17[%get3A_297, %get3A_298] {strides = array<i32>} : memref<32x384xf32, #tpu.memory_space<vmem>>, vector<1x16xf32>,
      %get3A_300 = vector.shape_cast %get3A_299 : vector<1x16xf32> to vector<16xf32>
      %swap3A_301 = arith.index_cast %scan3A_172 : i32 to index
      %swap3A_302 = arith.constant 224 : index
      %swap3A_303 = tpu.vector_load %arg13[%swap3A_301, %swap3A_302] {strides = array<i32>} : memref<32x384xf32, #tpu.memory_space<vmem>>, vector<1x16xf32>,
      %swap3A_304 = vector.shape_cast %swap3A_303 : vector<1x16xf32> to vector<16xf32>
      %swap3A_305 = vector.shape_cast %get3A_300 : vector<16xf32> to vector<1x16xf32>
      tpu.vector_store %arg13[%swap3A_301, %swap3A_302], %swap3A_305 {add = true, strides = array<i32>} : memref<32x384xf32, #tpu.memory_space<vmem>>, vector<1x16xf32>,
      %get3A_306 = arith.index_cast %scan3A_172 : i32 to index
      %get3A_307 = arith.constant 240 : index
      %get3A_308 = tpu.vector_load %arg17[%get3A_306, %get3A_307] {strides = array<i32>} : memref<32x384xf32, #tpu.memory_space<vmem>>, vector<1x16xf32>,
      %get3A_309 = vector.shape_cast %get3A_308 : vector<1x16xf32> to vector<16xf32>
      %swap3A_310 = arith.index_cast %scan3A_172 : i32 to index
      %swap3A_311 = arith.constant 240 : index
      %swap3A_312 = tpu.vector_load %arg13[%swap3A_310, %swap3A_311] {strides = array<i32>} : memref<32x384xf32, #tpu.memory_space<vmem>>, vector<1x16xf32>,
      %swap3A_313 = vector.shape_cast %swap3A_312 : vector<1x16xf32> to vector<16xf32>
      %swap3A_314 = vector.shape_cast %get3A_309 : vector<16xf32> to vector<1x16xf32>
      tpu.vector_store %arg13[%swap3A_310, %swap3A_311], %swap3A_314 {add = true, strides = array<i32>} : memref<32x384xf32, #tpu.memory_space<vmem>>, vector<1x16xf32>,
      %get3A_315 = arith.index_cast %scan3A_172 : i32 to index
      %get3A_316 = arith.constant 256 : index
      %get3A_317 = tpu.vector_load %arg17[%get3A_315, %get3A_316] {strides = array<i32>} : memref<32x384xf32, #tpu.memory_space<vmem>>, vector<1x16xf32>,
      %get3A_318 = vector.shape_cast %get3A_317 : vector<1x16xf32> to vector<16xf32>
      %swap3A_319 = arith.index_cast %scan3A_172 : i32 to index
      %swap3A_320 = arith.constant 256 : index
      %swap3A_321 = tpu.vector_load %arg13[%swap3A_319, %swap3A_320] {strides = array<i32>} : memref<32x384xf32, #tpu.memory_space<vmem>>, vector<1x16xf32>,
      %swap3A_322 = vector.shape_cast %swap3A_321 : vector<1x16xf32> to vector<16xf32>
      %swap3A_323 = vector.shape_cast %get3A_318 : vector<16xf32> to vector<1x16xf32>
      tpu.vector_store %arg13[%swap3A_319, %swap3A_320], %swap3A_323 {add = true, strides = array<i32>} : memref<32x384xf32, #tpu.memory_space<vmem>>, vector<1x16xf32>,
      %get3A_324 = arith.index_cast %scan3A_172 : i32 to index
      %get3A_325 = arith.constant 272 : index
      %get3A_326 = tpu.vector_load %arg17[%get3A_324, %get3A_325] {strides = array<i32>} : memref<32x384xf32, #tpu.memory_space<vmem>>, vector<1x16xf32>,
      %get3A_327 = vector.shape_cast %get3A_326 : vector<1x16xf32> to vector<16xf32>
      %swap3A_328 = arith.index_cast %scan3A_172 : i32 to index
      %swap3A_329 = arith.constant 272 : index
      %swap3A_330 = tpu.vector_load %arg13[%swap3A_328, %swap3A_329] {strides = array<i32>} : memref<32x384xf32, #tpu.memory_space<vmem>>, vector<1x16xf32>,
      %swap3A_331 = vector.shape_cast %swap3A_330 : vector<1x16xf32> to vector<16xf32>
      %swap3A_332 = vector.shape_cast %get3A_327 : vector<16xf32> to vector<1x16xf32>
      tpu.vector_store %arg13[%swap3A_328, %swap3A_329], %swap3A_332 {add = true, strides = array<i32>} : memref<32x384xf32, #tpu.memory_space<vmem>>, vector<1x16xf32>,
      %get3A_333 = arith.index_cast %scan3A_172 : i32 to index
      %get3A_334 = arith.constant 288 : index
      %get3A_335 = tpu.vector_load %arg17[%get3A_333, %get3A_334] {strides = array<i32>} : memref<32x384xf32, #tpu.memory_space<vmem>>, vector<1x16xf32>,
      %get3A_336 = vector.shape_cast %get3A_335 : vector<1x16xf32> to vector<16xf32>
      %swap3A_337 = arith.index_cast %scan3A_172 : i32 to index
      %swap3A_338 = arith.constant 288 : index
      %swap3A_339 = tpu.vector_load %arg13[%swap3A_337, %swap3A_338] {strides = array<i32>} : memref<32x384xf32, #tpu.memory_space<vmem>>, vector<1x16xf32>,
      %swap3A_340 = vector.shape_cast %swap3A_339 : vector<1x16xf32> to vector<16xf32>
      %swap3A_341 = vector.shape_cast %get3A_336 : vector<16xf32> to vector<1x16xf32>
      tpu.vector_store %arg13[%swap3A_337, %swap3A_338], %swap3A_341 {add = true, strides = array<i32>} : memref<32x384xf32, #tpu.memory_space<vmem>>, vector<1x16xf32>,
      %get3A_342 = arith.index_cast %scan3A_172 : i32 to index
      %get3A_343 = arith.constant 304 : index
      %get3A_344 = tpu.vector_load %arg17[%get3A_342, %get3A_343] {strides = array<i32>} : memref<32x384xf32, #tpu.memory_space<vmem>>, vector<1x16xf32>,
      %get3A_345 = vector.shape_cast %get3A_344 : vector<1x16xf32> to vector<16xf32>
      %swap3A_346 = arith.index_cast %scan3A_172 : i32 to index
      %swap3A_347 = arith.constant 304 : index
      %swap3A_348 = tpu.vector_load %arg13[%swap3A_346, %swap3A_347] {strides = array<i32>} : memref<32x384xf32, #tpu.memory_space<vmem>>, vector<1x16xf32>,
      %swap3A_349 = vector.shape_cast %swap3A_348 : vector<1x16xf32> to vector<16xf32>
      %swap3A_350 = vector.shape_cast %get3A_345 : vector<16xf32> to vector<1x16xf32>
      tpu.vector_store %arg13[%swap3A_346, %swap3A_347], %swap3A_350 {add = true, strides = array<i32>} : memref<32x384xf32, #tpu.memory_space<vmem>>, vector<1x16xf32>,
      %get3A_351 = arith.index_cast %scan3A_172 : i32 to index
      %get3A_352 = arith.constant 320 : index
      %get3A_353 = tpu.vector_load %arg17[%get3A_351, %get3A_352] {strides = array<i32>} : memref<32x384xf32, #tpu.memory_space<vmem>>, vector<1x16xf32>,
      %get3A_354 = vector.shape_cast %get3A_353 : vector<1x16xf32> to vector<16xf32>
      %swap3A_355 = arith.index_cast %scan3A_172 : i32 to index
      %swap3A_356 = arith.constant 320 : index
      %swap3A_357 = tpu.vector_load %arg13[%swap3A_355, %swap3A_356] {strides = array<i32>} : memref<32x384xf32, #tpu.memory_space<vmem>>, vector<1x16xf32>,
      %swap3A_358 = vector.shape_cast %swap3A_357 : vector<1x16xf32> to vector<16xf32>
      %swap3A_359 = vector.shape_cast %get3A_354 : vector<16xf32> to vector<1x16xf32>
      tpu.vector_store %arg13[%swap3A_355, %swap3A_356], %swap3A_359 {add = true, strides = array<i32>} : memref<32x384xf32, #tpu.memory_space<vmem>>, vector<1x16xf32>,
      %get3A_360 = arith.index_cast %scan3A_172 : i32 to index
      %get3A_361 = arith.constant 336 : index
      %get3A_362 = tpu.vector_load %arg17[%get3A_360, %get3A_361] {strides = array<i32>} : memref<32x384xf32, #tpu.memory_space<vmem>>, vector<1x16xf32>,
      %get3A_363 = vector.shape_cast %get3A_362 : vector<1x16xf32> to vector<16xf32>
      %swap3A_364 = arith.index_cast %scan3A_172 : i32 to index
      %swap3A_365 = arith.constant 336 : index
      %swap3A_366 = tpu.vector_load %arg13[%swap3A_364, %swap3A_365] {strides = array<i32>} : memref<32x384xf32, #tpu.memory_space<vmem>>, vector<1x16xf32>,
      %swap3A_367 = vector.shape_cast %swap3A_366 : vector<1x16xf32> to vector<16xf32>
      %swap3A_368 = vector.shape_cast %get3A_363 : vector<16xf32> to vector<1x16xf32>
      tpu.vector_store %arg13[%swap3A_364, %swap3A_365], %swap3A_368 {add = true, strides = array<i32>} : memref<32x384xf32, #tpu.memory_space<vmem>>, vector<1x16xf32>,
      %get3A_369 = arith.index_cast %scan3A_172 : i32 to index
      %get3A_370 = arith.constant 352 : index
      %get3A_371 = tpu.vector_load %arg17[%get3A_369, %get3A_370] {strides = array<i32>} : memref<32x384xf32, #tpu.memory_space<vmem>>, vector<1x16xf32>,
      %get3A_372 = vector.shape_cast %get3A_371 : vector<1x16xf32> to vector<16xf32>
      %swap3A_373 = arith.index_cast %scan3A_172 : i32 to index
      %swap3A_374 = arith.constant 352 : index
      %swap3A_375 = tpu.vector_load %arg13[%swap3A_373, %swap3A_374] {strides = array<i32>} : memref<32x384xf32, #tpu.memory_space<vmem>>, vector<1x16xf32>,
      %swap3A_376 = vector.shape_cast %swap3A_375 : vector<1x16xf32> to vector<16xf32>
      %swap3A_377 = vector.shape_cast %get3A_372 : vector<16xf32> to vector<1x16xf32>
      tpu.vector_store %arg13[%swap3A_373, %swap3A_374], %swap3A_377 {add = true, strides = array<i32>} : memref<32x384xf32, #tpu.memory_space<vmem>>, vector<1x16xf32>,
      %get3A_378 = arith.index_cast %scan3A_172 : i32 to index
      %get3A_379 = arith.constant 368 : index
      %get3A_380 = tpu.vector_load %arg17[%get3A_378, %get3A_379] {strides = array<i32>} : memref<32x384xf32, #tpu.memory_space<vmem>>, vector<1x16xf32>,
      %get3A_381 = vector.shape_cast %get3A_380 : vector<1x16xf32> to vector<16xf32>
      %swap3A_382 = arith.index_cast %scan3A_172 : i32 to index
      %swap3A_383 = arith.constant 368 : index
      %swap3A_384 = tpu.vector_load %arg13[%swap3A_382, %swap3A_383] {strides = array<i32>} : memref<32x384xf32, #tpu.memory_space<vmem>>, vector<1x16xf32>,
      %swap3A_385 = vector.shape_cast %swap3A_384 : vector<1x16xf32> to vector<16xf32>
      %swap3A_386 = vector.shape_cast %get3A_381 : vector<16xf32> to vector<1x16xf32>
      tpu.vector_store %arg13[%swap3A_382, %swap3A_383], %swap3A_386 {add = true, strides = array<i32>} : memref<32x384xf32, #tpu.memory_space<vmem>>, vector<1x16xf32>,
    }
    %scan3A_141 = arith.constant 32 : i32
    %add3A_142 = arith.constant 4064 : i32
    %add3A_143 = arith.addi %mul3A_2, %add3A_142 : i32
    %dma_start3A_144 = arith.constant 0 : i32
    %dma_start3A_145 = tpu.memref_slice %arg6[%add3A_143, %dma_start3A_144] : memref<131072x384xf32, #tpu.memory_space<hbm>> -> memref<32x384xf32, #tpu.memory_space<hbm>>
    %dma_start3A_146 = arith.constant 0 : i32
    %dma_start3A_147 = tpu.memref_slice %arg6[%add3A_143, %dma_start3A_146] : memref<131072x384xf32, #tpu.memory_space<hbm>> -> memref<32x384xf32, #tpu.memory_space<hbm>>
    tpu.enqueue_dma source(%arg13 : memref<32x384xf32, #tpu.memory_space<vmem>>) target(%dma_start3A_147 : memref<32x384xf32, #tpu.memory_space<hbm>>) target_semaphore(%arg29 : memref<!tpu.dma_semaphore, #tpu.memory_space<semaphore_mem>>)
    %add3A_148 = arith.constant 3968 : i32
    %add3A_149 = arith.addi %mul3A_2, %add3A_148 : i32
    %dma_wait3A_150 = arith.constant 0 : i32
    %dma_wait3A_151 = tpu.memref_slice %arg6[%add3A_149, %dma_wait3A_150] : memref<131072x384xf32, #tpu.memory_space<hbm>> -> memref<32x384xf32, #tpu.memory_space<hbm>>
    %dma_wait3A_152 = arith.constant 0 : i32
    %dma_wait3A_153 = tpu.memref_slice %arg6[%add3A_149, %dma_wait3A_152] : memref<131072x384xf32, #tpu.memory_space<hbm>> -> memref<32x384xf32, #tpu.memory_space<hbm>>
    tpu.wait_dma2 semaphore(%arg26 : memref<!tpu.dma_semaphore, #tpu.memory_space<semaphore_mem>>) src(%arg10 : memref<32x384xf32, #tpu.memory_space<vmem>>) dst(%dma_wait3A_153 : memref<32x384xf32, #tpu.memory_space<hbm>>)
    %add3A_154 = arith.constant 4000 : i32
    %add3A_155 = arith.addi %mul3A_2, %add3A_154 : i32
    %dma_wait3A_156 = arith.constant 0 : i32
    %dma_wait3A_157 = tpu.memref_slice %arg6[%add3A_155, %dma_wait3A_156] : memref<131072x384xf32, #tpu.memory_space<hbm>> -> memref<32x384xf32, #tpu.memory_space<hbm>>
    %dma_wait3A_158 = arith.constant 0 : i32
    %dma_wait3A_159 = tpu.memref_slice %arg6[%add3A_155, %dma_wait3A_158] : memref<131072x384xf32, #tpu.memory_space<hbm>> -> memref<32x384xf32, #tpu.memory_space<hbm>>
    tpu.wait_dma2 semaphore(%arg27 : memref<!tpu.dma_semaphore, #tpu.memory_space<semaphore_mem>>) src(%arg11 : memref<32x384xf32, #tpu.memory_space<vmem>>) dst(%dma_wait3A_159 : memref<32x384xf32, #tpu.memory_space<hbm>>)
    %add3A_160 = arith.constant 4032 : i32
    %add3A_161 = arith.addi %mul3A_2, %add3A_160 : i32
    %dma_wait3A_162 = arith.constant 0 : i32
    %dma_wait3A_163 = tpu.memref_slice %arg6[%add3A_161, %dma_wait3A_162] : memref<131072x384xf32, #tpu.memory_space<hbm>> -> memref<32x384xf32, #tpu.memory_space<hbm>>
    %dma_wait3A_164 = arith.constant 0 : i32
    %dma_wait3A_165 = tpu.memref_slice %arg6[%add3A_161, %dma_wait3A_164] : memref<131072x384xf32, #tpu.memory_space<hbm>> -> memref<32x384xf32, #tpu.memory_space<hbm>>
    tpu.wait_dma2 semaphore(%arg28 : memref<!tpu.dma_semaphore, #tpu.memory_space<semaphore_mem>>) src(%arg12 : memref<32x384xf32, #tpu.memory_space<vmem>>) dst(%dma_wait3A_165 : memref<32x384xf32, #tpu.memory_space<hbm>>)
    %add3A_166 = arith.constant 4064 : i32
    %add3A_167 = arith.addi %mul3A_2, %add3A_166 : i32
    %dma_wait3A_168 = arith.constant 0 : i32
    %dma_wait3A_169 = tpu.memref_slice %arg6[%add3A_167, %dma_wait3A_168] : memref<131072x384xf32, #tpu.memory_space<hbm>> -> memref<32x384xf32, #tpu.memory_space<hbm>>
    %dma_wait3A_170 = arith.constant 0 : i32
    %dma_wait3A_171 = tpu.memref_slice %arg6[%add3A_167, %dma_wait3A_170] : memref<131072x384xf32, #tpu.memory_space<hbm>> -> memref<32x384xf32, #tpu.memory_space<hbm>>
    tpu.wait_dma2 semaphore(%arg29 : memref<!tpu.dma_semaphore, #tpu.memory_space<semaphore_mem>>) src(%arg13 : memref<32x384xf32, #tpu.memory_space<vmem>>) dst(%dma_wait3A_171 : memref<32x384xf32, #tpu.memory_space<hbm>>)
    return
  }
}

</mosaic_0001>

<sc_bundles>
// kernel: kernel.3.cloned.1.call-start
scs
__scs_entry_jumppad:
0x0: {  	(pc) =	sbr.rel $0x88, $3  }
0x1: {  	(tag) =	ssettag $0x0;
	lr =	simm.s32 $0x1  }
0x2: {  	[smem:$0x3F9E] =	sst lr;
	_ =	strace $0xD0000000  }
0x3: {  	_ = 	snop  }
0x4: {  	_ = 	snop  }
0x5: {  	_ = 	snop  }
0x6: {  	_ = 	snop  }
0x7: {  	_ = 	snop  }
__scs_overlays_trampoline_lowered:
0x8: {  	[smem:$0x3FAD] =	sst s0  }
0x9: {  	[smem:$0x3FAE] =	sst s1  }
0xa: {  	[smem:$0x3FAF] =	sst s2  }
0xb: {  	[smem:$0x3FB0] =	sst s3  }
0xc: {  	[smem:$0x3FB1] =	sst s4  }
0xd: {  	[smem:$0x3FB2] =	sst s5  }
0xe: {  	[smem:$0x3FB3] =	sst s6  }
0xf: {  	[smem:$0x3FB4] =	sst s7  }
0x10: {  	[smem:$0x3FB5] =	sst s8  }
0x11: {  	[smem:$0x3FB6] =	sst s9;
	s0 =	simm.s32 @!p0 $0x0  }
0x12: {  	s1 =	sld [smem:$0x3F9C];
	s0 =	simm.s32 @p0 $0x1  }
0x13: {  	[smem:$0x3FB7] =	sst s0;
	s0 =	simm.s32 @!p1 $0x0  }
0x14: {  	s2 =	sld [smem:$0x3F9B];
	s0 =	simm.s32 @p1 $0x1  }
0x15: {  	[smem:$0x3FB8] =	sst s0;
	s0 =	simm.s32 @!p2 $0x0  }
0x16: {  	s3 =	sld [smem:$0x3FDB];
	s0 =	simm.s32 @p2 $0x1  }
0x17: {  	s4 =	simm.s32 $0x1BF5;
	[smem:$0x3FBA] =	sst s0  }
0x18: {  	s0 =	sld [smem:$0x3F9D];
	_ =	swait.ge [sflag:s4], $0x0  }
0x19: {  	s7 =	sld [smem:$0x3F9E]  }
0x1a: {  	s8 =	sadd.s32 $0xFFFFE003, lr  }
0x1b: {  	s9 =	sadd.s32 $0xFFFFFEF7, lr;
	s5 =	simm.s32 $0xFFFFFFFF;
	p2 =	slt.u32 s8, $0xFFFFF086  }
0x1c: {  	p1 =	slt.u32 s9, $0xF7A;
	s5 =	simm.s32 @!p2 $0x0  }
0x1d: {  	s5 =	simm.s32 @p1 $0x1;
	p0 =	seq.s32 s7, s2  }
0x1e: {  	s7 =	smul.u32 @!p0 $0xF7A, s2;
	p2 =	seq.s32 @!p0 s5, $0x0  }
0x1f: {  	s9 =	smul.u32 $0xF7A, s1;
	s8 =	simm.s32 @!p0 $0x1BF5;
	p2 =	por !p2, p0  }
0x20: {  	[sflag:s8] =	ssyncset.s32 @!p0 $0xFFFFF086;
	s6 =	sadd.s32 @!p0 s3, s7;
	s7 =	simm.s32 @!p0 $0x108  }
0x21: {  	s3 =	sadd.s32 s3, s9;
	s6 =	sadd.s32 @!p0 $0x88, s6;
	s7 =	simm.s32 @p2 $0x1082  }
0x22: {  	[simem:s7], [sflag:s8] =	dma.local @!p0 [hbm:s6], $0xF7A  }
0x23: {  	s9 =	sor.u32 $0xD0000000, s2;
	s6 =	simm.s32 $0x108;
	_ =	swait.ge @!p0 [sflag:s8], $0x0  }
0x24: {  	s3 =	sadd.s32 $0x88, s3;
	s6 =	simm.s32 @!p1 $0x1082;
	[sflag:s4] =	ssyncset.s32 $0xFFFFF086  }
0x25: {  	[simem:s6], [sflag:s4] =	dma.local [hbm:s3], $0xF7A  }
0x26: {  	[smem:$0x3F9E] =	sst s1;
	(tag) =	ssettag s2;
	_ =	strace s9  }
0x27: {  	s1 =	sld [smem:$0x3FAE]  }
0x28: {  	s2 =	sld [smem:$0x3FAF]  }
0x29: {  	s4 =	sld [smem:$0x3FB1]  }
0x2a: {  	p0 =	seq.s32 s5, $0x0;
	s5 =	sld [smem:$0x3FB2]  }
0x2b: {  	s6 =	sld [smem:$0x3FB3]  }
0x2c: {  	s7 =	sld [smem:$0x3FB4]  }
0x2d: {  	s3 =	simm.s32 $0x108;
	s8 =	sld [smem:$0x3FB5]  }
0x2e: {  	s3 =	simm.s32 @!p0 $0x1082;
	s9 =	sld [smem:$0x3FB6]  }
0x2f: {  	lr =	sadd.s32 s0, s3;
	s0 =	sld [smem:$0x3FAD]  }
0x30: {  	s3 =	sld [smem:$0x3FB0]  }
0x31: {  	[smem:$0x3FB9] =	sst s10  }
0x32: {  	s10 =	sld [smem:$0x3FB7];
	_ =	sdelay $0x3  }
0x33: {  	p0 =	seq.s32 s10, $0x1;
	s10 =	sld [smem:$0x3FB9];
	_ =	sdelay $0x3  }
0x34: {  	[smem:$0x3FB9] =	sst s10  }
0x35: {  	s10 =	sld [smem:$0x3FB8];
	_ =	sdelay $0x3  }
0x36: {  	p1 =	seq.s32 s10, $0x1;
	s10 =	sld [smem:$0x3FB9];
	_ =	sdelay $0x3  }
0x37: {  	[smem:$0x3FB9] =	sst s10  }
0x38: {  	s10 =	sld [smem:$0x3FBA]  }
0x39: {  	_ = 	snop;
	(pc) =	sbr.ind lr, $3  }
0x3a: {  	_ = 	snop  }
0x3b: {  	_ = 	snop  }
0x3c: {  	p2 =	seq.s32 s10, $0x1;
	s10 =	sld [smem:$0x3FB9]  }
0x3d: {  	_ =	shalt  }
0x3e: {  	_ =	shalt  }
0x3f: {  	_ =	shalt  }
0x40: {  	_ =	shalt  }
0x41: {  	_ =	shalt  }
0x42: {  	_ =	shalt  }
0x43: {  	_ =	shalt  }
0x44: {  	_ =	shalt  }
0x45: {  	_ =	shalt  }
0x46: {  	_ =	shalt  }
0x47: {  	_ =	shalt  }
0x48: {  	_ =	shalt  }
0x49: {  	_ =	shalt  }
0x4a: {  	_ =	shalt  }
0x4b: {  	_ =	shalt  }
0x4c: {  	_ =	shalt  }
0x4d: {  	_ =	shalt  }
0x4e: {  	_ =	shalt  }
0x4f: {  	_ =	shalt  }
0x50: {  	_ =	shalt  }
0x51: {  	_ =	shalt  }
0x52: {  	_ =	shalt  }
0x53: {  	_ =	shalt  }
0x54: {  	_ =	shalt  }
0x55: {  	_ =	shalt  }
0x56: {  	_ =	shalt  }
0x57: {  	_ =	shalt  }
0x58: {  	_ =	shalt  }
0x59: {  	_ =	shalt  }
0x5a: {  	_ =	shalt  }
0x5b: {  	_ =	shalt  }
0x5c: {  	_ =	shalt  }
0x5d: {  	_ =	shalt  }
0x5e: {  	_ =	shalt  }
0x5f: {  	_ =	shalt  }
0x60: {  	_ =	shalt  }
0x61: {  	_ =	shalt  }
0x62: {  	_ =	shalt  }
0x63: {  	_ =	shalt  }
0x64: {  	_ =	shalt  }
0x65: {  	_ =	shalt  }
0x66: {  	_ =	shalt  }
0x67: {  	_ =	shalt  }
0x68: {  	_ =	shalt  }
0x69: {  	_ =	shalt  }
0x6a: {  	_ =	shalt  }
0x6b: {  	_ =	shalt  }
0x6c: {  	_ =	shalt  }
0x6d: {  	_ =	shalt  }
0x6e: {  	_ =	shalt  }
0x6f: {  	_ =	shalt  }
0x70: {  	_ =	shalt  }
0x71: {  	_ =	shalt  }
0x72: {  	_ =	shalt  }
0x73: {  	_ =	shalt  }
0x74: {  	_ =	shalt  }
0x75: {  	_ =	shalt  }
0x76: {  	_ =	shalt  }
0x77: {  	_ =	shalt  }
0x78: {  	_ =	shalt  }
0x79: {  	_ =	shalt  }
0x7a: {  	_ =	shalt  }
0x7b: {  	_ =	shalt  }
0x7c: {  	_ =	shalt  }
0x7d: {  	_ =	shalt  }
0x7e: {  	_ =	shalt  }
0x7f: {  	_ =	shalt  }
0x80: {  	_ =	shalt  }
0x81: {  	_ =	shalt  }
0x82: {  	_ =	shalt  }
0x83: {  	_ =	shalt  }
0x84: {  	_ =	shalt  }
0x85: {  	_ =	shalt  }
0x86: {  	_ =	shalt  }
0x87: {  	_ =	shalt  }
.Lfunc_end0:
.L_simem_size_0:
called_computation_lowered:
.L_overlay_start_0:
0x88: {  	s2 =	sld [smem:$0x3FD9]  }
0x89: {  	s3 =	sld [smem:$0x3FFE];
	_ =	sdelay $0x1  }
0x8a: {  	s1 =	srdreg.scid  }
0x8b: {  	s0 =	sand.u32 $0x1, s1  }
0x8c: {  	s17 =	sshll.u32 s0, $0xA;
	s2 =	sadd.s32 s3, s2  }
0x8d: {  	s2 =	sadd.s32 s2, s17  }
0x8e: {  	[smem:$0x3FC5] =	sst s2  }
0x8f: {  	_ = 	snop  }
0x90: {  	s2 =	sld [smem:$0x3FC9]  }
0x91: {  	s18 =	sld [smem:$0x3FC7]  }
0x92: {  	s4 =	sld [smem:$0x3FD0];
	(tm) =	ssettm $0x1  }
0x93: {  	s5 =	sld [smem:$0x3FFB];
	_ =	sdelay $0x3  }
0x94: {  	_ =	strace s5  }
0x95: {  	s5 =	sld [smem:$0x3FFC];
	_ =	sdelay $0x3  }
0x96: {  	_ =	strace s5  }
0x97: {  	s5 =	sld [smem:$0x3FFD];
	_ =	sdelay $0x3  }
0x98: {  	_ =	strace s5  }
0x99: {  	_ =	strace $0x8FFFFFFF  }
0x9a: {  	s19 =	sld [smem:$0x3FDB];
	_ =	sdelay $0x1  }
0x9b: {  	s6 =	simm.s32 $_scs_section_size  }
0x9c: {  	s7 =	simm.s32 $_size__tile_overlayer_lowered;
	s8 =	simm.s32 $_tile_overlayer_lowered  }
0x9d: {  	s22 =	simm.s32 $0x1BFF;
	s21 =	sshll.u32 s8, $0x1;
	s5 =	sadd.s32 s6, s19  }
0x9e: {  	s9 =	simm.s32 $0x0;
	s20 =	sshll.u32 s7, $0x1;
	s7 =	sadd.s32 s21, s5  }
0x9f: {  	[timem:s9], [sflag:s22] =	dma.local [hbm:s7], s20  }
0xa0: {  	_ =	swait.ge [sflag:s22], s20  }
0xa1: {  	s6 =	ssub.s32 $0x0, s20;
	[sflag:s22] =	ssyncset.done $0x0  }
0xa2: {  	[sflag:s22] =	ssyncadd.s32 s6;
	_ =	sdelay $0x1  }
0xa3: {  	s23 =	simm.s32 $0x1B8B  }
0xa4: {  	_ =	swait.ge [sflag:s23], $0x1  }
0xa5: {  	[sflag:s23] =	ssyncset.done $0x0  }
0xa6: {  	s25 =	simm.s32 $0x1B8E;
	s24 =	sld [smem:$0x3FFE];
	[sflag:s23] =	ssyncadd.s32 $0xFFFFFFFF  }
0xa7: {  	s26 =	simm.s32 $execute0_lowered;
	[smem:$0x3FD2] =	sst s25  }
0xa8: {  	s7 =	sshll.u32 s26, $0x1;
	_ =	strace $0x80000046;
	[dreg:$0x1] =	wrdreg $0xFFFFFFFF  }
0xa9: {  	s28 =	simm.s32 $_size_execute0_lowered;
	s5 =	sadd.s32 s5, s7;
	[dreg:$0x0] =	wrdreg $0x0  }
0xaa: {  	s7 =	sshll.u32 s28, $0x1;
	[dreg:$0x2] =	wrdreg s5  }
0xab: {  	[dreg:$0x3] =	wrdreg s7  }
0xac: {  	[dreg:$0x4] =	wrdreg $0xC0  }
0xad: {  	_ =	task [dreg:s9], $0x5FFFF  }
0xae: {  	[dreg:$0x1] =	wrdreg $0xFFFFFFFF  }
0xaf: {  	[dreg:$0x0] =	wrdreg $0x60  }
0xb0: {  	[dreg:$0x2] =	wrdreg s2  }
0xb1: {  	[dreg:$0x3] =	wrdreg s24  }
0xb2: {  	[dreg:$0x4] =	wrdreg s18  }
0xb3: {  	[dreg:$0x5] =	wrdreg s4  }
0xb4: {  	[dreg:$0x6] =	wrdreg $0x9  }
0xb5: {  	_ =	task.clear_ibuf [dreg:s9], $0x7FFFF;
	_ =	strace $0x90000046  }
0xb6: {  	s29 =	simm.s32 $0x9;
	_ =	strace $0x80000048  }
0xb7: {  	_ =	swait.ge [sflag:s29], $0x1  }
0xb8: {  	[sflag:s29] =	ssyncadd.s32 $0xFFFFFFFF  }
0xb9: {  	_ =	strace $0x90000048  }
0xba: {  	_ =	sfence  }
0xbb: {  	s30 =	sld [smem:$0x0];
	_ =	sdelay $0x2  }
0xbc: {  	s31 =	sshll.u32 s1, $0xD;
	s1 =	sshrl.u32 s1, $0x2  }
0xbd: {  	s3 =	sand.u32 $0x4000, s31;
	s1 =	sadd.s32 s1, s30  }
0xbe: {  	s0 =	sor.u32 s3, s0;
	s1 =	sshll.u32 s1, $0x11  }
0xbf: {  	s0 =	sor.u32 s1, s0  }
0xc0: {  	s0 =	sadd.s32 $0x8F2B, s0  }
0xc1: {  	[sflag:s0] =	ssyncadd.remote.s32 $0x1  }
0xc2: {  	_ =	sfence.sel $0xFFFF  }
0xc3: {  	[dreg:$0x0] =	wrdreg $0xFFFFFFFF;
	(pc) =	sbr.abs _section_cstart, $3  }
0xc4: {  	[dreg:$0x1] =	wrdreg $0xFFFFFFFF  }
0xc5: {  	_ =	task.clear_ibuf [dreg:s9], $0x2FFFF;
	_ =	strace $0x9FFFFFFF  }
0xc6: {  	(tm) =	ssettm $0x7FFFFFFF  }
0xc7: {  	_ =	shalt  }
tec
execute0_lowered:
.L_overlay_start_1:
0x0: {  	(tag) =	ssettag $0x1  }
0x1: {  	s8 =	rddreg [dreg:$0x0]  }
0x2: {  	s1 =	rddreg [dreg:$0x1]  }
0x3: {  	s0 =	srdreg.scid;
	s3 =	rddreg [dreg:$0x2]  }
0x4: {  	s2 =	stileid.u32;
	s15 =	rddreg [dreg:$0x3]  }
0x5: {  	s6 =	simm.s32 $0x0;
	s31 =	simm.s32 $0x1;
	s28 =	simm.s32 $0x4  }
0x6: {  	s29 =	simm.s32 $0x8;
	s30 =	simm.s32 $0xB;
	s0 =	sand.u32 $0x1, s0  }
0x7: {  	s2 =	sshll.u32 s2, $0xD;
	[smem:$0x7FF] =	sst s6;
	s12 =	sadd.s32 $0x100, s3  }
0x8: {  	s25 =	sadd.s32 $0xC00, s15;
	s26 =	sadd.s32 $0x1200, s15;
	s4 =	sshll.u32 s0, $0xC  }
0x9: {  	s0 =	ssub.s32 $0x2, s0;
	_ =	strace $0x80000047;
	[dreg:$0x10] =	wrdreg s25  }
0xa: {  	[dreg:$0x11] =	wrdreg s26;
	s26 =	simm.s32 $0xA;
	s25 =	simm.s32 $0xC  }
0xb: {  	s5 =	sor.u32 s4, s2;
	s7 =	sshrl.u32 s0, $0x1;
	s4 =	simm.s32 $0x0  }
0xc: {  	s2 =	sshrl.u32 s5, $0x3;
	s0 =	ssub.s32 s0, s7;
	s7 =	simm.s32 $0x3  }
0xd: {  	s16 =	smul.u32 $0x180, s2;
	s1 =	sadd.s32 s2, s1;
	s0 =	smax.u32 s0, $0x1  }
0xe: {  	s2 =	smul.u32 $0xC00, s2;
	s19 =	sadd.s32 $0x4600, s1;
	[dreg:$0xf] =	wrdreg s0  }
0xf: {  	s1 =	sadd.s32 $0x600, s1;
	s0 =	simm.s32 $0xC000;
	[dreg:$0x8] =	wrdreg s19  }
0x10: {  	s17 =	sadd.s32 s8, s16;
	[dreg:$0x9] =	wrdreg s1;
	s21 =	sadd.s32 s15, s16  }
0x11: {  	s20 =	sshrl.u32 s2, $0x3;
	s19 =	simm.s32 $0x3000;
	[dreg:$0xa] =	wrdreg s21  }
0x12: {  	s2 =	simm.s32 $0x5;
	s8 =	sadd.s32 $0x600, s17;
	[dreg:$0x5] =	wrdreg s17  }
0x13: {  	s16 =	simm.s32 $0x2;
	s18 =	sadd.s32 $0xC00, s17;
	[dreg:$0x6] =	wrdreg s8  }
0x14: {  	s22 =	sadd.s32 $0x1200, s17;
	s1 =	sadd.s32 s15, s20;
	[dreg:$0x7] =	wrdreg s18  }
0x15: {  	s17 =	simm.s32 $0x6;
	[dreg:$0xb] =	wrdreg s22;
	s23 =	sadd.s32 $0x2EE00, s1  }
0x16: {  	v2 =	vlaneseq.u32;
	s24 =	sadd.s32 $0x2F400, s1;
	s1 =	sadd.s32 $0x2FA00, s1;
	[dreg:$0xc] =	wrdreg s23  }
0x17: {  	vm0 =	vmmov $0xffff;
	vm1 =	vmmov $0xff;
	v1 =	vshrl.u32 v2, $0x3;
	s22 =	simm.s32 $0x6000;
	s18 =	simm.s32 $0x9;
	[dreg:$0xd] =	wrdreg s24  }
0x18: {  	v0 =	vand.u32 $0x7, v2;
	v2 =	vor.u32 $0x8, v2;
	v1 =	vmul.u32 $0x8, v1;
	[dreg:$0xe] =	wrdreg s1;
	s23 =	simm.s32 $0x9000;
	s24 =	simm.s32 $0x7  }
.LBB2_1:
0x19: {  	[dreg:$0x12] =	wrdreg s4  }
0x1a: {  	s1 =	rddreg [dreg:$0x5]  }
0x1b: {  	[tilespmem:s19], [sflag:$0x1] =	stream.linear.gather [hbm4b:s1+s6], $0x3000, $0x38;
	[tilespmem:$0x1B000] =	vst v63  }
0x1c: {  	s11 =	rddreg [dreg:$0x6]  }
0x1d: {  	[tilespmem:s22], [sflag:$0x2] =	stream.linear.gather [hbm4b:s11+s6], $0x3000, $0x38;
	[tilespmem:$0x1B000] =	vst v63  }
0x1e: {  	s13 =	rddreg [dreg:$0x7]  }
0x1f: {  	[tilespmem:s23], [sflag:$0x3] =	stream.linear.gather [hbm4b:s13+s6], $0x3000, $0x38;
	[tilespmem:$0x1B000] =	vst v63  }
0x20: {  	s14 =	rddreg [dreg:$0x8];
	s20 =	simm.s32 $0xD  }
0x21: {  	[tilespmem:s6], [sflag:$0xD] =	stream.linear.gather [hbm4b:s14+s6], $0x1000, $0x38;
	[tilespmem:$0x1B000] =	vst v63  }
0x22: {  	_ =	swait.ge [sflag:s20], $0x1000  }
0x23: {  	[sflag:s20] =	ssyncset.done $0x0  }
0x24: {  	s8 =	simm.s32 $0x1000;
	s21 =	rddreg [dreg:$0x9];
	[sflag:s20] =	ssyncadd.s32 $0xFFFFF000  }
0x25: {  	[tilespmem:s8], [sflag:$0xD] =	stream.linear.gather [hbm4b:s21+s6], $0x1000, $0x38;
	[tilespmem:$0x1B000] =	vst v63  }
0x26: {  	_ =	swait.ge [sflag:s20], $0x1000  }
0x27: {  	[sflag:s20] =	ssyncset.done $0x0  }
0x28: {  	s1 =	simm.s32 $0x0;
	[sflag:s20] =	ssyncadd.s32 $0xFFFFF000  }
0x29: {  	v3 =	vld [tilespmem:s1+$0x1000]  }
0x2a: {  	s4 =	simm.s32 $0x40;
	v4 =	vld [tilespmem:s1+$0x0]  }
.LBB2_2:
0x2b: {  	p0 =	sne.s32 s4, $0x3FC0  }
.Ltmp0:
0x2c: {  	_ = 	snop;
	(pc) =	sbr.rel @p0 .LBB2_2-.Ltmp0, $4  }
0x2d: {  	_ = 	snop  }
0x2e: {  	s8 =	sshra.s32 s4, $0x2;
	s4 =	sadd.s32 $0x40, s4;
	v5 =	vshll.u32 v3, $0x9  }
0x2f: {  	v3 =	vld [tilespmem:s8+$0x1000];
	v5 =	vadd.s32 v4, v5  }
0x30: {  	v4 =	vld [tilespmem:s8+$0x0];
	[tilespmem:s1+$0x2000] =	vst v5;
	s1 =	smov.u32 s8  }
0x31: {  	_ =	sdelay $0x2  }
0x32: {  	v3 =	vshll.u32 v3, $0x9  }
0x33: {  	v3 =	vadd.s32 v4, v3  }
0x34: {  	[tilespmem:s1+$0x2000] =	vst v3  }
0x35: {  	v3 =	vld [tilespmem:$0x2000];
	_ =	sdelay $0x4  }
0x36: {  	v4 =	vshrl.u32 v3, $0x3  }
0x37: {  	v4 =	vmul.u32 $0x18, v4  }
0x38: {  	v3 =	vand.u32 $0x7, v3  }
0x39: {  	v3 =	vor.u32 v3, v4  }
0x3a: {  	v4 =	vperm.xlane v3, v0;
	_ =	sdelay $0x1  }
0x3b: {  	v4 =	vadd.s32 v1, v4;
	_ =	sdelay $0x1  }
0x3c: {  	v3 =	vperm.xlane v3, v2;
	_ =	sdelay $0x1  }
0x3d: {  	s8 =	simm.s32 $0x0;
	s21 =	simm.s32 $0xF000;
	v3 =	vadd.s32 v1, v3  }
0x3e: {  	[tilespmem:s21], [sflag:$0x5] =	stream.indirect_vreg.gather [hbm4b:s3+s8], $0x80, v4, vm0, $0xb8;
	[tilespmem:$0x1B000] =	vst v63  }
0x3f: {  	s4 =	simm.s32 $0xF800  }
0x40: {  	[tilespmem:s4], [sflag:$0x5] =	stream.indirect_vreg.gather [hbm4b:s12+s8], $0x80, v4, vm1, $0xb8;
	[tilespmem:$0x1B000] =	vst v63  }
0x41: {  	s9 =	simm.s32 $0xFC00  }
0x42: {  	[tilespmem:s9], [sflag:$0x5] =	stream.indirect_vreg.gather [hbm4b:s3+s8], $0x80, v3, vm0, $0xb8;
	[tilespmem:$0x1B000] =	vst v63  }
0x43: {  	s10 =	simm.s32 $0x10400  }
0x44: {  	[tilespmem:s10], [sflag:$0x5] =	stream.indirect_vreg.gather [hbm4b:s12+s8], $0x80, v3, vm1, $0xb8;
	[tilespmem:$0x1B000] =	vst v63  }
0x45: {  	v3 =	vld [tilespmem:$0x2010];
	_ =	sdelay $0x4  }
0x46: {  	v4 =	vshrl.u32 v3, $0x3  }
0x47: {  	v4 =	vmul.u32 $0x18, v4  }
0x48: {  	v3 =	vand.u32 $0x7, v3  }
0x49: {  	v3 =	vor.u32 v3, v4  }
0x4a: {  	v4 =	vperm.xlane v3, v0;
	_ =	sdelay $0x1  }
0x4b: {  	v4 =	vadd.s32 v1, v4;
	_ =	sdelay $0x1  }
0x4c: {  	v3 =	vperm.xlane v3, v2;
	_ =	sdelay $0x1  }
0x4d: {  	s11 =	simm.s32 $0x10800;
	v3 =	vadd.s32 v1, v3  }
0x4e: {  	[tilespmem:s11], [sflag:$0x5] =	stream.indirect_vreg.gather [hbm4b:s3+s8], $0x80, v4, vm0, $0xb8;
	[tilespmem:$0x1B000] =	vst v63  }
0x4f: {  	s13 =	simm.s32 $0x11000  }
0x50: {  	[tilespmem:s13], [sflag:$0x5] =	stream.indirect_vreg.gather [hbm4b:s12+s8], $0x80, v4, vm1, $0xb8;
	[tilespmem:$0x1B000] =	vst v63  }
0x51: {  	s14 =	simm.s32 $0x11400  }
0x52: {  	[tilespmem:s14], [sflag:$0x5] =	stream.indirect_vreg.gather [hbm4b:s3+s8], $0x80, v3, vm0, $0xb8;
	[tilespmem:$0x1B000] =	vst v63  }
0x53: {  	s20 =	simm.s32 $0x11C00  }
0x54: {  	[tilespmem:s20], [sflag:$0x5] =	stream.indirect_vreg.gather [hbm4b:s12+s8], $0x80, v3, vm1, $0xb8;
	[tilespmem:$0x1B000] =	vst v63  }
0x55: {  	v3 =	vld [tilespmem:$0x2020];
	_ =	sdelay $0x4  }
0x56: {  	v4 =	vshrl.u32 v3, $0x3  }
0x57: {  	v4 =	vmul.u32 $0x18, v4  }
0x58: {  	v3 =	vand.u32 $0x7, v3  }
0x59: {  	v3 =	vor.u32 v3, v4  }
0x5a: {  	v4 =	vperm.xlane v3, v0;
	_ =	sdelay $0x1  }
0x5b: {  	v4 =	vadd.s32 v1, v4;
	_ =	sdelay $0x1  }
0x5c: {  	v3 =	vperm.xlane v3, v2;
	_ =	sdelay $0x1  }
0x5d: {  	s21 =	simm.s32 $0x12000;
	v3 =	vadd.s32 v1, v3  }
0x5e: {  	[tilespmem:s21], [sflag:$0x6] =	stream.indirect_vreg.gather [hbm4b:s3+s8], $0x80, v4, vm0, $0xb8;
	[tilespmem:$0x1B000] =	vst v63  }
0x5f: {  	s4 =	simm.s32 $0x12800  }
0x60: {  	[tilespmem:s4], [sflag:$0x6] =	stream.indirect_vreg.gather [hbm4b:s12+s8], $0x80, v4, vm1, $0xb8;
	[tilespmem:$0x1B000] =	vst v63  }
0x61: {  	s9 =	simm.s32 $0x12C00  }
0x62: {  	[tilespmem:s9], [sflag:$0x6] =	stream.indirect_vreg.gather [hbm4b:s3+s8], $0x80, v3, vm0, $0xb8;
	[tilespmem:$0x1B000] =	vst v63  }
0x63: {  	s10 =	simm.s32 $0x13400  }
0x64: {  	[tilespmem:s10], [sflag:$0x6] =	stream.indirect_vreg.gather [hbm4b:s12+s8], $0x80, v3, vm1, $0xb8;
	[tilespmem:$0x1B000] =	vst v63  }
0x65: {  	v3 =	vld [tilespmem:$0x2030];
	_ =	sdelay $0x4  }
0x66: {  	v4 =	vshrl.u32 v3, $0x3  }
0x67: {  	v4 =	vmul.u32 $0x18, v4  }
0x68: {  	v3 =	vand.u32 $0x7, v3  }
0x69: {  	v3 =	vor.u32 v3, v4  }
0x6a: {  	v4 =	vperm.xlane v3, v0;
	_ =	sdelay $0x1  }
0x6b: {  	v4 =	vadd.s32 v1, v4;
	_ =	sdelay $0x1  }
0x6c: {  	v3 =	vperm.xlane v3, v2;
	_ =	sdelay $0x1  }
0x6d: {  	s11 =	simm.s32 $0x13800;
	v3 =	vadd.s32 v1, v3  }
0x6e: {  	[tilespmem:s11], [sflag:$0x6] =	stream.indirect_vreg.gather [hbm4b:s3+s8], $0x80, v4, vm0, $0xb8;
	[tilespmem:$0x1B000] =	vst v63  }
0x6f: {  	s13 =	simm.s32 $0x14000  }
0x70: {  	[tilespmem:s13], [sflag:$0x6] =	stream.indirect_vreg.gather [hbm4b:s12+s8], $0x80, v4, vm1, $0xb8;
	[tilespmem:$0x1B000] =	vst v63  }
0x71: {  	s14 =	simm.s32 $0x14400  }
0x72: {  	[tilespmem:s14], [sflag:$0x6] =	stream.indirect_vreg.gather [hbm4b:s3+s8], $0x80, v3, vm0, $0xb8;
	[tilespmem:$0x1B000] =	vst v63  }
0x73: {  	s20 =	simm.s32 $0x14C00  }
0x74: {  	[tilespmem:s20], [sflag:$0x6] =	stream.indirect_vreg.gather [hbm4b:s12+s8], $0x80, v3, vm1, $0xb8;
	[tilespmem:$0x1B000] =	vst v63  }
0x75: {  	v3 =	vld [tilespmem:$0x2040];
	_ =	sdelay $0x4  }
0x76: {  	v4 =	vshrl.u32 v3, $0x3  }
0x77: {  	v4 =	vmul.u32 $0x18, v4  }
0x78: {  	v3 =	vand.u32 $0x7, v3  }
0x79: {  	v3 =	vor.u32 v3, v4  }
0x7a: {  	v4 =	vperm.xlane v3, v0;
	_ =	sdelay $0x1  }
0x7b: {  	v4 =	vadd.s32 v1, v4;
	_ =	sdelay $0x1  }
0x7c: {  	v3 =	vperm.xlane v3, v2;
	_ =	sdelay $0x1  }
0x7d: {  	s21 =	simm.s32 $0x15000;
	v3 =	vadd.s32 v1, v3  }
0x7e: {  	[tilespmem:s21], [sflag:$0x7] =	stream.indirect_vreg.gather [hbm4b:s3+s8], $0x80, v4, vm0, $0xb8;
	[tilespmem:$0x1B000] =	vst v63  }
0x7f: {  	s4 =	simm.s32 $0x15800  }
0x80: {  	[tilespmem:s4], [sflag:$0x7] =	stream.indirect_vreg.gather [hbm4b:s12+s8], $0x80, v4, vm1, $0xb8;
	[tilespmem:$0x1B000] =	vst v63  }
0x81: {  	s9 =	simm.s32 $0x15C00  }
0x82: {  	[tilespmem:s9], [sflag:$0x7] =	stream.indirect_vreg.gather [hbm4b:s3+s8], $0x80, v3, vm0, $0xb8;
	[tilespmem:$0x1B000] =	vst v63  }
0x83: {  	s10 =	simm.s32 $0x16400  }
0x84: {  	[tilespmem:s10], [sflag:$0x7] =	stream.indirect_vreg.gather [hbm4b:s12+s8], $0x80, v3, vm1, $0xb8;
	[tilespmem:$0x1B000] =	vst v63  }
0x85: {  	v3 =	vld [tilespmem:$0x2050];
	_ =	sdelay $0x4  }
0x86: {  	v4 =	vshrl.u32 v3, $0x3  }
0x87: {  	v4 =	vmul.u32 $0x18, v4  }
0x88: {  	v3 =	vand.u32 $0x7, v3  }
0x89: {  	v3 =	vor.u32 v3, v4  }
0x8a: {  	v4 =	vperm.xlane v3, v0;
	_ =	sdelay $0x1  }
0x8b: {  	v4 =	vadd.s32 v1, v4;
	_ =	sdelay $0x1  }
0x8c: {  	v3 =	vperm.xlane v3, v2;
	_ =	sdelay $0x1  }
0x8d: {  	s11 =	simm.s32 $0x16800;
	v3 =	vadd.s32 v1, v3  }
0x8e: {  	[tilespmem:s11], [sflag:$0x7] =	stream.indirect_vreg.gather [hbm4b:s3+s8], $0x80, v4, vm0, $0xb8;
	[tilespmem:$0x1B000] =	vst v63  }
0x8f: {  	s13 =	simm.s32 $0x17000  }
0x90: {  	[tilespmem:s13], [sflag:$0x7] =	stream.indirect_vreg.gather [hbm4b:s12+s8], $0x80, v4, vm1, $0xb8;
	[tilespmem:$0x1B000] =	vst v63  }
0x91: {  	s14 =	simm.s32 $0x17400  }
0x92: {  	[tilespmem:s14], [sflag:$0x7] =	stream.indirect_vreg.gather [hbm4b:s3+s8], $0x80, v3, vm0, $0xb8;
	[tilespmem:$0x1B000] =	vst v63  }
0x93: {  	s20 =	simm.s32 $0x17C00  }
0x94: {  	[tilespmem:s20], [sflag:$0x7] =	stream.indirect_vreg.gather [hbm4b:s12+s8], $0x80, v3, vm1, $0xb8;
	[tilespmem:$0x1B000] =	vst v63  }
0x95: {  	_ =	swait.ge [sflag:s31], $0x3000  }
0x96: {  	[sflag:s31] =	ssyncset.done $0x0  }
0x97: {  	s21 =	simm.s32 $0x0;
	[sflag:s31] =	ssyncadd.s32 $0xFFFFD000  }
0x98: {  	s1 =	smul.u32 $0xC00, s21;
	_ =	swait.ge [sflag:s2], $0x3000  }
0x99: {  	s4 =	sand.u32 $0x380, s8;
	[sflag:s2] =	ssyncset.done $0x0  }
0x9a: {  	s9 =	sor.u32 s4, s1;
	[sflag:s2] =	ssyncadd.s32 $0xFFFFD000  }
0x9b: {  	v3 =	vld [tilespmem:s9+$0xF870]  }
0x9c: {  	v6 =	vld [tilespmem:s9+$0xF000]  }
0x9d: {  	v7 =	vld [tilespmem:s9+$0xF010]  }
0x9e: {  	v8 =	vld [tilespmem:s9+$0xF020]  }
0x9f: {  	v9 =	vld [tilespmem:s9+$0xF030]  }
0xa0: {  	v10 =	vld [tilespmem:s9+$0xF040]  }
0xa1: {  	v11 =	vld [tilespmem:s9+$0xF050]  }
0xa2: {  	v12 =	vld [tilespmem:s9+$0xF060]  }
0xa3: {  	v13 =	vld [tilespmem:s9+$0xF070]  }
0xa4: {  	v14 =	vld [tilespmem:s9+$0xF400]  }
0xa5: {  	v15 =	vld [tilespmem:s9+$0xF410]  }
0xa6: {  	v16 =	vld [tilespmem:s9+$0xF420]  }
0xa7: {  	v17 =	vld [tilespmem:s9+$0xF430]  }
0xa8: {  	v18 =	vld [tilespmem:s9+$0xF440]  }
0xa9: {  	v19 =	vld [tilespmem:s9+$0xF450]  }
0xaa: {  	v20 =	vld [tilespmem:s9+$0xF460]  }
0xab: {  	v21 =	vld [tilespmem:s9+$0xF470]  }
0xac: {  	v22 =	vld [tilespmem:s9+$0xF800]  }
0xad: {  	v23 =	vld [tilespmem:s9+$0xF810]  }
0xae: {  	v24 =	vld [tilespmem:s9+$0xF820]  }
0xaf: {  	v25 =	vld [tilespmem:s9+$0xF830]  }
0xb0: {  	v5 =	vld [tilespmem:s9+$0xF840]  }
0xb1: {  	v4 =	vld [tilespmem:s9+$0xF850]  }
0xb2: {  	[tilespmem:s9+$0x3870] =	vst.add.f32.msk $0xffff, v3  }
0xb3: {  	v3 =	vld [tilespmem:s9+$0xF860]  }
0xb4: {  	[tilespmem:s9+$0x3000] =	vst.add.f32.msk $0xffff, v6  }
0xb5: {  	[tilespmem:s9+$0x3010] =	vst.add.f32.msk $0xffff, v7  }
0xb6: {  	[tilespmem:s9+$0x3020] =	vst.add.f32.msk $0xffff, v8  }
0xb7: {  	[tilespmem:s9+$0x3030] =	vst.add.f32.msk $0xffff, v9  }
0xb8: {  	[tilespmem:s9+$0x3040] =	vst.add.f32.msk $0xffff, v10  }
0xb9: {  	[tilespmem:s9+$0x3050] =	vst.add.f32.msk $0xffff, v11  }
0xba: {  	[tilespmem:s9+$0x3060] =	vst.add.f32.msk $0xffff, v12  }
0xbb: {  	[tilespmem:s9+$0x3070] =	vst.add.f32.msk $0xffff, v13  }
0xbc: {  	[tilespmem:s9+$0x3400] =	vst.add.f32.msk $0xffff, v14  }
0xbd: {  	[tilespmem:s9+$0x3410] =	vst.add.f32.msk $0xffff, v15  }
0xbe: {  	[tilespmem:s9+$0x3420] =	vst.add.f32.msk $0xffff, v16  }
0xbf: {  	[tilespmem:s9+$0x3430] =	vst.add.f32.msk $0xffff, v17  }
0xc0: {  	[tilespmem:s9+$0x3440] =	vst.add.f32.msk $0xffff, v18  }
0xc1: {  	[tilespmem:s9+$0x3450] =	vst.add.f32.msk $0xffff, v19  }
0xc2: {  	[tilespmem:s9+$0x3460] =	vst.add.f32.msk $0xffff, v20  }
0xc3: {  	[tilespmem:s9+$0x3470] =	vst.add.f32.msk $0xffff, v21  }
0xc4: {  	[tilespmem:s9+$0x3800] =	vst.add.f32.msk $0xffff, v22  }
0xc5: {  	[tilespmem:s9+$0x3810] =	vst.add.f32.msk $0xffff, v23  }
0xc6: {  	[tilespmem:s9+$0x3820] =	vst.add.f32.msk $0xffff, v24  }
0xc7: {  	s4 =	simm.s32 $0x0;
	s1 =	simm.s32 $0x2;
	[tilespmem:s9+$0x3830] =	vst.add.f32.msk $0xffff, v25  }
.LBB2_4:
0xc8: {  	p0 =	sne.s32 s1, $0x1F;
	s4 =	smul.u32 $0xC00, s4;
	[tilespmem:s9+$0x3840] =	vst.add.f32.msk $0xffff, v5;
	s8 =	sadd.s32 $0x80, s8  }
0xc9: {  	s10 =	sand.u32 $0x380, s8;
	[tilespmem:s9+$0x3850] =	vst.add.f32.msk $0xffff, v4  }
0xca: {  	[tilespmem:s9+$0x3860] =	vst.add.f32.msk $0xffff, v3;
	s9 =	sor.u32 s10, s4  }
0xcb: {  	v3 =	vld [tilespmem:s9+$0xF870]  }
0xcc: {  	v6 =	vld [tilespmem:s9+$0xF000]  }
0xcd: {  	v7 =	vld [tilespmem:s9+$0xF010]  }
0xce: {  	v8 =	vld [tilespmem:s9+$0xF020]  }
0xcf: {  	v9 =	vld [tilespmem:s9+$0xF030]  }
0xd0: {  	[tilespmem:s9+$0x3870] =	vst.add.f32.msk $0xffff, v3  }
0xd1: {  	v10 =	vld [tilespmem:s9+$0xF040]  }
0xd2: {  	v11 =	vld [tilespmem:s9+$0xF050]  }
0xd3: {  	v12 =	vld [tilespmem:s9+$0xF060]  }
0xd4: {  	v13 =	vld [tilespmem:s9+$0xF070]  }
0xd5: {  	v14 =	vld [tilespmem:s9+$0xF400]  }
0xd6: {  	v15 =	vld [tilespmem:s9+$0xF410]  }
0xd7: {  	v16 =	vld [tilespmem:s9+$0xF420]  }
0xd8: {  	v17 =	vld [tilespmem:s9+$0xF430]  }
0xd9: {  	v18 =	vld [tilespmem:s9+$0xF440]  }
0xda: {  	v19 =	vld [tilespmem:s9+$0xF450]  }
0xdb: {  	v20 =	vld [tilespmem:s9+$0xF460]  }
0xdc: {  	v21 =	vld [tilespmem:s9+$0xF470]  }
0xdd: {  	v22 =	vld [tilespmem:s9+$0xF800]  }
0xde: {  	v23 =	vld [tilespmem:s9+$0xF810]  }
0xdf: {  	v24 =	vld [tilespmem:s9+$0xF820]  }
0xe0: {  	v25 =	vld [tilespmem:s9+$0xF830]  }
0xe1: {  	v5 =	vld [tilespmem:s9+$0xF840]  }
0xe2: {  	v4 =	vld [tilespmem:s9+$0xF850]  }
0xe3: {  	v3 =	vld [tilespmem:s9+$0xF860]  }
0xe4: {  	[tilespmem:s9+$0x3000] =	vst.add.f32.msk $0xffff, v6  }
0xe5: {  	[tilespmem:s9+$0x3010] =	vst.add.f32.msk $0xffff, v7  }
0xe6: {  	[tilespmem:s9+$0x3020] =	vst.add.f32.msk $0xffff, v8  }
0xe7: {  	[tilespmem:s9+$0x3030] =	vst.add.f32.msk $0xffff, v9  }
0xe8: {  	[tilespmem:s9+$0x3040] =	vst.add.f32.msk $0xffff, v10  }
0xe9: {  	[tilespmem:s9+$0x3050] =	vst.add.f32.msk $0xffff, v11  }
0xea: {  	[tilespmem:s9+$0x3060] =	vst.add.f32.msk $0xffff, v12  }
0xeb: {  	[tilespmem:s9+$0x3070] =	vst.add.f32.msk $0xffff, v13  }
0xec: {  	[tilespmem:s9+$0x3400] =	vst.add.f32.msk $0xffff, v14  }
0xed: {  	[tilespmem:s9+$0x3410] =	vst.add.f32.msk $0xffff, v15  }
0xee: {  	[tilespmem:s9+$0x3420] =	vst.add.f32.msk $0xffff, v16  }
0xef: {  	[tilespmem:s9+$0x3430] =	vst.add.f32.msk $0xffff, v17  }
0xf0: {  	[tilespmem:s9+$0x3440] =	vst.add.f32.msk $0xffff, v18  }
0xf1: {  	[tilespmem:s9+$0x3450] =	vst.add.f32.msk $0xffff, v19  }
0xf2: {  	[tilespmem:s9+$0x3460] =	vst.add.f32.msk $0xffff, v20  }
.Ltmp1:
0xf3: {  	[tilespmem:s9+$0x3470] =	vst.add.f32.msk $0xffff, v21;
	(pc) =	sbr.rel @p0 .LBB2_4-.Ltmp1, $4  }
0xf4: {  	[tilespmem:s9+$0x3800] =	vst.add.f32.msk $0xffff, v22  }
0xf5: {  	[tilespmem:s9+$0x3810] =	vst.add.f32.msk $0xffff, v23  }
0xf6: {  	[tilespmem:s9+$0x3820] =	vst.add.f32.msk $0xffff, v24  }
0xf7: {  	s4 =	sshrl.u32 s1, $0x3;
	s1 =	sadd.s32 $0x1, s1;
	[tilespmem:s9+$0x3830] =	vst.add.f32.msk $0xffff, v25  }
0xf8: {  	s1 =	smul.u32 $0xC00, s4;
	[tilespmem:s9+$0x3840] =	vst.add.f32.msk $0xffff, v5;
	s14 =	sadd.s32 $0x80, s8  }
0xf9: {  	[tilespmem:s9+$0x3850] =	vst.add.f32.msk $0xffff, v4;
	s4 =	sand.u32 $0x380, s14  }
0xfa: {  	[tilespmem:s9+$0x3860] =	vst.add.f32.msk $0xffff, v3;
	s1 =	sor.u32 s4, s1  }
0xfb: {  	v3 =	vld [tilespmem:s1+$0xF870]  }
0xfc: {  	v4 =	vld [tilespmem:s1+$0xF000]  }
0xfd: {  	v5 =	vld [tilespmem:s1+$0xF010]  }
0xfe: {  	v6 =	vld [tilespmem:s1+$0xF020]  }
0xff: {  	v7 =	vld [tilespmem:s1+$0xF030]  }
0x100: {  	v8 =	vld [tilespmem:s1+$0xF050]  }
0x101: {  	v9 =	vld [tilespmem:s1+$0xF060]  }
0x102: {  	v10 =	vld [tilespmem:s1+$0xF070]  }
0x103: {  	v11 =	vld [tilespmem:s1+$0xF400]  }
0x104: {  	v12 =	vld [tilespmem:s1+$0xF410]  }
0x105: {  	v13 =	vld [tilespmem:s1+$0xF420]  }
0x106: {  	v14 =	vld [tilespmem:s1+$0xF430]  }
0x107: {  	v15 =	vld [tilespmem:s1+$0xF440]  }
0x108: {  	v16 =	vld [tilespmem:s1+$0xF450]  }
0x109: {  	v17 =	vld [tilespmem:s1+$0xF460]  }
0x10a: {  	v18 =	vld [tilespmem:s1+$0xF470]  }
0x10b: {  	v19 =	vld [tilespmem:s1+$0xF800]  }
0x10c: {  	v20 =	vld [tilespmem:s1+$0xF810]  }
0x10d: {  	v21 =	vld [tilespmem:s1+$0xF820]  }
0x10e: {  	v22 =	vld [tilespmem:s1+$0xF830]  }
0x10f: {  	v23 =	vld [tilespmem:s1+$0xF840]  }
0x110: {  	v24 =	vld [tilespmem:s1+$0xF850]  }
0x111: {  	v25 =	vld [tilespmem:s1+$0xF860]  }
0x112: {  	[tilespmem:s1+$0x3870] =	vst.add.f32.msk $0xffff, v3  }
0x113: {  	v3 =	vld [tilespmem:s1+$0xF040]  }
0x114: {  	[tilespmem:s1+$0x3000] =	vst.add.f32.msk $0xffff, v4  }
0x115: {  	[tilespmem:s1+$0x3010] =	vst.add.f32.msk $0xffff, v5  }
0x116: {  	[tilespmem:s1+$0x3020] =	vst.add.f32.msk $0xffff, v6  }
0x117: {  	[tilespmem:s1+$0x3030] =	vst.add.f32.msk $0xffff, v7  }
0x118: {  	[tilespmem:s1+$0x3050] =	vst.add.f32.msk $0xffff, v8  }
0x119: {  	[tilespmem:s1+$0x3060] =	vst.add.f32.msk $0xffff, v9  }
0x11a: {  	[tilespmem:s1+$0x3070] =	vst.add.f32.msk $0xffff, v10  }
0x11b: {  	[tilespmem:s1+$0x3400] =	vst.add.f32.msk $0xffff, v11  }
0x11c: {  	[tilespmem:s1+$0x3410] =	vst.add.f32.msk $0xffff, v12  }
0x11d: {  	[tilespmem:s1+$0x3420] =	vst.add.f32.msk $0xffff, v13  }
0x11e: {  	[tilespmem:s1+$0x3430] =	vst.add.f32.msk $0xffff, v14  }
0x11f: {  	[tilespmem:s1+$0x3440] =	vst.add.f32.msk $0xffff, v15  }
0x120: {  	[tilespmem:s1+$0x3450] =	vst.add.f32.msk $0xffff, v16  }
0x121: {  	[tilespmem:s1+$0x3460] =	vst.add.f32.msk $0xffff, v17  }
0x122: {  	[tilespmem:s1+$0x3470] =	vst.add.f32.msk $0xffff, v18  }
0x123: {  	[tilespmem:s1+$0x3800] =	vst.add.f32.msk $0xffff, v19  }
0x124: {  	[tilespmem:s1+$0x3810] =	vst.add.f32.msk $0xffff, v20  }
0x125: {  	[tilespmem:s1+$0x3820] =	vst.add.f32.msk $0xffff, v21  }
0x126: {  	[tilespmem:s1+$0x3830] =	vst.add.f32.msk $0xffff, v22  }
0x127: {  	[tilespmem:s1+$0x3840] =	vst.add.f32.msk $0xffff, v23  }
0x128: {  	[tilespmem:s1+$0x3850] =	vst.add.f32.msk $0xffff, v24  }
0x129: {  	[tilespmem:s1+$0x3860] =	vst.add.f32.msk $0xffff, v25  }
0x12a: {  	s8 =	simm.s32 $0x0;
	s20 =	rddreg [dreg:$0xa];
	[tilespmem:s1+$0x3040] =	vst.add.f32.msk $0xffff, v3  }
0x12b: {  	[hbm4b:s20+s8] =	stream.linear.scatter [tilespmem:s19], [sflag:$0x9], $0x3000, $0x38;
	[tilespmem:$0x1B000] =	vst v63  }
0x12c: {  	s21 =	rddreg [dreg:$0xb]  }
0x12d: {  	[tilespmem:s0], [sflag:$0x4] =	stream.linear.gather [hbm4b:s21+s8], $0x3000, $0x38;
	[tilespmem:$0x1B000] =	vst v63  }
0x12e: {  	v3 =	vld [tilespmem:$0x2060];
	_ =	sdelay $0x4  }
0x12f: {  	v62 =	vshrl.u32 v3, $0x3  }
0x130: {  	v4 =	vmul.u32 $0x18, v62  }
0x131: {  	v3 =	vand.u32 $0x7, v3  }
0x132: {  	v3 =	vor.u32 v3, v4  }
0x133: {  	v4 =	vperm.xlane v3, v0;
	_ =	sdelay $0x1  }
0x134: {  	v4 =	vadd.s32 v1, v4;
	_ =	sdelay $0x1  }
0x135: {  	v3 =	vperm.xlane v3, v2;
	_ =	sdelay $0x1  }
0x136: {  	s4 =	simm.s32 $0x18000;
	v3 =	vadd.s32 v1, v3  }
0x137: {  	[tilespmem:s4], [sflag:$0x8] =	stream.indirect_vreg.gather [hbm4b:s3+s8], $0x80, v4, vm0, $0xb8;
	[tilespmem:$0x1B000] =	vst v63  }
0x138: {  	s9 =	simm.s32 $0x18800  }
0x139: {  	[tilespmem:s9], [sflag:$0x8] =	stream.indirect_vreg.gather [hbm4b:s12+s8], $0x80, v4, vm1, $0xb8;
	[tilespmem:$0x1B000] =	vst v63  }
0x13a: {  	s10 =	simm.s32 $0x18C00  }
0x13b: {  	[tilespmem:s10], [sflag:$0x8] =	stream.indirect_vreg.gather [hbm4b:s3+s8], $0x80, v3, vm0, $0xb8;
	[tilespmem:$0x1B000] =	vst v63  }
0x13c: {  	s11 =	simm.s32 $0x19400  }
0x13d: {  	[tilespmem:s11], [sflag:$0x8] =	stream.indirect_vreg.gather [hbm4b:s12+s8], $0x80, v3, vm1, $0xb8;
	[tilespmem:$0x1B000] =	vst v63  }
0x13e: {  	v3 =	vld [tilespmem:$0x2070];
	_ =	sdelay $0x4  }
0x13f: {  	v63 =	vshrl.u32 v3, $0x3  }
0x140: {  	v4 =	vmul.u32 $0x18, v63  }
0x141: {  	v3 =	vand.u32 $0x7, v3  }
0x142: {  	v3 =	vor.u32 v3, v4  }
0x143: {  	v4 =	vperm.xlane v3, v0;
	_ =	sdelay $0x1  }
0x144: {  	v4 =	vadd.s32 v1, v4;
	_ =	sdelay $0x1  }
0x145: {  	v3 =	vperm.xlane v3, v2;
	_ =	sdelay $0x1  }
0x146: {  	s13 =	simm.s32 $0x19800;
	v3 =	vadd.s32 v1, v3  }
0x147: {  	[tilespmem:s13], [sflag:$0x8] =	stream.indirect_vreg.gather [hbm4b:s3+s8], $0x80, v4, vm0, $0xb8;
	[tilespmem:$0x1B000] =	vst v63  }
0x148: {  	s14 =	simm.s32 $0x1A000  }
0x149: {  	[tilespmem:s14], [sflag:$0x8] =	stream.indirect_vreg.gather [hbm4b:s12+s8], $0x80, v4, vm1, $0xb8;
	[tilespmem:$0x1B000] =	vst v63  }
0x14a: {  	s20 =	simm.s32 $0x1A400  }
0x14b: {  	[tilespmem:s20], [sflag:$0x8] =	stream.indirect_vreg.gather [hbm4b:s3+s8], $0x80, v3, vm0, $0xb8;
	[tilespmem:$0x1B000] =	vst v63  }
0x14c: {  	s21 =	simm.s32 $0x1AC00;
	s9 =	simm.s32 $0x0  }
0x14d: {  	[tilespmem:s21], [sflag:$0x8] =	stream.indirect_vreg.gather [hbm4b:s12+s8], $0x80, v3, vm1, $0xb8;
	[tilespmem:$0x1B000] =	vst v63  }
.LBB2_6:
0x14e: {  	_ =	swait.ge [sflag:s16], $0x3000  }
0x14f: {  	[sflag:s16] =	ssyncset.done $0x0  }
0x150: {  	s1 =	simm.s32 $0x0;
	[sflag:s16] =	ssyncadd.s32 $0xFFFFD000  }
0x151: {  	s1 =	smul.u32 $0xC00, s1;
	_ =	swait.ge [sflag:s17], $0x3000  }
0x152: {  	s4 =	sand.u32 $0x380, s8;
	[sflag:s17] =	ssyncset.done $0x0  }
0x153: {  	s10 =	sor.u32 s4, s1;
	[sflag:s17] =	ssyncadd.s32 $0xFFFFD000  }
0x154: {  	v3 =	vld [tilespmem:s10+$0x12870]  }
0x155: {  	v6 =	vld [tilespmem:s10+$0x12000]  }
0x156: {  	v7 =	vld [tilespmem:s10+$0x12010]  }
0x157: {  	v8 =	vld [tilespmem:s10+$0x12020]  }
0x158: {  	v9 =	vld [tilespmem:s10+$0x12030]  }
0x159: {  	v10 =	vld [tilespmem:s10+$0x12040]  }
0x15a: {  	v11 =	vld [tilespmem:s10+$0x12050]  }
0x15b: {  	v12 =	vld [tilespmem:s10+$0x12060]  }
0x15c: {  	v13 =	vld [tilespmem:s10+$0x12070]  }
0x15d: {  	v14 =	vld [tilespmem:s10+$0x12400]  }
0x15e: {  	v15 =	vld [tilespmem:s10+$0x12410]  }
0x15f: {  	v16 =	vld [tilespmem:s10+$0x12420]  }
0x160: {  	v17 =	vld [tilespmem:s10+$0x12430]  }
0x161: {  	v18 =	vld [tilespmem:s10+$0x12440]  }
0x162: {  	v19 =	vld [tilespmem:s10+$0x12450]  }
0x163: {  	v20 =	vld [tilespmem:s10+$0x12460]  }
0x164: {  	v21 =	vld [tilespmem:s10+$0x12470]  }
0x165: {  	v22 =	vld [tilespmem:s10+$0x12800]  }
0x166: {  	v23 =	vld [tilespmem:s10+$0x12810]  }
0x167: {  	v24 =	vld [tilespmem:s10+$0x12820]  }
0x168: {  	v25 =	vld [tilespmem:s10+$0x12830]  }
0x169: {  	v5 =	vld [tilespmem:s10+$0x12840]  }
0x16a: {  	v4 =	vld [tilespmem:s10+$0x12850]  }
0x16b: {  	[tilespmem:s10+$0x6870] =	vst.add.f32.msk $0xffff, v3  }
0x16c: {  	v3 =	vld [tilespmem:s10+$0x12860]  }
0x16d: {  	[tilespmem:s10+$0x6000] =	vst.add.f32.msk $0xffff, v6  }
0x16e: {  	[tilespmem:s10+$0x6010] =	vst.add.f32.msk $0xffff, v7  }
0x16f: {  	[tilespmem:s10+$0x6020] =	vst.add.f32.msk $0xffff, v8  }
0x170: {  	[tilespmem:s10+$0x6030] =	vst.add.f32.msk $0xffff, v9  }
0x171: {  	[tilespmem:s10+$0x6040] =	vst.add.f32.msk $0xffff, v10  }
0x172: {  	[tilespmem:s10+$0x6050] =	vst.add.f32.msk $0xffff, v11  }
0x173: {  	[tilespmem:s10+$0x6060] =	vst.add.f32.msk $0xffff, v12  }
0x174: {  	[tilespmem:s10+$0x6070] =	vst.add.f32.msk $0xffff, v13  }
0x175: {  	[tilespmem:s10+$0x6400] =	vst.add.f32.msk $0xffff, v14  }
0x176: {  	[tilespmem:s10+$0x6410] =	vst.add.f32.msk $0xffff, v15  }
0x177: {  	[tilespmem:s10+$0x6420] =	vst.add.f32.msk $0xffff, v16  }
0x178: {  	[tilespmem:s10+$0x6430] =	vst.add.f32.msk $0xffff, v17  }
0x179: {  	[tilespmem:s10+$0x6440] =	vst.add.f32.msk $0xffff, v18  }
0x17a: {  	[tilespmem:s10+$0x6450] =	vst.add.f32.msk $0xffff, v19  }
0x17b: {  	[tilespmem:s10+$0x6460] =	vst.add.f32.msk $0xffff, v20  }
0x17c: {  	[tilespmem:s10+$0x6470] =	vst.add.f32.msk $0xffff, v21  }
0x17d: {  	[tilespmem:s10+$0x6800] =	vst.add.f32.msk $0xffff, v22  }
0x17e: {  	[tilespmem:s10+$0x6810] =	vst.add.f32.msk $0xffff, v23  }
0x17f: {  	[tilespmem:s10+$0x6820] =	vst.add.f32.msk $0xffff, v24  }
0x180: {  	s11 =	simm.s32 $0x2;
	s4 =	simm.s32 $0x0;
	s1 =	simm.s32 $0x0;
	[tilespmem:s10+$0x6830] =	vst.add.f32.msk $0xffff, v25  }
.LBB2_7:
0x181: {  	p0 =	sne.s32 s11, $0x1F;
	s4 =	smul.u32 $0xC00, s4;
	[tilespmem:s10+$0x6840] =	vst.add.f32.msk $0xffff, v5;
	s1 =	sadd.s32 $0x80, s1  }
0x182: {  	s13 =	sand.u32 $0x380, s1;
	[tilespmem:s10+$0x6850] =	vst.add.f32.msk $0xffff, v4  }
0x183: {  	[tilespmem:s10+$0x6860] =	vst.add.f32.msk $0xffff, v3;
	s10 =	sor.u32 s13, s4  }
0x184: {  	v3 =	vld [tilespmem:s10+$0x12870]  }
0x185: {  	v6 =	vld [tilespmem:s10+$0x12000]  }
0x186: {  	v7 =	vld [tilespmem:s10+$0x12010]  }
0x187: {  	v8 =	vld [tilespmem:s10+$0x12020]  }
0x188: {  	v9 =	vld [tilespmem:s10+$0x12030]  }
0x189: {  	[tilespmem:s10+$0x6870] =	vst.add.f32.msk $0xffff, v3  }
0x18a: {  	v10 =	vld [tilespmem:s10+$0x12040]  }
0x18b: {  	v11 =	vld [tilespmem:s10+$0x12050]  }
0x18c: {  	v12 =	vld [tilespmem:s10+$0x12060]  }
0x18d: {  	v13 =	vld [tilespmem:s10+$0x12070]  }
0x18e: {  	v14 =	vld [tilespmem:s10+$0x12400]  }
0x18f: {  	v15 =	vld [tilespmem:s10+$0x12410]  }
0x190: {  	v16 =	vld [tilespmem:s10+$0x12420]  }
0x191: {  	v17 =	vld [tilespmem:s10+$0x12430]  }
0x192: {  	v18 =	vld [tilespmem:s10+$0x12440]  }
0x193: {  	v19 =	vld [tilespmem:s10+$0x12450]  }
0x194: {  	v20 =	vld [tilespmem:s10+$0x12460]  }
0x195: {  	v21 =	vld [tilespmem:s10+$0x12470]  }
0x196: {  	v22 =	vld [tilespmem:s10+$0x12800]  }
0x197: {  	v23 =	vld [tilespmem:s10+$0x12810]  }
0x198: {  	v24 =	vld [tilespmem:s10+$0x12820]  }
0x199: {  	v25 =	vld [tilespmem:s10+$0x12830]  }
0x19a: {  	v5 =	vld [tilespmem:s10+$0x12840]  }
0x19b: {  	v4 =	vld [tilespmem:s10+$0x12850]  }
0x19c: {  	v3 =	vld [tilespmem:s10+$0x12860]  }
0x19d: {  	[tilespmem:s10+$0x6000] =	vst.add.f32.msk $0xffff, v6  }
0x19e: {  	[tilespmem:s10+$0x6010] =	vst.add.f32.msk $0xffff, v7  }
0x19f: {  	[tilespmem:s10+$0x6020] =	vst.add.f32.msk $0xffff, v8  }
0x1a0: {  	[tilespmem:s10+$0x6030] =	vst.add.f32.msk $0xffff, v9  }
0x1a1: {  	[tilespmem:s10+$0x6040] =	vst.add.f32.msk $0xffff, v10  }
0x1a2: {  	[tilespmem:s10+$0x6050] =	vst.add.f32.msk $0xffff, v11  }
0x1a3: {  	[tilespmem:s10+$0x6060] =	vst.add.f32.msk $0xffff, v12  }
0x1a4: {  	[tilespmem:s10+$0x6070] =	vst.add.f32.msk $0xffff, v13  }
0x1a5: {  	[tilespmem:s10+$0x6400] =	vst.add.f32.msk $0xffff, v14  }
0x1a6: {  	[tilespmem:s10+$0x6410] =	vst.add.f32.msk $0xffff, v15  }
0x1a7: {  	[tilespmem:s10+$0x6420] =	vst.add.f32.msk $0xffff, v16  }
0x1a8: {  	[tilespmem:s10+$0x6430] =	vst.add.f32.msk $0xffff, v17  }
0x1a9: {  	[tilespmem:s10+$0x6440] =	vst.add.f32.msk $0xffff, v18  }
0x1aa: {  	[tilespmem:s10+$0x6450] =	vst.add.f32.msk $0xffff, v19  }
0x1ab: {  	[tilespmem:s10+$0x6460] =	vst.add.f32.msk $0xffff, v20  }
.Ltmp2:
0x1ac: {  	[tilespmem:s10+$0x6470] =	vst.add.f32.msk $0xffff, v21;
	(pc) =	sbr.rel @p0 .LBB2_7-.Ltmp2, $4  }
0x1ad: {  	[tilespmem:s10+$0x6800] =	vst.add.f32.msk $0xffff, v22  }
0x1ae: {  	[tilespmem:s10+$0x6810] =	vst.add.f32.msk $0xffff, v23  }
0x1af: {  	[tilespmem:s10+$0x6820] =	vst.add.f32.msk $0xffff, v24  }
0x1b0: {  	s4 =	sshrl.u32 s11, $0x3;
	s11 =	sadd.s32 $0x1, s11;
	[tilespmem:s10+$0x6830] =	vst.add.f32.msk $0xffff, v25  }
0x1b1: {  	s4 =	smul.u32 $0xC00, s4;
	[tilespmem:s10+$0x6840] =	vst.add.f32.msk $0xffff, v5;
	s1 =	sadd.s32 $0x80, s1  }
0x1b2: {  	[tilespmem:s10+$0x6850] =	vst.add.f32.msk $0xffff, v4;
	s1 =	sand.u32 $0x380, s1  }
0x1b3: {  	[tilespmem:s10+$0x6860] =	vst.add.f32.msk $0xffff, v3;
	s1 =	sor.u32 s1, s4  }
0x1b4: {  	v3 =	vld [tilespmem:s1+$0x12870]  }
0x1b5: {  	v4 =	vld [tilespmem:s1+$0x12000]  }
0x1b6: {  	v5 =	vld [tilespmem:s1+$0x12010]  }
0x1b7: {  	v6 =	vld [tilespmem:s1+$0x12020]  }
0x1b8: {  	v7 =	vld [tilespmem:s1+$0x12030]  }
0x1b9: {  	v8 =	vld [tilespmem:s1+$0x12050]  }
0x1ba: {  	v9 =	vld [tilespmem:s1+$0x12060]  }
0x1bb: {  	v10 =	vld [tilespmem:s1+$0x12070]  }
0x1bc: {  	v11 =	vld [tilespmem:s1+$0x12400]  }
0x1bd: {  	v12 =	vld [tilespmem:s1+$0x12410]  }
0x1be: {  	v13 =	vld [tilespmem:s1+$0x12420]  }
0x1bf: {  	v14 =	vld [tilespmem:s1+$0x12430]  }
0x1c0: {  	v15 =	vld [tilespmem:s1+$0x12440]  }
0x1c1: {  	v16 =	vld [tilespmem:s1+$0x12450]  }
0x1c2: {  	v17 =	vld [tilespmem:s1+$0x12460]  }
0x1c3: {  	v18 =	vld [tilespmem:s1+$0x12470]  }
0x1c4: {  	v19 =	vld [tilespmem:s1+$0x12800]  }
0x1c5: {  	v20 =	vld [tilespmem:s1+$0x12810]  }
0x1c6: {  	v21 =	vld [tilespmem:s1+$0x12820]  }
0x1c7: {  	v22 =	vld [tilespmem:s1+$0x12830]  }
0x1c8: {  	v23 =	vld [tilespmem:s1+$0x12840]  }
0x1c9: {  	v24 =	vld [tilespmem:s1+$0x12850]  }
0x1ca: {  	v25 =	vld [tilespmem:s1+$0x12860]  }
0x1cb: {  	[tilespmem:s1+$0x6870] =	vst.add.f32.msk $0xffff, v3  }
0x1cc: {  	v3 =	vld [tilespmem:s1+$0x12040]  }
0x1cd: {  	[tilespmem:s1+$0x6000] =	vst.add.f32.msk $0xffff, v4  }
0x1ce: {  	[tilespmem:s1+$0x6010] =	vst.add.f32.msk $0xffff, v5  }
0x1cf: {  	[tilespmem:s1+$0x6020] =	vst.add.f32.msk $0xffff, v6  }
0x1d0: {  	[tilespmem:s1+$0x6030] =	vst.add.f32.msk $0xffff, v7  }
0x1d1: {  	[tilespmem:s1+$0x6050] =	vst.add.f32.msk $0xffff, v8  }
0x1d2: {  	[tilespmem:s1+$0x6060] =	vst.add.f32.msk $0xffff, v9  }
0x1d3: {  	[tilespmem:s1+$0x6070] =	vst.add.f32.msk $0xffff, v10  }
0x1d4: {  	[tilespmem:s1+$0x6400] =	vst.add.f32.msk $0xffff, v11  }
0x1d5: {  	[tilespmem:s1+$0x6410] =	vst.add.f32.msk $0xffff, v12  }
0x1d6: {  	[tilespmem:s1+$0x6420] =	vst.add.f32.msk $0xffff, v13  }
0x1d7: {  	[tilespmem:s1+$0x6430] =	vst.add.f32.msk $0xffff, v14  }
0x1d8: {  	[tilespmem:s1+$0x6440] =	vst.add.f32.msk $0xffff, v15  }
0x1d9: {  	[tilespmem:s1+$0x6450] =	vst.add.f32.msk $0xffff, v16  }
0x1da: {  	[tilespmem:s1+$0x6460] =	vst.add.f32.msk $0xffff, v17  }
0x1db: {  	[tilespmem:s1+$0x6470] =	vst.add.f32.msk $0xffff, v18  }
0x1dc: {  	[tilespmem:s1+$0x6800] =	vst.add.f32.msk $0xffff, v19  }
0x1dd: {  	s10 =	sshll.u32 s9, $0x7;
	[tilespmem:s1+$0x6810] =	vst.add.f32.msk $0xffff, v20  }
0x1de: {  	s13 =	sor.u32 s10, s5;
	[tilespmem:s1+$0x6820] =	vst.add.f32.msk $0xffff, v21  }
0x1df: {  	s4 =	sshrl.u32 s13, $0x3;
	[tilespmem:s1+$0x6830] =	vst.add.f32.msk $0xffff, v22  }
0x1e0: {  	s13 =	smul.u32 $0x180, s4;
	[tilespmem:s1+$0x6840] =	vst.add.f32.msk $0xffff, v23  }
0x1e1: {  	[tilespmem:s1+$0x6850] =	vst.add.f32.msk $0xffff, v24  }
0x1e2: {  	s21 =	smov.u32 s15;
	s4 =	sadd.s32 s13, s15;
	[tilespmem:s1+$0x6860] =	vst.add.f32.msk $0xffff, v25  }
0x1e3: {  	s20 =	sadd.s32 s5, s10;
	s15 =	simm.s32 $0x0;
	s14 =	sadd.s32 $0x600, s4;
	[tilespmem:s1+$0x6040] =	vst.add.f32.msk $0xffff, v3  }
0x1e4: {  	[hbm4b:s14+s15] =	stream.linear.scatter [tilespmem:s22], [sflag:$0xA], $0x3000, $0x38;
	[tilespmem:$0x1B000] =	vst v63  }
0x1e5: {  	s1 =	sshrl.u32 s20, $0x3;
	_ =	swait.ge [sflag:s18], $0x3000  }
0x1e6: {  	s14 =	smul.u32 $0x180, s1;
	[sflag:s18] =	ssyncset.done $0x0  }
0x1e7: {  	[sflag:s18] =	ssyncadd.s32 $0xFFFFD000  }
0x1e8: {  	s11 =	sadd.s32 $0x1800, s14;
	s4 =	rddreg [dreg:$0x0]  }
0x1e9: {  	s1 =	sadd.s32 s4, s11  }
0x1ea: {  	[tilespmem:s19], [sflag:$0x1] =	stream.linear.gather [hbm4b:s1+s15], $0x3000, $0x38;
	[tilespmem:$0x1B000] =	vst v63  }
0x1eb: {  	v3 =	vld [tilespmem:s10+$0x2080];
	_ =	sdelay $0x4  }
0x1ec: {  	v4 =	vshrl.u32 v3, $0x3  }
0x1ed: {  	v4 =	vmul.u32 $0x18, v4  }
0x1ee: {  	v3 =	vand.u32 $0x7, v3  }
0x1ef: {  	v3 =	vor.u32 v3, v4  }
0x1f0: {  	v4 =	vperm.xlane v3, v0;
	_ =	sdelay $0x1  }
0x1f1: {  	v4 =	vadd.s32 v1, v4;
	_ =	sdelay $0x1  }
0x1f2: {  	v3 =	vperm.xlane v3, v2;
	_ =	sdelay $0x1  }
0x1f3: {  	s20 =	simm.s32 $0xF000;
	v3 =	vadd.s32 v1, v3  }
0x1f4: {  	[tilespmem:s20], [sflag:$0x5] =	stream.indirect_vreg.gather [hbm4b:s3+s15], $0x80, v4, vm0, $0xb8;
	[tilespmem:$0x1B000] =	vst v63  }
0x1f5: {  	s4 =	simm.s32 $0xF800  }
0x1f6: {  	[tilespmem:s4], [sflag:$0x5] =	stream.indirect_vreg.gather [hbm4b:s12+s15], $0x80, v4, vm1, $0xb8;
	[tilespmem:$0x1B000] =	vst v63  }
0x1f7: {  	s19 =	simm.s32 $0xFC00  }
0x1f8: {  	[tilespmem:s19], [sflag:$0x5] =	stream.indirect_vreg.gather [hbm4b:s3+s15], $0x80, v3, vm0, $0xb8;
	[tilespmem:$0x1B000] =	vst v63  }
0x1f9: {  	s20 =	simm.s32 $0x10400  }
0x1fa: {  	[tilespmem:s20], [sflag:$0x5] =	stream.indirect_vreg.gather [hbm4b:s12+s15], $0x80, v3, vm1, $0xb8;
	[tilespmem:$0x1B000] =	vst v63  }
0x1fb: {  	v3 =	vld [tilespmem:s10+$0x2090];
	_ =	sdelay $0x4  }
0x1fc: {  	v4 =	vshrl.u32 v3, $0x3  }
0x1fd: {  	v4 =	vmul.u32 $0x18, v4  }
0x1fe: {  	v3 =	vand.u32 $0x7, v3  }
0x1ff: {  	v3 =	vor.u32 v3, v4  }
0x200: {  	v4 =	vperm.xlane v3, v0;
	_ =	sdelay $0x1  }
0x201: {  	v4 =	vadd.s32 v1, v4;
	_ =	sdelay $0x1  }
0x202: {  	v3 =	vperm.xlane v3, v2;
	_ =	sdelay $0x1  }
0x203: {  	s4 =	simm.s32 $0x10800;
	v3 =	vadd.s32 v1, v3  }
0x204: {  	[tilespmem:s4], [sflag:$0x5] =	stream.indirect_vreg.gather [hbm4b:s3+s15], $0x80, v4, vm0, $0xb8;
	[tilespmem:$0x1B000] =	vst v63  }
0x205: {  	s19 =	simm.s32 $0x11000  }
0x206: {  	[tilespmem:s19], [sflag:$0x5] =	stream.indirect_vreg.gather [hbm4b:s12+s15], $0x80, v4, vm1, $0xb8;
	[tilespmem:$0x1B000] =	vst v63  }
0x207: {  	s20 =	simm.s32 $0x11400  }
0x208: {  	[tilespmem:s20], [sflag:$0x5] =	stream.indirect_vreg.gather [hbm4b:s3+s15], $0x80, v3, vm0, $0xb8;
	[tilespmem:$0x1B000] =	vst v63  }
0x209: {  	s4 =	simm.s32 $0x11C00  }
0x20a: {  	[tilespmem:s4], [sflag:$0x5] =	stream.indirect_vreg.gather [hbm4b:s12+s15], $0x80, v3, vm1, $0xb8;
	[tilespmem:$0x1B000] =	vst v63  }
0x20b: {  	_ =	swait.ge [sflag:s7], $0x3000  }
0x20c: {  	[sflag:s7] =	ssyncset.done $0x0  }
0x20d: {  	s19 =	simm.s32 $0x0;
	[sflag:s7] =	ssyncadd.s32 $0xFFFFD000  }
0x20e: {  	s1 =	smul.u32 $0xC00, s19;
	_ =	swait.ge [sflag:s24], $0x3000  }
0x20f: {  	s20 =	sand.u32 $0x380, s15;
	[sflag:s24] =	ssyncset.done $0x0  }
0x210: {  	s1 =	sor.u32 s20, s1;
	[sflag:s24] =	ssyncadd.s32 $0xFFFFD000  }
0x211: {  	v3 =	vld [tilespmem:s1+$0x15870]  }
0x212: {  	v6 =	vld [tilespmem:s1+$0x15000]  }
0x213: {  	v7 =	vld [tilespmem:s1+$0x15010]  }
0x214: {  	v46 =	vld [tilespmem:s1+$0x15020]  }
0x215: {  	v47 =	vld [tilespmem:s1+$0x15030]  }
0x216: {  	v48 =	vld [tilespmem:s1+$0x15040]  }
0x217: {  	v49 =	vld [tilespmem:s1+$0x15050]  }
0x218: {  	v50 =	vld [tilespmem:s1+$0x15060]  }
0x219: {  	v51 =	vld [tilespmem:s1+$0x15070]  }
0x21a: {  	v52 =	vld [tilespmem:s1+$0x15400]  }
0x21b: {  	v53 =	vld [tilespmem:s1+$0x15410]  }
0x21c: {  	v54 =	vld [tilespmem:s1+$0x15420]  }
0x21d: {  	v55 =	vld [tilespmem:s1+$0x15430]  }
0x21e: {  	v56 =	vld [tilespmem:s1+$0x15440]  }
0x21f: {  	v57 =	vld [tilespmem:s1+$0x15450]  }
0x220: {  	v58 =	vld [tilespmem:s1+$0x15460]  }
0x221: {  	v59 =	vld [tilespmem:s1+$0x15470]  }
0x222: {  	v60 =	vld [tilespmem:s1+$0x15800]  }
0x223: {  	v61 =	vld [tilespmem:s1+$0x15810]  }
0x224: {  	v62 =	vld [tilespmem:s1+$0x15820]  }
0x225: {  	v63 =	vld [tilespmem:s1+$0x15830]  }
0x226: {  	v5 =	vld [tilespmem:s1+$0x15840]  }
0x227: {  	v4 =	vld [tilespmem:s1+$0x15850]  }
0x228: {  	[tilespmem:s1+$0x9870] =	vst.add.f32.msk $0xffff, v3  }
0x229: {  	v3 =	vld [tilespmem:s1+$0x15860]  }
0x22a: {  	[tilespmem:s1+$0x9000] =	vst.add.f32.msk $0xffff, v6  }
0x22b: {  	[tilespmem:s1+$0x9010] =	vst.add.f32.msk $0xffff, v7  }
0x22c: {  	[tilespmem:s1+$0x9020] =	vst.add.f32.msk $0xffff, v46  }
0x22d: {  	[tilespmem:s1+$0x9030] =	vst.add.f32.msk $0xffff, v47  }
0x22e: {  	[tilespmem:s1+$0x9040] =	vst.add.f32.msk $0xffff, v48  }
0x22f: {  	[tilespmem:s1+$0x9050] =	vst.add.f32.msk $0xffff, v49  }
0x230: {  	[tilespmem:s1+$0x9060] =	vst.add.f32.msk $0xffff, v50  }
0x231: {  	[tilespmem:s1+$0x9070] =	vst.add.f32.msk $0xffff, v51  }
0x232: {  	[tilespmem:s1+$0x9400] =	vst.add.f32.msk $0xffff, v52  }
0x233: {  	[tilespmem:s1+$0x9410] =	vst.add.f32.msk $0xffff, v53  }
0x234: {  	[tilespmem:s1+$0x9420] =	vst.add.f32.msk $0xffff, v54  }
0x235: {  	[tilespmem:s1+$0x9430] =	vst.add.f32.msk $0xffff, v55  }
0x236: {  	[tilespmem:s1+$0x9440] =	vst.add.f32.msk $0xffff, v56  }
0x237: {  	[tilespmem:s1+$0x9450] =	vst.add.f32.msk $0xffff, v57  }
0x238: {  	[tilespmem:s1+$0x9460] =	vst.add.f32.msk $0xffff, v58  }
0x239: {  	[tilespmem:s1+$0x9470] =	vst.add.f32.msk $0xffff, v59  }
0x23a: {  	[tilespmem:s1+$0x9800] =	vst.add.f32.msk $0xffff, v60  }
0x23b: {  	[tilespmem:s1+$0x9810] =	vst.add.f32.msk $0xffff, v61  }
0x23c: {  	[tilespmem:s1+$0x9820] =	vst.add.f32.msk $0xffff, v62  }
0x23d: {  	s19 =	simm.s32 $0x0;
	s4 =	simm.s32 $0x2;
	[tilespmem:s1+$0x9830] =	vst.add.f32.msk $0xffff, v63  }
.LBB2_9:
0x23e: {  	p0 =	sne.s32 s4, $0x1F;
	s19 =	smul.u32 $0xC00, s19;
	[tilespmem:s1+$0x9840] =	vst.add.f32.msk $0xffff, v5;
	s15 =	sadd.s32 $0x80, s15  }
0x23f: {  	s20 =	sand.u32 $0x380, s15;
	[tilespmem:s1+$0x9850] =	vst.add.f32.msk $0xffff, v4  }
0x240: {  	[tilespmem:s1+$0x9860] =	vst.add.f32.msk $0xffff, v3;
	s1 =	sor.u32 s20, s19  }
0x241: {  	v3 =	vld [tilespmem:s1+$0x15870]  }
0x242: {  	v6 =	vld [tilespmem:s1+$0x15000]  }
0x243: {  	v7 =	vld [tilespmem:s1+$0x15010]  }
0x244: {  	v8 =	vld [tilespmem:s1+$0x15020]  }
0x245: {  	v9 =	vld [tilespmem:s1+$0x15030]  }
0x246: {  	[tilespmem:s1+$0x9870] =	vst.add.f32.msk $0xffff, v3  }
0x247: {  	v10 =	vld [tilespmem:s1+$0x15040]  }
0x248: {  	v11 =	vld [tilespmem:s1+$0x15050]  }
0x249: {  	v12 =	vld [tilespmem:s1+$0x15060]  }
0x24a: {  	v13 =	vld [tilespmem:s1+$0x15070]  }
0x24b: {  	v14 =	vld [tilespmem:s1+$0x15400]  }
0x24c: {  	v15 =	vld [tilespmem:s1+$0x15410]  }
0x24d: {  	v16 =	vld [tilespmem:s1+$0x15420]  }
0x24e: {  	v17 =	vld [tilespmem:s1+$0x15430]  }
0x24f: {  	v18 =	vld [tilespmem:s1+$0x15440]  }
0x250: {  	v19 =	vld [tilespmem:s1+$0x15450]  }
0x251: {  	v20 =	vld [tilespmem:s1+$0x15460]  }
0x252: {  	v21 =	vld [tilespmem:s1+$0x15470]  }
0x253: {  	v22 =	vld [tilespmem:s1+$0x15800]  }
0x254: {  	v23 =	vld [tilespmem:s1+$0x15810]  }
0x255: {  	v24 =	vld [tilespmem:s1+$0x15820]  }
0x256: {  	v25 =	vld [tilespmem:s1+$0x15830]  }
0x257: {  	v5 =	vld [tilespmem:s1+$0x15840]  }
0x258: {  	v4 =	vld [tilespmem:s1+$0x15850]  }
0x259: {  	v3 =	vld [tilespmem:s1+$0x15860]  }
0x25a: {  	[tilespmem:s1+$0x9000] =	vst.add.f32.msk $0xffff, v6  }
0x25b: {  	[tilespmem:s1+$0x9010] =	vst.add.f32.msk $0xffff, v7  }
0x25c: {  	[tilespmem:s1+$0x9020] =	vst.add.f32.msk $0xffff, v8  }
0x25d: {  	[tilespmem:s1+$0x9030] =	vst.add.f32.msk $0xffff, v9  }
0x25e: {  	[tilespmem:s1+$0x9040] =	vst.add.f32.msk $0xffff, v10  }
0x25f: {  	[tilespmem:s1+$0x9050] =	vst.add.f32.msk $0xffff, v11  }
0x260: {  	[tilespmem:s1+$0x9060] =	vst.add.f32.msk $0xffff, v12  }
0x261: {  	[tilespmem:s1+$0x9070] =	vst.add.f32.msk $0xffff, v13  }
0x262: {  	[tilespmem:s1+$0x9400] =	vst.add.f32.msk $0xffff, v14  }
0x263: {  	[tilespmem:s1+$0x9410] =	vst.add.f32.msk $0xffff, v15  }
0x264: {  	[tilespmem:s1+$0x9420] =	vst.add.f32.msk $0xffff, v16  }
0x265: {  	[tilespmem:s1+$0x9430] =	vst.add.f32.msk $0xffff, v17  }
0x266: {  	[tilespmem:s1+$0x9440] =	vst.add.f32.msk $0xffff, v18  }
0x267: {  	[tilespmem:s1+$0x9450] =	vst.add.f32.msk $0xffff, v19  }
0x268: {  	[tilespmem:s1+$0x9460] =	vst.add.f32.msk $0xffff, v20  }
.Ltmp3:
0x269: {  	[tilespmem:s1+$0x9470] =	vst.add.f32.msk $0xffff, v21;
	(pc) =	sbr.rel @p0 .LBB2_9-.Ltmp3, $4  }
0x26a: {  	[tilespmem:s1+$0x9800] =	vst.add.f32.msk $0xffff, v22  }
0x26b: {  	[tilespmem:s1+$0x9810] =	vst.add.f32.msk $0xffff, v23  }
0x26c: {  	[tilespmem:s1+$0x9820] =	vst.add.f32.msk $0xffff, v24  }
0x26d: {  	s19 =	sshrl.u32 s4, $0x3;
	s4 =	sadd.s32 $0x1, s4;
	[tilespmem:s1+$0x9830] =	vst.add.f32.msk $0xffff, v25  }
0x26e: {  	s4 =	smul.u32 $0xC00, s19;
	[tilespmem:s1+$0x9840] =	vst.add.f32.msk $0xffff, v5;
	s15 =	sadd.s32 $0x80, s15  }
0x26f: {  	[tilespmem:s1+$0x9850] =	vst.add.f32.msk $0xffff, v4;
	s15 =	sand.u32 $0x380, s15  }
0x270: {  	[tilespmem:s1+$0x9860] =	vst.add.f32.msk $0xffff, v3;
	s4 =	sor.u32 s15, s4  }
0x271: {  	v3 =	vld [tilespmem:s4+$0x15870]  }
0x272: {  	v4 =	vld [tilespmem:s4+$0x15000]  }
0x273: {  	v5 =	vld [tilespmem:s4+$0x15010]  }
0x274: {  	v6 =	vld [tilespmem:s4+$0x15020]  }
0x275: {  	v7 =	vld [tilespmem:s4+$0x15030]  }
0x276: {  	v8 =	vld [tilespmem:s4+$0x15050]  }
0x277: {  	v9 =	vld [tilespmem:s4+$0x15060]  }
0x278: {  	v10 =	vld [tilespmem:s4+$0x15070]  }
0x279: {  	v11 =	vld [tilespmem:s4+$0x15400]  }
0x27a: {  	v12 =	vld [tilespmem:s4+$0x15410]  }
0x27b: {  	v13 =	vld [tilespmem:s4+$0x15420]  }
0x27c: {  	v14 =	vld [tilespmem:s4+$0x15430]  }
0x27d: {  	v15 =	vld [tilespmem:s4+$0x15440]  }
0x27e: {  	v16 =	vld [tilespmem:s4+$0x15450]  }
0x27f: {  	v17 =	vld [tilespmem:s4+$0x15460]  }
0x280: {  	v18 =	vld [tilespmem:s4+$0x15470]  }
0x281: {  	v19 =	vld [tilespmem:s4+$0x15800]  }
0x282: {  	v20 =	vld [tilespmem:s4+$0x15810]  }
0x283: {  	v21 =	vld [tilespmem:s4+$0x15820]  }
0x284: {  	v22 =	vld [tilespmem:s4+$0x15830]  }
0x285: {  	v23 =	vld [tilespmem:s4+$0x15840]  }
0x286: {  	v24 =	vld [tilespmem:s4+$0x15850]  }
0x287: {  	v25 =	vld [tilespmem:s4+$0x15860]  }
0x288: {  	[tilespmem:s4+$0x9870] =	vst.add.f32.msk $0xffff, v3  }
0x289: {  	v3 =	vld [tilespmem:s4+$0x15040]  }
0x28a: {  	[tilespmem:s4+$0x9000] =	vst.add.f32.msk $0xffff, v4  }
0x28b: {  	[tilespmem:s4+$0x9010] =	vst.add.f32.msk $0xffff, v5  }
0x28c: {  	[tilespmem:s4+$0x9020] =	vst.add.f32.msk $0xffff, v6  }
0x28d: {  	[tilespmem:s4+$0x9030] =	vst.add.f32.msk $0xffff, v7  }
0x28e: {  	[tilespmem:s4+$0x9050] =	vst.add.f32.msk $0xffff, v8  }
0x28f: {  	[tilespmem:s4+$0x9060] =	vst.add.f32.msk $0xffff, v9  }
0x290: {  	[tilespmem:s4+$0x9070] =	vst.add.f32.msk $0xffff, v10  }
0x291: {  	[tilespmem:s4+$0x9400] =	vst.add.f32.msk $0xffff, v11  }
0x292: {  	[tilespmem:s4+$0x9410] =	vst.add.f32.msk $0xffff, v12  }
0x293: {  	[tilespmem:s4+$0x9420] =	vst.add.f32.msk $0xffff, v13  }
0x294: {  	[tilespmem:s4+$0x9430] =	vst.add.f32.msk $0xffff, v14  }
0x295: {  	[tilespmem:s4+$0x9440] =	vst.add.f32.msk $0xffff, v15  }
0x296: {  	[tilespmem:s4+$0x9450] =	vst.add.f32.msk $0xffff, v16  }
0x297: {  	[tilespmem:s4+$0x9460] =	vst.add.f32.msk $0xffff, v17  }
0x298: {  	[tilespmem:s4+$0x9470] =	vst.add.f32.msk $0xffff, v18  }
0x299: {  	[tilespmem:s4+$0x9800] =	vst.add.f32.msk $0xffff, v19  }
0x29a: {  	[tilespmem:s4+$0x9810] =	vst.add.f32.msk $0xffff, v20  }
0x29b: {  	[tilespmem:s4+$0x9820] =	vst.add.f32.msk $0xffff, v21  }
0x29c: {  	[tilespmem:s4+$0x9830] =	vst.add.f32.msk $0xffff, v22  }
0x29d: {  	[tilespmem:s4+$0x9840] =	vst.add.f32.msk $0xffff, v23  }
0x29e: {  	[tilespmem:s4+$0x9850] =	vst.add.f32.msk $0xffff, v24  }
0x29f: {  	s15 =	rddreg [dreg:$0x10];
	[tilespmem:s4+$0x9860] =	vst.add.f32.msk $0xffff, v25  }
0x2a0: {  	s1 =	sadd.s32 s15, s13;
	s15 =	simm.s32 $0x0;
	[tilespmem:s4+$0x9040] =	vst.add.f32.msk $0xffff, v3  }
0x2a1: {  	[hbm4b:s1+s15] =	stream.linear.scatter [tilespmem:s23], [sflag:$0xB], $0x3000, $0x38;
	[tilespmem:$0x1B000] =	vst v63  }
0x2a2: {  	_ =	swait.ge [sflag:s26], $0x3000  }
0x2a3: {  	[sflag:s26] =	ssyncset.done $0x0  }
0x2a4: {  	s19 =	rddreg [dreg:$0x0]  }
0x2a5: {  	s14 =	sadd.s32 s19, s14  }
0x2a6: {  	[sflag:s26] =	ssyncadd.s32 $0xFFFFD000;
	s1 =	sadd.s32 $0x1E00, s14  }
0x2a7: {  	[tilespmem:s22], [sflag:$0x2] =	stream.linear.gather [hbm4b:s1+s15], $0x3000, $0x38;
	[tilespmem:$0x1B000] =	vst v63  }
0x2a8: {  	v3 =	vld [tilespmem:s10+$0x20A0];
	_ =	sdelay $0x4  }
0x2a9: {  	v4 =	vshrl.u32 v3, $0x3  }
0x2aa: {  	v4 =	vmul.u32 $0x18, v4  }
0x2ab: {  	v3 =	vand.u32 $0x7, v3  }
0x2ac: {  	v3 =	vor.u32 v3, v4  }
0x2ad: {  	v4 =	vperm.xlane v3, v0;
	_ =	sdelay $0x1  }
0x2ae: {  	v4 =	vadd.s32 v1, v4;
	_ =	sdelay $0x1  }
0x2af: {  	v3 =	vperm.xlane v3, v2;
	_ =	sdelay $0x1  }
0x2b0: {  	s20 =	simm.s32 $0x12000;
	v3 =	vadd.s32 v1, v3  }
0x2b1: {  	[tilespmem:s20], [sflag:$0x6] =	stream.indirect_vreg.gather [hbm4b:s3+s15], $0x80, v4, vm0, $0xb8;
	[tilespmem:$0x1B000] =	vst v63  }
0x2b2: {  	s4 =	simm.s32 $0x12800  }
0x2b3: {  	[tilespmem:s4], [sflag:$0x6] =	stream.indirect_vreg.gather [hbm4b:s12+s15], $0x80, v4, vm1, $0xb8;
	[tilespmem:$0x1B000] =	vst v63  }
0x2b4: {  	s19 =	simm.s32 $0x12C00  }
0x2b5: {  	[tilespmem:s19], [sflag:$0x6] =	stream.indirect_vreg.gather [hbm4b:s3+s15], $0x80, v3, vm0, $0xb8;
	[tilespmem:$0x1B000] =	vst v63  }
0x2b6: {  	s20 =	simm.s32 $0x13400  }
0x2b7: {  	[tilespmem:s20], [sflag:$0x6] =	stream.indirect_vreg.gather [hbm4b:s12+s15], $0x80, v3, vm1, $0xb8;
	[tilespmem:$0x1B000] =	vst v63  }
0x2b8: {  	v3 =	vld [tilespmem:s10+$0x20B0];
	_ =	sdelay $0x4  }
0x2b9: {  	v4 =	vshrl.u32 v3, $0x3  }
0x2ba: {  	v4 =	vmul.u32 $0x18, v4  }
0x2bb: {  	v3 =	vand.u32 $0x7, v3  }
0x2bc: {  	v3 =	vor.u32 v3, v4  }
0x2bd: {  	v4 =	vperm.xlane v3, v0;
	_ =	sdelay $0x1  }
0x2be: {  	v4 =	vadd.s32 v1, v4;
	_ =	sdelay $0x1  }
0x2bf: {  	v3 =	vperm.xlane v3, v2;
	_ =	sdelay $0x1  }
0x2c0: {  	s4 =	simm.s32 $0x13800;
	v3 =	vadd.s32 v1, v3  }
0x2c1: {  	[tilespmem:s4], [sflag:$0x6] =	stream.indirect_vreg.gather [hbm4b:s3+s15], $0x80, v4, vm0, $0xb8;
	[tilespmem:$0x1B000] =	vst v63  }
0x2c2: {  	s19 =	simm.s32 $0x14000  }
0x2c3: {  	[tilespmem:s19], [sflag:$0x6] =	stream.indirect_vreg.gather [hbm4b:s12+s15], $0x80, v4, vm1, $0xb8;
	[tilespmem:$0x1B000] =	vst v63  }
0x2c4: {  	s20 =	simm.s32 $0x14400  }
0x2c5: {  	[tilespmem:s20], [sflag:$0x6] =	stream.indirect_vreg.gather [hbm4b:s3+s15], $0x80, v3, vm0, $0xb8;
	[tilespmem:$0x1B000] =	vst v63  }
0x2c6: {  	s4 =	simm.s32 $0x14C00  }
0x2c7: {  	[tilespmem:s4], [sflag:$0x6] =	stream.indirect_vreg.gather [hbm4b:s12+s15], $0x80, v3, vm1, $0xb8;
	[tilespmem:$0x1B000] =	vst v63  }
0x2c8: {  	_ =	swait.ge [sflag:s28], $0x3000  }
0x2c9: {  	[sflag:s28] =	ssyncset.done $0x0  }
0x2ca: {  	s19 =	simm.s32 $0x0;
	[sflag:s28] =	ssyncadd.s32 $0xFFFFD000  }
0x2cb: {  	s1 =	smul.u32 $0xC00, s19;
	_ =	swait.ge [sflag:s29], $0x3000  }
0x2cc: {  	s20 =	sand.u32 $0x380, s15;
	[sflag:s29] =	ssyncset.done $0x0  }
0x2cd: {  	s1 =	sor.u32 s20, s1;
	[sflag:s29] =	ssyncadd.s32 $0xFFFFD000  }
0x2ce: {  	v3 =	vld [tilespmem:s1+$0x18870]  }
0x2cf: {  	v6 =	vld [tilespmem:s1+$0x18000]  }
0x2d0: {  	v7 =	vld [tilespmem:s1+$0x18010]  }
0x2d1: {  	v46 =	vld [tilespmem:s1+$0x18020]  }
0x2d2: {  	v47 =	vld [tilespmem:s1+$0x18030]  }
0x2d3: {  	v48 =	vld [tilespmem:s1+$0x18040]  }
0x2d4: {  	v49 =	vld [tilespmem:s1+$0x18050]  }
0x2d5: {  	v50 =	vld [tilespmem:s1+$0x18060]  }
0x2d6: {  	v51 =	vld [tilespmem:s1+$0x18070]  }
0x2d7: {  	v52 =	vld [tilespmem:s1+$0x18400]  }
0x2d8: {  	v53 =	vld [tilespmem:s1+$0x18410]  }
0x2d9: {  	v54 =	vld [tilespmem:s1+$0x18420]  }
0x2da: {  	v55 =	vld [tilespmem:s1+$0x18430]  }
0x2db: {  	v56 =	vld [tilespmem:s1+$0x18440]  }
0x2dc: {  	v57 =	vld [tilespmem:s1+$0x18450]  }
0x2dd: {  	v58 =	vld [tilespmem:s1+$0x18460]  }
0x2de: {  	v59 =	vld [tilespmem:s1+$0x18470]  }
0x2df: {  	v60 =	vld [tilespmem:s1+$0x18800]  }
0x2e0: {  	v61 =	vld [tilespmem:s1+$0x18810]  }
0x2e1: {  	v62 =	vld [tilespmem:s1+$0x18820]  }
0x2e2: {  	v63 =	vld [tilespmem:s1+$0x18830]  }
0x2e3: {  	v5 =	vld [tilespmem:s1+$0x18840]  }
0x2e4: {  	v4 =	vld [tilespmem:s1+$0x18850]  }
0x2e5: {  	[tilespmem:s1+$0xC870] =	vst.add.f32.msk $0xffff, v3  }
0x2e6: {  	v3 =	vld [tilespmem:s1+$0x18860]  }
0x2e7: {  	[tilespmem:s1+$0xC000] =	vst.add.f32.msk $0xffff, v6  }
0x2e8: {  	[tilespmem:s1+$0xC010] =	vst.add.f32.msk $0xffff, v7  }
0x2e9: {  	[tilespmem:s1+$0xC020] =	vst.add.f32.msk $0xffff, v46  }
0x2ea: {  	[tilespmem:s1+$0xC030] =	vst.add.f32.msk $0xffff, v47  }
0x2eb: {  	[tilespmem:s1+$0xC040] =	vst.add.f32.msk $0xffff, v48  }
0x2ec: {  	[tilespmem:s1+$0xC050] =	vst.add.f32.msk $0xffff, v49  }
0x2ed: {  	[tilespmem:s1+$0xC060] =	vst.add.f32.msk $0xffff, v50  }
0x2ee: {  	[tilespmem:s1+$0xC070] =	vst.add.f32.msk $0xffff, v51  }
0x2ef: {  	[tilespmem:s1+$0xC400] =	vst.add.f32.msk $0xffff, v52  }
0x2f0: {  	[tilespmem:s1+$0xC410] =	vst.add.f32.msk $0xffff, v53  }
0x2f1: {  	[tilespmem:s1+$0xC420] =	vst.add.f32.msk $0xffff, v54  }
0x2f2: {  	[tilespmem:s1+$0xC430] =	vst.add.f32.msk $0xffff, v55  }
0x2f3: {  	[tilespmem:s1+$0xC440] =	vst.add.f32.msk $0xffff, v56  }
0x2f4: {  	[tilespmem:s1+$0xC450] =	vst.add.f32.msk $0xffff, v57  }
0x2f5: {  	[tilespmem:s1+$0xC460] =	vst.add.f32.msk $0xffff, v58  }
0x2f6: {  	[tilespmem:s1+$0xC470] =	vst.add.f32.msk $0xffff, v59  }
0x2f7: {  	[tilespmem:s1+$0xC800] =	vst.add.f32.msk $0xffff, v60  }
0x2f8: {  	[tilespmem:s1+$0xC810] =	vst.add.f32.msk $0xffff, v61  }
0x2f9: {  	[tilespmem:s1+$0xC820] =	vst.add.f32.msk $0xffff, v62  }
0x2fa: {  	s19 =	simm.s32 $0x0;
	s4 =	simm.s32 $0x2;
	[tilespmem:s1+$0xC830] =	vst.add.f32.msk $0xffff, v63  }
.LBB2_11:
0x2fb: {  	p0 =	sne.s32 s4, $0x1F;
	s19 =	smul.u32 $0xC00, s19;
	[tilespmem:s1+$0xC840] =	vst.add.f32.msk $0xffff, v5;
	s15 =	sadd.s32 $0x80, s15  }
0x2fc: {  	s20 =	sand.u32 $0x380, s15;
	[tilespmem:s1+$0xC850] =	vst.add.f32.msk $0xffff, v4  }
0x2fd: {  	[tilespmem:s1+$0xC860] =	vst.add.f32.msk $0xffff, v3;
	s1 =	sor.u32 s20, s19  }
0x2fe: {  	v3 =	vld [tilespmem:s1+$0x18870]  }
0x2ff: {  	v6 =	vld [tilespmem:s1+$0x18000]  }
0x300: {  	v7 =	vld [tilespmem:s1+$0x18010]  }
0x301: {  	v8 =	vld [tilespmem:s1+$0x18020]  }
0x302: {  	v9 =	vld [tilespmem:s1+$0x18030]  }
0x303: {  	[tilespmem:s1+$0xC870] =	vst.add.f32.msk $0xffff, v3  }
0x304: {  	v10 =	vld [tilespmem:s1+$0x18040]  }
0x305: {  	v11 =	vld [tilespmem:s1+$0x18050]  }
0x306: {  	v12 =	vld [tilespmem:s1+$0x18060]  }
0x307: {  	v13 =	vld [tilespmem:s1+$0x18070]  }
0x308: {  	v14 =	vld [tilespmem:s1+$0x18400]  }
0x309: {  	v15 =	vld [tilespmem:s1+$0x18410]  }
0x30a: {  	v16 =	vld [tilespmem:s1+$0x18420]  }
0x30b: {  	v17 =	vld [tilespmem:s1+$0x18430]  }
0x30c: {  	v18 =	vld [tilespmem:s1+$0x18440]  }
0x30d: {  	v19 =	vld [tilespmem:s1+$0x18450]  }
0x30e: {  	v20 =	vld [tilespmem:s1+$0x18460]  }
0x30f: {  	v21 =	vld [tilespmem:s1+$0x18470]  }
0x310: {  	v22 =	vld [tilespmem:s1+$0x18800]  }
0x311: {  	v23 =	vld [tilespmem:s1+$0x18810]  }
0x312: {  	v24 =	vld [tilespmem:s1+$0x18820]  }
0x313: {  	v25 =	vld [tilespmem:s1+$0x18830]  }
0x314: {  	v5 =	vld [tilespmem:s1+$0x18840]  }
0x315: {  	v4 =	vld [tilespmem:s1+$0x18850]  }
0x316: {  	v3 =	vld [tilespmem:s1+$0x18860]  }
0x317: {  	[tilespmem:s1+$0xC000] =	vst.add.f32.msk $0xffff, v6  }
0x318: {  	[tilespmem:s1+$0xC010] =	vst.add.f32.msk $0xffff, v7  }
0x319: {  	[tilespmem:s1+$0xC020] =	vst.add.f32.msk $0xffff, v8  }
0x31a: {  	[tilespmem:s1+$0xC030] =	vst.add.f32.msk $0xffff, v9  }
0x31b: {  	[tilespmem:s1+$0xC040] =	vst.add.f32.msk $0xffff, v10  }
0x31c: {  	[tilespmem:s1+$0xC050] =	vst.add.f32.msk $0xffff, v11  }
0x31d: {  	[tilespmem:s1+$0xC060] =	vst.add.f32.msk $0xffff, v12  }
0x31e: {  	[tilespmem:s1+$0xC070] =	vst.add.f32.msk $0xffff, v13  }
0x31f: {  	[tilespmem:s1+$0xC400] =	vst.add.f32.msk $0xffff, v14  }
0x320: {  	[tilespmem:s1+$0xC410] =	vst.add.f32.msk $0xffff, v15  }
0x321: {  	[tilespmem:s1+$0xC420] =	vst.add.f32.msk $0xffff, v16  }
0x322: {  	[tilespmem:s1+$0xC430] =	vst.add.f32.msk $0xffff, v17  }
0x323: {  	[tilespmem:s1+$0xC440] =	vst.add.f32.msk $0xffff, v18  }
0x324: {  	[tilespmem:s1+$0xC450] =	vst.add.f32.msk $0xffff, v19  }
0x325: {  	[tilespmem:s1+$0xC460] =	vst.add.f32.msk $0xffff, v20  }
.Ltmp4:
0x326: {  	[tilespmem:s1+$0xC470] =	vst.add.f32.msk $0xffff, v21;
	(pc) =	sbr.rel @p0 .LBB2_11-.Ltmp4, $4  }
0x327: {  	[tilespmem:s1+$0xC800] =	vst.add.f32.msk $0xffff, v22  }
0x328: {  	[tilespmem:s1+$0xC810] =	vst.add.f32.msk $0xffff, v23  }
0x329: {  	[tilespmem:s1+$0xC820] =	vst.add.f32.msk $0xffff, v24  }
0x32a: {  	s19 =	sshrl.u32 s4, $0x3;
	s4 =	sadd.s32 $0x1, s4;
	[tilespmem:s1+$0xC830] =	vst.add.f32.msk $0xffff, v25  }
0x32b: {  	s4 =	smul.u32 $0xC00, s19;
	[tilespmem:s1+$0xC840] =	vst.add.f32.msk $0xffff, v5;
	s15 =	sadd.s32 $0x80, s15  }
0x32c: {  	[tilespmem:s1+$0xC850] =	vst.add.f32.msk $0xffff, v4;
	s15 =	sand.u32 $0x380, s15  }
0x32d: {  	[tilespmem:s1+$0xC860] =	vst.add.f32.msk $0xffff, v3;
	s4 =	sor.u32 s15, s4  }
0x32e: {  	v3 =	vld [tilespmem:s4+$0x18870]  }
0x32f: {  	v4 =	vld [tilespmem:s4+$0x18000]  }
0x330: {  	v5 =	vld [tilespmem:s4+$0x18010]  }
0x331: {  	v6 =	vld [tilespmem:s4+$0x18020]  }
0x332: {  	v7 =	vld [tilespmem:s4+$0x18030]  }
0x333: {  	v8 =	vld [tilespmem:s4+$0x18050]  }
0x334: {  	v9 =	vld [tilespmem:s4+$0x18060]  }
0x335: {  	v10 =	vld [tilespmem:s4+$0x18070]  }
0x336: {  	v11 =	vld [tilespmem:s4+$0x18400]  }
0x337: {  	v12 =	vld [tilespmem:s4+$0x18410]  }
0x338: {  	v13 =	vld [tilespmem:s4+$0x18420]  }
0x339: {  	v14 =	vld [tilespmem:s4+$0x18430]  }
0x33a: {  	v15 =	vld [tilespmem:s4+$0x18440]  }
0x33b: {  	v16 =	vld [tilespmem:s4+$0x18450]  }
0x33c: {  	v17 =	vld [tilespmem:s4+$0x18460]  }
0x33d: {  	v18 =	vld [tilespmem:s4+$0x18470]  }
0x33e: {  	v19 =	vld [tilespmem:s4+$0x18800]  }
0x33f: {  	v20 =	vld [tilespmem:s4+$0x18810]  }
0x340: {  	v21 =	vld [tilespmem:s4+$0x18820]  }
0x341: {  	v22 =	vld [tilespmem:s4+$0x18830]  }
0x342: {  	v23 =	vld [tilespmem:s4+$0x18840]  }
0x343: {  	v24 =	vld [tilespmem:s4+$0x18850]  }
0x344: {  	v25 =	vld [tilespmem:s4+$0x18860]  }
0x345: {  	[tilespmem:s4+$0xC870] =	vst.add.f32.msk $0xffff, v3  }
0x346: {  	v3 =	vld [tilespmem:s4+$0x18040]  }
0x347: {  	[tilespmem:s4+$0xC000] =	vst.add.f32.msk $0xffff, v4  }
0x348: {  	[tilespmem:s4+$0xC010] =	vst.add.f32.msk $0xffff, v5  }
0x349: {  	[tilespmem:s4+$0xC020] =	vst.add.f32.msk $0xffff, v6  }
0x34a: {  	[tilespmem:s4+$0xC030] =	vst.add.f32.msk $0xffff, v7  }
0x34b: {  	[tilespmem:s4+$0xC050] =	vst.add.f32.msk $0xffff, v8  }
0x34c: {  	[tilespmem:s4+$0xC060] =	vst.add.f32.msk $0xffff, v9  }
0x34d: {  	[tilespmem:s4+$0xC070] =	vst.add.f32.msk $0xffff, v10  }
0x34e: {  	[tilespmem:s4+$0xC400] =	vst.add.f32.msk $0xffff, v11  }
0x34f: {  	[tilespmem:s4+$0xC410] =	vst.add.f32.msk $0xffff, v12  }
0x350: {  	[tilespmem:s4+$0xC420] =	vst.add.f32.msk $0xffff, v13  }
0x351: {  	[tilespmem:s4+$0xC430] =	vst.add.f32.msk $0xffff, v14  }
0x352: {  	[tilespmem:s4+$0xC440] =	vst.add.f32.msk $0xffff, v15  }
0x353: {  	[tilespmem:s4+$0xC450] =	vst.add.f32.msk $0xffff, v16  }
0x354: {  	[tilespmem:s4+$0xC460] =	vst.add.f32.msk $0xffff, v17  }
0x355: {  	[tilespmem:s4+$0xC470] =	vst.add.f32.msk $0xffff, v18  }
0x356: {  	[tilespmem:s4+$0xC800] =	vst.add.f32.msk $0xffff, v19  }
0x357: {  	[tilespmem:s4+$0xC810] =	vst.add.f32.msk $0xffff, v20  }
0x358: {  	[tilespmem:s4+$0xC820] =	vst.add.f32.msk $0xffff, v21  }
0x359: {  	[tilespmem:s4+$0xC830] =	vst.add.f32.msk $0xffff, v22  }
0x35a: {  	[tilespmem:s4+$0xC840] =	vst.add.f32.msk $0xffff, v23  }
0x35b: {  	[tilespmem:s4+$0xC850] =	vst.add.f32.msk $0xffff, v24  }
0x35c: {  	[tilespmem:s4+$0xC860] =	vst.add.f32.msk $0xffff, v25  }
0x35d: {  	[tilespmem:s4+$0xC040] =	vst.add.f32.msk $0xffff, v3;
	s4 =	rddreg [dreg:$0x11]  }
0x35e: {  	s1 =	sadd.s32 s4, s13;
	s13 =	simm.s32 $0x0  }
0x35f: {  	[hbm4b:s1+s13] =	stream.linear.scatter [tilespmem:s0], [sflag:$0xC], $0x3000, $0x38;
	[tilespmem:$0x1B000] =	vst v63  }
0x360: {  	_ =	swait.ge [sflag:s30], $0x3000  }
0x361: {  	[sflag:s30] =	ssyncset.done $0x0  }
0x362: {  	s15 =	sadd.s32 $0x2400, s14;
	[sflag:s30] =	ssyncadd.s32 $0xFFFFD000  }
0x363: {  	[tilespmem:s23], [sflag:$0x3] =	stream.linear.gather [hbm4b:s15+s13], $0x3000, $0x38;
	[tilespmem:$0x1B000] =	vst v63  }
0x364: {  	v3 =	vld [tilespmem:s10+$0x20C0];
	_ =	sdelay $0x4  }
0x365: {  	v4 =	vshrl.u32 v3, $0x3  }
0x366: {  	v4 =	vmul.u32 $0x18, v4  }
0x367: {  	v3 =	vand.u32 $0x7, v3  }
0x368: {  	v3 =	vor.u32 v3, v4  }
0x369: {  	v4 =	vperm.xlane v3, v0;
	_ =	sdelay $0x1  }
0x36a: {  	v4 =	vadd.s32 v1, v4;
	_ =	sdelay $0x1  }
0x36b: {  	v3 =	vperm.xlane v3, v2;
	_ =	sdelay $0x1  }
0x36c: {  	s19 =	simm.s32 $0x15000;
	v3 =	vadd.s32 v1, v3  }
0x36d: {  	[tilespmem:s19], [sflag:$0x7] =	stream.indirect_vreg.gather [hbm4b:s3+s13], $0x80, v4, vm0, $0xb8;
	[tilespmem:$0x1B000] =	vst v63  }
0x36e: {  	s20 =	simm.s32 $0x15800  }
0x36f: {  	[tilespmem:s20], [sflag:$0x7] =	stream.indirect_vreg.gather [hbm4b:s12+s13], $0x80, v4, vm1, $0xb8;
	[tilespmem:$0x1B000] =	vst v63  }
0x370: {  	s4 =	simm.s32 $0x15C00  }
0x371: {  	[tilespmem:s4], [sflag:$0x7] =	stream.indirect_vreg.gather [hbm4b:s3+s13], $0x80, v3, vm0, $0xb8;
	[tilespmem:$0x1B000] =	vst v63  }
0x372: {  	s15 =	simm.s32 $0x16400  }
0x373: {  	[tilespmem:s15], [sflag:$0x7] =	stream.indirect_vreg.gather [hbm4b:s12+s13], $0x80, v3, vm1, $0xb8;
	[tilespmem:$0x1B000] =	vst v63  }
0x374: {  	v3 =	vld [tilespmem:s10+$0x20D0];
	_ =	sdelay $0x4  }
0x375: {  	v4 =	vshrl.u32 v3, $0x3  }
0x376: {  	v4 =	vmul.u32 $0x18, v4  }
0x377: {  	v3 =	vand.u32 $0x7, v3  }
0x378: {  	v3 =	vor.u32 v3, v4  }
0x379: {  	v4 =	vperm.xlane v3, v0;
	_ =	sdelay $0x1  }
0x37a: {  	v4 =	vadd.s32 v1, v4;
	_ =	sdelay $0x1  }
0x37b: {  	v3 =	vperm.xlane v3, v2;
	_ =	sdelay $0x1  }
0x37c: {  	s19 =	simm.s32 $0x16800;
	v3 =	vadd.s32 v1, v3  }
0x37d: {  	[tilespmem:s19], [sflag:$0x7] =	stream.indirect_vreg.gather [hbm4b:s3+s13], $0x80, v4, vm0, $0xb8;
	[tilespmem:$0x1B000] =	vst v63  }
0x37e: {  	s20 =	simm.s32 $0x17000  }
0x37f: {  	[tilespmem:s20], [sflag:$0x7] =	stream.indirect_vreg.gather [hbm4b:s12+s13], $0x80, v4, vm1, $0xb8;
	[tilespmem:$0x1B000] =	vst v63  }
0x380: {  	s4 =	simm.s32 $0x17400  }
0x381: {  	[tilespmem:s4], [sflag:$0x7] =	stream.indirect_vreg.gather [hbm4b:s3+s13], $0x80, v3, vm0, $0xb8;
	[tilespmem:$0x1B000] =	vst v63  }
0x382: {  	s15 =	simm.s32 $0x17C00  }
0x383: {  	[tilespmem:s15], [sflag:$0x7] =	stream.indirect_vreg.gather [hbm4b:s12+s13], $0x80, v3, vm1, $0xb8;
	[tilespmem:$0x1B000] =	vst v63  }
0x384: {  	_ =	swait.ge [sflag:s31], $0x3000  }
0x385: {  	[sflag:s31] =	ssyncset.done $0x0  }
0x386: {  	s19 =	simm.s32 $0x0;
	[sflag:s31] =	ssyncadd.s32 $0xFFFFD000  }
0x387: {  	s1 =	smul.u32 $0xC00, s19;
	_ =	swait.ge [sflag:s2], $0x3000  }
0x388: {  	s20 =	sand.u32 $0x380, s13;
	[sflag:s2] =	ssyncset.done $0x0  }
0x389: {  	s1 =	sor.u32 s20, s1;
	[sflag:s2] =	ssyncadd.s32 $0xFFFFD000  }
0x38a: {  	v3 =	vld [tilespmem:s1+$0xF870]  }
0x38b: {  	v6 =	vld [tilespmem:s1+$0xF000]  }
0x38c: {  	v7 =	vld [tilespmem:s1+$0xF010]  }
0x38d: {  	v46 =	vld [tilespmem:s1+$0xF020]  }
0x38e: {  	v47 =	vld [tilespmem:s1+$0xF030]  }
0x38f: {  	v48 =	vld [tilespmem:s1+$0xF040]  }
0x390: {  	v49 =	vld [tilespmem:s1+$0xF050]  }
0x391: {  	v50 =	vld [tilespmem:s1+$0xF060]  }
0x392: {  	v51 =	vld [tilespmem:s1+$0xF070]  }
0x393: {  	v52 =	vld [tilespmem:s1+$0xF400]  }
0x394: {  	v53 =	vld [tilespmem:s1+$0xF410]  }
0x395: {  	v54 =	vld [tilespmem:s1+$0xF420]  }
0x396: {  	v55 =	vld [tilespmem:s1+$0xF430]  }
0x397: {  	v56 =	vld [tilespmem:s1+$0xF440]  }
0x398: {  	v57 =	vld [tilespmem:s1+$0xF450]  }
0x399: {  	v58 =	vld [tilespmem:s1+$0xF460]  }
0x39a: {  	v59 =	vld [tilespmem:s1+$0xF470]  }
0x39b: {  	v60 =	vld [tilespmem:s1+$0xF800]  }
0x39c: {  	v61 =	vld [tilespmem:s1+$0xF810]  }
0x39d: {  	v62 =	vld [tilespmem:s1+$0xF820]  }
0x39e: {  	v63 =	vld [tilespmem:s1+$0xF830]  }
0x39f: {  	v5 =	vld [tilespmem:s1+$0xF840]  }
0x3a0: {  	v4 =	vld [tilespmem:s1+$0xF850]  }
0x3a1: {  	[tilespmem:s1+$0x3870] =	vst.add.f32.msk $0xffff, v3  }
0x3a2: {  	v3 =	vld [tilespmem:s1+$0xF860]  }
0x3a3: {  	[tilespmem:s1+$0x3000] =	vst.add.f32.msk $0xffff, v6  }
0x3a4: {  	[tilespmem:s1+$0x3010] =	vst.add.f32.msk $0xffff, v7  }
0x3a5: {  	[tilespmem:s1+$0x3020] =	vst.add.f32.msk $0xffff, v46  }
0x3a6: {  	[tilespmem:s1+$0x3030] =	vst.add.f32.msk $0xffff, v47  }
0x3a7: {  	[tilespmem:s1+$0x3040] =	vst.add.f32.msk $0xffff, v48  }
0x3a8: {  	[tilespmem:s1+$0x3050] =	vst.add.f32.msk $0xffff, v49  }
0x3a9: {  	[tilespmem:s1+$0x3060] =	vst.add.f32.msk $0xffff, v50  }
0x3aa: {  	[tilespmem:s1+$0x3070] =	vst.add.f32.msk $0xffff, v51  }
0x3ab: {  	[tilespmem:s1+$0x3400] =	vst.add.f32.msk $0xffff, v52  }
0x3ac: {  	[tilespmem:s1+$0x3410] =	vst.add.f32.msk $0xffff, v53  }
0x3ad: {  	[tilespmem:s1+$0x3420] =	vst.add.f32.msk $0xffff, v54  }
0x3ae: {  	[tilespmem:s1+$0x3430] =	vst.add.f32.msk $0xffff, v55  }
0x3af: {  	[tilespmem:s1+$0x3440] =	vst.add.f32.msk $0xffff, v56  }
0x3b0: {  	[tilespmem:s1+$0x3450] =	vst.add.f32.msk $0xffff, v57  }
0x3b1: {  	[tilespmem:s1+$0x3460] =	vst.add.f32.msk $0xffff, v58  }
0x3b2: {  	[tilespmem:s1+$0x3470] =	vst.add.f32.msk $0xffff, v59  }
0x3b3: {  	[tilespmem:s1+$0x3800] =	vst.add.f32.msk $0xffff, v60  }
0x3b4: {  	[tilespmem:s1+$0x3810] =	vst.add.f32.msk $0xffff, v61  }
0x3b5: {  	[tilespmem:s1+$0x3820] =	vst.add.f32.msk $0xffff, v62  }
0x3b6: {  	s4 =	simm.s32 $0x2;
	s15 =	simm.s32 $0x0;
	[tilespmem:s1+$0x3830] =	vst.add.f32.msk $0xffff, v63  }
.LBB2_13:
0x3b7: {  	p0 =	sne.s32 s4, $0x1F;
	s15 =	smul.u32 $0xC00, s15;
	[tilespmem:s1+$0x3840] =	vst.add.f32.msk $0xffff, v5;
	s13 =	sadd.s32 $0x80, s13  }
0x3b8: {  	s19 =	sand.u32 $0x380, s13;
	[tilespmem:s1+$0x3850] =	vst.add.f32.msk $0xffff, v4  }
0x3b9: {  	[tilespmem:s1+$0x3860] =	vst.add.f32.msk $0xffff, v3;
	s1 =	sor.u32 s19, s15  }
0x3ba: {  	v3 =	vld [tilespmem:s1+$0xF870]  }
0x3bb: {  	v6 =	vld [tilespmem:s1+$0xF000]  }
0x3bc: {  	v7 =	vld [tilespmem:s1+$0xF010]  }
0x3bd: {  	v8 =	vld [tilespmem:s1+$0xF020]  }
0x3be: {  	v9 =	vld [tilespmem:s1+$0xF030]  }
0x3bf: {  	[tilespmem:s1+$0x3870] =	vst.add.f32.msk $0xffff, v3  }
0x3c0: {  	v10 =	vld [tilespmem:s1+$0xF040]  }
0x3c1: {  	v11 =	vld [tilespmem:s1+$0xF050]  }
0x3c2: {  	v12 =	vld [tilespmem:s1+$0xF060]  }
0x3c3: {  	v13 =	vld [tilespmem:s1+$0xF070]  }
0x3c4: {  	v14 =	vld [tilespmem:s1+$0xF400]  }
0x3c5: {  	v15 =	vld [tilespmem:s1+$0xF410]  }
0x3c6: {  	v16 =	vld [tilespmem:s1+$0xF420]  }
0x3c7: {  	v17 =	vld [tilespmem:s1+$0xF430]  }
0x3c8: {  	v18 =	vld [tilespmem:s1+$0xF440]  }
0x3c9: {  	v19 =	vld [tilespmem:s1+$0xF450]  }
0x3ca: {  	v20 =	vld [tilespmem:s1+$0xF460]  }
0x3cb: {  	v21 =	vld [tilespmem:s1+$0xF470]  }
0x3cc: {  	v22 =	vld [tilespmem:s1+$0xF800]  }
0x3cd: {  	v23 =	vld [tilespmem:s1+$0xF810]  }
0x3ce: {  	v24 =	vld [tilespmem:s1+$0xF820]  }
0x3cf: {  	v25 =	vld [tilespmem:s1+$0xF830]  }
0x3d0: {  	v5 =	vld [tilespmem:s1+$0xF840]  }
0x3d1: {  	v4 =	vld [tilespmem:s1+$0xF850]  }
0x3d2: {  	v3 =	vld [tilespmem:s1+$0xF860]  }
0x3d3: {  	[tilespmem:s1+$0x3000] =	vst.add.f32.msk $0xffff, v6  }
0x3d4: {  	[tilespmem:s1+$0x3010] =	vst.add.f32.msk $0xffff, v7  }
0x3d5: {  	[tilespmem:s1+$0x3020] =	vst.add.f32.msk $0xffff, v8  }
0x3d6: {  	[tilespmem:s1+$0x3030] =	vst.add.f32.msk $0xffff, v9  }
0x3d7: {  	[tilespmem:s1+$0x3040] =	vst.add.f32.msk $0xffff, v10  }
0x3d8: {  	[tilespmem:s1+$0x3050] =	vst.add.f32.msk $0xffff, v11  }
0x3d9: {  	[tilespmem:s1+$0x3060] =	vst.add.f32.msk $0xffff, v12  }
0x3da: {  	[tilespmem:s1+$0x3070] =	vst.add.f32.msk $0xffff, v13  }
0x3db: {  	[tilespmem:s1+$0x3400] =	vst.add.f32.msk $0xffff, v14  }
0x3dc: {  	[tilespmem:s1+$0x3410] =	vst.add.f32.msk $0xffff, v15  }
0x3dd: {  	[tilespmem:s1+$0x3420] =	vst.add.f32.msk $0xffff, v16  }
0x3de: {  	[tilespmem:s1+$0x3430] =	vst.add.f32.msk $0xffff, v17  }
0x3df: {  	[tilespmem:s1+$0x3440] =	vst.add.f32.msk $0xffff, v18  }
0x3e0: {  	[tilespmem:s1+$0x3450] =	vst.add.f32.msk $0xffff, v19  }
0x3e1: {  	[tilespmem:s1+$0x3460] =	vst.add.f32.msk $0xffff, v20  }
.Ltmp5:
0x3e2: {  	[tilespmem:s1+$0x3470] =	vst.add.f32.msk $0xffff, v21;
	(pc) =	sbr.rel @p0 .LBB2_13-.Ltmp5, $4  }
0x3e3: {  	[tilespmem:s1+$0x3800] =	vst.add.f32.msk $0xffff, v22  }
0x3e4: {  	[tilespmem:s1+$0x3810] =	vst.add.f32.msk $0xffff, v23  }
0x3e5: {  	[tilespmem:s1+$0x3820] =	vst.add.f32.msk $0xffff, v24  }
0x3e6: {  	s15 =	sshrl.u32 s4, $0x3;
	s4 =	sadd.s32 $0x1, s4;
	[tilespmem:s1+$0x3830] =	vst.add.f32.msk $0xffff, v25  }
0x3e7: {  	s4 =	smul.u32 $0xC00, s15;
	[tilespmem:s1+$0x3840] =	vst.add.f32.msk $0xffff, v5;
	s13 =	sadd.s32 $0x80, s13  }
0x3e8: {  	[tilespmem:s1+$0x3850] =	vst.add.f32.msk $0xffff, v4;
	s13 =	sand.u32 $0x380, s13  }
0x3e9: {  	[tilespmem:s1+$0x3860] =	vst.add.f32.msk $0xffff, v3;
	s4 =	sor.u32 s13, s4  }
0x3ea: {  	v3 =	vld [tilespmem:s4+$0xF870]  }
0x3eb: {  	v4 =	vld [tilespmem:s4+$0xF000]  }
0x3ec: {  	v5 =	vld [tilespmem:s4+$0xF010]  }
0x3ed: {  	v6 =	vld [tilespmem:s4+$0xF020]  }
0x3ee: {  	v7 =	vld [tilespmem:s4+$0xF030]  }
0x3ef: {  	v8 =	vld [tilespmem:s4+$0xF050]  }
0x3f0: {  	v9 =	vld [tilespmem:s4+$0xF060]  }
0x3f1: {  	v10 =	vld [tilespmem:s4+$0xF070]  }
0x3f2: {  	v11 =	vld [tilespmem:s4+$0xF400]  }
0x3f3: {  	v12 =	vld [tilespmem:s4+$0xF410]  }
0x3f4: {  	v13 =	vld [tilespmem:s4+$0xF420]  }
0x3f5: {  	v14 =	vld [tilespmem:s4+$0xF430]  }
0x3f6: {  	v15 =	vld [tilespmem:s4+$0xF440]  }
0x3f7: {  	v16 =	vld [tilespmem:s4+$0xF450]  }
0x3f8: {  	v17 =	vld [tilespmem:s4+$0xF460]  }
0x3f9: {  	v18 =	vld [tilespmem:s4+$0xF470]  }
0x3fa: {  	v19 =	vld [tilespmem:s4+$0xF800]  }
0x3fb: {  	v20 =	vld [tilespmem:s4+$0xF810]  }
0x3fc: {  	v21 =	vld [tilespmem:s4+$0xF820]  }
0x3fd: {  	v22 =	vld [tilespmem:s4+$0xF830]  }
0x3fe: {  	v23 =	vld [tilespmem:s4+$0xF840]  }
0x3ff: {  	v24 =	vld [tilespmem:s4+$0xF850]  }
0x400: {  	v25 =	vld [tilespmem:s4+$0xF860]  }
0x401: {  	[tilespmem:s4+$0x3870] =	vst.add.f32.msk $0xffff, v3  }
0x402: {  	v3 =	vld [tilespmem:s4+$0xF040]  }
0x403: {  	[tilespmem:s4+$0x3000] =	vst.add.f32.msk $0xffff, v4  }
0x404: {  	[tilespmem:s4+$0x3010] =	vst.add.f32.msk $0xffff, v5  }
0x405: {  	[tilespmem:s4+$0x3020] =	vst.add.f32.msk $0xffff, v6  }
0x406: {  	[tilespmem:s4+$0x3030] =	vst.add.f32.msk $0xffff, v7  }
0x407: {  	[tilespmem:s4+$0x3050] =	vst.add.f32.msk $0xffff, v8  }
0x408: {  	[tilespmem:s4+$0x3060] =	vst.add.f32.msk $0xffff, v9  }
0x409: {  	[tilespmem:s4+$0x3070] =	vst.add.f32.msk $0xffff, v10  }
0x40a: {  	[tilespmem:s4+$0x3400] =	vst.add.f32.msk $0xffff, v11  }
0x40b: {  	[tilespmem:s4+$0x3410] =	vst.add.f32.msk $0xffff, v12  }
0x40c: {  	[tilespmem:s4+$0x3420] =	vst.add.f32.msk $0xffff, v13  }
0x40d: {  	[tilespmem:s4+$0x3430] =	vst.add.f32.msk $0xffff, v14  }
0x40e: {  	[tilespmem:s4+$0x3440] =	vst.add.f32.msk $0xffff, v15  }
0x40f: {  	[tilespmem:s4+$0x3450] =	vst.add.f32.msk $0xffff, v16  }
0x410: {  	[tilespmem:s4+$0x3460] =	vst.add.f32.msk $0xffff, v17  }
0x411: {  	[tilespmem:s4+$0x3470] =	vst.add.f32.msk $0xffff, v18  }
0x412: {  	[tilespmem:s4+$0x3800] =	vst.add.f32.msk $0xffff, v19  }
0x413: {  	[tilespmem:s4+$0x3810] =	vst.add.f32.msk $0xffff, v20  }
0x414: {  	[tilespmem:s4+$0x3820] =	vst.add.f32.msk $0xffff, v21  }
0x415: {  	[tilespmem:s4+$0x3830] =	vst.add.f32.msk $0xffff, v22  }
0x416: {  	[tilespmem:s4+$0x3840] =	vst.add.f32.msk $0xffff, v23  }
0x417: {  	[tilespmem:s4+$0x3850] =	vst.add.f32.msk $0xffff, v24  }
0x418: {  	[tilespmem:s4+$0x3860] =	vst.add.f32.msk $0xffff, v25  }
0x419: {  	s19 =	simm.s32 $0x3000;
	s13 =	sadd.s32 s21, s11;
	[tilespmem:s4+$0x3040] =	vst.add.f32.msk $0xffff, v3  }
0x41a: {  	[hbm4b:s13+s6] =	stream.linear.scatter [tilespmem:s19], [sflag:$0x9], $0x3000, $0x38;
	[tilespmem:$0x1B000] =	vst v63  }
0x41b: {  	_ =	swait.ge [sflag:s25], $0x3000  }
0x41c: {  	[sflag:s25] =	ssyncset.done $0x0  }
0x41d: {  	s14 =	sadd.s32 $0x2A00, s14;
	[sflag:s25] =	ssyncadd.s32 $0xFFFFD000  }
0x41e: {  	[tilespmem:s0], [sflag:$0x4] =	stream.linear.gather [hbm4b:s14+s6], $0x3000, $0x38;
	[tilespmem:$0x1B000] =	vst v63  }
0x41f: {  	v3 =	vld [tilespmem:s10+$0x20E0];
	_ =	sdelay $0x4  }
0x420: {  	v62 =	vshrl.u32 v3, $0x3  }
0x421: {  	v4 =	vmul.u32 $0x18, v62  }
0x422: {  	v3 =	vand.u32 $0x7, v3  }
0x423: {  	v3 =	vor.u32 v3, v4  }
0x424: {  	v4 =	vperm.xlane v3, v0;
	_ =	sdelay $0x1  }
0x425: {  	v4 =	vadd.s32 v1, v4;
	_ =	sdelay $0x1  }
0x426: {  	v3 =	vperm.xlane v3, v2;
	_ =	sdelay $0x1  }
0x427: {  	s20 =	simm.s32 $0x18000;
	v3 =	vadd.s32 v1, v3  }
0x428: {  	[tilespmem:s20], [sflag:$0x8] =	stream.indirect_vreg.gather [hbm4b:s3+s6], $0x80, v4, vm0, $0xb8;
	[tilespmem:$0x1B000] =	vst v63  }
0x429: {  	s15 =	smov.u32 s21;
	s21 =	simm.s32 $0x18800  }
0x42a: {  	[tilespmem:s21], [sflag:$0x8] =	stream.indirect_vreg.gather [hbm4b:s12+s6], $0x80, v4, vm1, $0xb8;
	[tilespmem:$0x1B000] =	vst v63  }
0x42b: {  	s4 =	simm.s32 $0x18C00  }
0x42c: {  	[tilespmem:s4], [sflag:$0x8] =	stream.indirect_vreg.gather [hbm4b:s3+s6], $0x80, v3, vm0, $0xb8;
	[tilespmem:$0x1B000] =	vst v63  }
0x42d: {  	s11 =	simm.s32 $0x19400  }
0x42e: {  	[tilespmem:s11], [sflag:$0x8] =	stream.indirect_vreg.gather [hbm4b:s12+s6], $0x80, v3, vm1, $0xb8;
	[tilespmem:$0x1B000] =	vst v63  }
0x42f: {  	v3 =	vld [tilespmem:s10+$0x20F0];
	_ =	sdelay $0x4  }
0x430: {  	v63 =	vshrl.u32 v3, $0x3  }
0x431: {  	v4 =	vmul.u32 $0x18, v63  }
0x432: {  	v3 =	vand.u32 $0x7, v3  }
0x433: {  	v3 =	vor.u32 v3, v4  }
0x434: {  	v4 =	vperm.xlane v3, v0;
	_ =	sdelay $0x1  }
0x435: {  	v4 =	vadd.s32 v1, v4;
	_ =	sdelay $0x2  }
0x436: {  	v3 =	vperm.xlane v3, v2  }
0x437: {  	s9 =	sadd.s32 $0x1, s9;
	s13 =	simm.s32 $0x19800  }
0x438: {  	v3 =	vadd.s32 v1, v3;
	[tilespmem:s13], [sflag:$0x8] =	stream.indirect_vreg.gather [hbm4b:s3+s6], $0x80, v4, vm0, $0xb8;
	[tilespmem:$0x1B000] =	vst v63  }
0x439: {  	p0 =	sne.s32 s9, $0x1F;
	s14 =	simm.s32 $0x1A000  }
0x43a: {  	[tilespmem:s14], [sflag:$0x8] =	stream.indirect_vreg.gather [hbm4b:s12+s6], $0x80, v4, vm1, $0xb8;
	[tilespmem:$0x1B000] =	vst v63  }
.Ltmp6:
0x43b: {  	_ = 	snop;
	(pc) =	sbr.rel @p0 .LBB2_6-.Ltmp6, $4  }
0x43c: {  	s20 =	simm.s32 $0x1A400  }
0x43d: {  	[tilespmem:s20], [sflag:$0x8] =	stream.indirect_vreg.gather [hbm4b:s3+s6], $0x80, v3, vm0, $0xb8;
	[tilespmem:$0x1B000] =	vst v63  }
0x43e: {  	s21 =	simm.s32 $0x1AC00  }
0x43f: {  	[tilespmem:s21], [sflag:$0x8] =	stream.indirect_vreg.gather [hbm4b:s12+s6], $0x80, v3, vm1, $0xb8;
	[tilespmem:$0x1B000] =	vst v63  }
0x440: {  	_ =	swait.ge [sflag:s16], $0x3000  }
0x441: {  	[sflag:s16] =	ssyncset.done $0x0  }
0x442: {  	s1 =	simm.s32 $0x0;
	[sflag:s16] =	ssyncadd.s32 $0xFFFFD000  }
0x443: {  	s8 =	simm.s32 $0x0;
	s1 =	smul.u32 $0xC00, s1;
	_ =	swait.ge [sflag:s17], $0x3000  }
0x444: {  	s4 =	sand.u32 $0x380, s8;
	[sflag:s17] =	ssyncset.done $0x0  }
0x445: {  	s1 =	sor.u32 s4, s1;
	[sflag:s17] =	ssyncadd.s32 $0xFFFFD000  }
0x446: {  	v3 =	vld [tilespmem:s1+$0x12870]  }
0x447: {  	v6 =	vld [tilespmem:s1+$0x12000]  }
0x448: {  	v7 =	vld [tilespmem:s1+$0x12010]  }
0x449: {  	v8 =	vld [tilespmem:s1+$0x12020]  }
0x44a: {  	v9 =	vld [tilespmem:s1+$0x12030]  }
0x44b: {  	v10 =	vld [tilespmem:s1+$0x12040]  }
0x44c: {  	v11 =	vld [tilespmem:s1+$0x12050]  }
0x44d: {  	v12 =	vld [tilespmem:s1+$0x12060]  }
0x44e: {  	v13 =	vld [tilespmem:s1+$0x12070]  }
0x44f: {  	v14 =	vld [tilespmem:s1+$0x12400]  }
0x450: {  	v15 =	vld [tilespmem:s1+$0x12410]  }
0x451: {  	v16 =	vld [tilespmem:s1+$0x12420]  }
0x452: {  	v17 =	vld [tilespmem:s1+$0x12430]  }
0x453: {  	v18 =	vld [tilespmem:s1+$0x12440]  }
0x454: {  	v19 =	vld [tilespmem:s1+$0x12450]  }
0x455: {  	v20 =	vld [tilespmem:s1+$0x12460]  }
0x456: {  	v21 =	vld [tilespmem:s1+$0x12470]  }
0x457: {  	v22 =	vld [tilespmem:s1+$0x12800]  }
0x458: {  	v23 =	vld [tilespmem:s1+$0x12810]  }
0x459: {  	v24 =	vld [tilespmem:s1+$0x12820]  }
0x45a: {  	v25 =	vld [tilespmem:s1+$0x12830]  }
0x45b: {  	v5 =	vld [tilespmem:s1+$0x12840]  }
0x45c: {  	v4 =	vld [tilespmem:s1+$0x12850]  }
0x45d: {  	[tilespmem:s1+$0x6870] =	vst.add.f32.msk $0xffff, v3  }
0x45e: {  	v3 =	vld [tilespmem:s1+$0x12860]  }
0x45f: {  	[tilespmem:s1+$0x6000] =	vst.add.f32.msk $0xffff, v6  }
0x460: {  	[tilespmem:s1+$0x6010] =	vst.add.f32.msk $0xffff, v7  }
0x461: {  	[tilespmem:s1+$0x6020] =	vst.add.f32.msk $0xffff, v8  }
0x462: {  	[tilespmem:s1+$0x6030] =	vst.add.f32.msk $0xffff, v9  }
0x463: {  	[tilespmem:s1+$0x6040] =	vst.add.f32.msk $0xffff, v10  }
0x464: {  	[tilespmem:s1+$0x6050] =	vst.add.f32.msk $0xffff, v11  }
0x465: {  	[tilespmem:s1+$0x6060] =	vst.add.f32.msk $0xffff, v12  }
0x466: {  	[tilespmem:s1+$0x6070] =	vst.add.f32.msk $0xffff, v13  }
0x467: {  	[tilespmem:s1+$0x6400] =	vst.add.f32.msk $0xffff, v14  }
0x468: {  	[tilespmem:s1+$0x6410] =	vst.add.f32.msk $0xffff, v15  }
0x469: {  	[tilespmem:s1+$0x6420] =	vst.add.f32.msk $0xffff, v16  }
0x46a: {  	[tilespmem:s1+$0x6430] =	vst.add.f32.msk $0xffff, v17  }
0x46b: {  	[tilespmem:s1+$0x6440] =	vst.add.f32.msk $0xffff, v18  }
0x46c: {  	[tilespmem:s1+$0x6450] =	vst.add.f32.msk $0xffff, v19  }
0x46d: {  	[tilespmem:s1+$0x6460] =	vst.add.f32.msk $0xffff, v20  }
0x46e: {  	[tilespmem:s1+$0x6470] =	vst.add.f32.msk $0xffff, v21  }
0x46f: {  	[tilespmem:s1+$0x6800] =	vst.add.f32.msk $0xffff, v22  }
0x470: {  	[tilespmem:s1+$0x6810] =	vst.add.f32.msk $0xffff, v23  }
0x471: {  	[tilespmem:s1+$0x6820] =	vst.add.f32.msk $0xffff, v24  }
0x472: {  	s9 =	simm.s32 $0x0;
	s4 =	simm.s32 $0x2;
	[tilespmem:s1+$0x6830] =	vst.add.f32.msk $0xffff, v25  }
.LBB2_16:
0x473: {  	p0 =	sne.s32 s4, $0x1F;
	s9 =	smul.u32 $0xC00, s9;
	[tilespmem:s1+$0x6840] =	vst.add.f32.msk $0xffff, v5;
	s8 =	sadd.s32 $0x80, s8  }
0x474: {  	s10 =	sand.u32 $0x380, s8;
	[tilespmem:s1+$0x6850] =	vst.add.f32.msk $0xffff, v4  }
0x475: {  	[tilespmem:s1+$0x6860] =	vst.add.f32.msk $0xffff, v3;
	s1 =	sor.u32 s10, s9  }
0x476: {  	v3 =	vld [tilespmem:s1+$0x12870]  }
0x477: {  	v6 =	vld [tilespmem:s1+$0x12000]  }
0x478: {  	v7 =	vld [tilespmem:s1+$0x12010]  }
0x479: {  	v8 =	vld [tilespmem:s1+$0x12020]  }
0x47a: {  	v9 =	vld [tilespmem:s1+$0x12030]  }
0x47b: {  	[tilespmem:s1+$0x6870] =	vst.add.f32.msk $0xffff, v3  }
0x47c: {  	v10 =	vld [tilespmem:s1+$0x12040]  }
0x47d: {  	v11 =	vld [tilespmem:s1+$0x12050]  }
0x47e: {  	v12 =	vld [tilespmem:s1+$0x12060]  }
0x47f: {  	v13 =	vld [tilespmem:s1+$0x12070]  }
0x480: {  	v14 =	vld [tilespmem:s1+$0x12400]  }
0x481: {  	v15 =	vld [tilespmem:s1+$0x12410]  }
0x482: {  	v16 =	vld [tilespmem:s1+$0x12420]  }
0x483: {  	v17 =	vld [tilespmem:s1+$0x12430]  }
0x484: {  	v18 =	vld [tilespmem:s1+$0x12440]  }
0x485: {  	v19 =	vld [tilespmem:s1+$0x12450]  }
0x486: {  	v20 =	vld [tilespmem:s1+$0x12460]  }
0x487: {  	v21 =	vld [tilespmem:s1+$0x12470]  }
0x488: {  	v22 =	vld [tilespmem:s1+$0x12800]  }
0x489: {  	v23 =	vld [tilespmem:s1+$0x12810]  }
0x48a: {  	v24 =	vld [tilespmem:s1+$0x12820]  }
0x48b: {  	v25 =	vld [tilespmem:s1+$0x12830]  }
0x48c: {  	v5 =	vld [tilespmem:s1+$0x12840]  }
0x48d: {  	v4 =	vld [tilespmem:s1+$0x12850]  }
0x48e: {  	v3 =	vld [tilespmem:s1+$0x12860]  }
0x48f: {  	[tilespmem:s1+$0x6000] =	vst.add.f32.msk $0xffff, v6  }
0x490: {  	[tilespmem:s1+$0x6010] =	vst.add.f32.msk $0xffff, v7  }
0x491: {  	[tilespmem:s1+$0x6020] =	vst.add.f32.msk $0xffff, v8  }
0x492: {  	[tilespmem:s1+$0x6030] =	vst.add.f32.msk $0xffff, v9  }
0x493: {  	[tilespmem:s1+$0x6040] =	vst.add.f32.msk $0xffff, v10  }
0x494: {  	[tilespmem:s1+$0x6050] =	vst.add.f32.msk $0xffff, v11  }
0x495: {  	[tilespmem:s1+$0x6060] =	vst.add.f32.msk $0xffff, v12  }
0x496: {  	[tilespmem:s1+$0x6070] =	vst.add.f32.msk $0xffff, v13  }
0x497: {  	[tilespmem:s1+$0x6400] =	vst.add.f32.msk $0xffff, v14  }
0x498: {  	[tilespmem:s1+$0x6410] =	vst.add.f32.msk $0xffff, v15  }
0x499: {  	[tilespmem:s1+$0x6420] =	vst.add.f32.msk $0xffff, v16  }
0x49a: {  	[tilespmem:s1+$0x6430] =	vst.add.f32.msk $0xffff, v17  }
0x49b: {  	[tilespmem:s1+$0x6440] =	vst.add.f32.msk $0xffff, v18  }
0x49c: {  	[tilespmem:s1+$0x6450] =	vst.add.f32.msk $0xffff, v19  }
0x49d: {  	[tilespmem:s1+$0x6460] =	vst.add.f32.msk $0xffff, v20  }
.Ltmp7:
0x49e: {  	[tilespmem:s1+$0x6470] =	vst.add.f32.msk $0xffff, v21;
	(pc) =	sbr.rel @p0 .LBB2_16-.Ltmp7, $4  }
0x49f: {  	[tilespmem:s1+$0x6800] =	vst.add.f32.msk $0xffff, v22  }
0x4a0: {  	[tilespmem:s1+$0x6810] =	vst.add.f32.msk $0xffff, v23  }
0x4a1: {  	[tilespmem:s1+$0x6820] =	vst.add.f32.msk $0xffff, v24  }
0x4a2: {  	s9 =	sshrl.u32 s4, $0x3;
	s4 =	sadd.s32 $0x1, s4;
	[tilespmem:s1+$0x6830] =	vst.add.f32.msk $0xffff, v25  }
0x4a3: {  	s4 =	smul.u32 $0xC00, s9;
	[tilespmem:s1+$0x6840] =	vst.add.f32.msk $0xffff, v5;
	s8 =	sadd.s32 $0x80, s8  }
0x4a4: {  	[tilespmem:s1+$0x6850] =	vst.add.f32.msk $0xffff, v4;
	s8 =	sand.u32 $0x380, s8  }
0x4a5: {  	[tilespmem:s1+$0x6860] =	vst.add.f32.msk $0xffff, v3;
	s4 =	sor.u32 s8, s4  }
0x4a6: {  	v3 =	vld [tilespmem:s4+$0x12870]  }
0x4a7: {  	v4 =	vld [tilespmem:s4+$0x12000]  }
0x4a8: {  	v5 =	vld [tilespmem:s4+$0x12010]  }
0x4a9: {  	v6 =	vld [tilespmem:s4+$0x12020]  }
0x4aa: {  	v7 =	vld [tilespmem:s4+$0x12030]  }
0x4ab: {  	v8 =	vld [tilespmem:s4+$0x12050]  }
0x4ac: {  	v9 =	vld [tilespmem:s4+$0x12060]  }
0x4ad: {  	v10 =	vld [tilespmem:s4+$0x12070]  }
0x4ae: {  	v11 =	vld [tilespmem:s4+$0x12400]  }
0x4af: {  	v12 =	vld [tilespmem:s4+$0x12410]  }
0x4b0: {  	v13 =	vld [tilespmem:s4+$0x12420]  }
0x4b1: {  	v14 =	vld [tilespmem:s4+$0x12430]  }
0x4b2: {  	v15 =	vld [tilespmem:s4+$0x12440]  }
0x4b3: {  	v16 =	vld [tilespmem:s4+$0x12450]  }
0x4b4: {  	v17 =	vld [tilespmem:s4+$0x12460]  }
0x4b5: {  	v18 =	vld [tilespmem:s4+$0x12470]  }
0x4b6: {  	v19 =	vld [tilespmem:s4+$0x12800]  }
0x4b7: {  	v20 =	vld [tilespmem:s4+$0x12810]  }
0x4b8: {  	v21 =	vld [tilespmem:s4+$0x12820]  }
0x4b9: {  	v22 =	vld [tilespmem:s4+$0x12830]  }
0x4ba: {  	v23 =	vld [tilespmem:s4+$0x12840]  }
0x4bb: {  	v24 =	vld [tilespmem:s4+$0x12850]  }
0x4bc: {  	v25 =	vld [tilespmem:s4+$0x12860]  }
0x4bd: {  	[tilespmem:s4+$0x6870] =	vst.add.f32.msk $0xffff, v3  }
0x4be: {  	v3 =	vld [tilespmem:s4+$0x12040]  }
0x4bf: {  	[tilespmem:s4+$0x6000] =	vst.add.f32.msk $0xffff, v4  }
0x4c0: {  	[tilespmem:s4+$0x6010] =	vst.add.f32.msk $0xffff, v5  }
0x4c1: {  	[tilespmem:s4+$0x6020] =	vst.add.f32.msk $0xffff, v6  }
0x4c2: {  	[tilespmem:s4+$0x6030] =	vst.add.f32.msk $0xffff, v7  }
0x4c3: {  	[tilespmem:s4+$0x6050] =	vst.add.f32.msk $0xffff, v8  }
0x4c4: {  	[tilespmem:s4+$0x6060] =	vst.add.f32.msk $0xffff, v9  }
0x4c5: {  	[tilespmem:s4+$0x6070] =	vst.add.f32.msk $0xffff, v10  }
0x4c6: {  	[tilespmem:s4+$0x6400] =	vst.add.f32.msk $0xffff, v11  }
0x4c7: {  	[tilespmem:s4+$0x6410] =	vst.add.f32.msk $0xffff, v12  }
0x4c8: {  	[tilespmem:s4+$0x6420] =	vst.add.f32.msk $0xffff, v13  }
0x4c9: {  	[tilespmem:s4+$0x6430] =	vst.add.f32.msk $0xffff, v14  }
0x4ca: {  	[tilespmem:s4+$0x6440] =	vst.add.f32.msk $0xffff, v15  }
0x4cb: {  	[tilespmem:s4+$0x6450] =	vst.add.f32.msk $0xffff, v16  }
0x4cc: {  	[tilespmem:s4+$0x6460] =	vst.add.f32.msk $0xffff, v17  }
0x4cd: {  	[tilespmem:s4+$0x6470] =	vst.add.f32.msk $0xffff, v18  }
0x4ce: {  	[tilespmem:s4+$0x6800] =	vst.add.f32.msk $0xffff, v19  }
0x4cf: {  	[tilespmem:s4+$0x6810] =	vst.add.f32.msk $0xffff, v20  }
0x4d0: {  	[tilespmem:s4+$0x6820] =	vst.add.f32.msk $0xffff, v21  }
0x4d1: {  	[tilespmem:s4+$0x6830] =	vst.add.f32.msk $0xffff, v22  }
0x4d2: {  	[tilespmem:s4+$0x6840] =	vst.add.f32.msk $0xffff, v23  }
0x4d3: {  	[tilespmem:s4+$0x6850] =	vst.add.f32.msk $0xffff, v24  }
0x4d4: {  	[tilespmem:s4+$0x6860] =	vst.add.f32.msk $0xffff, v25  }
0x4d5: {  	s14 =	rddreg [dreg:$0xc];
	s8 =	simm.s32 $0x0;
	[tilespmem:s4+$0x6040] =	vst.add.f32.msk $0xffff, v3  }
0x4d6: {  	[hbm4b:s14+s8] =	stream.linear.scatter [tilespmem:s22], [sflag:$0xA], $0x3000, $0x38;
	[tilespmem:$0x1B000] =	vst v63  }
0x4d7: {  	_ =	swait.ge [sflag:s7], $0x3000  }
0x4d8: {  	[sflag:s7] =	ssyncset.done $0x0  }
0x4d9: {  	s20 =	simm.s32 $0x0;
	[sflag:s7] =	ssyncadd.s32 $0xFFFFD000  }
0x4da: {  	s1 =	smul.u32 $0xC00, s20;
	_ =	swait.ge [sflag:s24], $0x3000  }
0x4db: {  	s21 =	sand.u32 $0x380, s8;
	[sflag:s24] =	ssyncset.done $0x0  }
0x4dc: {  	s1 =	sor.u32 s21, s1;
	[sflag:s24] =	ssyncadd.s32 $0xFFFFD000  }
0x4dd: {  	v3 =	vld [tilespmem:s1+$0x15870]  }
0x4de: {  	v6 =	vld [tilespmem:s1+$0x15000]  }
0x4df: {  	v7 =	vld [tilespmem:s1+$0x15010]  }
0x4e0: {  	v46 =	vld [tilespmem:s1+$0x15020]  }
0x4e1: {  	v47 =	vld [tilespmem:s1+$0x15030]  }
0x4e2: {  	v48 =	vld [tilespmem:s1+$0x15040]  }
0x4e3: {  	v49 =	vld [tilespmem:s1+$0x15050]  }
0x4e4: {  	v50 =	vld [tilespmem:s1+$0x15060]  }
0x4e5: {  	v51 =	vld [tilespmem:s1+$0x15070]  }
0x4e6: {  	v52 =	vld [tilespmem:s1+$0x15400]  }
0x4e7: {  	v53 =	vld [tilespmem:s1+$0x15410]  }
0x4e8: {  	v54 =	vld [tilespmem:s1+$0x15420]  }
0x4e9: {  	v55 =	vld [tilespmem:s1+$0x15430]  }
0x4ea: {  	v56 =	vld [tilespmem:s1+$0x15440]  }
0x4eb: {  	v57 =	vld [tilespmem:s1+$0x15450]  }
0x4ec: {  	v58 =	vld [tilespmem:s1+$0x15460]  }
0x4ed: {  	v59 =	vld [tilespmem:s1+$0x15470]  }
0x4ee: {  	v60 =	vld [tilespmem:s1+$0x15800]  }
0x4ef: {  	v61 =	vld [tilespmem:s1+$0x15810]  }
0x4f0: {  	v62 =	vld [tilespmem:s1+$0x15820]  }
0x4f1: {  	v63 =	vld [tilespmem:s1+$0x15830]  }
0x4f2: {  	v5 =	vld [tilespmem:s1+$0x15840]  }
0x4f3: {  	v4 =	vld [tilespmem:s1+$0x15850]  }
0x4f4: {  	[tilespmem:s1+$0x9870] =	vst.add.f32.msk $0xffff, v3  }
0x4f5: {  	v3 =	vld [tilespmem:s1+$0x15860]  }
0x4f6: {  	[tilespmem:s1+$0x9000] =	vst.add.f32.msk $0xffff, v6  }
0x4f7: {  	[tilespmem:s1+$0x9010] =	vst.add.f32.msk $0xffff, v7  }
0x4f8: {  	[tilespmem:s1+$0x9020] =	vst.add.f32.msk $0xffff, v46  }
0x4f9: {  	[tilespmem:s1+$0x9030] =	vst.add.f32.msk $0xffff, v47  }
0x4fa: {  	[tilespmem:s1+$0x9040] =	vst.add.f32.msk $0xffff, v48  }
0x4fb: {  	[tilespmem:s1+$0x9050] =	vst.add.f32.msk $0xffff, v49  }
0x4fc: {  	[tilespmem:s1+$0x9060] =	vst.add.f32.msk $0xffff, v50  }
0x4fd: {  	[tilespmem:s1+$0x9070] =	vst.add.f32.msk $0xffff, v51  }
0x4fe: {  	[tilespmem:s1+$0x9400] =	vst.add.f32.msk $0xffff, v52  }
0x4ff: {  	[tilespmem:s1+$0x9410] =	vst.add.f32.msk $0xffff, v53  }
0x500: {  	[tilespmem:s1+$0x9420] =	vst.add.f32.msk $0xffff, v54  }
0x501: {  	[tilespmem:s1+$0x9430] =	vst.add.f32.msk $0xffff, v55  }
0x502: {  	[tilespmem:s1+$0x9440] =	vst.add.f32.msk $0xffff, v56  }
0x503: {  	[tilespmem:s1+$0x9450] =	vst.add.f32.msk $0xffff, v57  }
0x504: {  	[tilespmem:s1+$0x9460] =	vst.add.f32.msk $0xffff, v58  }
0x505: {  	[tilespmem:s1+$0x9470] =	vst.add.f32.msk $0xffff, v59  }
0x506: {  	[tilespmem:s1+$0x9800] =	vst.add.f32.msk $0xffff, v60  }
0x507: {  	[tilespmem:s1+$0x9810] =	vst.add.f32.msk $0xffff, v61  }
0x508: {  	[tilespmem:s1+$0x9820] =	vst.add.f32.msk $0xffff, v62  }
0x509: {  	s9 =	simm.s32 $0x0;
	s4 =	simm.s32 $0x2;
	[tilespmem:s1+$0x9830] =	vst.add.f32.msk $0xffff, v63  }
.LBB2_18:
0x50a: {  	p0 =	sne.s32 s4, $0x1F;
	s9 =	smul.u32 $0xC00, s9;
	[tilespmem:s1+$0x9840] =	vst.add.f32.msk $0xffff, v5;
	s8 =	sadd.s32 $0x80, s8  }
0x50b: {  	s10 =	sand.u32 $0x380, s8;
	[tilespmem:s1+$0x9850] =	vst.add.f32.msk $0xffff, v4  }
0x50c: {  	[tilespmem:s1+$0x9860] =	vst.add.f32.msk $0xffff, v3;
	s1 =	sor.u32 s10, s9  }
0x50d: {  	v3 =	vld [tilespmem:s1+$0x15870]  }
0x50e: {  	v6 =	vld [tilespmem:s1+$0x15000]  }
0x50f: {  	v7 =	vld [tilespmem:s1+$0x15010]  }
0x510: {  	v8 =	vld [tilespmem:s1+$0x15020]  }
0x511: {  	v9 =	vld [tilespmem:s1+$0x15030]  }
0x512: {  	[tilespmem:s1+$0x9870] =	vst.add.f32.msk $0xffff, v3  }
0x513: {  	v10 =	vld [tilespmem:s1+$0x15040]  }
0x514: {  	v11 =	vld [tilespmem:s1+$0x15050]  }
0x515: {  	v12 =	vld [tilespmem:s1+$0x15060]  }
0x516: {  	v13 =	vld [tilespmem:s1+$0x15070]  }
0x517: {  	v14 =	vld [tilespmem:s1+$0x15400]  }
0x518: {  	v15 =	vld [tilespmem:s1+$0x15410]  }
0x519: {  	v16 =	vld [tilespmem:s1+$0x15420]  }
0x51a: {  	v17 =	vld [tilespmem:s1+$0x15430]  }
0x51b: {  	v18 =	vld [tilespmem:s1+$0x15440]  }
0x51c: {  	v19 =	vld [tilespmem:s1+$0x15450]  }
0x51d: {  	v20 =	vld [tilespmem:s1+$0x15460]  }
0x51e: {  	v21 =	vld [tilespmem:s1+$0x15470]  }
0x51f: {  	v22 =	vld [tilespmem:s1+$0x15800]  }
0x520: {  	v23 =	vld [tilespmem:s1+$0x15810]  }
0x521: {  	v24 =	vld [tilespmem:s1+$0x15820]  }
0x522: {  	v25 =	vld [tilespmem:s1+$0x15830]  }
0x523: {  	v5 =	vld [tilespmem:s1+$0x15840]  }
0x524: {  	v4 =	vld [tilespmem:s1+$0x15850]  }
0x525: {  	v3 =	vld [tilespmem:s1+$0x15860]  }
0x526: {  	[tilespmem:s1+$0x9000] =	vst.add.f32.msk $0xffff, v6  }
0x527: {  	[tilespmem:s1+$0x9010] =	vst.add.f32.msk $0xffff, v7  }
0x528: {  	[tilespmem:s1+$0x9020] =	vst.add.f32.msk $0xffff, v8  }
0x529: {  	[tilespmem:s1+$0x9030] =	vst.add.f32.msk $0xffff, v9  }
0x52a: {  	[tilespmem:s1+$0x9040] =	vst.add.f32.msk $0xffff, v10  }
0x52b: {  	[tilespmem:s1+$0x9050] =	vst.add.f32.msk $0xffff, v11  }
0x52c: {  	[tilespmem:s1+$0x9060] =	vst.add.f32.msk $0xffff, v12  }
0x52d: {  	[tilespmem:s1+$0x9070] =	vst.add.f32.msk $0xffff, v13  }
0x52e: {  	[tilespmem:s1+$0x9400] =	vst.add.f32.msk $0xffff, v14  }
0x52f: {  	[tilespmem:s1+$0x9410] =	vst.add.f32.msk $0xffff, v15  }
0x530: {  	[tilespmem:s1+$0x9420] =	vst.add.f32.msk $0xffff, v16  }
0x531: {  	[tilespmem:s1+$0x9430] =	vst.add.f32.msk $0xffff, v17  }
0x532: {  	[tilespmem:s1+$0x9440] =	vst.add.f32.msk $0xffff, v18  }
0x533: {  	[tilespmem:s1+$0x9450] =	vst.add.f32.msk $0xffff, v19  }
0x534: {  	[tilespmem:s1+$0x9460] =	vst.add.f32.msk $0xffff, v20  }
.Ltmp8:
0x535: {  	[tilespmem:s1+$0x9470] =	vst.add.f32.msk $0xffff, v21;
	(pc) =	sbr.rel @p0 .LBB2_18-.Ltmp8, $4  }
0x536: {  	[tilespmem:s1+$0x9800] =	vst.add.f32.msk $0xffff, v22  }
0x537: {  	[tilespmem:s1+$0x9810] =	vst.add.f32.msk $0xffff, v23  }
0x538: {  	[tilespmem:s1+$0x9820] =	vst.add.f32.msk $0xffff, v24  }
0x539: {  	s9 =	sshrl.u32 s4, $0x3;
	s4 =	sadd.s32 $0x1, s4;
	[tilespmem:s1+$0x9830] =	vst.add.f32.msk $0xffff, v25  }
0x53a: {  	s4 =	smul.u32 $0xC00, s9;
	[tilespmem:s1+$0x9840] =	vst.add.f32.msk $0xffff, v5;
	s8 =	sadd.s32 $0x80, s8  }
0x53b: {  	[tilespmem:s1+$0x9850] =	vst.add.f32.msk $0xffff, v4;
	s8 =	sand.u32 $0x380, s8  }
0x53c: {  	[tilespmem:s1+$0x9860] =	vst.add.f32.msk $0xffff, v3;
	s4 =	sor.u32 s8, s4  }
0x53d: {  	v3 =	vld [tilespmem:s4+$0x15870]  }
0x53e: {  	v4 =	vld [tilespmem:s4+$0x15000]  }
0x53f: {  	v5 =	vld [tilespmem:s4+$0x15010]  }
0x540: {  	v6 =	vld [tilespmem:s4+$0x15020]  }
0x541: {  	v7 =	vld [tilespmem:s4+$0x15030]  }
0x542: {  	v8 =	vld [tilespmem:s4+$0x15050]  }
0x543: {  	v9 =	vld [tilespmem:s4+$0x15060]  }
0x544: {  	v10 =	vld [tilespmem:s4+$0x15070]  }
0x545: {  	v11 =	vld [tilespmem:s4+$0x15400]  }
0x546: {  	v12 =	vld [tilespmem:s4+$0x15410]  }
0x547: {  	v13 =	vld [tilespmem:s4+$0x15420]  }
0x548: {  	v14 =	vld [tilespmem:s4+$0x15430]  }
0x549: {  	v15 =	vld [tilespmem:s4+$0x15440]  }
0x54a: {  	v16 =	vld [tilespmem:s4+$0x15450]  }
0x54b: {  	v17 =	vld [tilespmem:s4+$0x15460]  }
0x54c: {  	v18 =	vld [tilespmem:s4+$0x15470]  }
0x54d: {  	v19 =	vld [tilespmem:s4+$0x15800]  }
0x54e: {  	v20 =	vld [tilespmem:s4+$0x15810]  }
0x54f: {  	v21 =	vld [tilespmem:s4+$0x15820]  }
0x550: {  	v22 =	vld [tilespmem:s4+$0x15830]  }
0x551: {  	v23 =	vld [tilespmem:s4+$0x15840]  }
0x552: {  	v24 =	vld [tilespmem:s4+$0x15850]  }
0x553: {  	v25 =	vld [tilespmem:s4+$0x15860]  }
0x554: {  	[tilespmem:s4+$0x9870] =	vst.add.f32.msk $0xffff, v3  }
0x555: {  	v3 =	vld [tilespmem:s4+$0x15040]  }
0x556: {  	[tilespmem:s4+$0x9000] =	vst.add.f32.msk $0xffff, v4  }
0x557: {  	[tilespmem:s4+$0x9010] =	vst.add.f32.msk $0xffff, v5  }
0x558: {  	[tilespmem:s4+$0x9020] =	vst.add.f32.msk $0xffff, v6  }
0x559: {  	[tilespmem:s4+$0x9030] =	vst.add.f32.msk $0xffff, v7  }
0x55a: {  	[tilespmem:s4+$0x9050] =	vst.add.f32.msk $0xffff, v8  }
0x55b: {  	[tilespmem:s4+$0x9060] =	vst.add.f32.msk $0xffff, v9  }
0x55c: {  	[tilespmem:s4+$0x9070] =	vst.add.f32.msk $0xffff, v10  }
0x55d: {  	[tilespmem:s4+$0x9400] =	vst.add.f32.msk $0xffff, v11  }
0x55e: {  	[tilespmem:s4+$0x9410] =	vst.add.f32.msk $0xffff, v12  }
0x55f: {  	[tilespmem:s4+$0x9420] =	vst.add.f32.msk $0xffff, v13  }
0x560: {  	[tilespmem:s4+$0x9430] =	vst.add.f32.msk $0xffff, v14  }
0x561: {  	[tilespmem:s4+$0x9440] =	vst.add.f32.msk $0xffff, v15  }
0x562: {  	[tilespmem:s4+$0x9450] =	vst.add.f32.msk $0xffff, v16  }
0x563: {  	[tilespmem:s4+$0x9460] =	vst.add.f32.msk $0xffff, v17  }
0x564: {  	[tilespmem:s4+$0x9470] =	vst.add.f32.msk $0xffff, v18  }
0x565: {  	[tilespmem:s4+$0x9800] =	vst.add.f32.msk $0xffff, v19  }
0x566: {  	[tilespmem:s4+$0x9810] =	vst.add.f32.msk $0xffff, v20  }
0x567: {  	[tilespmem:s4+$0x9820] =	vst.add.f32.msk $0xffff, v21  }
0x568: {  	[tilespmem:s4+$0x9830] =	vst.add.f32.msk $0xffff, v22  }
0x569: {  	[tilespmem:s4+$0x9840] =	vst.add.f32.msk $0xffff, v23  }
0x56a: {  	[tilespmem:s4+$0x9850] =	vst.add.f32.msk $0xffff, v24  }
0x56b: {  	[tilespmem:s4+$0x9860] =	vst.add.f32.msk $0xffff, v25  }
0x56c: {  	s14 =	rddreg [dreg:$0xd];
	s8 =	simm.s32 $0x0;
	[tilespmem:s4+$0x9040] =	vst.add.f32.msk $0xffff, v3  }
0x56d: {  	[hbm4b:s14+s8] =	stream.linear.scatter [tilespmem:s23], [sflag:$0xB], $0x3000, $0x38;
	[tilespmem:$0x1B000] =	vst v63  }
0x56e: {  	_ =	swait.ge [sflag:s28], $0x3000  }
0x56f: {  	[sflag:s28] =	ssyncset.done $0x0  }
0x570: {  	s20 =	simm.s32 $0x0;
	[sflag:s28] =	ssyncadd.s32 $0xFFFFD000  }
0x571: {  	s1 =	smul.u32 $0xC00, s20;
	_ =	swait.ge [sflag:s29], $0x3000  }
0x572: {  	s21 =	sand.u32 $0x380, s8;
	[sflag:s29] =	ssyncset.done $0x0  }
0x573: {  	s1 =	sor.u32 s21, s1;
	[sflag:s29] =	ssyncadd.s32 $0xFFFFD000  }
0x574: {  	v3 =	vld [tilespmem:s1+$0x18870]  }
0x575: {  	v6 =	vld [tilespmem:s1+$0x18000]  }
0x576: {  	v7 =	vld [tilespmem:s1+$0x18010]  }
0x577: {  	v46 =	vld [tilespmem:s1+$0x18020]  }
0x578: {  	v47 =	vld [tilespmem:s1+$0x18030]  }
0x579: {  	v48 =	vld [tilespmem:s1+$0x18040]  }
0x57a: {  	v49 =	vld [tilespmem:s1+$0x18050]  }
0x57b: {  	v50 =	vld [tilespmem:s1+$0x18060]  }
0x57c: {  	v51 =	vld [tilespmem:s1+$0x18070]  }
0x57d: {  	v52 =	vld [tilespmem:s1+$0x18400]  }
0x57e: {  	v53 =	vld [tilespmem:s1+$0x18410]  }
0x57f: {  	v54 =	vld [tilespmem:s1+$0x18420]  }
0x580: {  	v55 =	vld [tilespmem:s1+$0x18430]  }
0x581: {  	v56 =	vld [tilespmem:s1+$0x18440]  }
0x582: {  	v57 =	vld [tilespmem:s1+$0x18450]  }
0x583: {  	v58 =	vld [tilespmem:s1+$0x18460]  }
0x584: {  	v59 =	vld [tilespmem:s1+$0x18470]  }
0x585: {  	v60 =	vld [tilespmem:s1+$0x18800]  }
0x586: {  	v61 =	vld [tilespmem:s1+$0x18810]  }
0x587: {  	v62 =	vld [tilespmem:s1+$0x18820]  }
0x588: {  	v63 =	vld [tilespmem:s1+$0x18830]  }
0x589: {  	v5 =	vld [tilespmem:s1+$0x18840]  }
0x58a: {  	v4 =	vld [tilespmem:s1+$0x18850]  }
0x58b: {  	[tilespmem:s1+$0xC870] =	vst.add.f32.msk $0xffff, v3  }
0x58c: {  	v3 =	vld [tilespmem:s1+$0x18860]  }
0x58d: {  	[tilespmem:s1+$0xC000] =	vst.add.f32.msk $0xffff, v6  }
0x58e: {  	[tilespmem:s1+$0xC010] =	vst.add.f32.msk $0xffff, v7  }
0x58f: {  	[tilespmem:s1+$0xC020] =	vst.add.f32.msk $0xffff, v46  }
0x590: {  	[tilespmem:s1+$0xC030] =	vst.add.f32.msk $0xffff, v47  }
0x591: {  	[tilespmem:s1+$0xC040] =	vst.add.f32.msk $0xffff, v48  }
0x592: {  	[tilespmem:s1+$0xC050] =	vst.add.f32.msk $0xffff, v49  }
0x593: {  	[tilespmem:s1+$0xC060] =	vst.add.f32.msk $0xffff, v50  }
0x594: {  	[tilespmem:s1+$0xC070] =	vst.add.f32.msk $0xffff, v51  }
0x595: {  	[tilespmem:s1+$0xC400] =	vst.add.f32.msk $0xffff, v52  }
0x596: {  	[tilespmem:s1+$0xC410] =	vst.add.f32.msk $0xffff, v53  }
0x597: {  	[tilespmem:s1+$0xC420] =	vst.add.f32.msk $0xffff, v54  }
0x598: {  	[tilespmem:s1+$0xC430] =	vst.add.f32.msk $0xffff, v55  }
0x599: {  	[tilespmem:s1+$0xC440] =	vst.add.f32.msk $0xffff, v56  }
0x59a: {  	[tilespmem:s1+$0xC450] =	vst.add.f32.msk $0xffff, v57  }
0x59b: {  	[tilespmem:s1+$0xC460] =	vst.add.f32.msk $0xffff, v58  }
0x59c: {  	[tilespmem:s1+$0xC470] =	vst.add.f32.msk $0xffff, v59  }
0x59d: {  	[tilespmem:s1+$0xC800] =	vst.add.f32.msk $0xffff, v60  }
0x59e: {  	[tilespmem:s1+$0xC810] =	vst.add.f32.msk $0xffff, v61  }
0x59f: {  	[tilespmem:s1+$0xC820] =	vst.add.f32.msk $0xffff, v62  }
0x5a0: {  	s9 =	simm.s32 $0x0;
	s4 =	simm.s32 $0x2;
	[tilespmem:s1+$0xC830] =	vst.add.f32.msk $0xffff, v63  }
.LBB2_20:
0x5a1: {  	p0 =	sne.s32 s4, $0x1F;
	s9 =	smul.u32 $0xC00, s9;
	[tilespmem:s1+$0xC840] =	vst.add.f32.msk $0xffff, v5;
	s8 =	sadd.s32 $0x80, s8  }
0x5a2: {  	s10 =	sand.u32 $0x380, s8;
	[tilespmem:s1+$0xC850] =	vst.add.f32.msk $0xffff, v4  }
0x5a3: {  	[tilespmem:s1+$0xC860] =	vst.add.f32.msk $0xffff, v3;
	s1 =	sor.u32 s10, s9  }
0x5a4: {  	v3 =	vld [tilespmem:s1+$0x18870]  }
0x5a5: {  	v6 =	vld [tilespmem:s1+$0x18000]  }
0x5a6: {  	v7 =	vld [tilespmem:s1+$0x18010]  }
0x5a7: {  	v8 =	vld [tilespmem:s1+$0x18020]  }
0x5a8: {  	v9 =	vld [tilespmem:s1+$0x18030]  }
0x5a9: {  	[tilespmem:s1+$0xC870] =	vst.add.f32.msk $0xffff, v3  }
0x5aa: {  	v10 =	vld [tilespmem:s1+$0x18040]  }
0x5ab: {  	v11 =	vld [tilespmem:s1+$0x18050]  }
0x5ac: {  	v12 =	vld [tilespmem:s1+$0x18060]  }
0x5ad: {  	v13 =	vld [tilespmem:s1+$0x18070]  }
0x5ae: {  	v14 =	vld [tilespmem:s1+$0x18400]  }
0x5af: {  	v15 =	vld [tilespmem:s1+$0x18410]  }
0x5b0: {  	v16 =	vld [tilespmem:s1+$0x18420]  }
0x5b1: {  	v17 =	vld [tilespmem:s1+$0x18430]  }
0x5b2: {  	v18 =	vld [tilespmem:s1+$0x18440]  }
0x5b3: {  	v19 =	vld [tilespmem:s1+$0x18450]  }
0x5b4: {  	v20 =	vld [tilespmem:s1+$0x18460]  }
0x5b5: {  	v21 =	vld [tilespmem:s1+$0x18470]  }
0x5b6: {  	v22 =	vld [tilespmem:s1+$0x18800]  }
0x5b7: {  	v23 =	vld [tilespmem:s1+$0x18810]  }
0x5b8: {  	v24 =	vld [tilespmem:s1+$0x18820]  }
0x5b9: {  	v25 =	vld [tilespmem:s1+$0x18830]  }
0x5ba: {  	v5 =	vld [tilespmem:s1+$0x18840]  }
0x5bb: {  	v4 =	vld [tilespmem:s1+$0x18850]  }
0x5bc: {  	v3 =	vld [tilespmem:s1+$0x18860]  }
0x5bd: {  	[tilespmem:s1+$0xC000] =	vst.add.f32.msk $0xffff, v6  }
0x5be: {  	[tilespmem:s1+$0xC010] =	vst.add.f32.msk $0xffff, v7  }
0x5bf: {  	[tilespmem:s1+$0xC020] =	vst.add.f32.msk $0xffff, v8  }
0x5c0: {  	[tilespmem:s1+$0xC030] =	vst.add.f32.msk $0xffff, v9  }
0x5c1: {  	[tilespmem:s1+$0xC040] =	vst.add.f32.msk $0xffff, v10  }
0x5c2: {  	[tilespmem:s1+$0xC050] =	vst.add.f32.msk $0xffff, v11  }
0x5c3: {  	[tilespmem:s1+$0xC060] =	vst.add.f32.msk $0xffff, v12  }
0x5c4: {  	[tilespmem:s1+$0xC070] =	vst.add.f32.msk $0xffff, v13  }
0x5c5: {  	[tilespmem:s1+$0xC400] =	vst.add.f32.msk $0xffff, v14  }
0x5c6: {  	[tilespmem:s1+$0xC410] =	vst.add.f32.msk $0xffff, v15  }
0x5c7: {  	[tilespmem:s1+$0xC420] =	vst.add.f32.msk $0xffff, v16  }
0x5c8: {  	[tilespmem:s1+$0xC430] =	vst.add.f32.msk $0xffff, v17  }
0x5c9: {  	[tilespmem:s1+$0xC440] =	vst.add.f32.msk $0xffff, v18  }
0x5ca: {  	[tilespmem:s1+$0xC450] =	vst.add.f32.msk $0xffff, v19  }
0x5cb: {  	[tilespmem:s1+$0xC460] =	vst.add.f32.msk $0xffff, v20  }
.Ltmp9:
0x5cc: {  	[tilespmem:s1+$0xC470] =	vst.add.f32.msk $0xffff, v21;
	(pc) =	sbr.rel @p0 .LBB2_20-.Ltmp9, $4  }
0x5cd: {  	[tilespmem:s1+$0xC800] =	vst.add.f32.msk $0xffff, v22  }
0x5ce: {  	[tilespmem:s1+$0xC810] =	vst.add.f32.msk $0xffff, v23  }
0x5cf: {  	[tilespmem:s1+$0xC820] =	vst.add.f32.msk $0xffff, v24  }
0x5d0: {  	s9 =	sshrl.u32 s4, $0x3;
	s4 =	sadd.s32 $0x1, s4;
	[tilespmem:s1+$0xC830] =	vst.add.f32.msk $0xffff, v25  }
0x5d1: {  	s4 =	smul.u32 $0xC00, s9;
	[tilespmem:s1+$0xC840] =	vst.add.f32.msk $0xffff, v5;
	s8 =	sadd.s32 $0x80, s8  }
0x5d2: {  	[tilespmem:s1+$0xC850] =	vst.add.f32.msk $0xffff, v4;
	s8 =	sand.u32 $0x380, s8  }
0x5d3: {  	[tilespmem:s1+$0xC860] =	vst.add.f32.msk $0xffff, v3;
	s4 =	sor.u32 s8, s4  }
0x5d4: {  	v3 =	vld [tilespmem:s4+$0x18870]  }
0x5d5: {  	v4 =	vld [tilespmem:s4+$0x18000]  }
0x5d6: {  	v5 =	vld [tilespmem:s4+$0x18010]  }
0x5d7: {  	v6 =	vld [tilespmem:s4+$0x18020]  }
0x5d8: {  	v7 =	vld [tilespmem:s4+$0x18030]  }
0x5d9: {  	v8 =	vld [tilespmem:s4+$0x18050]  }
0x5da: {  	v9 =	vld [tilespmem:s4+$0x18060]  }
0x5db: {  	v10 =	vld [tilespmem:s4+$0x18070]  }
0x5dc: {  	v11 =	vld [tilespmem:s4+$0x18400]  }
0x5dd: {  	v12 =	vld [tilespmem:s4+$0x18410]  }
0x5de: {  	v13 =	vld [tilespmem:s4+$0x18420]  }
0x5df: {  	v14 =	vld [tilespmem:s4+$0x18430]  }
0x5e0: {  	v15 =	vld [tilespmem:s4+$0x18440]  }
0x5e1: {  	v16 =	vld [tilespmem:s4+$0x18450]  }
0x5e2: {  	v17 =	vld [tilespmem:s4+$0x18460]  }
0x5e3: {  	v18 =	vld [tilespmem:s4+$0x18470]  }
0x5e4: {  	v19 =	vld [tilespmem:s4+$0x18800]  }
0x5e5: {  	v20 =	vld [tilespmem:s4+$0x18810]  }
0x5e6: {  	v21 =	vld [tilespmem:s4+$0x18820]  }
0x5e7: {  	v22 =	vld [tilespmem:s4+$0x18830]  }
0x5e8: {  	v23 =	vld [tilespmem:s4+$0x18840]  }
0x5e9: {  	v24 =	vld [tilespmem:s4+$0x18850]  }
0x5ea: {  	v25 =	vld [tilespmem:s4+$0x18860]  }
0x5eb: {  	[tilespmem:s4+$0xC870] =	vst.add.f32.msk $0xffff, v3  }
0x5ec: {  	v3 =	vld [tilespmem:s4+$0x18040]  }
0x5ed: {  	[tilespmem:s4+$0xC000] =	vst.add.f32.msk $0xffff, v4  }
0x5ee: {  	[tilespmem:s4+$0xC010] =	vst.add.f32.msk $0xffff, v5  }
0x5ef: {  	[tilespmem:s4+$0xC020] =	vst.add.f32.msk $0xffff, v6  }
0x5f0: {  	[tilespmem:s4+$0xC030] =	vst.add.f32.msk $0xffff, v7  }
0x5f1: {  	[tilespmem:s4+$0xC050] =	vst.add.f32.msk $0xffff, v8  }
0x5f2: {  	[tilespmem:s4+$0xC060] =	vst.add.f32.msk $0xffff, v9  }
0x5f3: {  	[tilespmem:s4+$0xC070] =	vst.add.f32.msk $0xffff, v10  }
0x5f4: {  	[tilespmem:s4+$0xC400] =	vst.add.f32.msk $0xffff, v11  }
0x5f5: {  	[tilespmem:s4+$0xC410] =	vst.add.f32.msk $0xffff, v12  }
0x5f6: {  	[tilespmem:s4+$0xC420] =	vst.add.f32.msk $0xffff, v13  }
0x5f7: {  	[tilespmem:s4+$0xC430] =	vst.add.f32.msk $0xffff, v14  }
0x5f8: {  	[tilespmem:s4+$0xC440] =	vst.add.f32.msk $0xffff, v15  }
0x5f9: {  	[tilespmem:s4+$0xC450] =	vst.add.f32.msk $0xffff, v16  }
0x5fa: {  	[tilespmem:s4+$0xC460] =	vst.add.f32.msk $0xffff, v17  }
0x5fb: {  	[tilespmem:s4+$0xC470] =	vst.add.f32.msk $0xffff, v18  }
0x5fc: {  	[tilespmem:s4+$0xC800] =	vst.add.f32.msk $0xffff, v19  }
0x5fd: {  	[tilespmem:s4+$0xC810] =	vst.add.f32.msk $0xffff, v20  }
0x5fe: {  	[tilespmem:s4+$0xC820] =	vst.add.f32.msk $0xffff, v21  }
0x5ff: {  	[tilespmem:s4+$0xC830] =	vst.add.f32.msk $0xffff, v22  }
0x600: {  	[tilespmem:s4+$0xC840] =	vst.add.f32.msk $0xffff, v23  }
0x601: {  	[tilespmem:s4+$0xC850] =	vst.add.f32.msk $0xffff, v24  }
0x602: {  	[tilespmem:s4+$0xC860] =	vst.add.f32.msk $0xffff, v25  }
0x603: {  	s14 =	rddreg [dreg:$0xe];
	[tilespmem:s4+$0xC040] =	vst.add.f32.msk $0xffff, v3  }
0x604: {  	[hbm4b:s14+s6] =	stream.linear.scatter [tilespmem:s0], [sflag:$0xC], $0x3000, $0x38;
	[tilespmem:$0x1B000] =	vst v63  }
0x605: {  	_ =	swait.ge [sflag:s18], $0x3000  }
0x606: {  	[sflag:s18] =	ssyncset.done $0x0  }
0x607: {  	[sflag:s18] =	ssyncadd.s32 $0xFFFFD000  }
0x608: {  	_ =	swait.ge [sflag:s26], $0x3000  }
0x609: {  	[sflag:s26] =	ssyncset.done $0x0  }
0x60a: {  	[sflag:s26] =	ssyncadd.s32 $0xFFFFD000  }
0x60b: {  	_ =	swait.ge [sflag:s30], $0x3000  }
0x60c: {  	[sflag:s30] =	ssyncset.done $0x0  }
0x60d: {  	[sflag:s30] =	ssyncadd.s32 $0xFFFFD000  }
0x60e: {  	_ =	swait.ge [sflag:s25], $0x3000  }
0x60f: {  	s20 =	rddreg [dreg:$0x12]  }
0x610: {  	s21 =	rddreg [dreg:$0xf];
	s4 =	sadd.s32 $0x1, s20  }
0x611: {  	p0 =	sne.s32 s4, s21  }
.Ltmp10:
0x612: {  	_ = 	snop;
	(pc) =	sbr.rel @p0 .LBB2_1-.Ltmp10, $3  }
0x613: {  	_ =	sdelay $0x1  }
0x614: {  	[sflag:s25] =	ssyncset.done $0x0  }
0x615: {  	[sflag:s25] =	ssyncadd.s32 $0xFFFFD000  }
0x616: {  	_ =	sfence.sel $0x180000  }
0x617: {  	[bflag:$0x0] =	sbarrier.arrive $0xFFFF  }
0x618: {  	_ =	strace $0x90000047  }
0x619: {  	s0 =	stileid.u32;
	[bflag:$0x2] =	sbarrier.arrive $0xFFFF  }
0x61a: {  	p0 =	sne.s32 s0, $0x0;
	s0 =	rddreg [dreg:$0x4]  }
0x61b: {  	s0 =	sadd.s32 @!p0 $0x100000, s0  }
0x61c: {  	[sflag:s0] =	ssyncadd.tile.s32 @!p0 $0x1;
	_ =	shalt  }
.Lfunc_end2:
_tile_overlayer_lowered:
.L_overlay_start_2:
0x61d: {  	(tag) =	ssettag $0x2  }
0x61e: {  	s0 =	rddreg [dreg:$0x0];
	s2 =	stileid.u32  }
0x61f: {  	s1 =	rddreg [dreg:$0x1];
	p0 =	sne.s32 s2, $0x0  }
0x620: {  	s3 =	rddreg [dreg:$0x2];
	[bflag:$0x3] =	sbarrier.arrive $0xFFFF;
	s2 =	simm.s32 @!p0 $0x1C0D  }
0x621: {  	[timem:s3], [sflag:s2] =	dma.local @!p0 [hbm:s0], s1  }
0x622: {  	s0 =	simm.s32 @!p0 $0xD  }
0x623: {  	_ =	swait.ge @!p0 [sflag:s0], s1  }
0x624: {  	s1 =	ssub.s32 @!p0 $0x0, s1;
	[sflag:s0] =	ssyncset.done @!p0 $0x0  }
0x625: {  	[sflag:s0] =	ssyncadd.s32 @!p0 s1  }
0x626: {  	[bflag:$0x3] =	sbarrier.arrive $0xFFFF  }
0x627: {  	_ =	shalt  }

</sc_bundles>
